<compile_context>
chip_gen: v7x
topology: tpu7x:2x2x1
jax: 0.10.2.dev20260603
libtpu: 0.0.44.dev20260713+nightly
codegen_flags: <defaults>
</compile_context>

<pallas_src>
import functools

import jax
import jax.numpy as jnp
from jax import lax
from jax.experimental import pallas as pl
from jax.experimental.pallas import tpu as pltpu
from jax.experimental.pallas import tpu_sc as plsc

N_NODES = 10000
N_EDGES = 160000
D = 128
LANES = 16

NC = 2
NS = 16
NW = NC * NS
CHUNK = 128
N_CHUNKS = N_EDGES // CHUNK
MAX_T = (N_CHUNKS + NW - 1) // NW
N_PAD = 10112
ROWS_PER_SUB = N_PAD // NS

_MESH = plsc.VectorSubcoreMesh(core_axis_name="c", subcore_axis_name="s")


def _zero_accumulator(rows_v, acc_sh, s, stage_rows):

    def zrow(i, carry):
        for j in range(D // LANES):
            rows_v[i, pl.ds(j * LANES, LANES)] = jnp.zeros((LANES,), jnp.float32)
        return carry

    lax.fori_loop(0, stage_rows, zrow, 0)
    nfull, rem = divmod(ROWS_PER_SUB, stage_rows)
    for z in range(nfull):
        pltpu.sync_copy(
            rows_v,
            acc_sh.at[pl.ds(s * ROWS_PER_SUB + z * stage_rows, stage_rows)],
        )
    if rem:
        pltpu.sync_copy(
            rows_v.at[pl.ds(0, rem)],
            acc_sh.at[pl.ds(s * ROWS_PER_SUB + nfull * stage_rows, rem)],
        )


def _seg_sum_h_body(prev_h, seg, out, rows_v, idx_v, acc_sh, sem_ld, sem_ix, sem_sc):
    c = lax.axis_index("c")
    s = lax.axis_index("s")
    w = c * NS + s

    _zero_accumulator(rows_v.at[0], acc_sh, s, CHUNK)
    plsc.subcore_barrier()

    def start_loads(t, b):
        k = w + NW * t

        @pl.when(k < N_CHUNKS)
        def _():
            base = k * CHUNK
            pltpu.async_copy(prev_h.at[pl.ds(base, CHUNK)], rows_v.at[b], sem_ld.at[b])
            pltpu.async_copy(seg.at[pl.ds(base, CHUNK)], idx_v.at[b], sem_ix.at[b])

    start_loads(0, 0)

    def pair(t2, carry):
        for b in (0, 1):
            t = 2 * t2 + b
            k = w + NW * t

            @pl.when(k < N_CHUNKS)
            def _():
                pltpu.make_async_copy(
                    prev_h.at[pl.ds(0, CHUNK)], rows_v.at[b], sem_ld.at[b]
                ).wait()
                pltpu.make_async_copy(
                    seg.at[pl.ds(0, CHUNK)], idx_v.at[b], sem_ix.at[b]
                ).wait()

            @pl.when((t >= 1) & (k - NW < N_CHUNKS))
            def _():
                pltpu.make_async_copy(
                    rows_v.at[1 - b], acc_sh.at[idx_v.at[1 - b]], sem_sc.at[1 - b]
                ).wait()

            start_loads(t + 1, 1 - b)

            @pl.when(k < N_CHUNKS)
            def _():
                pltpu.async_copy(
                    rows_v.at[b], acc_sh.at[idx_v.at[b]], sem_sc.at[b], add=True
                )

        return carry

    lax.fori_loop(0, MAX_T // 2, pair, 0)
    @pl.when(w + NW * (MAX_T - 1) < N_CHUNKS)
    def _():
        pltpu.make_async_copy(
            rows_v.at[1], acc_sh.at[idx_v.at[1]], sem_sc.at[1]
        ).wait()

    plsc.subcore_barrier()
    pltpu.sync_copy(
        acc_sh.at[pl.ds(s * ROWS_PER_SUB, ROWS_PER_SUB)],
        out.at[c, pl.ds(s * ROWS_PER_SUB, ROWS_PER_SUB)],
    )


_seg_sum_h = functools.partial(
    pl.kernel,
    out_type=jax.ShapeDtypeStruct((NC, N_PAD, D), jnp.float32),
    mesh=_MESH,
    scratch_types=[
        pltpu.VMEM((2, CHUNK, D), jnp.float32),
        pltpu.VMEM((2, CHUNK), jnp.int32),
        pltpu.VMEM_SHARED((N_PAD, D), jnp.float32),
        pltpu.SemaphoreType.DMA((2,)),
        pltpu.SemaphoreType.DMA((2,)),
        pltpu.SemaphoreType.DMA((2,)),
    ],
)(_seg_sum_h_body)


def _fc_body(fh, pc, seg, fx, out, fh_v, pc_v, fxg_v, idx_v, acc_sh,
             sem, sem2, sem3, sem4):
    c = lax.axis_index("c")
    s = lax.axis_index("s")
    w = c * NS + s

    H = CHUNK // 2

    _zero_accumulator(fh_v, acc_sh, s, CHUNK)
    plsc.subcore_barrier()

    def body(t, carry):
        k = w + NW * t

        @pl.when(k < N_CHUNKS)
        def _():
            base = k * CHUNK
            cp1 = pltpu.async_copy(fh.at[pl.ds(base, CHUNK)], fh_v, sem)
            cp2 = pltpu.async_copy(pc.at[pl.ds(base, CHUNK)], pc_v, sem2)
            pltpu.sync_copy(seg.at[pl.ds(base, CHUNK)], idx_v)
            cp3 = pltpu.async_copy(
                fx.at[idx_v.at[pl.ds(0, H)]], fxg_v.at[pl.ds(0, H)], sem3
            )
            cp4 = pltpu.async_copy(
                fx.at[idx_v.at[pl.ds(H, H)]], fxg_v.at[pl.ds(H, H)], sem4
            )
            cp1.wait()
            cp2.wait()
            cp3.wait()

            @plsc.parallel_loop(0, H, 1, unroll=4)
            def row(i):
                for j in range(D // LANES):
                    sl = pl.ds(j * LANES, LANES)
                    x = fh_v[i, sl] + fxg_v[i, sl]
                    sg = 1.0 / (1.0 + jnp.exp(-x))
                    fh_v[i, sl] = sg * pc_v[i, sl]

            cp4.wait()

            @plsc.parallel_loop(H, CHUNK, 1, unroll=4)
            def row2(i):
                for j in range(D // LANES):
                    sl = pl.ds(j * LANES, LANES)
                    x = fh_v[i, sl] + fxg_v[i, sl]
                    sg = 1.0 / (1.0 + jnp.exp(-x))
                    fh_v[i, sl] = sg * pc_v[i, sl]

            pltpu.sync_copy(fh_v, acc_sh.at[idx_v], add=True)

        return carry

    lax.fori_loop(0, MAX_T, body, 0)
    plsc.subcore_barrier()
    pltpu.sync_copy(
        acc_sh.at[pl.ds(s * ROWS_PER_SUB, ROWS_PER_SUB)],
        out.at[c, pl.ds(s * ROWS_PER_SUB, ROWS_PER_SUB)],
    )


_fc_partials = functools.partial(
    pl.kernel,
    out_type=jax.ShapeDtypeStruct((NC, N_PAD, D), jnp.float32),
    mesh=_MESH,
    scratch_types=[
        pltpu.VMEM((CHUNK, D), jnp.float32),
        pltpu.VMEM((CHUNK, D), jnp.float32),
        pltpu.VMEM((CHUNK, D), jnp.float32),
        pltpu.VMEM((CHUNK,), jnp.int32),
        pltpu.VMEM_SHARED((N_PAD, D), jnp.float32),
        pltpu.SemaphoreType.DMA,
        pltpu.SemaphoreType.DMA,
        pltpu.SemaphoreType.DMA,
        pltpu.SemaphoreType.DMA,
    ],
)(_fc_body)


def _fwd_matmuls_kernel(ph_ref, uf_ref, x_ref, wf_ref, bf_ref, fh_ref, fx_ref):
    i = pl.program_id(0)
    fh_ref[...] = jnp.dot(
        ph_ref[...], uf_ref[...], preferred_element_type=jnp.float32
    )

    @pl.when(i < 10)
    def _():
        fx_ref[...] = (
            jnp.dot(x_ref[...], wf_ref[...], preferred_element_type=jnp.float32)
            + bf_ref[...]
        )


def _final_kernel(x_ref, htp_ref, fcp_ref, wc_ref, bc_ref, c_ref, h_ref):
    ht = htp_ref[0] + htp_ref[1]
    big_in = jnp.concatenate([x_ref[...], ht], axis=1)
    big = (
        jnp.dot(big_in, wc_ref[...], preferred_element_type=jnp.float32)
        + bc_ref[...]
    )
    z_i = big[:, :D]
    z_o = big[:, D : 2 * D]
    z_u = big[:, 2 * D :]
    fc = fcp_ref[0] + fcp_ref[1]
    cc = jax.nn.sigmoid(z_i) * jnp.tanh(z_u) + fc
    c_ref[...] = cc
    h_ref[...] = jax.nn.sigmoid(z_o) * jnp.tanh(cc)


@jax.jit
def kernel(inputs_mat, prev_c_mat, prev_h_mat, segment_ids, W_combined,
           b_combined, W_f, U_f, b_f):
    seg = segment_ids.astype(jnp.int32)

    htp = _seg_sum_h(prev_h_mat, seg)

    f_h, f_x = pl.pallas_call(
        _fwd_matmuls_kernel,
        grid=(100,),
        in_specs=[
            pl.BlockSpec((1600, D), lambda i: (i, 0)),
            pl.BlockSpec((D, D), lambda i: (0, 0)),
            pl.BlockSpec((1000, D), lambda i: (jnp.minimum(i, 9), 0)),
            pl.BlockSpec((D, D), lambda i: (0, 0)),
            pl.BlockSpec((1, D), lambda i: (0, 0)),
        ],
        out_specs=[
            pl.BlockSpec((1600, D), lambda i: (i, 0)),
            pl.BlockSpec((1000, D), lambda i: (jnp.minimum(i, 9), 0)),
        ],
        out_shape=[
            jax.ShapeDtypeStruct((N_EDGES, D), jnp.float32),
            jax.ShapeDtypeStruct((N_NODES, D), jnp.float32),
        ],
    )(prev_h_mat, U_f, inputs_mat, W_f, b_f)

    fcp = _fc_partials(f_h, prev_c_mat, seg, f_x)

    c, h = pl.pallas_call(
        _final_kernel,
        grid=(10,),
        in_specs=[
            pl.BlockSpec((1000, D), lambda i: (i, 0)),
            pl.BlockSpec((NC, 1000, D), lambda i: (0, i, 0)),
            pl.BlockSpec((NC, 1000, D), lambda i: (0, i, 0)),
            pl.BlockSpec((2 * D, 3 * D), lambda i: (0, 0)),
            pl.BlockSpec((1, 3 * D), lambda i: (0, 0)),
        ],
        out_specs=[
            pl.BlockSpec((1000, D), lambda i: (i, 0)),
            pl.BlockSpec((1000, D), lambda i: (i, 0)),
        ],
        out_shape=[
            jax.ShapeDtypeStruct((N_NODES, D), jnp.float32),
            jax.ShapeDtypeStruct((N_NODES, D), jnp.float32),
        ],
    )(inputs_mat, htp, fcp, W_combined, b_combined)

    return (c, h)

# --- scband reference (transcript-rebuilt; emitter-appended) ---
"""Pipeline reference for scband-batch-child-sum-tree-lstmcell-71184787964228 (READ-ONLY COPY).

The authoritative reference and input builder live on the scoring server;
editing this copy changes nothing except your own understanding.
"""

import jax, jax.numpy as jnp
import numpy as np

N_NODES = 10000
N_EDGES = 160000
D_IN = 128
D_H = 128


def _xavier_uniform(key, shape):
    fan_in, fan_out = shape
    lim = float(np.sqrt(6.0 / (fan_in + fan_out)))
    return jax.random.uniform(key, shape, jnp.float32, -lim, lim)


def setup_inputs(seed: int = 0) -> dict:
    key = jax.random.key(seed)
    ks = jax.random.split(key, 8)
    inputs_mat = jax.random.normal(ks[0], (N_NODES, D_IN), dtype=jnp.float32)
    prev_c_mat = jax.random.normal(ks[1], (N_EDGES, D_H), dtype=jnp.float32)
    prev_h_mat = jax.random.normal(ks[2], (N_EDGES, D_H), dtype=jnp.float32)
    segment_ids = jnp.sort(jax.random.randint(ks[3], (N_EDGES,), 0, N_NODES, dtype=jnp.int64))
    W_combined = _xavier_uniform(ks[4], (D_IN + D_H, 3 * D_H))
    b_combined = jnp.zeros((1, 3 * D_H), dtype=jnp.float32)
    W_f = _xavier_uniform(ks[5], (D_IN, D_H))
    U_f = _xavier_uniform(ks[6], (D_H, D_H))
    b_f = jnp.zeros((1, D_H), dtype=jnp.float32)
    return {
        "inputs_mat": inputs_mat,
        "prev_c_mat": prev_c_mat,
        "prev_h_mat": prev_h_mat,
        "segment_ids": segment_ids,
        "W_combined": W_combined,
        "b_combined": b_combined,
        "W_f": W_f,
        "U_f": U_f,
        "b_f": b_f,
    }


def reference(inputs_mat, prev_c_mat, prev_h_mat, segment_ids, W_combined, b_combined, W_f, U_f, b_f):
    # h_tilde_j = sum_{k in C(j)} h_k  (per-parent segment sum over child hidden states)
    h_tilde = jax.ops.segment_sum(prev_h_mat, segment_ids, num_segments=N_NODES)
    # combined i, o, u gates: [x_j ; h_tilde_j] @ W_combined + b_combined
    big_cat_in = jnp.concatenate([inputs_mat, h_tilde], axis=1)
    big_cat_out = big_cat_in @ W_combined + b_combined
    z_i, z_o, z_u = jnp.split(big_cat_out, 3, axis=1)
    # dropout with p=0.0 is identity (eval/deterministic)
    # forget gates per (parent j, child k): sigmoid(W_f x_j + U_f h_k + b_f)
    f_inputs = inputs_mat @ W_f
    f_hiddens = prev_h_mat @ U_f
    f_jks = jax.nn.sigmoid(f_inputs[segment_ids] + f_hiddens + b_f)
    fc_mul = f_jks * prev_c_mat
    fc_term = jax.ops.segment_sum(fc_mul, segment_ids, num_segments=N_NODES)
    c = jax.nn.sigmoid(z_i) * jnp.tanh(z_u) + fc_term
    h = jax.nn.sigmoid(z_o) * jnp.tanh(c)
    return (c, h)

if __name__ == "__main__":
    import jax
    _d = setup_inputs()
    print(jax.jit(kernel)(*tuple(_d.values())))

</pallas_src>

<mosaic_0001>
#map = affine_map<(d0, d1) -> (0, 0)>
#map1 = affine_map<(d0, d1) -> (0)>
#map2 = affine_map<(d0, d1) -> (0, 0, 0)>
module attributes {stable_mosaic.version = 14 : i64} {
  func.func @_seg_sum_h_body(%arg0: i32, %arg1: i32, %arg2: memref<160000x128xf32, #tpu.memory_space<hbm>>, %arg3: memref<160000xi32, #tpu.memory_space<hbm>>, %arg4: memref<2x10112x128xf32, #tpu.memory_space<hbm>>, %arg5: memref<2x128x128xf32, #tpu.memory_space<vmem>>, %arg6: memref<2x128xi32, #tpu.memory_space<vmem>>, %arg7: memref<10112x128xf32, #tpu.memory_space<vmem_shared>>, %arg8: memref<2x!tpu.dma_semaphore, #tpu.memory_space<semaphore_mem>>, %arg9: memref<2x!tpu.dma_semaphore, #tpu.memory_space<semaphore_mem>>, %arg10: memref<2x!tpu.dma_semaphore, #tpu.memory_space<semaphore_mem>>) attributes {dimension_semantics = [#tpu.dimension_semantics<core_parallel>, #tpu.dimension_semantics<subcore_parallel>], iteration_bounds = array<i64: 2, 16>, scalar_prefetch = 0 : i64, scratch_operands = 6 : i64, tpu.core_type = #tpu.core_type<sc_vector_subcore>, window_params = [{transform_indices = #map}, {transform_indices = #map1}, {transform_indices = #map2}]} {
    %mul3A = arith.constant 16 : i32
    %mul3A_0 = arith.muli %arg0, %mul3A : i32
    %add3A = arith.addi %mul3A_0, %arg1 : i32
    %scan3A = arith.constant 0 : i32
    %scan3A_1 = arith.constant 0 : i32
    %scan3A_2 = arith.constant 0 : i32
    %scan3A_3 = arith.constant 128 : i32
    %scan3A_4 = arith.addi %scan3A_2, %scan3A_3 : i32
    %scan3A_5 = arith.constant 1 : i32
    scf.for %scan3A_53 = %scan3A_2 to %scan3A_4 step %scan3A_5  : i32 {
      %broadcast_in_dim3A = arith.constant 0.000000e+00 : f32
      %broadcast_in_dim3A_54 = vector.broadcast %broadcast_in_dim3A : f32 to vector<16xf32>
      %swap3A = arith.constant 0 : i32
      %swap3A_55 = arith.constant 0 : i32
      %swap3A_56 = tpu.memref_slice %arg5[%scan3A_1, %swap3A, %swap3A_55] : memref<2x128x128xf32, #tpu.memory_space<vmem>> -> memref<1x128x128xf32, #tpu.memory_space<vmem>>
      %swap3A_57 = tpu.memref_squeeze %swap3A_56 : memref<1x128x128xf32, #tpu.memory_space<vmem>> -> memref<128x128xf32, #tpu.memory_space<vmem>>
      %swap3A_58 = arith.index_cast %scan3A_53 : i32 to index
      %swap3A_59 = arith.constant 0 : index
      %swap3A_60 = tpu.vector_load %swap3A_57[%swap3A_58, %swap3A_59] {strides = array<i32>} : memref<128x128xf32, #tpu.memory_space<vmem>>, vector<1x16xf32>,
      %swap3A_61 = vector.shape_cast %swap3A_60 : vector<1x16xf32> to vector<16xf32>
      %swap3A_62 = vector.shape_cast %broadcast_in_dim3A_54 : vector<16xf32> to vector<1x16xf32>
      tpu.vector_store %swap3A_57[%swap3A_58, %swap3A_59], %swap3A_62 {strides = array<i32>} : memref<128x128xf32, #tpu.memory_space<vmem>>, vector<1x16xf32>,
      %broadcast_in_dim3A_63 = arith.constant 0.000000e+00 : f32
      %broadcast_in_dim3A_64 = vector.broadcast %broadcast_in_dim3A_63 : f32 to vector<16xf32>
      %swap3A_65 = arith.constant 0 : i32
      %swap3A_66 = arith.constant 0 : i32
      %swap3A_67 = tpu.memref_slice %arg5[%scan3A_1, %swap3A_65, %swap3A_66] : memref<2x128x128xf32, #tpu.memory_space<vmem>> -> memref<1x128x128xf32, #tpu.memory_space<vmem>>
      %swap3A_68 = tpu.memref_squeeze %swap3A_67 : memref<1x128x128xf32, #tpu.memory_space<vmem>> -> memref<128x128xf32, #tpu.memory_space<vmem>>
      %swap3A_69 = arith.index_cast %scan3A_53 : i32 to index
      %swap3A_70 = arith.constant 16 : index
      %swap3A_71 = tpu.vector_load %swap3A_68[%swap3A_69, %swap3A_70] {strides = array<i32>} : memref<128x128xf32, #tpu.memory_space<vmem>>, vector<1x16xf32>,
      %swap3A_72 = vector.shape_cast %swap3A_71 : vector<1x16xf32> to vector<16xf32>
      %swap3A_73 = vector.shape_cast %broadcast_in_dim3A_64 : vector<16xf32> to vector<1x16xf32>
      tpu.vector_store %swap3A_68[%swap3A_69, %swap3A_70], %swap3A_73 {strides = array<i32>} : memref<128x128xf32, #tpu.memory_space<vmem>>, vector<1x16xf32>,
      %broadcast_in_dim3A_74 = arith.constant 0.000000e+00 : f32
      %broadcast_in_dim3A_75 = vector.broadcast %broadcast_in_dim3A_74 : f32 to vector<16xf32>
      %swap3A_76 = arith.constant 0 : i32
      %swap3A_77 = arith.constant 0 : i32
      %swap3A_78 = tpu.memref_slice %arg5[%scan3A_1, %swap3A_76, %swap3A_77] : memref<2x128x128xf32, #tpu.memory_space<vmem>> -> memref<1x128x128xf32, #tpu.memory_space<vmem>>
      %swap3A_79 = tpu.memref_squeeze %swap3A_78 : memref<1x128x128xf32, #tpu.memory_space<vmem>> -> memref<128x128xf32, #tpu.memory_space<vmem>>
      %swap3A_80 = arith.index_cast %scan3A_53 : i32 to index
      %swap3A_81 = arith.constant 32 : index
      %swap3A_82 = tpu.vector_load %swap3A_79[%swap3A_80, %swap3A_81] {strides = array<i32>} : memref<128x128xf32, #tpu.memory_space<vmem>>, vector<1x16xf32>,
      %swap3A_83 = vector.shape_cast %swap3A_82 : vector<1x16xf32> to vector<16xf32>
      %swap3A_84 = vector.shape_cast %broadcast_in_dim3A_75 : vector<16xf32> to vector<1x16xf32>
      tpu.vector_store %swap3A_79[%swap3A_80, %swap3A_81], %swap3A_84 {strides = array<i32>} : memref<128x128xf32, #tpu.memory_space<vmem>>, vector<1x16xf32>,
      %broadcast_in_dim3A_85 = arith.constant 0.000000e+00 : f32
      %broadcast_in_dim3A_86 = vector.broadcast %broadcast_in_dim3A_85 : f32 to vector<16xf32>
      %swap3A_87 = arith.constant 0 : i32
      %swap3A_88 = arith.constant 0 : i32
      %swap3A_89 = tpu.memref_slice %arg5[%scan3A_1, %swap3A_87, %swap3A_88] : memref<2x128x128xf32, #tpu.memory_space<vmem>> -> memref<1x128x128xf32, #tpu.memory_space<vmem>>
      %swap3A_90 = tpu.memref_squeeze %swap3A_89 : memref<1x128x128xf32, #tpu.memory_space<vmem>> -> memref<128x128xf32, #tpu.memory_space<vmem>>
      %swap3A_91 = arith.index_cast %scan3A_53 : i32 to index
      %swap3A_92 = arith.constant 48 : index
      %swap3A_93 = tpu.vector_load %swap3A_90[%swap3A_91, %swap3A_92] {strides = array<i32>} : memref<128x128xf32, #tpu.memory_space<vmem>>, vector<1x16xf32>,
      %swap3A_94 = vector.shape_cast %swap3A_93 : vector<1x16xf32> to vector<16xf32>
      %swap3A_95 = vector.shape_cast %broadcast_in_dim3A_86 : vector<16xf32> to vector<1x16xf32>
      tpu.vector_store %swap3A_90[%swap3A_91, %swap3A_92], %swap3A_95 {strides = array<i32>} : memref<128x128xf32, #tpu.memory_space<vmem>>, vector<1x16xf32>,
      %broadcast_in_dim3A_96 = arith.constant 0.000000e+00 : f32
      %broadcast_in_dim3A_97 = vector.broadcast %broadcast_in_dim3A_96 : f32 to vector<16xf32>
      %swap3A_98 = arith.constant 0 : i32
      %swap3A_99 = arith.constant 0 : i32
      %swap3A_100 = tpu.memref_slice %arg5[%scan3A_1, %swap3A_98, %swap3A_99] : memref<2x128x128xf32, #tpu.memory_space<vmem>> -> memref<1x128x128xf32, #tpu.memory_space<vmem>>
      %swap3A_101 = tpu.memref_squeeze %swap3A_100 : memref<1x128x128xf32, #tpu.memory_space<vmem>> -> memref<128x128xf32, #tpu.memory_space<vmem>>
      %swap3A_102 = arith.index_cast %scan3A_53 : i32 to index
      %swap3A_103 = arith.constant 64 : index
      %swap3A_104 = tpu.vector_load %swap3A_101[%swap3A_102, %swap3A_103] {strides = array<i32>} : memref<128x128xf32, #tpu.memory_space<vmem>>, vector<1x16xf32>,
      %swap3A_105 = vector.shape_cast %swap3A_104 : vector<1x16xf32> to vector<16xf32>
      %swap3A_106 = vector.shape_cast %broadcast_in_dim3A_97 : vector<16xf32> to vector<1x16xf32>
      tpu.vector_store %swap3A_101[%swap3A_102, %swap3A_103], %swap3A_106 {strides = array<i32>} : memref<128x128xf32, #tpu.memory_space<vmem>>, vector<1x16xf32>,
      %broadcast_in_dim3A_107 = arith.constant 0.000000e+00 : f32
      %broadcast_in_dim3A_108 = vector.broadcast %broadcast_in_dim3A_107 : f32 to vector<16xf32>
      %swap3A_109 = arith.constant 0 : i32
      %swap3A_110 = arith.constant 0 : i32
      %swap3A_111 = tpu.memref_slice %arg5[%scan3A_1, %swap3A_109, %swap3A_110] : memref<2x128x128xf32, #tpu.memory_space<vmem>> -> memref<1x128x128xf32, #tpu.memory_space<vmem>>
      %swap3A_112 = tpu.memref_squeeze %swap3A_111 : memref<1x128x128xf32, #tpu.memory_space<vmem>> -> memref<128x128xf32, #tpu.memory_space<vmem>>
      %swap3A_113 = arith.index_cast %scan3A_53 : i32 to index
      %swap3A_114 = arith.constant 80 : index
      %swap3A_115 = tpu.vector_load %swap3A_112[%swap3A_113, %swap3A_114] {strides = array<i32>} : memref<128x128xf32, #tpu.memory_space<vmem>>, vector<1x16xf32>,
      %swap3A_116 = vector.shape_cast %swap3A_115 : vector<1x16xf32> to vector<16xf32>
      %swap3A_117 = vector.shape_cast %broadcast_in_dim3A_108 : vector<16xf32> to vector<1x16xf32>
      tpu.vector_store %swap3A_112[%swap3A_113, %swap3A_114], %swap3A_117 {strides = array<i32>} : memref<128x128xf32, #tpu.memory_space<vmem>>, vector<1x16xf32>,
      %broadcast_in_dim3A_118 = arith.constant 0.000000e+00 : f32
      %broadcast_in_dim3A_119 = vector.broadcast %broadcast_in_dim3A_118 : f32 to vector<16xf32>
      %swap3A_120 = arith.constant 0 : i32
      %swap3A_121 = arith.constant 0 : i32
      %swap3A_122 = tpu.memref_slice %arg5[%scan3A_1, %swap3A_120, %swap3A_121] : memref<2x128x128xf32, #tpu.memory_space<vmem>> -> memref<1x128x128xf32, #tpu.memory_space<vmem>>
      %swap3A_123 = tpu.memref_squeeze %swap3A_122 : memref<1x128x128xf32, #tpu.memory_space<vmem>> -> memref<128x128xf32, #tpu.memory_space<vmem>>
      %swap3A_124 = arith.index_cast %scan3A_53 : i32 to index
      %swap3A_125 = arith.constant 96 : index
      %swap3A_126 = tpu.vector_load %swap3A_123[%swap3A_124, %swap3A_125] {strides = array<i32>} : memref<128x128xf32, #tpu.memory_space<vmem>>, vector<1x16xf32>,
      %swap3A_127 = vector.shape_cast %swap3A_126 : vector<1x16xf32> to vector<16xf32>
      %swap3A_128 = vector.shape_cast %broadcast_in_dim3A_119 : vector<16xf32> to vector<1x16xf32>
      tpu.vector_store %swap3A_123[%swap3A_124, %swap3A_125], %swap3A_128 {strides = array<i32>} : memref<128x128xf32, #tpu.memory_space<vmem>>, vector<1x16xf32>,
      %broadcast_in_dim3A_129 = arith.constant 0.000000e+00 : f32
      %broadcast_in_dim3A_130 = vector.broadcast %broadcast_in_dim3A_129 : f32 to vector<16xf32>
      %swap3A_131 = arith.constant 0 : i32
      %swap3A_132 = arith.constant 0 : i32
      %swap3A_133 = tpu.memref_slice %arg5[%scan3A_1, %swap3A_131, %swap3A_132] : memref<2x128x128xf32, #tpu.memory_space<vmem>> -> memref<1x128x128xf32, #tpu.memory_space<vmem>>
      %swap3A_134 = tpu.memref_squeeze %swap3A_133 : memref<1x128x128xf32, #tpu.memory_space<vmem>> -> memref<128x128xf32, #tpu.memory_space<vmem>>
      %swap3A_135 = arith.index_cast %scan3A_53 : i32 to index
      %swap3A_136 = arith.constant 112 : index
      %swap3A_137 = tpu.vector_load %swap3A_134[%swap3A_135, %swap3A_136] {strides = array<i32>} : memref<128x128xf32, #tpu.memory_space<vmem>>, vector<1x16xf32>,
      %swap3A_138 = vector.shape_cast %swap3A_137 : vector<1x16xf32> to vector<16xf32>
      %swap3A_139 = vector.shape_cast %broadcast_in_dim3A_130 : vector<16xf32> to vector<1x16xf32>
      tpu.vector_store %swap3A_134[%swap3A_135, %swap3A_136], %swap3A_139 {strides = array<i32>} : memref<128x128xf32, #tpu.memory_space<vmem>>, vector<1x16xf32>,
    }
    %scan3A_6 = arith.constant 128 : i32
    %mul3A_7 = arith.constant 632 : i32
    %mul3A_8 = arith.muli %arg1, %mul3A_7 : i32
    %add3A_9 = arith.constant 0 : i32
    %add3A_10 = arith.addi %mul3A_8, %add3A_9 : i32
    %run_scoped3A = arith.constant 0 : i32
    "tpu.region"() ({
      %run_scoped3A_53 = tpu.sem_alloc : memref<!tpu.dma_semaphore, #tpu.memory_space<semaphore_mem>>
      %dma_start3A = arith.constant 0 : i32
      %dma_start3A_54 = arith.constant 0 : i32
      %dma_start3A_55 = tpu.memref_slice %arg5[%run_scoped3A, %dma_start3A, %dma_start3A_54] : memref<2x128x128xf32, #tpu.memory_space<vmem>> -> memref<1x128x128xf32, #tpu.memory_space<vmem>>
      %dma_start3A_56 = tpu.memref_squeeze %dma_start3A_55 : memref<1x128x128xf32, #tpu.memory_space<vmem>> -> memref<128x128xf32, #tpu.memory_space<vmem>>
      %dma_start3A_57 = arith.constant 0 : i32
      %dma_start3A_58 = tpu.memref_slice %arg7[%add3A_10, %dma_start3A_57] : memref<10112x128xf32, #tpu.memory_space<vmem_shared>> -> memref<128x128xf32, #tpu.memory_space<vmem_shared>>
      %dma_start3A_59 = arith.constant 0 : i32
      %dma_start3A_60 = tpu.memref_slice %arg7[%add3A_10, %dma_start3A_59] : memref<10112x128xf32, #tpu.memory_space<vmem_shared>> -> memref<128x128xf32, #tpu.memory_space<vmem_shared>>
      %dma_start3A_61 = arith.constant 0 : i32
      %dma_start3A_62 = arith.constant 0 : i32
      %dma_start3A_63 = tpu.memref_slice %arg5[%run_scoped3A, %dma_start3A_61, %dma_start3A_62] : memref<2x128x128xf32, #tpu.memory_space<vmem>> -> memref<1x128x128xf32, #tpu.memory_space<vmem>>
      %dma_start3A_64 = tpu.memref_squeeze %dma_start3A_63 : memref<1x128x128xf32, #tpu.memory_space<vmem>> -> memref<128x128xf32, #tpu.memory_space<vmem>>
      tpu.enqueue_dma source(%dma_start3A_64 : memref<128x128xf32, #tpu.memory_space<vmem>>) target(%dma_start3A_60 : memref<128x128xf32, #tpu.memory_space<vmem_shared>>) target_semaphore(%run_scoped3A_53 : memref<!tpu.dma_semaphore, #tpu.memory_space<semaphore_mem>>)
      %dma_wait3A = arith.constant 0 : i32
      %dma_wait3A_65 = arith.constant 0 : i32
      %dma_wait3A_66 = tpu.memref_slice %arg5[%run_scoped3A, %dma_wait3A, %dma_wait3A_65] : memref<2x128x128xf32, #tpu.memory_space<vmem>> -> memref<1x128x128xf32, #tpu.memory_space<vmem>>
      %dma_wait3A_67 = tpu.memref_squeeze %dma_wait3A_66 : memref<1x128x128xf32, #tpu.memory_space<vmem>> -> memref<128x128xf32, #tpu.memory_space<vmem>>
      %dma_wait3A_68 = arith.constant 0 : i32
      %dma_wait3A_69 = tpu.memref_slice %arg7[%add3A_10, %dma_wait3A_68] : memref<10112x128xf32, #tpu.memory_space<vmem_shared>> -> memref<128x128xf32, #tpu.memory_space<vmem_shared>>
      %dma_wait3A_70 = arith.constant 0 : i32
      %dma_wait3A_71 = tpu.memref_slice %arg7[%add3A_10, %dma_wait3A_70] : memref<10112x128xf32, #tpu.memory_space<vmem_shared>> -> memref<128x128xf32, #tpu.memory_space<vmem_shared>>
      %dma_wait3A_72 = arith.constant 0 : i32
      %dma_wait3A_73 = arith.constant 0 : i32
      %dma_wait3A_74 = tpu.memref_slice %arg5[%run_scoped3A, %dma_wait3A_72, %dma_wait3A_73] : memref<2x128x128xf32, #tpu.memory_space<vmem>> -> memref<1x128x128xf32, #tpu.memory_space<vmem>>
      %dma_wait3A_75 = tpu.memref_squeeze %dma_wait3A_74 : memref<1x128x128xf32, #tpu.memory_space<vmem>> -> memref<128x128xf32, #tpu.memory_space<vmem>>
      tpu.wait_dma2 semaphore(%run_scoped3A_53 : memref<!tpu.dma_semaphore, #tpu.memory_space<semaphore_mem>>) src(%dma_wait3A_75 : memref<128x128xf32, #tpu.memory_space<vmem>>) dst(%dma_wait3A_71 : memref<128x128xf32, #tpu.memory_space<vmem_shared>>)
      tpu.yield
    }) : () -> ()
    %mul3A_11 = arith.constant 632 : i32
    %mul3A_12 = arith.muli %arg1, %mul3A_11 : i32
    %add3A_13 = arith.constant 128 : i32
    %add3A_14 = arith.addi %mul3A_12, %add3A_13 : i32
    %run_scoped3A_15 = arith.constant 0 : i32
    "tpu.region"() ({
      %run_scoped3A_53 = tpu.sem_alloc : memref<!tpu.dma_semaphore, #tpu.memory_space<semaphore_mem>>
      %dma_start3A = arith.constant 0 : i32
      %dma_start3A_54 = arith.constant 0 : i32
      %dma_start3A_55 = tpu.memref_slice %arg5[%run_scoped3A_15, %dma_start3A, %dma_start3A_54] : memref<2x128x128xf32, #tpu.memory_space<vmem>> -> memref<1x128x128xf32, #tpu.memory_space<vmem>>
      %dma_start3A_56 = tpu.memref_squeeze %dma_start3A_55 : memref<1x128x128xf32, #tpu.memory_space<vmem>> -> memref<128x128xf32, #tpu.memory_space<vmem>>
      %dma_start3A_57 = arith.constant 0 : i32
      %dma_start3A_58 = tpu.memref_slice %arg7[%add3A_14, %dma_start3A_57] : memref<10112x128xf32, #tpu.memory_space<vmem_shared>> -> memref<128x128xf32, #tpu.memory_space<vmem_shared>>
      %dma_start3A_59 = arith.constant 0 : i32
      %dma_start3A_60 = tpu.memref_slice %arg7[%add3A_14, %dma_start3A_59] : memref<10112x128xf32, #tpu.memory_space<vmem_shared>> -> memref<128x128xf32, #tpu.memory_space<vmem_shared>>
      %dma_start3A_61 = arith.constant 0 : i32
      %dma_start3A_62 = arith.constant 0 : i32
      %dma_start3A_63 = tpu.memref_slice %arg5[%run_scoped3A_15, %dma_start3A_61, %dma_start3A_62] : memref<2x128x128xf32, #tpu.memory_space<vmem>> -> memref<1x128x128xf32, #tpu.memory_space<vmem>>
      %dma_start3A_64 = tpu.memref_squeeze %dma_start3A_63 : memref<1x128x128xf32, #tpu.memory_space<vmem>> -> memref<128x128xf32, #tpu.memory_space<vmem>>
      tpu.enqueue_dma source(%dma_start3A_64 : memref<128x128xf32, #tpu.memory_space<vmem>>) target(%dma_start3A_60 : memref<128x128xf32, #tpu.memory_space<vmem_shared>>) target_semaphore(%run_scoped3A_53 : memref<!tpu.dma_semaphore, #tpu.memory_space<semaphore_mem>>)
      %dma_wait3A = arith.constant 0 : i32
      %dma_wait3A_65 = arith.constant 0 : i32
      %dma_wait3A_66 = tpu.memref_slice %arg5[%run_scoped3A_15, %dma_wait3A, %dma_wait3A_65] : memref<2x128x128xf32, #tpu.memory_space<vmem>> -> memref<1x128x128xf32, #tpu.memory_space<vmem>>
      %dma_wait3A_67 = tpu.memref_squeeze %dma_wait3A_66 : memref<1x128x128xf32, #tpu.memory_space<vmem>> -> memref<128x128xf32, #tpu.memory_space<vmem>>
      %dma_wait3A_68 = arith.constant 0 : i32
      %dma_wait3A_69 = tpu.memref_slice %arg7[%add3A_14, %dma_wait3A_68] : memref<10112x128xf32, #tpu.memory_space<vmem_shared>> -> memref<128x128xf32, #tpu.memory_space<vmem_shared>>
      %dma_wait3A_70 = arith.constant 0 : i32
      %dma_wait3A_71 = tpu.memref_slice %arg7[%add3A_14, %dma_wait3A_70] : memref<10112x128xf32, #tpu.memory_space<vmem_shared>> -> memref<128x128xf32, #tpu.memory_space<vmem_shared>>
      %dma_wait3A_72 = arith.constant 0 : i32
      %dma_wait3A_73 = arith.constant 0 : i32
      %dma_wait3A_74 = tpu.memref_slice %arg5[%run_scoped3A_15, %dma_wait3A_72, %dma_wait3A_73] : memref<2x128x128xf32, #tpu.memory_space<vmem>> -> memref<1x128x128xf32, #tpu.memory_space<vmem>>
      %dma_wait3A_75 = tpu.memref_squeeze %dma_wait3A_74 : memref<1x128x128xf32, #tpu.memory_space<vmem>> -> memref<128x128xf32, #tpu.memory_space<vmem>>
      tpu.wait_dma2 semaphore(%run_scoped3A_53 : memref<!tpu.dma_semaphore, #tpu.memory_space<semaphore_mem>>) src(%dma_wait3A_75 : memref<128x128xf32, #tpu.memory_space<vmem>>) dst(%dma_wait3A_71 : memref<128x128xf32, #tpu.memory_space<vmem_shared>>)
      tpu.yield
    }) : () -> ()
    %mul3A_16 = arith.constant 632 : i32
    %mul3A_17 = arith.muli %arg1, %mul3A_16 : i32
    %add3A_18 = arith.constant 256 : i32
    %add3A_19 = arith.addi %mul3A_17, %add3A_18 : i32
    %run_scoped3A_20 = arith.constant 0 : i32
    "tpu.region"() ({
      %run_scoped3A_53 = tpu.sem_alloc : memref<!tpu.dma_semaphore, #tpu.memory_space<semaphore_mem>>
      %dma_start3A = arith.constant 0 : i32
      %dma_start3A_54 = arith.constant 0 : i32
      %dma_start3A_55 = tpu.memref_slice %arg5[%run_scoped3A_20, %dma_start3A, %dma_start3A_54] : memref<2x128x128xf32, #tpu.memory_space<vmem>> -> memref<1x128x128xf32, #tpu.memory_space<vmem>>
      %dma_start3A_56 = tpu.memref_squeeze %dma_start3A_55 : memref<1x128x128xf32, #tpu.memory_space<vmem>> -> memref<128x128xf32, #tpu.memory_space<vmem>>
      %dma_start3A_57 = arith.constant 0 : i32
      %dma_start3A_58 = tpu.memref_slice %arg7[%add3A_19, %dma_start3A_57] : memref<10112x128xf32, #tpu.memory_space<vmem_shared>> -> memref<128x128xf32, #tpu.memory_space<vmem_shared>>
      %dma_start3A_59 = arith.constant 0 : i32
      %dma_start3A_60 = tpu.memref_slice %arg7[%add3A_19, %dma_start3A_59] : memref<10112x128xf32, #tpu.memory_space<vmem_shared>> -> memref<128x128xf32, #tpu.memory_space<vmem_shared>>
      %dma_start3A_61 = arith.constant 0 : i32
      %dma_start3A_62 = arith.constant 0 : i32
      %dma_start3A_63 = tpu.memref_slice %arg5[%run_scoped3A_20, %dma_start3A_61, %dma_start3A_62] : memref<2x128x128xf32, #tpu.memory_space<vmem>> -> memref<1x128x128xf32, #tpu.memory_space<vmem>>
      %dma_start3A_64 = tpu.memref_squeeze %dma_start3A_63 : memref<1x128x128xf32, #tpu.memory_space<vmem>> -> memref<128x128xf32, #tpu.memory_space<vmem>>
      tpu.enqueue_dma source(%dma_start3A_64 : memref<128x128xf32, #tpu.memory_space<vmem>>) target(%dma_start3A_60 : memref<128x128xf32, #tpu.memory_space<vmem_shared>>) target_semaphore(%run_scoped3A_53 : memref<!tpu.dma_semaphore, #tpu.memory_space<semaphore_mem>>)
      %dma_wait3A = arith.constant 0 : i32
      %dma_wait3A_65 = arith.constant 0 : i32
      %dma_wait3A_66 = tpu.memref_slice %arg5[%run_scoped3A_20, %dma_wait3A, %dma_wait3A_65] : memref<2x128x128xf32, #tpu.memory_space<vmem>> -> memref<1x128x128xf32, #tpu.memory_space<vmem>>
      %dma_wait3A_67 = tpu.memref_squeeze %dma_wait3A_66 : memref<1x128x128xf32, #tpu.memory_space<vmem>> -> memref<128x128xf32, #tpu.memory_space<vmem>>
      %dma_wait3A_68 = arith.constant 0 : i32
      %dma_wait3A_69 = tpu.memref_slice %arg7[%add3A_19, %dma_wait3A_68] : memref<10112x128xf32, #tpu.memory_space<vmem_shared>> -> memref<128x128xf32, #tpu.memory_space<vmem_shared>>
      %dma_wait3A_70 = arith.constant 0 : i32
      %dma_wait3A_71 = tpu.memref_slice %arg7[%add3A_19, %dma_wait3A_70] : memref<10112x128xf32, #tpu.memory_space<vmem_shared>> -> memref<128x128xf32, #tpu.memory_space<vmem_shared>>
      %dma_wait3A_72 = arith.constant 0 : i32
      %dma_wait3A_73 = arith.constant 0 : i32
      %dma_wait3A_74 = tpu.memref_slice %arg5[%run_scoped3A_20, %dma_wait3A_72, %dma_wait3A_73] : memref<2x128x128xf32, #tpu.memory_space<vmem>> -> memref<1x128x128xf32, #tpu.memory_space<vmem>>
      %dma_wait3A_75 = tpu.memref_squeeze %dma_wait3A_74 : memref<1x128x128xf32, #tpu.memory_space<vmem>> -> memref<128x128xf32, #tpu.memory_space<vmem>>
      tpu.wait_dma2 semaphore(%run_scoped3A_53 : memref<!tpu.dma_semaphore, #tpu.memory_space<semaphore_mem>>) src(%dma_wait3A_75 : memref<128x128xf32, #tpu.memory_space<vmem>>) dst(%dma_wait3A_71 : memref<128x128xf32, #tpu.memory_space<vmem_shared>>)
      tpu.yield
    }) : () -> ()
    %mul3A_21 = arith.constant 632 : i32
    %mul3A_22 = arith.muli %arg1, %mul3A_21 : i32
    %add3A_23 = arith.constant 384 : i32
    %add3A_24 = arith.addi %mul3A_22, %add3A_23 : i32
    %run_scoped3A_25 = arith.constant 0 : i32
    "tpu.region"() ({
      %run_scoped3A_53 = tpu.sem_alloc : memref<!tpu.dma_semaphore, #tpu.memory_space<semaphore_mem>>
      %dma_start3A = arith.constant 0 : i32
      %dma_start3A_54 = arith.constant 0 : i32
      %dma_start3A_55 = tpu.memref_slice %arg5[%run_scoped3A_25, %dma_start3A, %dma_start3A_54] : memref<2x128x128xf32, #tpu.memory_space<vmem>> -> memref<1x128x128xf32, #tpu.memory_space<vmem>>
      %dma_start3A_56 = tpu.memref_squeeze %dma_start3A_55 : memref<1x128x128xf32, #tpu.memory_space<vmem>> -> memref<128x128xf32, #tpu.memory_space<vmem>>
      %dma_start3A_57 = arith.constant 0 : i32
      %dma_start3A_58 = tpu.memref_slice %arg7[%add3A_24, %dma_start3A_57] : memref<10112x128xf32, #tpu.memory_space<vmem_shared>> -> memref<128x128xf32, #tpu.memory_space<vmem_shared>>
      %dma_start3A_59 = arith.constant 0 : i32
      %dma_start3A_60 = tpu.memref_slice %arg7[%add3A_24, %dma_start3A_59] : memref<10112x128xf32, #tpu.memory_space<vmem_shared>> -> memref<128x128xf32, #tpu.memory_space<vmem_shared>>
      %dma_start3A_61 = arith.constant 0 : i32
      %dma_start3A_62 = arith.constant 0 : i32
      %dma_start3A_63 = tpu.memref_slice %arg5[%run_scoped3A_25, %dma_start3A_61, %dma_start3A_62] : memref<2x128x128xf32, #tpu.memory_space<vmem>> -> memref<1x128x128xf32, #tpu.memory_space<vmem>>
      %dma_start3A_64 = tpu.memref_squeeze %dma_start3A_63 : memref<1x128x128xf32, #tpu.memory_space<vmem>> -> memref<128x128xf32, #tpu.memory_space<vmem>>
      tpu.enqueue_dma source(%dma_start3A_64 : memref<128x128xf32, #tpu.memory_space<vmem>>) target(%dma_start3A_60 : memref<128x128xf32, #tpu.memory_space<vmem_shared>>) target_semaphore(%run_scoped3A_53 : memref<!tpu.dma_semaphore, #tpu.memory_space<semaphore_mem>>)
      %dma_wait3A = arith.constant 0 : i32
      %dma_wait3A_65 = arith.constant 0 : i32
      %dma_wait3A_66 = tpu.memref_slice %arg5[%run_scoped3A_25, %dma_wait3A, %dma_wait3A_65] : memref<2x128x128xf32, #tpu.memory_space<vmem>> -> memref<1x128x128xf32, #tpu.memory_space<vmem>>
      %dma_wait3A_67 = tpu.memref_squeeze %dma_wait3A_66 : memref<1x128x128xf32, #tpu.memory_space<vmem>> -> memref<128x128xf32, #tpu.memory_space<vmem>>
      %dma_wait3A_68 = arith.constant 0 : i32
      %dma_wait3A_69 = tpu.memref_slice %arg7[%add3A_24, %dma_wait3A_68] : memref<10112x128xf32, #tpu.memory_space<vmem_shared>> -> memref<128x128xf32, #tpu.memory_space<vmem_shared>>
      %dma_wait3A_70 = arith.constant 0 : i32
      %dma_wait3A_71 = tpu.memref_slice %arg7[%add3A_24, %dma_wait3A_70] : memref<10112x128xf32, #tpu.memory_space<vmem_shared>> -> memref<128x128xf32, #tpu.memory_space<vmem_shared>>
      %dma_wait3A_72 = arith.constant 0 : i32
      %dma_wait3A_73 = arith.constant 0 : i32
      %dma_wait3A_74 = tpu.memref_slice %arg5[%run_scoped3A_25, %dma_wait3A_72, %dma_wait3A_73] : memref<2x128x128xf32, #tpu.memory_space<vmem>> -> memref<1x128x128xf32, #tpu.memory_space<vmem>>
      %dma_wait3A_75 = tpu.memref_squeeze %dma_wait3A_74 : memref<1x128x128xf32, #tpu.memory_space<vmem>> -> memref<128x128xf32, #tpu.memory_space<vmem>>
      tpu.wait_dma2 semaphore(%run_scoped3A_53 : memref<!tpu.dma_semaphore, #tpu.memory_space<semaphore_mem>>) src(%dma_wait3A_75 : memref<128x128xf32, #tpu.memory_space<vmem>>) dst(%dma_wait3A_71 : memref<128x128xf32, #tpu.memory_space<vmem_shared>>)
      tpu.yield
    }) : () -> ()
    %mul3A_26 = arith.constant 632 : i32
    %mul3A_27 = arith.muli %arg1, %mul3A_26 : i32
    %add3A_28 = arith.constant 512 : i32
    %add3A_29 = arith.addi %mul3A_27, %add3A_28 : i32
    %run_scoped3A_30 = arith.constant 0 : i32
    "tpu.region"() ({
      %run_scoped3A_53 = tpu.sem_alloc : memref<!tpu.dma_semaphore, #tpu.memory_space<semaphore_mem>>
      %dma_start3A = arith.constant 0 : i32
      %dma_start3A_54 = arith.constant 0 : i32
      %dma_start3A_55 = tpu.memref_slice %arg5[%run_scoped3A_30, %dma_start3A, %dma_start3A_54] : memref<2x128x128xf32, #tpu.memory_space<vmem>> -> memref<1x128x128xf32, #tpu.memory_space<vmem>>
      %dma_start3A_56 = tpu.memref_squeeze %dma_start3A_55 : memref<1x128x128xf32, #tpu.memory_space<vmem>> -> memref<128x128xf32, #tpu.memory_space<vmem>>
      %dma_start3A_57 = arith.constant 0 : i32
      %dma_start3A_58 = arith.constant 0 : i32
      %dma_start3A_59 = tpu.memref_slice %dma_start3A_56[%dma_start3A_57, %dma_start3A_58] : memref<128x128xf32, #tpu.memory_space<vmem>> -> memref<120x128xf32, #tpu.memory_space<vmem>>
      %dma_start3A_60 = arith.constant 0 : i32
      %dma_start3A_61 = tpu.memref_slice %arg7[%add3A_29, %dma_start3A_60] : memref<10112x128xf32, #tpu.memory_space<vmem_shared>> -> memref<120x128xf32, #tpu.memory_space<vmem_shared>>
      %dma_start3A_62 = arith.constant 0 : i32
      %dma_start3A_63 = tpu.memref_slice %arg7[%add3A_29, %dma_start3A_62] : memref<10112x128xf32, #tpu.memory_space<vmem_shared>> -> memref<120x128xf32, #tpu.memory_space<vmem_shared>>
      %dma_start3A_64 = arith.constant 0 : i32
      %dma_start3A_65 = arith.constant 0 : i32
      %dma_start3A_66 = tpu.memref_slice %arg5[%run_scoped3A_30, %dma_start3A_64, %dma_start3A_65] : memref<2x128x128xf32, #tpu.memory_space<vmem>> -> memref<1x128x128xf32, #tpu.memory_space<vmem>>
      %dma_start3A_67 = tpu.memref_squeeze %dma_start3A_66 : memref<1x128x128xf32, #tpu.memory_space<vmem>> -> memref<128x128xf32, #tpu.memory_space<vmem>>
      %dma_start3A_68 = arith.constant 0 : i32
      %dma_start3A_69 = arith.constant 0 : i32
      %dma_start3A_70 = tpu.memref_slice %dma_start3A_67[%dma_start3A_68, %dma_start3A_69] : memref<128x128xf32, #tpu.memory_space<vmem>> -> memref<120x128xf32, #tpu.memory_space<vmem>>
      tpu.enqueue_dma source(%dma_start3A_70 : memref<120x128xf32, #tpu.memory_space<vmem>>) target(%dma_start3A_63 : memref<120x128xf32, #tpu.memory_space<vmem_shared>>) target_semaphore(%run_scoped3A_53 : memref<!tpu.dma_semaphore, #tpu.memory_space<semaphore_mem>>)
      %dma_wait3A = arith.constant 0 : i32
      %dma_wait3A_71 = arith.constant 0 : i32
      %dma_wait3A_72 = tpu.memref_slice %arg5[%run_scoped3A_30, %dma_wait3A, %dma_wait3A_71] : memref<2x128x128xf32, #tpu.memory_space<vmem>> -> memref<1x128x128xf32, #tpu.memory_space<vmem>>
      %dma_wait3A_73 = tpu.memref_squeeze %dma_wait3A_72 : memref<1x128x128xf32, #tpu.memory_space<vmem>> -> memref<128x128xf32, #tpu.memory_space<vmem>>
      %dma_wait3A_74 = arith.constant 0 : i32
      %dma_wait3A_75 = arith.constant 0 : i32
      %dma_wait3A_76 = tpu.memref_slice %dma_wait3A_73[%dma_wait3A_74, %dma_wait3A_75] : memref<128x128xf32, #tpu.memory_space<vmem>> -> memref<120x128xf32, #tpu.memory_space<vmem>>
      %dma_wait3A_77 = arith.constant 0 : i32
      %dma_wait3A_78 = tpu.memref_slice %arg7[%add3A_29, %dma_wait3A_77] : memref<10112x128xf32, #tpu.memory_space<vmem_shared>> -> memref<120x128xf32, #tpu.memory_space<vmem_shared>>
      %dma_wait3A_79 = arith.constant 0 : i32
      %dma_wait3A_80 = tpu.memref_slice %arg7[%add3A_29, %dma_wait3A_79] : memref<10112x128xf32, #tpu.memory_space<vmem_shared>> -> memref<120x128xf32, #tpu.memory_space<vmem_shared>>
      %dma_wait3A_81 = arith.constant 0 : i32
      %dma_wait3A_82 = arith.constant 0 : i32
      %dma_wait3A_83 = tpu.memref_slice %arg5[%run_scoped3A_30, %dma_wait3A_81, %dma_wait3A_82] : memref<2x128x128xf32, #tpu.memory_space<vmem>> -> memref<1x128x128xf32, #tpu.memory_space<vmem>>
      %dma_wait3A_84 = tpu.memref_squeeze %dma_wait3A_83 : memref<1x128x128xf32, #tpu.memory_space<vmem>> -> memref<128x128xf32, #tpu.memory_space<vmem>>
      %dma_wait3A_85 = arith.constant 0 : i32
      %dma_wait3A_86 = arith.constant 0 : i32
      %dma_wait3A_87 = tpu.memref_slice %dma_wait3A_84[%dma_wait3A_85, %dma_wait3A_86] : memref<128x128xf32, #tpu.memory_space<vmem>> -> memref<120x128xf32, #tpu.memory_space<vmem>>
      tpu.wait_dma2 semaphore(%run_scoped3A_53 : memref<!tpu.dma_semaphore, #tpu.memory_space<semaphore_mem>>) src(%dma_wait3A_87 : memref<120x128xf32, #tpu.memory_space<vmem>>) dst(%dma_wait3A_80 : memref<120x128xf32, #tpu.memory_space<vmem_shared>>)
      tpu.yield
    }) : () -> ()
    %barrier3A = arith.constant 0 : index
    tpu.barrier barrier_id(%barrier3A)
    %add3A_31 = arith.constant 0 : i32
    %add3A_32 = arith.addi %add3A, %add3A_31 : i32
    %lt3A = arith.constant 1250 : i32
    %lt3A_33 = arith.cmpi slt, %add3A_32, %lt3A : i32
    %convert_element_type3A = arith.extui %lt3A_33 : i1 to i32
    %cond3A = arith.constant 0 : i32
    %cond3A_34 = arith.cmpi ne, %convert_element_type3A, %cond3A : i32
    scf.if %cond3A_34 {
      %mul3A_53 = arith.constant 128 : i32
      %mul3A_54 = arith.muli %add3A_32, %mul3A_53 : i32
      %dma_start3A = arith.constant 0 : i32
      %dma_start3A_55 = arith.constant 0 : i32
      %dma_start3A_56 = arith.constant 0 : i32
      %dma_start3A_57 = arith.constant 0 : i32
      %dma_start3A_58 = tpu.memref_slice %arg5[%dma_start3A, %dma_start3A_56, %dma_start3A_57] : memref<2x128x128xf32, #tpu.memory_space<vmem>> -> memref<1x128x128xf32, #tpu.memory_space<vmem>>
      %dma_start3A_59 = tpu.memref_squeeze %dma_start3A_58 : memref<1x128x128xf32, #tpu.memory_space<vmem>> -> memref<128x128xf32, #tpu.memory_space<vmem>>
      %dma_start3A_60 = arith.constant 0 : i32
      %dma_start3A_61 = tpu.memref_slice %arg2[%mul3A_54, %dma_start3A_60] : memref<160000x128xf32, #tpu.memory_space<hbm>> -> memref<128x128xf32, #tpu.memory_space<hbm>>
      %dma_start3A_62 = tpu.memref_slice %arg8[%dma_start3A_55] : memref<2x!tpu.dma_semaphore, #tpu.memory_space<semaphore_mem>> -> memref<1x!tpu.dma_semaphore, #tpu.memory_space<semaphore_mem>>
      %dma_start3A_63 = tpu.memref_squeeze %dma_start3A_62 : memref<1x!tpu.dma_semaphore, #tpu.memory_space<semaphore_mem>> -> memref<!tpu.dma_semaphore, #tpu.memory_space<semaphore_mem>>
      %dma_start3A_64 = arith.constant 0 : i32
      %dma_start3A_65 = arith.constant 0 : i32
      %dma_start3A_66 = tpu.memref_slice %arg5[%dma_start3A, %dma_start3A_64, %dma_start3A_65] : memref<2x128x128xf32, #tpu.memory_space<vmem>> -> memref<1x128x128xf32, #tpu.memory_space<vmem>>
      %dma_start3A_67 = tpu.memref_squeeze %dma_start3A_66 : memref<1x128x128xf32, #tpu.memory_space<vmem>> -> memref<128x128xf32, #tpu.memory_space<vmem>>
      %dma_start3A_68 = arith.constant 0 : i32
      %dma_start3A_69 = tpu.memref_slice %arg2[%mul3A_54, %dma_start3A_68] : memref<160000x128xf32, #tpu.memory_space<hbm>> -> memref<128x128xf32, #tpu.memory_space<hbm>>
      tpu.enqueue_dma source(%dma_start3A_69 : memref<128x128xf32, #tpu.memory_space<hbm>>) target(%dma_start3A_67 : memref<128x128xf32, #tpu.memory_space<vmem>>) target_semaphore(%dma_start3A_63 : memref<!tpu.dma_semaphore, #tpu.memory_space<semaphore_mem>>)
      %dma_start3A_70 = arith.constant 0 : i32
      %dma_start3A_71 = arith.constant 0 : i32
      %dma_start3A_72 = arith.constant 0 : i32
      %dma_start3A_73 = tpu.memref_slice %arg6[%dma_start3A_70, %dma_start3A_72] : memref<2x128xi32, #tpu.memory_space<vmem>> -> memref<1x128xi32, #tpu.memory_space<vmem>>
      %dma_start3A_74 = tpu.memref_squeeze %dma_start3A_73 : memref<1x128xi32, #tpu.memory_space<vmem>> -> memref<128xi32, #tpu.memory_space<vmem>>
      %dma_start3A_75 = tpu.memref_slice %arg3[%mul3A_54] : memref<160000xi32, #tpu.memory_space<hbm>> -> memref<128xi32, #tpu.memory_space<hbm>>
      %dma_start3A_76 = tpu.memref_slice %arg9[%dma_start3A_71] : memref<2x!tpu.dma_semaphore, #tpu.memory_space<semaphore_mem>> -> memref<1x!tpu.dma_semaphore, #tpu.memory_space<semaphore_mem>>
      %dma_start3A_77 = tpu.memref_squeeze %dma_start3A_76 : memref<1x!tpu.dma_semaphore, #tpu.memory_space<semaphore_mem>> -> memref<!tpu.dma_semaphore, #tpu.memory_space<semaphore_mem>>
      %dma_start3A_78 = arith.constant 0 : i32
      %dma_start3A_79 = tpu.memref_slice %arg6[%dma_start3A_70, %dma_start3A_78] : memref<2x128xi32, #tpu.memory_space<vmem>> -> memref<1x128xi32, #tpu.memory_space<vmem>>
      %dma_start3A_80 = tpu.memref_squeeze %dma_start3A_79 : memref<1x128xi32, #tpu.memory_space<vmem>> -> memref<128xi32, #tpu.memory_space<vmem>>
      %dma_start3A_81 = tpu.memref_slice %arg3[%mul3A_54] : memref<160000xi32, #tpu.memory_space<hbm>> -> memref<128xi32, #tpu.memory_space<hbm>>
      tpu.enqueue_dma source(%dma_start3A_81 : memref<128xi32, #tpu.memory_space<hbm>>) target(%dma_start3A_80 : memref<128xi32, #tpu.memory_space<vmem>>) target_semaphore(%dma_start3A_77 : memref<!tpu.dma_semaphore, #tpu.memory_space<semaphore_mem>>)
    } else {
    }
    %scan3A_35 = arith.constant 0 : i32
    %scan3A_36 = arith.constant 0 : i32
    %scan3A_37 = arith.constant 20 : i32
    %scan3A_38 = arith.addi %scan3A_36, %scan3A_37 : i32
    %scan3A_39 = arith.constant 1 : i32
    scf.for %scan3A_53 = %scan3A_36 to %scan3A_38 step %scan3A_39  : i32 {
      %mul3A_54 = arith.constant 2 : i32
      %mul3A_55 = arith.muli %mul3A_54, %scan3A_53 : i32
      %add3A_56 = arith.constant 0 : i32
      %add3A_57 = arith.addi %mul3A_55, %add3A_56 : i32
      %mul3A_58 = arith.constant 32 : i32
      %mul3A_59 = arith.muli %mul3A_58, %add3A_57 : i32
      %add3A_60 = arith.addi %add3A, %mul3A_59 : i32
      %lt3A_61 = arith.constant 1250 : i32
      %lt3A_62 = arith.cmpi slt, %add3A_60, %lt3A_61 : i32
      %convert_element_type3A_63 = arith.extui %lt3A_62 : i1 to i32
      %cond3A_64 = arith.constant 0 : i32
      %cond3A_65 = arith.cmpi ne, %convert_element_type3A_63, %cond3A_64 : i32
      scf.if %cond3A_65 {
        %dma_wait3A = arith.constant 0 : i32
        %dma_wait3A_125 = arith.constant 0 : i32
        %dma_wait3A_126 = arith.constant 0 : i32
        %dma_wait3A_127 = arith.constant 0 : i32
        %dma_wait3A_128 = tpu.memref_slice %arg5[%dma_wait3A, %dma_wait3A_126, %dma_wait3A_127] : memref<2x128x128xf32, #tpu.memory_space<vmem>> -> memref<1x128x128xf32, #tpu.memory_space<vmem>>
        %dma_wait3A_129 = tpu.memref_squeeze %dma_wait3A_128 : memref<1x128x128xf32, #tpu.memory_space<vmem>> -> memref<128x128xf32, #tpu.memory_space<vmem>>
        %dma_wait3A_130 = arith.constant 0 : i32
        %dma_wait3A_131 = arith.constant 0 : i32
        %dma_wait3A_132 = tpu.memref_slice %arg2[%dma_wait3A_130, %dma_wait3A_131] : memref<160000x128xf32, #tpu.memory_space<hbm>> -> memref<128x128xf32, #tpu.memory_space<hbm>>
        %dma_wait3A_133 = tpu.memref_slice %arg8[%dma_wait3A_125] : memref<2x!tpu.dma_semaphore, #tpu.memory_space<semaphore_mem>> -> memref<1x!tpu.dma_semaphore, #tpu.memory_space<semaphore_mem>>
        %dma_wait3A_134 = tpu.memref_squeeze %dma_wait3A_133 : memref<1x!tpu.dma_semaphore, #tpu.memory_space<semaphore_mem>> -> memref<!tpu.dma_semaphore, #tpu.memory_space<semaphore_mem>>
        %dma_wait3A_135 = arith.constant 0 : i32
        %dma_wait3A_136 = arith.constant 0 : i32
        %dma_wait3A_137 = tpu.memref_slice %arg5[%dma_wait3A, %dma_wait3A_135, %dma_wait3A_136] : memref<2x128x128xf32, #tpu.memory_space<vmem>> -> memref<1x128x128xf32, #tpu.memory_space<vmem>>
        %dma_wait3A_138 = tpu.memref_squeeze %dma_wait3A_137 : memref<1x128x128xf32, #tpu.memory_space<vmem>> -> memref<128x128xf32, #tpu.memory_space<vmem>>
        %dma_wait3A_139 = arith.constant 0 : i32
        %dma_wait3A_140 = arith.constant 0 : i32
        %dma_wait3A_141 = tpu.memref_slice %arg2[%dma_wait3A_139, %dma_wait3A_140] : memref<160000x128xf32, #tpu.memory_space<hbm>> -> memref<128x128xf32, #tpu.memory_space<hbm>>
        tpu.wait_dma2 semaphore(%dma_wait3A_134 : memref<!tpu.dma_semaphore, #tpu.memory_space<semaphore_mem>>) src(%dma_wait3A_141 : memref<128x128xf32, #tpu.memory_space<hbm>>) dst(%dma_wait3A_138 : memref<128x128xf32, #tpu.memory_space<vmem>>)
        %dma_wait3A_142 = arith.constant 0 : i32
        %dma_wait3A_143 = arith.constant 0 : i32
        %dma_wait3A_144 = arith.constant 0 : i32
        %dma_wait3A_145 = tpu.memref_slice %arg6[%dma_wait3A_142, %dma_wait3A_144] : memref<2x128xi32, #tpu.memory_space<vmem>> -> memref<1x128xi32, #tpu.memory_space<vmem>>
        %dma_wait3A_146 = tpu.memref_squeeze %dma_wait3A_145 : memref<1x128xi32, #tpu.memory_space<vmem>> -> memref<128xi32, #tpu.memory_space<vmem>>
        %dma_wait3A_147 = arith.constant 0 : i32
        %dma_wait3A_148 = tpu.memref_slice %arg3[%dma_wait3A_147] : memref<160000xi32, #tpu.memory_space<hbm>> -> memref<128xi32, #tpu.memory_space<hbm>>
        %dma_wait3A_149 = tpu.memref_slice %arg9[%dma_wait3A_143] : memref<2x!tpu.dma_semaphore, #tpu.memory_space<semaphore_mem>> -> memref<1x!tpu.dma_semaphore, #tpu.memory_space<semaphore_mem>>
        %dma_wait3A_150 = tpu.memref_squeeze %dma_wait3A_149 : memref<1x!tpu.dma_semaphore, #tpu.memory_space<semaphore_mem>> -> memref<!tpu.dma_semaphore, #tpu.memory_space<semaphore_mem>>
        %dma_wait3A_151 = arith.constant 0 : i32
        %dma_wait3A_152 = tpu.memref_slice %arg6[%dma_wait3A_142, %dma_wait3A_151] : memref<2x128xi32, #tpu.memory_space<vmem>> -> memref<1x128xi32, #tpu.memory_space<vmem>>
        %dma_wait3A_153 = tpu.memref_squeeze %dma_wait3A_152 : memref<1x128xi32, #tpu.memory_space<vmem>> -> memref<128xi32, #tpu.memory_space<vmem>>
        %dma_wait3A_154 = arith.constant 0 : i32
        %dma_wait3A_155 = tpu.memref_slice %arg3[%dma_wait3A_154] : memref<160000xi32, #tpu.memory_space<hbm>> -> memref<128xi32, #tpu.memory_space<hbm>>
        tpu.wait_dma2 semaphore(%dma_wait3A_150 : memref<!tpu.dma_semaphore, #tpu.memory_space<semaphore_mem>>) src(%dma_wait3A_155 : memref<128xi32, #tpu.memory_space<hbm>>) dst(%dma_wait3A_153 : memref<128xi32, #tpu.memory_space<vmem>>)
      } else {
      }
      %ge3A = arith.constant 1 : i32
      %ge3A_66 = arith.cmpi sge, %add3A_57, %ge3A : i32
      %sub3A = arith.constant 32 : i32
      %sub3A_67 = arith.subi %add3A_60, %sub3A : i32
      %lt3A_68 = arith.constant 1250 : i32
      %lt3A_69 = arith.cmpi slt, %sub3A_67, %lt3A_68 : i32
      %and3A = arith.andi %ge3A_66, %lt3A_69 : i1
      %convert_element_type3A_70 = arith.extui %and3A : i1 to i32
      %cond3A_71 = arith.constant 0 : i32
      %cond3A_72 = arith.cmpi ne, %convert_element_type3A_70, %cond3A_71 : i32
      scf.if %cond3A_72 {
        %dma_wait3A = arith.constant 1 : i32
        %dma_wait3A_125 = arith.constant 1 : i32
        %dma_wait3A_126 = arith.constant 1 : i32
        %dma_wait3A_127 = arith.constant 0 : i32
        %dma_wait3A_128 = arith.constant 0 : i32
        %dma_wait3A_129 = tpu.memref_slice %arg5[%dma_wait3A, %dma_wait3A_127, %dma_wait3A_128] : memref<2x128x128xf32, #tpu.memory_space<vmem>> -> memref<1x128x128xf32, #tpu.memory_space<vmem>>
        %dma_wait3A_130 = tpu.memref_squeeze %dma_wait3A_129 : memref<1x128x128xf32, #tpu.memory_space<vmem>> -> memref<128x128xf32, #tpu.memory_space<vmem>>
        %dma_wait3A_131 = arith.constant 0 : i32
        %dma_wait3A_132 = tpu.memref_slice %arg6[%dma_wait3A_125, %dma_wait3A_131] : memref<2x128xi32, #tpu.memory_space<vmem>> -> memref<1x128xi32, #tpu.memory_space<vmem>>
        %dma_wait3A_133 = tpu.memref_squeeze %dma_wait3A_132 : memref<1x128xi32, #tpu.memory_space<vmem>> -> memref<128xi32, #tpu.memory_space<vmem>>
        %dma_wait3A_134 = arith.constant 0 : i32
        %dma_wait3A_135 = arith.constant 0 : i32
        %dma_wait3A_136 = tpu.memref_slice %arg7[%dma_wait3A_134, %dma_wait3A_135] : memref<10112x128xf32, #tpu.memory_space<vmem_shared>> -> memref<10112x128xf32, #tpu.memory_space<vmem_shared>>
        %dma_wait3A_137 = tpu.memref_slice %arg10[%dma_wait3A_126] : memref<2x!tpu.dma_semaphore, #tpu.memory_space<semaphore_mem>> -> memref<1x!tpu.dma_semaphore, #tpu.memory_space<semaphore_mem>>
        %dma_wait3A_138 = tpu.memref_squeeze %dma_wait3A_137 : memref<1x!tpu.dma_semaphore, #tpu.memory_space<semaphore_mem>> -> memref<!tpu.dma_semaphore, #tpu.memory_space<semaphore_mem>>
        tpu.wait_indirect_dma semaphore(%dma_wait3A_138 : memref<!tpu.dma_semaphore, #tpu.memory_space<semaphore_mem>>) src(%dma_wait3A_130 : memref<128x128xf32, #tpu.memory_space<vmem>>) dst(%dma_wait3A_136 : memref<10112x128xf32, #tpu.memory_space<vmem_shared>>)
      } else {
      }
      %add3A_73 = arith.constant 1 : i32
      %add3A_74 = arith.addi %add3A_57, %add3A_73 : i32
      %mul3A_75 = arith.constant 32 : i32
      %mul3A_76 = arith.muli %mul3A_75, %add3A_74 : i32
      %add3A_77 = arith.addi %add3A, %mul3A_76 : i32
      %lt3A_78 = arith.constant 1250 : i32
      %lt3A_79 = arith.cmpi slt, %add3A_77, %lt3A_78 : i32
      %convert_element_type3A_80 = arith.extui %lt3A_79 : i1 to i32
      %cond3A_81 = arith.constant 0 : i32
      %cond3A_82 = arith.cmpi ne, %convert_element_type3A_80, %cond3A_81 : i32
      scf.if %cond3A_82 {
        %mul3A_125 = arith.constant 128 : i32
        %mul3A_126 = arith.muli %add3A_77, %mul3A_125 : i32
        %dma_start3A = arith.constant 1 : i32
        %dma_start3A_127 = arith.constant 1 : i32
        %dma_start3A_128 = arith.constant 0 : i32
        %dma_start3A_129 = arith.constant 0 : i32
        %dma_start3A_130 = tpu.memref_slice %arg5[%dma_start3A, %dma_start3A_128, %dma_start3A_129] : memref<2x128x128xf32, #tpu.memory_space<vmem>> -> memref<1x128x128xf32, #tpu.memory_space<vmem>>
        %dma_start3A_131 = tpu.memref_squeeze %dma_start3A_130 : memref<1x128x128xf32, #tpu.memory_space<vmem>> -> memref<128x128xf32, #tpu.memory_space<vmem>>
        %dma_start3A_132 = arith.constant 0 : i32
        %dma_start3A_133 = tpu.memref_slice %arg2[%mul3A_126, %dma_start3A_132] : memref<160000x128xf32, #tpu.memory_space<hbm>> -> memref<128x128xf32, #tpu.memory_space<hbm>>
        %dma_start3A_134 = tpu.memref_slice %arg8[%dma_start3A_127] : memref<2x!tpu.dma_semaphore, #tpu.memory_space<semaphore_mem>> -> memref<1x!tpu.dma_semaphore, #tpu.memory_space<semaphore_mem>>
        %dma_start3A_135 = tpu.memref_squeeze %dma_start3A_134 : memref<1x!tpu.dma_semaphore, #tpu.memory_space<semaphore_mem>> -> memref<!tpu.dma_semaphore, #tpu.memory_space<semaphore_mem>>
        %dma_start3A_136 = arith.constant 0 : i32
        %dma_start3A_137 = arith.constant 0 : i32
        %dma_start3A_138 = tpu.memref_slice %arg5[%dma_start3A, %dma_start3A_136, %dma_start3A_137] : memref<2x128x128xf32, #tpu.memory_space<vmem>> -> memref<1x128x128xf32, #tpu.memory_space<vmem>>
        %dma_start3A_139 = tpu.memref_squeeze %dma_start3A_138 : memref<1x128x128xf32, #tpu.memory_space<vmem>> -> memref<128x128xf32, #tpu.memory_space<vmem>>
        %dma_start3A_140 = arith.constant 0 : i32
        %dma_start3A_141 = tpu.memref_slice %arg2[%mul3A_126, %dma_start3A_140] : memref<160000x128xf32, #tpu.memory_space<hbm>> -> memref<128x128xf32, #tpu.memory_space<hbm>>
        tpu.enqueue_dma source(%dma_start3A_141 : memref<128x128xf32, #tpu.memory_space<hbm>>) target(%dma_start3A_139 : memref<128x128xf32, #tpu.memory_space<vmem>>) target_semaphore(%dma_start3A_135 : memref<!tpu.dma_semaphore, #tpu.memory_space<semaphore_mem>>)
        %dma_start3A_142 = arith.constant 1 : i32
        %dma_start3A_143 = arith.constant 1 : i32
        %dma_start3A_144 = arith.constant 0 : i32
        %dma_start3A_145 = tpu.memref_slice %arg6[%dma_start3A_142, %dma_start3A_144] : memref<2x128xi32, #tpu.memory_space<vmem>> -> memref<1x128xi32, #tpu.memory_space<vmem>>
        %dma_start3A_146 = tpu.memref_squeeze %dma_start3A_145 : memref<1x128xi32, #tpu.memory_space<vmem>> -> memref<128xi32, #tpu.memory_space<vmem>>
        %dma_start3A_147 = tpu.memref_slice %arg3[%mul3A_126] : memref<160000xi32, #tpu.memory_space<hbm>> -> memref<128xi32, #tpu.memory_space<hbm>>
        %dma_start3A_148 = tpu.memref_slice %arg9[%dma_start3A_143] : memref<2x!tpu.dma_semaphore, #tpu.memory_space<semaphore_mem>> -> memref<1x!tpu.dma_semaphore, #tpu.memory_space<semaphore_mem>>
        %dma_start3A_149 = tpu.memref_squeeze %dma_start3A_148 : memref<1x!tpu.dma_semaphore, #tpu.memory_space<semaphore_mem>> -> memref<!tpu.dma_semaphore, #tpu.memory_space<semaphore_mem>>
        %dma_start3A_150 = arith.constant 0 : i32
        %dma_start3A_151 = tpu.memref_slice %arg6[%dma_start3A_142, %dma_start3A_150] : memref<2x128xi32, #tpu.memory_space<vmem>> -> memref<1x128xi32, #tpu.memory_space<vmem>>
        %dma_start3A_152 = tpu.memref_squeeze %dma_start3A_151 : memref<1x128xi32, #tpu.memory_space<vmem>> -> memref<128xi32, #tpu.memory_space<vmem>>
        %dma_start3A_153 = tpu.memref_slice %arg3[%mul3A_126] : memref<160000xi32, #tpu.memory_space<hbm>> -> memref<128xi32, #tpu.memory_space<hbm>>
        tpu.enqueue_dma source(%dma_start3A_153 : memref<128xi32, #tpu.memory_space<hbm>>) target(%dma_start3A_152 : memref<128xi32, #tpu.memory_space<vmem>>) target_semaphore(%dma_start3A_149 : memref<!tpu.dma_semaphore, #tpu.memory_space<semaphore_mem>>)
      } else {
      }
      %lt3A_83 = arith.constant 1250 : i32
      %lt3A_84 = arith.cmpi slt, %add3A_60, %lt3A_83 : i32
      %convert_element_type3A_85 = arith.extui %lt3A_84 : i1 to i32
      %cond3A_86 = arith.constant 0 : i32
      %cond3A_87 = arith.cmpi ne, %convert_element_type3A_85, %cond3A_86 : i32
      scf.if %cond3A_87 {
        %dma_start3A = arith.constant 0 : i32
        %dma_start3A_125 = arith.constant 0 : i32
        %dma_start3A_126 = arith.constant 0 : i32
        %dma_start3A_127 = arith.constant 0 : i32
        %dma_start3A_128 = arith.constant 0 : i32
        %dma_start3A_129 = tpu.memref_slice %arg5[%dma_start3A, %dma_start3A_127, %dma_start3A_128] : memref<2x128x128xf32, #tpu.memory_space<vmem>> -> memref<1x128x128xf32, #tpu.memory_space<vmem>>
        %dma_start3A_130 = tpu.memref_squeeze %dma_start3A_129 : memref<1x128x128xf32, #tpu.memory_space<vmem>> -> memref<128x128xf32, #tpu.memory_space<vmem>>
        %dma_start3A_131 = arith.constant 0 : i32
        %dma_start3A_132 = tpu.memref_slice %arg6[%dma_start3A_125, %dma_start3A_131] : memref<2x128xi32, #tpu.memory_space<vmem>> -> memref<1x128xi32, #tpu.memory_space<vmem>>
        %dma_start3A_133 = tpu.memref_squeeze %dma_start3A_132 : memref<1x128xi32, #tpu.memory_space<vmem>> -> memref<128xi32, #tpu.memory_space<vmem>>
        %dma_start3A_134 = arith.constant 0 : i32
        %dma_start3A_135 = arith.constant 0 : i32
        %dma_start3A_136 = tpu.memref_slice %arg7[%dma_start3A_134, %dma_start3A_135] : memref<10112x128xf32, #tpu.memory_space<vmem_shared>> -> memref<10112x128xf32, #tpu.memory_space<vmem_shared>>
        %dma_start3A_137 = tpu.memref_slice %arg10[%dma_start3A_126] : memref<2x!tpu.dma_semaphore, #tpu.memory_space<semaphore_mem>> -> memref<1x!tpu.dma_semaphore, #tpu.memory_space<semaphore_mem>>
        %dma_start3A_138 = tpu.memref_squeeze %dma_start3A_137 : memref<1x!tpu.dma_semaphore, #tpu.memory_space<semaphore_mem>> -> memref<!tpu.dma_semaphore, #tpu.memory_space<semaphore_mem>>
        tpu.enqueue_indirect_dma source(%dma_start3A_130 : memref<128x128xf32, #tpu.memory_space<vmem>>) target(%dma_start3A_136 : memref<10112x128xf32, #tpu.memory_space<vmem_shared>>) offsets(%dma_start3A_133 : memref<128xi32, #tpu.memory_space<vmem>>) semaphore(%dma_start3A_138 : memref<!tpu.dma_semaphore, #tpu.memory_space<semaphore_mem>>) {add = true}
      } else {
      }
      %mul3A_88 = arith.constant 2 : i32
      %mul3A_89 = arith.muli %mul3A_88, %scan3A_53 : i32
      %add3A_90 = arith.constant 1 : i32
      %add3A_91 = arith.addi %mul3A_89, %add3A_90 : i32
      %mul3A_92 = arith.constant 32 : i32
      %mul3A_93 = arith.muli %mul3A_92, %add3A_91 : i32
      %add3A_94 = arith.addi %add3A, %mul3A_93 : i32
      %lt3A_95 = arith.constant 1250 : i32
      %lt3A_96 = arith.cmpi slt, %add3A_94, %lt3A_95 : i32
      %convert_element_type3A_97 = arith.extui %lt3A_96 : i1 to i32
      %cond3A_98 = arith.constant 0 : i32
      %cond3A_99 = arith.cmpi ne, %convert_element_type3A_97, %cond3A_98 : i32
      scf.if %cond3A_99 {
        %dma_wait3A = arith.constant 1 : i32
        %dma_wait3A_125 = arith.constant 1 : i32
        %dma_wait3A_126 = arith.constant 0 : i32
        %dma_wait3A_127 = arith.constant 0 : i32
        %dma_wait3A_128 = tpu.memref_slice %arg5[%dma_wait3A, %dma_wait3A_126, %dma_wait3A_127] : memref<2x128x128xf32, #tpu.memory_space<vmem>> -> memref<1x128x128xf32, #tpu.memory_space<vmem>>
        %dma_wait3A_129 = tpu.memref_squeeze %dma_wait3A_128 : memref<1x128x128xf32, #tpu.memory_space<vmem>> -> memref<128x128xf32, #tpu.memory_space<vmem>>
        %dma_wait3A_130 = arith.constant 0 : i32
        %dma_wait3A_131 = arith.constant 0 : i32
        %dma_wait3A_132 = tpu.memref_slice %arg2[%dma_wait3A_130, %dma_wait3A_131] : memref<160000x128xf32, #tpu.memory_space<hbm>> -> memref<128x128xf32, #tpu.memory_space<hbm>>
        %dma_wait3A_133 = tpu.memref_slice %arg8[%dma_wait3A_125] : memref<2x!tpu.dma_semaphore, #tpu.memory_space<semaphore_mem>> -> memref<1x!tpu.dma_semaphore, #tpu.memory_space<semaphore_mem>>
        %dma_wait3A_134 = tpu.memref_squeeze %dma_wait3A_133 : memref<1x!tpu.dma_semaphore, #tpu.memory_space<semaphore_mem>> -> memref<!tpu.dma_semaphore, #tpu.memory_space<semaphore_mem>>
        %dma_wait3A_135 = arith.constant 0 : i32
        %dma_wait3A_136 = arith.constant 0 : i32
        %dma_wait3A_137 = tpu.memref_slice %arg5[%dma_wait3A, %dma_wait3A_135, %dma_wait3A_136] : memref<2x128x128xf32, #tpu.memory_space<vmem>> -> memref<1x128x128xf32, #tpu.memory_space<vmem>>
        %dma_wait3A_138 = tpu.memref_squeeze %dma_wait3A_137 : memref<1x128x128xf32, #tpu.memory_space<vmem>> -> memref<128x128xf32, #tpu.memory_space<vmem>>
        %dma_wait3A_139 = arith.constant 0 : i32
        %dma_wait3A_140 = arith.constant 0 : i32
        %dma_wait3A_141 = tpu.memref_slice %arg2[%dma_wait3A_139, %dma_wait3A_140] : memref<160000x128xf32, #tpu.memory_space<hbm>> -> memref<128x128xf32, #tpu.memory_space<hbm>>
        tpu.wait_dma2 semaphore(%dma_wait3A_134 : memref<!tpu.dma_semaphore, #tpu.memory_space<semaphore_mem>>) src(%dma_wait3A_141 : memref<128x128xf32, #tpu.memory_space<hbm>>) dst(%dma_wait3A_138 : memref<128x128xf32, #tpu.memory_space<vmem>>)
        %dma_wait3A_142 = arith.constant 1 : i32
        %dma_wait3A_143 = arith.constant 1 : i32
        %dma_wait3A_144 = arith.constant 0 : i32
        %dma_wait3A_145 = tpu.memref_slice %arg6[%dma_wait3A_142, %dma_wait3A_144] : memref<2x128xi32, #tpu.memory_space<vmem>> -> memref<1x128xi32, #tpu.memory_space<vmem>>
        %dma_wait3A_146 = tpu.memref_squeeze %dma_wait3A_145 : memref<1x128xi32, #tpu.memory_space<vmem>> -> memref<128xi32, #tpu.memory_space<vmem>>
        %dma_wait3A_147 = arith.constant 0 : i32
        %dma_wait3A_148 = tpu.memref_slice %arg3[%dma_wait3A_147] : memref<160000xi32, #tpu.memory_space<hbm>> -> memref<128xi32, #tpu.memory_space<hbm>>
        %dma_wait3A_149 = tpu.memref_slice %arg9[%dma_wait3A_143] : memref<2x!tpu.dma_semaphore, #tpu.memory_space<semaphore_mem>> -> memref<1x!tpu.dma_semaphore, #tpu.memory_space<semaphore_mem>>
        %dma_wait3A_150 = tpu.memref_squeeze %dma_wait3A_149 : memref<1x!tpu.dma_semaphore, #tpu.memory_space<semaphore_mem>> -> memref<!tpu.dma_semaphore, #tpu.memory_space<semaphore_mem>>
        %dma_wait3A_151 = arith.constant 0 : i32
        %dma_wait3A_152 = tpu.memref_slice %arg6[%dma_wait3A_142, %dma_wait3A_151] : memref<2x128xi32, #tpu.memory_space<vmem>> -> memref<1x128xi32, #tpu.memory_space<vmem>>
        %dma_wait3A_153 = tpu.memref_squeeze %dma_wait3A_152 : memref<1x128xi32, #tpu.memory_space<vmem>> -> memref<128xi32, #tpu.memory_space<vmem>>
        %dma_wait3A_154 = arith.constant 0 : i32
        %dma_wait3A_155 = tpu.memref_slice %arg3[%dma_wait3A_154] : memref<160000xi32, #tpu.memory_space<hbm>> -> memref<128xi32, #tpu.memory_space<hbm>>
        tpu.wait_dma2 semaphore(%dma_wait3A_150 : memref<!tpu.dma_semaphore, #tpu.memory_space<semaphore_mem>>) src(%dma_wait3A_155 : memref<128xi32, #tpu.memory_space<hbm>>) dst(%dma_wait3A_153 : memref<128xi32, #tpu.memory_space<vmem>>)
      } else {
      }
      %ge3A_100 = arith.constant 1 : i32
      %ge3A_101 = arith.cmpi sge, %add3A_91, %ge3A_100 : i32
      %sub3A_102 = arith.constant 32 : i32
      %sub3A_103 = arith.subi %add3A_94, %sub3A_102 : i32
      %lt3A_104 = arith.constant 1250 : i32
      %lt3A_105 = arith.cmpi slt, %sub3A_103, %lt3A_104 : i32
      %and3A_106 = arith.andi %ge3A_101, %lt3A_105 : i1
      %convert_element_type3A_107 = arith.extui %and3A_106 : i1 to i32
      %cond3A_108 = arith.constant 0 : i32
      %cond3A_109 = arith.cmpi ne, %convert_element_type3A_107, %cond3A_108 : i32
      scf.if %cond3A_109 {
        %dma_wait3A = arith.constant 0 : i32
        %dma_wait3A_125 = arith.constant 0 : i32
        %dma_wait3A_126 = arith.constant 0 : i32
        %dma_wait3A_127 = arith.constant 0 : i32
        %dma_wait3A_128 = arith.constant 0 : i32
        %dma_wait3A_129 = tpu.memref_slice %arg5[%dma_wait3A, %dma_wait3A_127, %dma_wait3A_128] : memref<2x128x128xf32, #tpu.memory_space<vmem>> -> memref<1x128x128xf32, #tpu.memory_space<vmem>>
        %dma_wait3A_130 = tpu.memref_squeeze %dma_wait3A_129 : memref<1x128x128xf32, #tpu.memory_space<vmem>> -> memref<128x128xf32, #tpu.memory_space<vmem>>
        %dma_wait3A_131 = arith.constant 0 : i32
        %dma_wait3A_132 = tpu.memref_slice %arg6[%dma_wait3A_125, %dma_wait3A_131] : memref<2x128xi32, #tpu.memory_space<vmem>> -> memref<1x128xi32, #tpu.memory_space<vmem>>
        %dma_wait3A_133 = tpu.memref_squeeze %dma_wait3A_132 : memref<1x128xi32, #tpu.memory_space<vmem>> -> memref<128xi32, #tpu.memory_space<vmem>>
        %dma_wait3A_134 = arith.constant 0 : i32
        %dma_wait3A_135 = arith.constant 0 : i32
        %dma_wait3A_136 = tpu.memref_slice %arg7[%dma_wait3A_134, %dma_wait3A_135] : memref<10112x128xf32, #tpu.memory_space<vmem_shared>> -> memref<10112x128xf32, #tpu.memory_space<vmem_shared>>
        %dma_wait3A_137 = tpu.memref_slice %arg10[%dma_wait3A_126] : memref<2x!tpu.dma_semaphore, #tpu.memory_space<semaphore_mem>> -> memref<1x!tpu.dma_semaphore, #tpu.memory_space<semaphore_mem>>
        %dma_wait3A_138 = tpu.memref_squeeze %dma_wait3A_137 : memref<1x!tpu.dma_semaphore, #tpu.memory_space<semaphore_mem>> -> memref<!tpu.dma_semaphore, #tpu.memory_space<semaphore_mem>>
        tpu.wait_indirect_dma semaphore(%dma_wait3A_138 : memref<!tpu.dma_semaphore, #tpu.memory_space<semaphore_mem>>) src(%dma_wait3A_130 : memref<128x128xf32, #tpu.memory_space<vmem>>) dst(%dma_wait3A_136 : memref<10112x128xf32, #tpu.memory_space<vmem_shared>>)
      } else {
      }
      %add3A_110 = arith.constant 1 : i32
      %add3A_111 = arith.addi %add3A_91, %add3A_110 : i32
      %mul3A_112 = arith.constant 32 : i32
      %mul3A_113 = arith.muli %mul3A_112, %add3A_111 : i32
      %add3A_114 = arith.addi %add3A, %mul3A_113 : i32
      %lt3A_115 = arith.constant 1250 : i32
      %lt3A_116 = arith.cmpi slt, %add3A_114, %lt3A_115 : i32
      %convert_element_type3A_117 = arith.extui %lt3A_116 : i1 to i32
      %cond3A_118 = arith.constant 0 : i32
      %cond3A_119 = arith.cmpi ne, %convert_element_type3A_117, %cond3A_118 : i32
      scf.if %cond3A_119 {
        %mul3A_125 = arith.constant 128 : i32
        %mul3A_126 = arith.muli %add3A_114, %mul3A_125 : i32
        %dma_start3A = arith.constant 0 : i32
        %dma_start3A_127 = arith.constant 0 : i32
        %dma_start3A_128 = arith.constant 0 : i32
        %dma_start3A_129 = arith.constant 0 : i32
        %dma_start3A_130 = tpu.memref_slice %arg5[%dma_start3A, %dma_start3A_128, %dma_start3A_129] : memref<2x128x128xf32, #tpu.memory_space<vmem>> -> memref<1x128x128xf32, #tpu.memory_space<vmem>>
        %dma_start3A_131 = tpu.memref_squeeze %dma_start3A_130 : memref<1x128x128xf32, #tpu.memory_space<vmem>> -> memref<128x128xf32, #tpu.memory_space<vmem>>
        %dma_start3A_132 = arith.constant 0 : i32
        %dma_start3A_133 = tpu.memref_slice %arg2[%mul3A_126, %dma_start3A_132] : memref<160000x128xf32, #tpu.memory_space<hbm>> -> memref<128x128xf32, #tpu.memory_space<hbm>>
        %dma_start3A_134 = tpu.memref_slice %arg8[%dma_start3A_127] : memref<2x!tpu.dma_semaphore, #tpu.memory_space<semaphore_mem>> -> memref<1x!tpu.dma_semaphore, #tpu.memory_space<semaphore_mem>>
        %dma_start3A_135 = tpu.memref_squeeze %dma_start3A_134 : memref<1x!tpu.dma_semaphore, #tpu.memory_space<semaphore_mem>> -> memref<!tpu.dma_semaphore, #tpu.memory_space<semaphore_mem>>
        %dma_start3A_136 = arith.constant 0 : i32
        %dma_start3A_137 = arith.constant 0 : i32
        %dma_start3A_138 = tpu.memref_slice %arg5[%dma_start3A, %dma_start3A_136, %dma_start3A_137] : memref<2x128x128xf32, #tpu.memory_space<vmem>> -> memref<1x128x128xf32, #tpu.memory_space<vmem>>
        %dma_start3A_139 = tpu.memref_squeeze %dma_start3A_138 : memref<1x128x128xf32, #tpu.memory_space<vmem>> -> memref<128x128xf32, #tpu.memory_space<vmem>>
        %dma_start3A_140 = arith.constant 0 : i32
        %dma_start3A_141 = tpu.memref_slice %arg2[%mul3A_126, %dma_start3A_140] : memref<160000x128xf32, #tpu.memory_space<hbm>> -> memref<128x128xf32, #tpu.memory_space<hbm>>
        tpu.enqueue_dma source(%dma_start3A_141 : memref<128x128xf32, #tpu.memory_space<hbm>>) target(%dma_start3A_139 : memref<128x128xf32, #tpu.memory_space<vmem>>) target_semaphore(%dma_start3A_135 : memref<!tpu.dma_semaphore, #tpu.memory_space<semaphore_mem>>)
        %dma_start3A_142 = arith.constant 0 : i32
        %dma_start3A_143 = arith.constant 0 : i32
        %dma_start3A_144 = arith.constant 0 : i32
        %dma_start3A_145 = tpu.memref_slice %arg6[%dma_start3A_142, %dma_start3A_144] : memref<2x128xi32, #tpu.memory_space<vmem>> -> memref<1x128xi32, #tpu.memory_space<vmem>>
        %dma_start3A_146 = tpu.memref_squeeze %dma_start3A_145 : memref<1x128xi32, #tpu.memory_space<vmem>> -> memref<128xi32, #tpu.memory_space<vmem>>
        %dma_start3A_147 = tpu.memref_slice %arg3[%mul3A_126] : memref<160000xi32, #tpu.memory_space<hbm>> -> memref<128xi32, #tpu.memory_space<hbm>>
        %dma_start3A_148 = tpu.memref_slice %arg9[%dma_start3A_143] : memref<2x!tpu.dma_semaphore, #tpu.memory_space<semaphore_mem>> -> memref<1x!tpu.dma_semaphore, #tpu.memory_space<semaphore_mem>>
        %dma_start3A_149 = tpu.memref_squeeze %dma_start3A_148 : memref<1x!tpu.dma_semaphore, #tpu.memory_space<semaphore_mem>> -> memref<!tpu.dma_semaphore, #tpu.memory_space<semaphore_mem>>
        %dma_start3A_150 = arith.constant 0 : i32
        %dma_start3A_151 = tpu.memref_slice %arg6[%dma_start3A_142, %dma_start3A_150] : memref<2x128xi32, #tpu.memory_space<vmem>> -> memref<1x128xi32, #tpu.memory_space<vmem>>
        %dma_start3A_152 = tpu.memref_squeeze %dma_start3A_151 : memref<1x128xi32, #tpu.memory_space<vmem>> -> memref<128xi32, #tpu.memory_space<vmem>>
        %dma_start3A_153 = tpu.memref_slice %arg3[%mul3A_126] : memref<160000xi32, #tpu.memory_space<hbm>> -> memref<128xi32, #tpu.memory_space<hbm>>
        tpu.enqueue_dma source(%dma_start3A_153 : memref<128xi32, #tpu.memory_space<hbm>>) target(%dma_start3A_152 : memref<128xi32, #tpu.memory_space<vmem>>) target_semaphore(%dma_start3A_149 : memref<!tpu.dma_semaphore, #tpu.memory_space<semaphore_mem>>)
      } else {
      }
      %lt3A_120 = arith.constant 1250 : i32
      %lt3A_121 = arith.cmpi slt, %add3A_94, %lt3A_120 : i32
      %convert_element_type3A_122 = arith.extui %lt3A_121 : i1 to i32
      %cond3A_123 = arith.constant 0 : i32
      %cond3A_124 = arith.cmpi ne, %convert_element_type3A_122, %cond3A_123 : i32
      scf.if %cond3A_124 {
        %dma_start3A = arith.constant 1 : i32
        %dma_start3A_125 = arith.constant 1 : i32
        %dma_start3A_126 = arith.constant 1 : i32
        %dma_start3A_127 = arith.constant 0 : i32
        %dma_start3A_128 = arith.constant 0 : i32
        %dma_start3A_129 = tpu.memref_slice %arg5[%dma_start3A, %dma_start3A_127, %dma_start3A_128] : memref<2x128x128xf32, #tpu.memory_space<vmem>> -> memref<1x128x128xf32, #tpu.memory_space<vmem>>
        %dma_start3A_130 = tpu.memref_squeeze %dma_start3A_129 : memref<1x128x128xf32, #tpu.memory_space<vmem>> -> memref<128x128xf32, #tpu.memory_space<vmem>>
        %dma_start3A_131 = arith.constant 0 : i32
        %dma_start3A_132 = tpu.memref_slice %arg6[%dma_start3A_125, %dma_start3A_131] : memref<2x128xi32, #tpu.memory_space<vmem>> -> memref<1x128xi32, #tpu.memory_space<vmem>>
        %dma_start3A_133 = tpu.memref_squeeze %dma_start3A_132 : memref<1x128xi32, #tpu.memory_space<vmem>> -> memref<128xi32, #tpu.memory_space<vmem>>
        %dma_start3A_134 = arith.constant 0 : i32
        %dma_start3A_135 = arith.constant 0 : i32
        %dma_start3A_136 = tpu.memref_slice %arg7[%dma_start3A_134, %dma_start3A_135] : memref<10112x128xf32, #tpu.memory_space<vmem_shared>> -> memref<10112x128xf32, #tpu.memory_space<vmem_shared>>
        %dma_start3A_137 = tpu.memref_slice %arg10[%dma_start3A_126] : memref<2x!tpu.dma_semaphore, #tpu.memory_space<semaphore_mem>> -> memref<1x!tpu.dma_semaphore, #tpu.memory_space<semaphore_mem>>
        %dma_start3A_138 = tpu.memref_squeeze %dma_start3A_137 : memref<1x!tpu.dma_semaphore, #tpu.memory_space<semaphore_mem>> -> memref<!tpu.dma_semaphore, #tpu.memory_space<semaphore_mem>>
        tpu.enqueue_indirect_dma source(%dma_start3A_130 : memref<128x128xf32, #tpu.memory_space<vmem>>) target(%dma_start3A_136 : memref<10112x128xf32, #tpu.memory_space<vmem_shared>>) offsets(%dma_start3A_133 : memref<128xi32, #tpu.memory_space<vmem>>) semaphore(%dma_start3A_138 : memref<!tpu.dma_semaphore, #tpu.memory_space<semaphore_mem>>) {add = true}
      } else {
      }
    }
    %scan3A_40 = arith.constant 20 : i32
    %add3A_41 = arith.constant 1248 : i32
    %add3A_42 = arith.addi %add3A, %add3A_41 : i32
    %lt3A_43 = arith.constant 1250 : i32
    %lt3A_44 = arith.cmpi slt, %add3A_42, %lt3A_43 : i32
    %convert_element_type3A_45 = arith.extui %lt3A_44 : i1 to i32
    %cond3A_46 = arith.constant 0 : i32
    %cond3A_47 = arith.cmpi ne, %convert_element_type3A_45, %cond3A_46 : i32
    scf.if %cond3A_47 {
      %dma_wait3A = arith.constant 1 : i32
      %dma_wait3A_53 = arith.constant 1 : i32
      %dma_wait3A_54 = arith.constant 1 : i32
      %dma_wait3A_55 = arith.constant 0 : i32
      %dma_wait3A_56 = arith.constant 0 : i32
      %dma_wait3A_57 = tpu.memref_slice %arg5[%dma_wait3A, %dma_wait3A_55, %dma_wait3A_56] : memref<2x128x128xf32, #tpu.memory_space<vmem>> -> memref<1x128x128xf32, #tpu.memory_space<vmem>>
      %dma_wait3A_58 = tpu.memref_squeeze %dma_wait3A_57 : memref<1x128x128xf32, #tpu.memory_space<vmem>> -> memref<128x128xf32, #tpu.memory_space<vmem>>
      %dma_wait3A_59 = arith.constant 0 : i32
      %dma_wait3A_60 = tpu.memref_slice %arg6[%dma_wait3A_53, %dma_wait3A_59] : memref<2x128xi32, #tpu.memory_space<vmem>> -> memref<1x128xi32, #tpu.memory_space<vmem>>
      %dma_wait3A_61 = tpu.memref_squeeze %dma_wait3A_60 : memref<1x128xi32, #tpu.memory_space<vmem>> -> memref<128xi32, #tpu.memory_space<vmem>>
      %dma_wait3A_62 = arith.constant 0 : i32
      %dma_wait3A_63 = arith.constant 0 : i32
      %dma_wait3A_64 = tpu.memref_slice %arg7[%dma_wait3A_62, %dma_wait3A_63] : memref<10112x128xf32, #tpu.memory_space<vmem_shared>> -> memref<10112x128xf32, #tpu.memory_space<vmem_shared>>
      %dma_wait3A_65 = tpu.memref_slice %arg10[%dma_wait3A_54] : memref<2x!tpu.dma_semaphore, #tpu.memory_space<semaphore_mem>> -> memref<1x!tpu.dma_semaphore, #tpu.memory_space<semaphore_mem>>
      %dma_wait3A_66 = tpu.memref_squeeze %dma_wait3A_65 : memref<1x!tpu.dma_semaphore, #tpu.memory_space<semaphore_mem>> -> memref<!tpu.dma_semaphore, #tpu.memory_space<semaphore_mem>>
      tpu.wait_indirect_dma semaphore(%dma_wait3A_66 : memref<!tpu.dma_semaphore, #tpu.memory_space<semaphore_mem>>) src(%dma_wait3A_58 : memref<128x128xf32, #tpu.memory_space<vmem>>) dst(%dma_wait3A_64 : memref<10112x128xf32, #tpu.memory_space<vmem_shared>>)
    } else {
    }
    %barrier3A_48 = arith.constant 0 : index
    tpu.barrier barrier_id(%barrier3A_48)
    %mul3A_49 = arith.constant 632 : i32
    %mul3A_50 = arith.muli %arg1, %mul3A_49 : i32
    %mul3A_51 = arith.constant 632 : i32
    %mul3A_52 = arith.muli %arg1, %mul3A_51 : i32
    "tpu.region"() ({
      %run_scoped3A_53 = tpu.sem_alloc : memref<!tpu.dma_semaphore, #tpu.memory_space<semaphore_mem>>
      %dma_start3A = arith.constant 0 : i32
      %dma_start3A_54 = tpu.memref_slice %arg4[%arg0, %mul3A_52, %dma_start3A] : memref<2x10112x128xf32, #tpu.memory_space<hbm>> -> memref<1x632x128xf32, #tpu.memory_space<hbm>>
      %dma_start3A_55 = tpu.memref_squeeze %dma_start3A_54 : memref<1x632x128xf32, #tpu.memory_space<hbm>> -> memref<632x128xf32, #tpu.memory_space<hbm>>
      %dma_start3A_56 = arith.constant 0 : i32
      %dma_start3A_57 = tpu.memref_slice %arg7[%mul3A_50, %dma_start3A_56] : memref<10112x128xf32, #tpu.memory_space<vmem_shared>> -> memref<632x128xf32, #tpu.memory_space<vmem_shared>>
      tpu.enqueue_dma source(%dma_start3A_57 : memref<632x128xf32, #tpu.memory_space<vmem_shared>>) target(%dma_start3A_55 : memref<632x128xf32, #tpu.memory_space<hbm>>) target_semaphore(%run_scoped3A_53 : memref<!tpu.dma_semaphore, #tpu.memory_space<semaphore_mem>>)
      %dma_wait3A = arith.constant 0 : i32
      %dma_wait3A_58 = tpu.memref_slice %arg4[%arg0, %mul3A_52, %dma_wait3A] : memref<2x10112x128xf32, #tpu.memory_space<hbm>> -> memref<1x632x128xf32, #tpu.memory_space<hbm>>
      %dma_wait3A_59 = tpu.memref_squeeze %dma_wait3A_58 : memref<1x632x128xf32, #tpu.memory_space<hbm>> -> memref<632x128xf32, #tpu.memory_space<hbm>>
      %dma_wait3A_60 = arith.constant 0 : i32
      %dma_wait3A_61 = tpu.memref_slice %arg7[%mul3A_50, %dma_wait3A_60] : memref<10112x128xf32, #tpu.memory_space<vmem_shared>> -> memref<632x128xf32, #tpu.memory_space<vmem_shared>>
      tpu.wait_dma2 semaphore(%run_scoped3A_53 : memref<!tpu.dma_semaphore, #tpu.memory_space<semaphore_mem>>) src(%dma_wait3A_61 : memref<632x128xf32, #tpu.memory_space<vmem_shared>>) dst(%dma_wait3A_59 : memref<632x128xf32, #tpu.memory_space<hbm>>)
      tpu.yield
    }) : () -> ()
    return
  }
}

#map = affine_map<(d0, d1) -> (0, 0)>
#map1 = affine_map<(d0, d1) -> (0)>
#map2 = affine_map<(d0, d1) -> (0, 0, 0)>
module attributes {stable_mosaic.version = 14 : i64} {
  func.func @_fc_body(%arg0: i32, %arg1: i32, %arg2: memref<160000x128xf32, #tpu.memory_space<hbm>>, %arg3: memref<160000x128xf32, #tpu.memory_space<hbm>>, %arg4: memref<160000xi32, #tpu.memory_space<hbm>>, %arg5: memref<10000x128xf32, #tpu.memory_space<hbm>>, %arg6: memref<2x10112x128xf32, #tpu.memory_space<hbm>>, %arg7: memref<128x128xf32, #tpu.memory_space<vmem>>, %arg8: memref<128x128xf32, #tpu.memory_space<vmem>>, %arg9: memref<128x128xf32, #tpu.memory_space<vmem>>, %arg10: memref<128xi32, #tpu.memory_space<vmem>>, %arg11: memref<10112x128xf32, #tpu.memory_space<vmem_shared>>, %arg12: memref<!tpu.dma_semaphore, #tpu.memory_space<semaphore_mem>>, %arg13: memref<!tpu.dma_semaphore, #tpu.memory_space<semaphore_mem>>, %arg14: memref<!tpu.dma_semaphore, #tpu.memory_space<semaphore_mem>>, %arg15: memref<!tpu.dma_semaphore, #tpu.memory_space<semaphore_mem>>) attributes {dimension_semantics = [#tpu.dimension_semantics<core_parallel>, #tpu.dimension_semantics<subcore_parallel>], iteration_bounds = array<i64: 2, 16>, scalar_prefetch = 0 : i64, scratch_operands = 9 : i64, tpu.core_type = #tpu.core_type<sc_vector_subcore>, window_params = [{transform_indices = #map}, {transform_indices = #map}, {transform_indices = #map1}, {transform_indices = #map}, {transform_indices = #map2}]} {
    %mul3A = arith.constant 16 : i32
    %mul3A_0 = arith.muli %arg0, %mul3A : i32
    %add3A = arith.addi %mul3A_0, %arg1 : i32
    %scan3A = arith.constant 0 : i32
    %scan3A_1 = arith.constant 0 : i32
    %scan3A_2 = arith.constant 128 : i32
    %scan3A_3 = arith.addi %scan3A_1, %scan3A_2 : i32
    %scan3A_4 = arith.constant 1 : i32
    scf.for %scan3A_37 = %scan3A_1 to %scan3A_3 step %scan3A_4  : i32 {
      %broadcast_in_dim3A = arith.constant 0.000000e+00 : f32
      %broadcast_in_dim3A_38 = vector.broadcast %broadcast_in_dim3A : f32 to vector<16xf32>
      %swap3A = arith.index_cast %scan3A_37 : i32 to index
      %swap3A_39 = arith.constant 0 : index
      %swap3A_40 = tpu.vector_load %arg7[%swap3A, %swap3A_39] {strides = array<i32>} : memref<128x128xf32, #tpu.memory_space<vmem>>, vector<1x16xf32>,
      %swap3A_41 = vector.shape_cast %swap3A_40 : vector<1x16xf32> to vector<16xf32>
      %swap3A_42 = vector.shape_cast %broadcast_in_dim3A_38 : vector<16xf32> to vector<1x16xf32>
      tpu.vector_store %arg7[%swap3A, %swap3A_39], %swap3A_42 {strides = array<i32>} : memref<128x128xf32, #tpu.memory_space<vmem>>, vector<1x16xf32>,
      %broadcast_in_dim3A_43 = arith.constant 0.000000e+00 : f32
      %broadcast_in_dim3A_44 = vector.broadcast %broadcast_in_dim3A_43 : f32 to vector<16xf32>
      %swap3A_45 = arith.index_cast %scan3A_37 : i32 to index
      %swap3A_46 = arith.constant 16 : index
      %swap3A_47 = tpu.vector_load %arg7[%swap3A_45, %swap3A_46] {strides = array<i32>} : memref<128x128xf32, #tpu.memory_space<vmem>>, vector<1x16xf32>,
      %swap3A_48 = vector.shape_cast %swap3A_47 : vector<1x16xf32> to vector<16xf32>
      %swap3A_49 = vector.shape_cast %broadcast_in_dim3A_44 : vector<16xf32> to vector<1x16xf32>
      tpu.vector_store %arg7[%swap3A_45, %swap3A_46], %swap3A_49 {strides = array<i32>} : memref<128x128xf32, #tpu.memory_space<vmem>>, vector<1x16xf32>,
      %broadcast_in_dim3A_50 = arith.constant 0.000000e+00 : f32
      %broadcast_in_dim3A_51 = vector.broadcast %broadcast_in_dim3A_50 : f32 to vector<16xf32>
      %swap3A_52 = arith.index_cast %scan3A_37 : i32 to index
      %swap3A_53 = arith.constant 32 : index
      %swap3A_54 = tpu.vector_load %arg7[%swap3A_52, %swap3A_53] {strides = array<i32>} : memref<128x128xf32, #tpu.memory_space<vmem>>, vector<1x16xf32>,
      %swap3A_55 = vector.shape_cast %swap3A_54 : vector<1x16xf32> to vector<16xf32>
      %swap3A_56 = vector.shape_cast %broadcast_in_dim3A_51 : vector<16xf32> to vector<1x16xf32>
      tpu.vector_store %arg7[%swap3A_52, %swap3A_53], %swap3A_56 {strides = array<i32>} : memref<128x128xf32, #tpu.memory_space<vmem>>, vector<1x16xf32>,
      %broadcast_in_dim3A_57 = arith.constant 0.000000e+00 : f32
      %broadcast_in_dim3A_58 = vector.broadcast %broadcast_in_dim3A_57 : f32 to vector<16xf32>
      %swap3A_59 = arith.index_cast %scan3A_37 : i32 to index
      %swap3A_60 = arith.constant 48 : index
      %swap3A_61 = tpu.vector_load %arg7[%swap3A_59, %swap3A_60] {strides = array<i32>} : memref<128x128xf32, #tpu.memory_space<vmem>>, vector<1x16xf32>,
      %swap3A_62 = vector.shape_cast %swap3A_61 : vector<1x16xf32> to vector<16xf32>
      %swap3A_63 = vector.shape_cast %broadcast_in_dim3A_58 : vector<16xf32> to vector<1x16xf32>
      tpu.vector_store %arg7[%swap3A_59, %swap3A_60], %swap3A_63 {strides = array<i32>} : memref<128x128xf32, #tpu.memory_space<vmem>>, vector<1x16xf32>,
      %broadcast_in_dim3A_64 = arith.constant 0.000000e+00 : f32
      %broadcast_in_dim3A_65 = vector.broadcast %broadcast_in_dim3A_64 : f32 to vector<16xf32>
      %swap3A_66 = arith.index_cast %scan3A_37 : i32 to index
      %swap3A_67 = arith.constant 64 : index
      %swap3A_68 = tpu.vector_load %arg7[%swap3A_66, %swap3A_67] {strides = array<i32>} : memref<128x128xf32, #tpu.memory_space<vmem>>, vector<1x16xf32>,
      %swap3A_69 = vector.shape_cast %swap3A_68 : vector<1x16xf32> to vector<16xf32>
      %swap3A_70 = vector.shape_cast %broadcast_in_dim3A_65 : vector<16xf32> to vector<1x16xf32>
      tpu.vector_store %arg7[%swap3A_66, %swap3A_67], %swap3A_70 {strides = array<i32>} : memref<128x128xf32, #tpu.memory_space<vmem>>, vector<1x16xf32>,
      %broadcast_in_dim3A_71 = arith.constant 0.000000e+00 : f32
      %broadcast_in_dim3A_72 = vector.broadcast %broadcast_in_dim3A_71 : f32 to vector<16xf32>
      %swap3A_73 = arith.index_cast %scan3A_37 : i32 to index
      %swap3A_74 = arith.constant 80 : index
      %swap3A_75 = tpu.vector_load %arg7[%swap3A_73, %swap3A_74] {strides = array<i32>} : memref<128x128xf32, #tpu.memory_space<vmem>>, vector<1x16xf32>,
      %swap3A_76 = vector.shape_cast %swap3A_75 : vector<1x16xf32> to vector<16xf32>
      %swap3A_77 = vector.shape_cast %broadcast_in_dim3A_72 : vector<16xf32> to vector<1x16xf32>
      tpu.vector_store %arg7[%swap3A_73, %swap3A_74], %swap3A_77 {strides = array<i32>} : memref<128x128xf32, #tpu.memory_space<vmem>>, vector<1x16xf32>,
      %broadcast_in_dim3A_78 = arith.constant 0.000000e+00 : f32
      %broadcast_in_dim3A_79 = vector.broadcast %broadcast_in_dim3A_78 : f32 to vector<16xf32>
      %swap3A_80 = arith.index_cast %scan3A_37 : i32 to index
      %swap3A_81 = arith.constant 96 : index
      %swap3A_82 = tpu.vector_load %arg7[%swap3A_80, %swap3A_81] {strides = array<i32>} : memref<128x128xf32, #tpu.memory_space<vmem>>, vector<1x16xf32>,
      %swap3A_83 = vector.shape_cast %swap3A_82 : vector<1x16xf32> to vector<16xf32>
      %swap3A_84 = vector.shape_cast %broadcast_in_dim3A_79 : vector<16xf32> to vector<1x16xf32>
      tpu.vector_store %arg7[%swap3A_80, %swap3A_81], %swap3A_84 {strides = array<i32>} : memref<128x128xf32, #tpu.memory_space<vmem>>, vector<1x16xf32>,
      %broadcast_in_dim3A_85 = arith.constant 0.000000e+00 : f32
      %broadcast_in_dim3A_86 = vector.broadcast %broadcast_in_dim3A_85 : f32 to vector<16xf32>
      %swap3A_87 = arith.index_cast %scan3A_37 : i32 to index
      %swap3A_88 = arith.constant 112 : index
      %swap3A_89 = tpu.vector_load %arg7[%swap3A_87, %swap3A_88] {strides = array<i32>} : memref<128x128xf32, #tpu.memory_space<vmem>>, vector<1x16xf32>,
      %swap3A_90 = vector.shape_cast %swap3A_89 : vector<1x16xf32> to vector<16xf32>
      %swap3A_91 = vector.shape_cast %broadcast_in_dim3A_86 : vector<16xf32> to vector<1x16xf32>
      tpu.vector_store %arg7[%swap3A_87, %swap3A_88], %swap3A_91 {strides = array<i32>} : memref<128x128xf32, #tpu.memory_space<vmem>>, vector<1x16xf32>,
    }
    %scan3A_5 = arith.constant 128 : i32
    %mul3A_6 = arith.constant 632 : i32
    %mul3A_7 = arith.muli %arg1, %mul3A_6 : i32
    %add3A_8 = arith.constant 0 : i32
    %add3A_9 = arith.addi %mul3A_7, %add3A_8 : i32
    "tpu.region"() ({
      %run_scoped3A = tpu.sem_alloc : memref<!tpu.dma_semaphore, #tpu.memory_space<semaphore_mem>>
      %dma_start3A = arith.constant 0 : i32
      %dma_start3A_37 = tpu.memref_slice %arg11[%add3A_9, %dma_start3A] : memref<10112x128xf32, #tpu.memory_space<vmem_shared>> -> memref<128x128xf32, #tpu.memory_space<vmem_shared>>
      %dma_start3A_38 = arith.constant 0 : i32
      %dma_start3A_39 = tpu.memref_slice %arg11[%add3A_9, %dma_start3A_38] : memref<10112x128xf32, #tpu.memory_space<vmem_shared>> -> memref<128x128xf32, #tpu.memory_space<vmem_shared>>
      tpu.enqueue_dma source(%arg7 : memref<128x128xf32, #tpu.memory_space<vmem>>) target(%dma_start3A_39 : memref<128x128xf32, #tpu.memory_space<vmem_shared>>) target_semaphore(%run_scoped3A : memref<!tpu.dma_semaphore, #tpu.memory_space<semaphore_mem>>)
      %dma_wait3A = arith.constant 0 : i32
      %dma_wait3A_40 = tpu.memref_slice %arg11[%add3A_9, %dma_wait3A] : memref<10112x128xf32, #tpu.memory_space<vmem_shared>> -> memref<128x128xf32, #tpu.memory_space<vmem_shared>>
      %dma_wait3A_41 = arith.constant 0 : i32
      %dma_wait3A_42 = tpu.memref_slice %arg11[%add3A_9, %dma_wait3A_41] : memref<10112x128xf32, #tpu.memory_space<vmem_shared>> -> memref<128x128xf32, #tpu.memory_space<vmem_shared>>
      tpu.wait_dma2 semaphore(%run_scoped3A : memref<!tpu.dma_semaphore, #tpu.memory_space<semaphore_mem>>) src(%arg7 : memref<128x128xf32, #tpu.memory_space<vmem>>) dst(%dma_wait3A_42 : memref<128x128xf32, #tpu.memory_space<vmem_shared>>)
      tpu.yield
    }) : () -> ()
    %mul3A_10 = arith.constant 632 : i32
    %mul3A_11 = arith.muli %arg1, %mul3A_10 : i32
    %add3A_12 = arith.constant 128 : i32
    %add3A_13 = arith.addi %mul3A_11, %add3A_12 : i32
    "tpu.region"() ({
      %run_scoped3A = tpu.sem_alloc : memref<!tpu.dma_semaphore, #tpu.memory_space<semaphore_mem>>
      %dma_start3A = arith.constant 0 : i32
      %dma_start3A_37 = tpu.memref_slice %arg11[%add3A_13, %dma_start3A] : memref<10112x128xf32, #tpu.memory_space<vmem_shared>> -> memref<128x128xf32, #tpu.memory_space<vmem_shared>>
      %dma_start3A_38 = arith.constant 0 : i32
      %dma_start3A_39 = tpu.memref_slice %arg11[%add3A_13, %dma_start3A_38] : memref<10112x128xf32, #tpu.memory_space<vmem_shared>> -> memref<128x128xf32, #tpu.memory_space<vmem_shared>>
      tpu.enqueue_dma source(%arg7 : memref<128x128xf32, #tpu.memory_space<vmem>>) target(%dma_start3A_39 : memref<128x128xf32, #tpu.memory_space<vmem_shared>>) target_semaphore(%run_scoped3A : memref<!tpu.dma_semaphore, #tpu.memory_space<semaphore_mem>>)
      %dma_wait3A = arith.constant 0 : i32
      %dma_wait3A_40 = tpu.memref_slice %arg11[%add3A_13, %dma_wait3A] : memref<10112x128xf32, #tpu.memory_space<vmem_shared>> -> memref<128x128xf32, #tpu.memory_space<vmem_shared>>
      %dma_wait3A_41 = arith.constant 0 : i32
      %dma_wait3A_42 = tpu.memref_slice %arg11[%add3A_13, %dma_wait3A_41] : memref<10112x128xf32, #tpu.memory_space<vmem_shared>> -> memref<128x128xf32, #tpu.memory_space<vmem_shared>>
      tpu.wait_dma2 semaphore(%run_scoped3A : memref<!tpu.dma_semaphore, #tpu.memory_space<semaphore_mem>>) src(%arg7 : memref<128x128xf32, #tpu.memory_space<vmem>>) dst(%dma_wait3A_42 : memref<128x128xf32, #tpu.memory_space<vmem_shared>>)
      tpu.yield
    }) : () -> ()
    %mul3A_14 = arith.constant 632 : i32
    %mul3A_15 = arith.muli %arg1, %mul3A_14 : i32
    %add3A_16 = arith.constant 256 : i32
    %add3A_17 = arith.addi %mul3A_15, %add3A_16 : i32
    "tpu.region"() ({
      %run_scoped3A = tpu.sem_alloc : memref<!tpu.dma_semaphore, #tpu.memory_space<semaphore_mem>>
      %dma_start3A = arith.constant 0 : i32
      %dma_start3A_37 = tpu.memref_slice %arg11[%add3A_17, %dma_start3A] : memref<10112x128xf32, #tpu.memory_space<vmem_shared>> -> memref<128x128xf32, #tpu.memory_space<vmem_shared>>
      %dma_start3A_38 = arith.constant 0 : i32
      %dma_start3A_39 = tpu.memref_slice %arg11[%add3A_17, %dma_start3A_38] : memref<10112x128xf32, #tpu.memory_space<vmem_shared>> -> memref<128x128xf32, #tpu.memory_space<vmem_shared>>
      tpu.enqueue_dma source(%arg7 : memref<128x128xf32, #tpu.memory_space<vmem>>) target(%dma_start3A_39 : memref<128x128xf32, #tpu.memory_space<vmem_shared>>) target_semaphore(%run_scoped3A : memref<!tpu.dma_semaphore, #tpu.memory_space<semaphore_mem>>)
      %dma_wait3A = arith.constant 0 : i32
      %dma_wait3A_40 = tpu.memref_slice %arg11[%add3A_17, %dma_wait3A] : memref<10112x128xf32, #tpu.memory_space<vmem_shared>> -> memref<128x128xf32, #tpu.memory_space<vmem_shared>>
      %dma_wait3A_41 = arith.constant 0 : i32
      %dma_wait3A_42 = tpu.memref_slice %arg11[%add3A_17, %dma_wait3A_41] : memref<10112x128xf32, #tpu.memory_space<vmem_shared>> -> memref<128x128xf32, #tpu.memory_space<vmem_shared>>
      tpu.wait_dma2 semaphore(%run_scoped3A : memref<!tpu.dma_semaphore, #tpu.memory_space<semaphore_mem>>) src(%arg7 : memref<128x128xf32, #tpu.memory_space<vmem>>) dst(%dma_wait3A_42 : memref<128x128xf32, #tpu.memory_space<vmem_shared>>)
      tpu.yield
    }) : () -> ()
    %mul3A_18 = arith.constant 632 : i32
    %mul3A_19 = arith.muli %arg1, %mul3A_18 : i32
    %add3A_20 = arith.constant 384 : i32
    %add3A_21 = arith.addi %mul3A_19, %add3A_20 : i32
    "tpu.region"() ({
      %run_scoped3A = tpu.sem_alloc : memref<!tpu.dma_semaphore, #tpu.memory_space<semaphore_mem>>
      %dma_start3A = arith.constant 0 : i32
      %dma_start3A_37 = tpu.memref_slice %arg11[%add3A_21, %dma_start3A] : memref<10112x128xf32, #tpu.memory_space<vmem_shared>> -> memref<128x128xf32, #tpu.memory_space<vmem_shared>>
      %dma_start3A_38 = arith.constant 0 : i32
      %dma_start3A_39 = tpu.memref_slice %arg11[%add3A_21, %dma_start3A_38] : memref<10112x128xf32, #tpu.memory_space<vmem_shared>> -> memref<128x128xf32, #tpu.memory_space<vmem_shared>>
      tpu.enqueue_dma source(%arg7 : memref<128x128xf32, #tpu.memory_space<vmem>>) target(%dma_start3A_39 : memref<128x128xf32, #tpu.memory_space<vmem_shared>>) target_semaphore(%run_scoped3A : memref<!tpu.dma_semaphore, #tpu.memory_space<semaphore_mem>>)
      %dma_wait3A = arith.constant 0 : i32
      %dma_wait3A_40 = tpu.memref_slice %arg11[%add3A_21, %dma_wait3A] : memref<10112x128xf32, #tpu.memory_space<vmem_shared>> -> memref<128x128xf32, #tpu.memory_space<vmem_shared>>
      %dma_wait3A_41 = arith.constant 0 : i32
      %dma_wait3A_42 = tpu.memref_slice %arg11[%add3A_21, %dma_wait3A_41] : memref<10112x128xf32, #tpu.memory_space<vmem_shared>> -> memref<128x128xf32, #tpu.memory_space<vmem_shared>>
      tpu.wait_dma2 semaphore(%run_scoped3A : memref<!tpu.dma_semaphore, #tpu.memory_space<semaphore_mem>>) src(%arg7 : memref<128x128xf32, #tpu.memory_space<vmem>>) dst(%dma_wait3A_42 : memref<128x128xf32, #tpu.memory_space<vmem_shared>>)
      tpu.yield
    }) : () -> ()
    %mul3A_22 = arith.constant 632 : i32
    %mul3A_23 = arith.muli %arg1, %mul3A_22 : i32
    %add3A_24 = arith.constant 512 : i32
    %add3A_25 = arith.addi %mul3A_23, %add3A_24 : i32
    "tpu.region"() ({
      %run_scoped3A = tpu.sem_alloc : memref<!tpu.dma_semaphore, #tpu.memory_space<semaphore_mem>>
      %dma_start3A = arith.constant 0 : i32
      %dma_start3A_37 = arith.constant 0 : i32
      %dma_start3A_38 = tpu.memref_slice %arg7[%dma_start3A, %dma_start3A_37] : memref<128x128xf32, #tpu.memory_space<vmem>> -> memref<120x128xf32, #tpu.memory_space<vmem>>
      %dma_start3A_39 = arith.constant 0 : i32
      %dma_start3A_40 = tpu.memref_slice %arg11[%add3A_25, %dma_start3A_39] : memref<10112x128xf32, #tpu.memory_space<vmem_shared>> -> memref<120x128xf32, #tpu.memory_space<vmem_shared>>
      %dma_start3A_41 = arith.constant 0 : i32
      %dma_start3A_42 = tpu.memref_slice %arg11[%add3A_25, %dma_start3A_41] : memref<10112x128xf32, #tpu.memory_space<vmem_shared>> -> memref<120x128xf32, #tpu.memory_space<vmem_shared>>
      %dma_start3A_43 = arith.constant 0 : i32
      %dma_start3A_44 = arith.constant 0 : i32
      %dma_start3A_45 = tpu.memref_slice %arg7[%dma_start3A_43, %dma_start3A_44] : memref<128x128xf32, #tpu.memory_space<vmem>> -> memref<120x128xf32, #tpu.memory_space<vmem>>
      tpu.enqueue_dma source(%dma_start3A_45 : memref<120x128xf32, #tpu.memory_space<vmem>>) target(%dma_start3A_42 : memref<120x128xf32, #tpu.memory_space<vmem_shared>>) target_semaphore(%run_scoped3A : memref<!tpu.dma_semaphore, #tpu.memory_space<semaphore_mem>>)
      %dma_wait3A = arith.constant 0 : i32
      %dma_wait3A_46 = arith.constant 0 : i32
      %dma_wait3A_47 = tpu.memref_slice %arg7[%dma_wait3A, %dma_wait3A_46] : memref<128x128xf32, #tpu.memory_space<vmem>> -> memref<120x128xf32, #tpu.memory_space<vmem>>
      %dma_wait3A_48 = arith.constant 0 : i32
      %dma_wait3A_49 = tpu.memref_slice %arg11[%add3A_25, %dma_wait3A_48] : memref<10112x128xf32, #tpu.memory_space<vmem_shared>> -> memref<120x128xf32, #tpu.memory_space<vmem_shared>>
      %dma_wait3A_50 = arith.constant 0 : i32
      %dma_wait3A_51 = tpu.memref_slice %arg11[%add3A_25, %dma_wait3A_50] : memref<10112x128xf32, #tpu.memory_space<vmem_shared>> -> memref<120x128xf32, #tpu.memory_space<vmem_shared>>
      %dma_wait3A_52 = arith.constant 0 : i32
      %dma_wait3A_53 = arith.constant 0 : i32
      %dma_wait3A_54 = tpu.memref_slice %arg7[%dma_wait3A_52, %dma_wait3A_53] : memref<128x128xf32, #tpu.memory_space<vmem>> -> memref<120x128xf32, #tpu.memory_space<vmem>>
      tpu.wait_dma2 semaphore(%run_scoped3A : memref<!tpu.dma_semaphore, #tpu.memory_space<semaphore_mem>>) src(%dma_wait3A_54 : memref<120x128xf32, #tpu.memory_space<vmem>>) dst(%dma_wait3A_51 : memref<120x128xf32, #tpu.memory_space<vmem_shared>>)
      tpu.yield
    }) : () -> ()
    %barrier3A = arith.constant 0 : index
    tpu.barrier barrier_id(%barrier3A)
    %scan3A_26 = arith.constant 0 : i32
    %scan3A_27 = arith.constant 0 : i32
    %scan3A_28 = arith.constant 40 : i32
    %scan3A_29 = arith.addi %scan3A_27, %scan3A_28 : i32
    %scan3A_30 = arith.constant 1 : i32
    scf.for %scan3A_37 = %scan3A_27 to %scan3A_29 step %scan3A_30  : i32 {
      %mul3A_38 = arith.constant 32 : i32
      %mul3A_39 = arith.muli %mul3A_38, %scan3A_37 : i32
      %add3A_40 = arith.addi %add3A, %mul3A_39 : i32
      %lt3A = arith.constant 1250 : i32
      %lt3A_41 = arith.cmpi slt, %add3A_40, %lt3A : i32
      %convert_element_type3A = arith.extui %lt3A_41 : i1 to i32
      %cond3A = arith.constant 0 : i32
      %cond3A_42 = arith.cmpi ne, %convert_element_type3A, %cond3A : i32
      scf.if %cond3A_42 {
        %mul3A_43 = arith.constant 128 : i32
        %mul3A_44 = arith.muli %add3A_40, %mul3A_43 : i32
        %dma_start3A = arith.constant 0 : i32
        %dma_start3A_45 = tpu.memref_slice %arg2[%mul3A_44, %dma_start3A] : memref<160000x128xf32, #tpu.memory_space<hbm>> -> memref<128x128xf32, #tpu.memory_space<hbm>>
        %dma_start3A_46 = arith.constant 0 : i32
        %dma_start3A_47 = tpu.memref_slice %arg2[%mul3A_44, %dma_start3A_46] : memref<160000x128xf32, #tpu.memory_space<hbm>> -> memref<128x128xf32, #tpu.memory_space<hbm>>
        tpu.enqueue_dma source(%dma_start3A_47 : memref<128x128xf32, #tpu.memory_space<hbm>>) target(%arg7 : memref<128x128xf32, #tpu.memory_space<vmem>>) target_semaphore(%arg12 : memref<!tpu.dma_semaphore, #tpu.memory_space<semaphore_mem>>)
        %dma_start3A_48 = arith.constant 0 : i32
        %dma_start3A_49 = tpu.memref_slice %arg3[%mul3A_44, %dma_start3A_48] : memref<160000x128xf32, #tpu.memory_space<hbm>> -> memref<128x128xf32, #tpu.memory_space<hbm>>
        %dma_start3A_50 = arith.constant 0 : i32
        %dma_start3A_51 = tpu.memref_slice %arg3[%mul3A_44, %dma_start3A_50] : memref<160000x128xf32, #tpu.memory_space<hbm>> -> memref<128x128xf32, #tpu.memory_space<hbm>>
        tpu.enqueue_dma source(%dma_start3A_51 : memref<128x128xf32, #tpu.memory_space<hbm>>) target(%arg8 : memref<128x128xf32, #tpu.memory_space<vmem>>) target_semaphore(%arg13 : memref<!tpu.dma_semaphore, #tpu.memory_space<semaphore_mem>>)
        "tpu.region"() ({
          %run_scoped3A = tpu.sem_alloc : memref<!tpu.dma_semaphore, #tpu.memory_space<semaphore_mem>>
          %dma_start3A_96 = tpu.memref_slice %arg4[%mul3A_44] : memref<160000xi32, #tpu.memory_space<hbm>> -> memref<128xi32, #tpu.memory_space<hbm>>
          %dma_start3A_97 = tpu.memref_slice %arg4[%mul3A_44] : memref<160000xi32, #tpu.memory_space<hbm>> -> memref<128xi32, #tpu.memory_space<hbm>>
          tpu.enqueue_dma source(%dma_start3A_97 : memref<128xi32, #tpu.memory_space<hbm>>) target(%arg10 : memref<128xi32, #tpu.memory_space<vmem>>) target_semaphore(%run_scoped3A : memref<!tpu.dma_semaphore, #tpu.memory_space<semaphore_mem>>)
          %dma_wait3A_98 = tpu.memref_slice %arg4[%mul3A_44] : memref<160000xi32, #tpu.memory_space<hbm>> -> memref<128xi32, #tpu.memory_space<hbm>>
          %dma_wait3A_99 = tpu.memref_slice %arg4[%mul3A_44] : memref<160000xi32, #tpu.memory_space<hbm>> -> memref<128xi32, #tpu.memory_space<hbm>>
          tpu.wait_dma2 semaphore(%run_scoped3A : memref<!tpu.dma_semaphore, #tpu.memory_space<semaphore_mem>>) src(%dma_wait3A_99 : memref<128xi32, #tpu.memory_space<hbm>>) dst(%arg10 : memref<128xi32, #tpu.memory_space<vmem>>)
          tpu.yield
        }) : () -> ()
        %dma_start3A_52 = arith.constant 0 : i32
        %dma_start3A_53 = arith.constant 0 : i32
        %dma_start3A_54 = tpu.memref_slice %arg9[%dma_start3A_52, %dma_start3A_53] : memref<128x128xf32, #tpu.memory_space<vmem>> -> memref<64x128xf32, #tpu.memory_space<vmem>>
        %dma_start3A_55 = arith.constant 0 : i32
        %dma_start3A_56 = tpu.memref_slice %arg10[%dma_start3A_55] : memref<128xi32, #tpu.memory_space<vmem>> -> memref<64xi32, #tpu.memory_space<vmem>>
        %dma_start3A_57 = arith.constant 0 : i32
        %dma_start3A_58 = arith.constant 0 : i32
        %dma_start3A_59 = tpu.memref_slice %arg5[%dma_start3A_57, %dma_start3A_58] : memref<10000x128xf32, #tpu.memory_space<hbm>> -> memref<10000x128xf32, #tpu.memory_space<hbm>>
        tpu.enqueue_indirect_dma source(%dma_start3A_59 : memref<10000x128xf32, #tpu.memory_space<hbm>>) target(%dma_start3A_54 : memref<64x128xf32, #tpu.memory_space<vmem>>) offsets(%dma_start3A_56 : memref<64xi32, #tpu.memory_space<vmem>>) semaphore(%arg14 : memref<!tpu.dma_semaphore, #tpu.memory_space<semaphore_mem>>)
        %dma_start3A_60 = arith.constant 64 : i32
        %dma_start3A_61 = arith.constant 0 : i32
        %dma_start3A_62 = tpu.memref_slice %arg9[%dma_start3A_60, %dma_start3A_61] : memref<128x128xf32, #tpu.memory_space<vmem>> -> memref<64x128xf32, #tpu.memory_space<vmem>>
        %dma_start3A_63 = arith.constant 64 : i32
        %dma_start3A_64 = tpu.memref_slice %arg10[%dma_start3A_63] : memref<128xi32, #tpu.memory_space<vmem>> -> memref<64xi32, #tpu.memory_space<vmem>>
        %dma_start3A_65 = arith.constant 0 : i32
        %dma_start3A_66 = arith.constant 0 : i32
        %dma_start3A_67 = tpu.memref_slice %arg5[%dma_start3A_65, %dma_start3A_66] : memref<10000x128xf32, #tpu.memory_space<hbm>> -> memref<10000x128xf32, #tpu.memory_space<hbm>>
        tpu.enqueue_indirect_dma source(%dma_start3A_67 : memref<10000x128xf32, #tpu.memory_space<hbm>>) target(%dma_start3A_62 : memref<64x128xf32, #tpu.memory_space<vmem>>) offsets(%dma_start3A_64 : memref<64xi32, #tpu.memory_space<vmem>>) semaphore(%arg15 : memref<!tpu.dma_semaphore, #tpu.memory_space<semaphore_mem>>)
        %dma_wait3A = arith.constant 0 : i32
        %dma_wait3A_68 = tpu.memref_slice %arg2[%mul3A_44, %dma_wait3A] : memref<160000x128xf32, #tpu.memory_space<hbm>> -> memref<128x128xf32, #tpu.memory_space<hbm>>
        %dma_wait3A_69 = arith.constant 0 : i32
        %dma_wait3A_70 = tpu.memref_slice %arg2[%mul3A_44, %dma_wait3A_69] : memref<160000x128xf32, #tpu.memory_space<hbm>> -> memref<128x128xf32, #tpu.memory_space<hbm>>
        tpu.wait_dma2 semaphore(%arg12 : memref<!tpu.dma_semaphore, #tpu.memory_space<semaphore_mem>>) src(%dma_wait3A_70 : memref<128x128xf32, #tpu.memory_space<hbm>>) dst(%arg7 : memref<128x128xf32, #tpu.memory_space<vmem>>)
        %dma_wait3A_71 = arith.constant 0 : i32
        %dma_wait3A_72 = tpu.memref_slice %arg3[%mul3A_44, %dma_wait3A_71] : memref<160000x128xf32, #tpu.memory_space<hbm>> -> memref<128x128xf32, #tpu.memory_space<hbm>>
        %dma_wait3A_73 = arith.constant 0 : i32
        %dma_wait3A_74 = tpu.memref_slice %arg3[%mul3A_44, %dma_wait3A_73] : memref<160000x128xf32, #tpu.memory_space<hbm>> -> memref<128x128xf32, #tpu.memory_space<hbm>>
        tpu.wait_dma2 semaphore(%arg13 : memref<!tpu.dma_semaphore, #tpu.memory_space<semaphore_mem>>) src(%dma_wait3A_74 : memref<128x128xf32, #tpu.memory_space<hbm>>) dst(%arg8 : memref<128x128xf32, #tpu.memory_space<vmem>>)
        %dma_wait3A_75 = arith.constant 0 : i32
        %dma_wait3A_76 = arith.constant 0 : i32
        %dma_wait3A_77 = tpu.memref_slice %arg9[%dma_wait3A_75, %dma_wait3A_76] : memref<128x128xf32, #tpu.memory_space<vmem>> -> memref<64x128xf32, #tpu.memory_space<vmem>>
        %dma_wait3A_78 = arith.constant 0 : i32
        %dma_wait3A_79 = tpu.memref_slice %arg10[%dma_wait3A_78] : memref<128xi32, #tpu.memory_space<vmem>> -> memref<64xi32, #tpu.memory_space<vmem>>
        %dma_wait3A_80 = arith.constant 0 : i32
        %dma_wait3A_81 = arith.constant 0 : i32
        %dma_wait3A_82 = tpu.memref_slice %arg5[%dma_wait3A_80, %dma_wait3A_81] : memref<10000x128xf32, #tpu.memory_space<hbm>> -> memref<10000x128xf32, #tpu.memory_space<hbm>>
        tpu.wait_indirect_dma semaphore(%arg14 : memref<!tpu.dma_semaphore, #tpu.memory_space<semaphore_mem>>) src(%dma_wait3A_82 : memref<10000x128xf32, #tpu.memory_space<hbm>>) dst(%dma_wait3A_77 : memref<64x128xf32, #tpu.memory_space<vmem>>)
        %parallel_loop3A = arith.constant 0 : i32
        %parallel_loop3A_83 = arith.constant 64 : i32
        %parallel_loop3A_84 = arith.constant 1 : i32
        scf.for %parallel_loop3A_96 = %parallel_loop3A to %parallel_loop3A_83 step %parallel_loop3A_84  : i32 {
          %parallel_loop3A_97 = arith.index_cast %parallel_loop3A_96 : i32 to index
          %parallel_loop3A_98 = arith.constant 0 : index
          %parallel_loop3A_99 = tpu.vector_load %arg7[%parallel_loop3A_97, %parallel_loop3A_98] {strides = array<i32>} : memref<128x128xf32, #tpu.memory_space<vmem>>, vector<1x16xf32>,
          %parallel_loop3A_100 = vector.shape_cast %parallel_loop3A_99 : vector<1x16xf32> to vector<16xf32>
          %parallel_loop3A_101 = arith.index_cast %parallel_loop3A_96 : i32 to index
          %parallel_loop3A_102 = arith.constant 0 : index
          %parallel_loop3A_103 = tpu.vector_load %arg9[%parallel_loop3A_101, %parallel_loop3A_102] {strides = array<i32>} : memref<128x128xf32, #tpu.memory_space<vmem>>, vector<1x16xf32>,
          %parallel_loop3A_104 = vector.shape_cast %parallel_loop3A_103 : vector<1x16xf32> to vector<16xf32>
          %parallel_loop3A_105 = arith.addf %parallel_loop3A_100, %parallel_loop3A_104 : vector<16xf32>
          %parallel_loop3A_106 = arith.constant 0.000000e+00 : f32
          %parallel_loop3A_107 = vector.broadcast %parallel_loop3A_106 : f32 to vector<16xf32>
          %parallel_loop3A_108 = arith.subf %parallel_loop3A_107, %parallel_loop3A_105 : vector<16xf32>
          %parallel_loop3A_109 = math.exp %parallel_loop3A_108 : vector<16xf32>
          %parallel_loop3A_110 = arith.constant 1.000000e+00 : f32
          %parallel_loop3A_111 = vector.broadcast %parallel_loop3A_110 : f32 to vector<16xf32>
          %parallel_loop3A_112 = arith.addf %parallel_loop3A_111, %parallel_loop3A_109 : vector<16xf32>
          %parallel_loop3A_113 = arith.constant 1.000000e+00 : f32
          %parallel_loop3A_114 = vector.broadcast %parallel_loop3A_113 : f32 to vector<16xf32>
          %parallel_loop3A_115 = arith.divf %parallel_loop3A_114, %parallel_loop3A_112 : vector<16xf32>
          %parallel_loop3A_116 = arith.index_cast %parallel_loop3A_96 : i32 to index
          %parallel_loop3A_117 = arith.constant 0 : index
          %parallel_loop3A_118 = tpu.vector_load %arg8[%parallel_loop3A_116, %parallel_loop3A_117] {strides = array<i32>} : memref<128x128xf32, #tpu.memory_space<vmem>>, vector<1x16xf32>,
          %parallel_loop3A_119 = vector.shape_cast %parallel_loop3A_118 : vector<1x16xf32> to vector<16xf32>
          %parallel_loop3A_120 = arith.mulf %parallel_loop3A_115, %parallel_loop3A_119 : vector<16xf32>
          %parallel_loop3A_121 = arith.index_cast %parallel_loop3A_96 : i32 to index
          %parallel_loop3A_122 = arith.constant 0 : index
          %parallel_loop3A_123 = tpu.vector_load %arg7[%parallel_loop3A_121, %parallel_loop3A_122] {strides = array<i32>} : memref<128x128xf32, #tpu.memory_space<vmem>>, vector<1x16xf32>,
          %parallel_loop3A_124 = vector.shape_cast %parallel_loop3A_123 : vector<1x16xf32> to vector<16xf32>
          %parallel_loop3A_125 = vector.shape_cast %parallel_loop3A_120 : vector<16xf32> to vector<1x16xf32>
          tpu.vector_store %arg7[%parallel_loop3A_121, %parallel_loop3A_122], %parallel_loop3A_125 {strides = array<i32>} : memref<128x128xf32, #tpu.memory_space<vmem>>, vector<1x16xf32>,
          %parallel_loop3A_126 = arith.index_cast %parallel_loop3A_96 : i32 to index
          %parallel_loop3A_127 = arith.constant 16 : index
          %parallel_loop3A_128 = tpu.vector_load %arg7[%parallel_loop3A_126, %parallel_loop3A_127] {strides = array<i32>} : memref<128x128xf32, #tpu.memory_space<vmem>>, vector<1x16xf32>,
          %parallel_loop3A_129 = vector.shape_cast %parallel_loop3A_128 : vector<1x16xf32> to vector<16xf32>
          %parallel_loop3A_130 = arith.index_cast %parallel_loop3A_96 : i32 to index
          %parallel_loop3A_131 = arith.constant 16 : index
          %parallel_loop3A_132 = tpu.vector_load %arg9[%parallel_loop3A_130, %parallel_loop3A_131] {strides = array<i32>} : memref<128x128xf32, #tpu.memory_space<vmem>>, vector<1x16xf32>,
          %parallel_loop3A_133 = vector.shape_cast %parallel_loop3A_132 : vector<1x16xf32> to vector<16xf32>
          %parallel_loop3A_134 = arith.addf %parallel_loop3A_129, %parallel_loop3A_133 : vector<16xf32>
          %parallel_loop3A_135 = arith.constant 0.000000e+00 : f32
          %parallel_loop3A_136 = vector.broadcast %parallel_loop3A_135 : f32 to vector<16xf32>
          %parallel_loop3A_137 = arith.subf %parallel_loop3A_136, %parallel_loop3A_134 : vector<16xf32>
          %parallel_loop3A_138 = math.exp %parallel_loop3A_137 : vector<16xf32>
          %parallel_loop3A_139 = arith.constant 1.000000e+00 : f32
          %parallel_loop3A_140 = vector.broadcast %parallel_loop3A_139 : f32 to vector<16xf32>
          %parallel_loop3A_141 = arith.addf %parallel_loop3A_140, %parallel_loop3A_138 : vector<16xf32>
          %parallel_loop3A_142 = arith.constant 1.000000e+00 : f32
          %parallel_loop3A_143 = vector.broadcast %parallel_loop3A_142 : f32 to vector<16xf32>
          %parallel_loop3A_144 = arith.divf %parallel_loop3A_143, %parallel_loop3A_141 : vector<16xf32>
          %parallel_loop3A_145 = arith.index_cast %parallel_loop3A_96 : i32 to index
          %parallel_loop3A_146 = arith.constant 16 : index
          %parallel_loop3A_147 = tpu.vector_load %arg8[%parallel_loop3A_145, %parallel_loop3A_146] {strides = array<i32>} : memref<128x128xf32, #tpu.memory_space<vmem>>, vector<1x16xf32>,
          %parallel_loop3A_148 = vector.shape_cast %parallel_loop3A_147 : vector<1x16xf32> to vector<16xf32>
          %parallel_loop3A_149 = arith.mulf %parallel_loop3A_144, %parallel_loop3A_148 : vector<16xf32>
          %parallel_loop3A_150 = arith.index_cast %parallel_loop3A_96 : i32 to index
          %parallel_loop3A_151 = arith.constant 16 : index
          %parallel_loop3A_152 = tpu.vector_load %arg7[%parallel_loop3A_150, %parallel_loop3A_151] {strides = array<i32>} : memref<128x128xf32, #tpu.memory_space<vmem>>, vector<1x16xf32>,
          %parallel_loop3A_153 = vector.shape_cast %parallel_loop3A_152 : vector<1x16xf32> to vector<16xf32>
          %parallel_loop3A_154 = vector.shape_cast %parallel_loop3A_149 : vector<16xf32> to vector<1x16xf32>
          tpu.vector_store %arg7[%parallel_loop3A_150, %parallel_loop3A_151], %parallel_loop3A_154 {strides = array<i32>} : memref<128x128xf32, #tpu.memory_space<vmem>>, vector<1x16xf32>,
          %parallel_loop3A_155 = arith.index_cast %parallel_loop3A_96 : i32 to index
          %parallel_loop3A_156 = arith.constant 32 : index
          %parallel_loop3A_157 = tpu.vector_load %arg7[%parallel_loop3A_155, %parallel_loop3A_156] {strides = array<i32>} : memref<128x128xf32, #tpu.memory_space<vmem>>, vector<1x16xf32>,
          %parallel_loop3A_158 = vector.shape_cast %parallel_loop3A_157 : vector<1x16xf32> to vector<16xf32>
          %parallel_loop3A_159 = arith.index_cast %parallel_loop3A_96 : i32 to index
          %parallel_loop3A_160 = arith.constant 32 : index
          %parallel_loop3A_161 = tpu.vector_load %arg9[%parallel_loop3A_159, %parallel_loop3A_160] {strides = array<i32>} : memref<128x128xf32, #tpu.memory_space<vmem>>, vector<1x16xf32>,
          %parallel_loop3A_162 = vector.shape_cast %parallel_loop3A_161 : vector<1x16xf32> to vector<16xf32>
          %parallel_loop3A_163 = arith.addf %parallel_loop3A_158, %parallel_loop3A_162 : vector<16xf32>
          %parallel_loop3A_164 = arith.constant 0.000000e+00 : f32
          %parallel_loop3A_165 = vector.broadcast %parallel_loop3A_164 : f32 to vector<16xf32>
          %parallel_loop3A_166 = arith.subf %parallel_loop3A_165, %parallel_loop3A_163 : vector<16xf32>
          %parallel_loop3A_167 = math.exp %parallel_loop3A_166 : vector<16xf32>
          %parallel_loop3A_168 = arith.constant 1.000000e+00 : f32
          %parallel_loop3A_169 = vector.broadcast %parallel_loop3A_168 : f32 to vector<16xf32>
          %parallel_loop3A_170 = arith.addf %parallel_loop3A_169, %parallel_loop3A_167 : vector<16xf32>
          %parallel_loop3A_171 = arith.constant 1.000000e+00 : f32
          %parallel_loop3A_172 = vector.broadcast %parallel_loop3A_171 : f32 to vector<16xf32>
          %parallel_loop3A_173 = arith.divf %parallel_loop3A_172, %parallel_loop3A_170 : vector<16xf32>
          %parallel_loop3A_174 = arith.index_cast %parallel_loop3A_96 : i32 to index
          %parallel_loop3A_175 = arith.constant 32 : index
          %parallel_loop3A_176 = tpu.vector_load %arg8[%parallel_loop3A_174, %parallel_loop3A_175] {strides = array<i32>} : memref<128x128xf32, #tpu.memory_space<vmem>>, vector<1x16xf32>,
          %parallel_loop3A_177 = vector.shape_cast %parallel_loop3A_176 : vector<1x16xf32> to vector<16xf32>
          %parallel_loop3A_178 = arith.mulf %parallel_loop3A_173, %parallel_loop3A_177 : vector<16xf32>
          %parallel_loop3A_179 = arith.index_cast %parallel_loop3A_96 : i32 to index
          %parallel_loop3A_180 = arith.constant 32 : index
          %parallel_loop3A_181 = tpu.vector_load %arg7[%parallel_loop3A_179, %parallel_loop3A_180] {strides = array<i32>} : memref<128x128xf32, #tpu.memory_space<vmem>>, vector<1x16xf32>,
          %parallel_loop3A_182 = vector.shape_cast %parallel_loop3A_181 : vector<1x16xf32> to vector<16xf32>
          %parallel_loop3A_183 = vector.shape_cast %parallel_loop3A_178 : vector<16xf32> to vector<1x16xf32>
          tpu.vector_store %arg7[%parallel_loop3A_179, %parallel_loop3A_180], %parallel_loop3A_183 {strides = array<i32>} : memref<128x128xf32, #tpu.memory_space<vmem>>, vector<1x16xf32>,
          %parallel_loop3A_184 = arith.index_cast %parallel_loop3A_96 : i32 to index
          %parallel_loop3A_185 = arith.constant 48 : index
          %parallel_loop3A_186 = tpu.vector_load %arg7[%parallel_loop3A_184, %parallel_loop3A_185] {strides = array<i32>} : memref<128x128xf32, #tpu.memory_space<vmem>>, vector<1x16xf32>,
          %parallel_loop3A_187 = vector.shape_cast %parallel_loop3A_186 : vector<1x16xf32> to vector<16xf32>
          %parallel_loop3A_188 = arith.index_cast %parallel_loop3A_96 : i32 to index
          %parallel_loop3A_189 = arith.constant 48 : index
          %parallel_loop3A_190 = tpu.vector_load %arg9[%parallel_loop3A_188, %parallel_loop3A_189] {strides = array<i32>} : memref<128x128xf32, #tpu.memory_space<vmem>>, vector<1x16xf32>,
          %parallel_loop3A_191 = vector.shape_cast %parallel_loop3A_190 : vector<1x16xf32> to vector<16xf32>
          %parallel_loop3A_192 = arith.addf %parallel_loop3A_187, %parallel_loop3A_191 : vector<16xf32>
          %parallel_loop3A_193 = arith.constant 0.000000e+00 : f32
          %parallel_loop3A_194 = vector.broadcast %parallel_loop3A_193 : f32 to vector<16xf32>
          %parallel_loop3A_195 = arith.subf %parallel_loop3A_194, %parallel_loop3A_192 : vector<16xf32>
          %parallel_loop3A_196 = math.exp %parallel_loop3A_195 : vector<16xf32>
          %parallel_loop3A_197 = arith.constant 1.000000e+00 : f32
          %parallel_loop3A_198 = vector.broadcast %parallel_loop3A_197 : f32 to vector<16xf32>
          %parallel_loop3A_199 = arith.addf %parallel_loop3A_198, %parallel_loop3A_196 : vector<16xf32>
          %parallel_loop3A_200 = arith.constant 1.000000e+00 : f32
          %parallel_loop3A_201 = vector.broadcast %parallel_loop3A_200 : f32 to vector<16xf32>
          %parallel_loop3A_202 = arith.divf %parallel_loop3A_201, %parallel_loop3A_199 : vector<16xf32>
          %parallel_loop3A_203 = arith.index_cast %parallel_loop3A_96 : i32 to index
          %parallel_loop3A_204 = arith.constant 48 : index
          %parallel_loop3A_205 = tpu.vector_load %arg8[%parallel_loop3A_203, %parallel_loop3A_204] {strides = array<i32>} : memref<128x128xf32, #tpu.memory_space<vmem>>, vector<1x16xf32>,
          %parallel_loop3A_206 = vector.shape_cast %parallel_loop3A_205 : vector<1x16xf32> to vector<16xf32>
          %parallel_loop3A_207 = arith.mulf %parallel_loop3A_202, %parallel_loop3A_206 : vector<16xf32>
          %parallel_loop3A_208 = arith.index_cast %parallel_loop3A_96 : i32 to index
          %parallel_loop3A_209 = arith.constant 48 : index
          %parallel_loop3A_210 = tpu.vector_load %arg7[%parallel_loop3A_208, %parallel_loop3A_209] {strides = array<i32>} : memref<128x128xf32, #tpu.memory_space<vmem>>, vector<1x16xf32>,
          %parallel_loop3A_211 = vector.shape_cast %parallel_loop3A_210 : vector<1x16xf32> to vector<16xf32>
          %parallel_loop3A_212 = vector.shape_cast %parallel_loop3A_207 : vector<16xf32> to vector<1x16xf32>
          tpu.vector_store %arg7[%parallel_loop3A_208, %parallel_loop3A_209], %parallel_loop3A_212 {strides = array<i32>} : memref<128x128xf32, #tpu.memory_space<vmem>>, vector<1x16xf32>,
          %parallel_loop3A_213 = arith.index_cast %parallel_loop3A_96 : i32 to index
          %parallel_loop3A_214 = arith.constant 64 : index
          %parallel_loop3A_215 = tpu.vector_load %arg7[%parallel_loop3A_213, %parallel_loop3A_214] {strides = array<i32>} : memref<128x128xf32, #tpu.memory_space<vmem>>, vector<1x16xf32>,
          %parallel_loop3A_216 = vector.shape_cast %parallel_loop3A_215 : vector<1x16xf32> to vector<16xf32>
          %parallel_loop3A_217 = arith.index_cast %parallel_loop3A_96 : i32 to index
          %parallel_loop3A_218 = arith.constant 64 : index
          %parallel_loop3A_219 = tpu.vector_load %arg9[%parallel_loop3A_217, %parallel_loop3A_218] {strides = array<i32>} : memref<128x128xf32, #tpu.memory_space<vmem>>, vector<1x16xf32>,
          %parallel_loop3A_220 = vector.shape_cast %parallel_loop3A_219 : vector<1x16xf32> to vector<16xf32>
          %parallel_loop3A_221 = arith.addf %parallel_loop3A_216, %parallel_loop3A_220 : vector<16xf32>
          %parallel_loop3A_222 = arith.constant 0.000000e+00 : f32
          %parallel_loop3A_223 = vector.broadcast %parallel_loop3A_222 : f32 to vector<16xf32>
          %parallel_loop3A_224 = arith.subf %parallel_loop3A_223, %parallel_loop3A_221 : vector<16xf32>
          %parallel_loop3A_225 = math.exp %parallel_loop3A_224 : vector<16xf32>
          %parallel_loop3A_226 = arith.constant 1.000000e+00 : f32
          %parallel_loop3A_227 = vector.broadcast %parallel_loop3A_226 : f32 to vector<16xf32>
          %parallel_loop3A_228 = arith.addf %parallel_loop3A_227, %parallel_loop3A_225 : vector<16xf32>
          %parallel_loop3A_229 = arith.constant 1.000000e+00 : f32
          %parallel_loop3A_230 = vector.broadcast %parallel_loop3A_229 : f32 to vector<16xf32>
          %parallel_loop3A_231 = arith.divf %parallel_loop3A_230, %parallel_loop3A_228 : vector<16xf32>
          %parallel_loop3A_232 = arith.index_cast %parallel_loop3A_96 : i32 to index
          %parallel_loop3A_233 = arith.constant 64 : index
          %parallel_loop3A_234 = tpu.vector_load %arg8[%parallel_loop3A_232, %parallel_loop3A_233] {strides = array<i32>} : memref<128x128xf32, #tpu.memory_space<vmem>>, vector<1x16xf32>,
          %parallel_loop3A_235 = vector.shape_cast %parallel_loop3A_234 : vector<1x16xf32> to vector<16xf32>
          %parallel_loop3A_236 = arith.mulf %parallel_loop3A_231, %parallel_loop3A_235 : vector<16xf32>
          %parallel_loop3A_237 = arith.index_cast %parallel_loop3A_96 : i32 to index
          %parallel_loop3A_238 = arith.constant 64 : index
          %parallel_loop3A_239 = tpu.vector_load %arg7[%parallel_loop3A_237, %parallel_loop3A_238] {strides = array<i32>} : memref<128x128xf32, #tpu.memory_space<vmem>>, vector<1x16xf32>,
          %parallel_loop3A_240 = vector.shape_cast %parallel_loop3A_239 : vector<1x16xf32> to vector<16xf32>
          %parallel_loop3A_241 = vector.shape_cast %parallel_loop3A_236 : vector<16xf32> to vector<1x16xf32>
          tpu.vector_store %arg7[%parallel_loop3A_237, %parallel_loop3A_238], %parallel_loop3A_241 {strides = array<i32>} : memref<128x128xf32, #tpu.memory_space<vmem>>, vector<1x16xf32>,
          %parallel_loop3A_242 = arith.index_cast %parallel_loop3A_96 : i32 to index
          %parallel_loop3A_243 = arith.constant 80 : index
          %parallel_loop3A_244 = tpu.vector_load %arg7[%parallel_loop3A_242, %parallel_loop3A_243] {strides = array<i32>} : memref<128x128xf32, #tpu.memory_space<vmem>>, vector<1x16xf32>,
          %parallel_loop3A_245 = vector.shape_cast %parallel_loop3A_244 : vector<1x16xf32> to vector<16xf32>
          %parallel_loop3A_246 = arith.index_cast %parallel_loop3A_96 : i32 to index
          %parallel_loop3A_247 = arith.constant 80 : index
          %parallel_loop3A_248 = tpu.vector_load %arg9[%parallel_loop3A_246, %parallel_loop3A_247] {strides = array<i32>} : memref<128x128xf32, #tpu.memory_space<vmem>>, vector<1x16xf32>,
          %parallel_loop3A_249 = vector.shape_cast %parallel_loop3A_248 : vector<1x16xf32> to vector<16xf32>
          %parallel_loop3A_250 = arith.addf %parallel_loop3A_245, %parallel_loop3A_249 : vector<16xf32>
          %parallel_loop3A_251 = arith.constant 0.000000e+00 : f32
          %parallel_loop3A_252 = vector.broadcast %parallel_loop3A_251 : f32 to vector<16xf32>
          %parallel_loop3A_253 = arith.subf %parallel_loop3A_252, %parallel_loop3A_250 : vector<16xf32>
          %parallel_loop3A_254 = math.exp %parallel_loop3A_253 : vector<16xf32>
          %parallel_loop3A_255 = arith.constant 1.000000e+00 : f32
          %parallel_loop3A_256 = vector.broadcast %parallel_loop3A_255 : f32 to vector<16xf32>
          %parallel_loop3A_257 = arith.addf %parallel_loop3A_256, %parallel_loop3A_254 : vector<16xf32>
          %parallel_loop3A_258 = arith.constant 1.000000e+00 : f32
          %parallel_loop3A_259 = vector.broadcast %parallel_loop3A_258 : f32 to vector<16xf32>
          %parallel_loop3A_260 = arith.divf %parallel_loop3A_259, %parallel_loop3A_257 : vector<16xf32>
          %parallel_loop3A_261 = arith.index_cast %parallel_loop3A_96 : i32 to index
          %parallel_loop3A_262 = arith.constant 80 : index
          %parallel_loop3A_263 = tpu.vector_load %arg8[%parallel_loop3A_261, %parallel_loop3A_262] {strides = array<i32>} : memref<128x128xf32, #tpu.memory_space<vmem>>, vector<1x16xf32>,
          %parallel_loop3A_264 = vector.shape_cast %parallel_loop3A_263 : vector<1x16xf32> to vector<16xf32>
          %parallel_loop3A_265 = arith.mulf %parallel_loop3A_260, %parallel_loop3A_264 : vector<16xf32>
          %parallel_loop3A_266 = arith.index_cast %parallel_loop3A_96 : i32 to index
          %parallel_loop3A_267 = arith.constant 80 : index
          %parallel_loop3A_268 = tpu.vector_load %arg7[%parallel_loop3A_266, %parallel_loop3A_267] {strides = array<i32>} : memref<128x128xf32, #tpu.memory_space<vmem>>, vector<1x16xf32>,
          %parallel_loop3A_269 = vector.shape_cast %parallel_loop3A_268 : vector<1x16xf32> to vector<16xf32>
          %parallel_loop3A_270 = vector.shape_cast %parallel_loop3A_265 : vector<16xf32> to vector<1x16xf32>
          tpu.vector_store %arg7[%parallel_loop3A_266, %parallel_loop3A_267], %parallel_loop3A_270 {strides = array<i32>} : memref<128x128xf32, #tpu.memory_space<vmem>>, vector<1x16xf32>,
          %parallel_loop3A_271 = arith.index_cast %parallel_loop3A_96 : i32 to index
          %parallel_loop3A_272 = arith.constant 96 : index
          %parallel_loop3A_273 = tpu.vector_load %arg7[%parallel_loop3A_271, %parallel_loop3A_272] {strides = array<i32>} : memref<128x128xf32, #tpu.memory_space<vmem>>, vector<1x16xf32>,
          %parallel_loop3A_274 = vector.shape_cast %parallel_loop3A_273 : vector<1x16xf32> to vector<16xf32>
          %parallel_loop3A_275 = arith.index_cast %parallel_loop3A_96 : i32 to index
          %parallel_loop3A_276 = arith.constant 96 : index
          %parallel_loop3A_277 = tpu.vector_load %arg9[%parallel_loop3A_275, %parallel_loop3A_276] {strides = array<i32>} : memref<128x128xf32, #tpu.memory_space<vmem>>, vector<1x16xf32>,
          %parallel_loop3A_278 = vector.shape_cast %parallel_loop3A_277 : vector<1x16xf32> to vector<16xf32>
          %parallel_loop3A_279 = arith.addf %parallel_loop3A_274, %parallel_loop3A_278 : vector<16xf32>
          %parallel_loop3A_280 = arith.constant 0.000000e+00 : f32
          %parallel_loop3A_281 = vector.broadcast %parallel_loop3A_280 : f32 to vector<16xf32>
          %parallel_loop3A_282 = arith.subf %parallel_loop3A_281, %parallel_loop3A_279 : vector<16xf32>
          %parallel_loop3A_283 = math.exp %parallel_loop3A_282 : vector<16xf32>
          %parallel_loop3A_284 = arith.constant 1.000000e+00 : f32
          %parallel_loop3A_285 = vector.broadcast %parallel_loop3A_284 : f32 to vector<16xf32>
          %parallel_loop3A_286 = arith.addf %parallel_loop3A_285, %parallel_loop3A_283 : vector<16xf32>
          %parallel_loop3A_287 = arith.constant 1.000000e+00 : f32
          %parallel_loop3A_288 = vector.broadcast %parallel_loop3A_287 : f32 to vector<16xf32>
          %parallel_loop3A_289 = arith.divf %parallel_loop3A_288, %parallel_loop3A_286 : vector<16xf32>
          %parallel_loop3A_290 = arith.index_cast %parallel_loop3A_96 : i32 to index
          %parallel_loop3A_291 = arith.constant 96 : index
          %parallel_loop3A_292 = tpu.vector_load %arg8[%parallel_loop3A_290, %parallel_loop3A_291] {strides = array<i32>} : memref<128x128xf32, #tpu.memory_space<vmem>>, vector<1x16xf32>,
          %parallel_loop3A_293 = vector.shape_cast %parallel_loop3A_292 : vector<1x16xf32> to vector<16xf32>
          %parallel_loop3A_294 = arith.mulf %parallel_loop3A_289, %parallel_loop3A_293 : vector<16xf32>
          %parallel_loop3A_295 = arith.index_cast %parallel_loop3A_96 : i32 to index
          %parallel_loop3A_296 = arith.constant 96 : index
          %parallel_loop3A_297 = tpu.vector_load %arg7[%parallel_loop3A_295, %parallel_loop3A_296] {strides = array<i32>} : memref<128x128xf32, #tpu.memory_space<vmem>>, vector<1x16xf32>,
          %parallel_loop3A_298 = vector.shape_cast %parallel_loop3A_297 : vector<1x16xf32> to vector<16xf32>
          %parallel_loop3A_299 = vector.shape_cast %parallel_loop3A_294 : vector<16xf32> to vector<1x16xf32>
          tpu.vector_store %arg7[%parallel_loop3A_295, %parallel_loop3A_296], %parallel_loop3A_299 {strides = array<i32>} : memref<128x128xf32, #tpu.memory_space<vmem>>, vector<1x16xf32>,
          %parallel_loop3A_300 = arith.index_cast %parallel_loop3A_96 : i32 to index
          %parallel_loop3A_301 = arith.constant 112 : index
          %parallel_loop3A_302 = tpu.vector_load %arg7[%parallel_loop3A_300, %parallel_loop3A_301] {strides = array<i32>} : memref<128x128xf32, #tpu.memory_space<vmem>>, vector<1x16xf32>,
          %parallel_loop3A_303 = vector.shape_cast %parallel_loop3A_302 : vector<1x16xf32> to vector<16xf32>
          %parallel_loop3A_304 = arith.index_cast %parallel_loop3A_96 : i32 to index
          %parallel_loop3A_305 = arith.constant 112 : index
          %parallel_loop3A_306 = tpu.vector_load %arg9[%parallel_loop3A_304, %parallel_loop3A_305] {strides = array<i32>} : memref<128x128xf32, #tpu.memory_space<vmem>>, vector<1x16xf32>,
          %parallel_loop3A_307 = vector.shape_cast %parallel_loop3A_306 : vector<1x16xf32> to vector<16xf32>
          %parallel_loop3A_308 = arith.addf %parallel_loop3A_303, %parallel_loop3A_307 : vector<16xf32>
          %parallel_loop3A_309 = arith.constant 0.000000e+00 : f32
          %parallel_loop3A_310 = vector.broadcast %parallel_loop3A_309 : f32 to vector<16xf32>
          %parallel_loop3A_311 = arith.subf %parallel_loop3A_310, %parallel_loop3A_308 : vector<16xf32>
          %parallel_loop3A_312 = math.exp %parallel_loop3A_311 : vector<16xf32>
          %parallel_loop3A_313 = arith.constant 1.000000e+00 : f32
          %parallel_loop3A_314 = vector.broadcast %parallel_loop3A_313 : f32 to vector<16xf32>
          %parallel_loop3A_315 = arith.addf %parallel_loop3A_314, %parallel_loop3A_312 : vector<16xf32>
          %parallel_loop3A_316 = arith.constant 1.000000e+00 : f32
          %parallel_loop3A_317 = vector.broadcast %parallel_loop3A_316 : f32 to vector<16xf32>
          %parallel_loop3A_318 = arith.divf %parallel_loop3A_317, %parallel_loop3A_315 : vector<16xf32>
          %parallel_loop3A_319 = arith.index_cast %parallel_loop3A_96 : i32 to index
          %parallel_loop3A_320 = arith.constant 112 : index
          %parallel_loop3A_321 = tpu.vector_load %arg8[%parallel_loop3A_319, %parallel_loop3A_320] {strides = array<i32>} : memref<128x128xf32, #tpu.memory_space<vmem>>, vector<1x16xf32>,
          %parallel_loop3A_322 = vector.shape_cast %parallel_loop3A_321 : vector<1x16xf32> to vector<16xf32>
          %parallel_loop3A_323 = arith.mulf %parallel_loop3A_318, %parallel_loop3A_322 : vector<16xf32>
          %parallel_loop3A_324 = arith.index_cast %parallel_loop3A_96 : i32 to index
          %parallel_loop3A_325 = arith.constant 112 : index
          %parallel_loop3A_326 = tpu.vector_load %arg7[%parallel_loop3A_324, %parallel_loop3A_325] {strides = array<i32>} : memref<128x128xf32, #tpu.memory_space<vmem>>, vector<1x16xf32>,
          %parallel_loop3A_327 = vector.shape_cast %parallel_loop3A_326 : vector<1x16xf32> to vector<16xf32>
          %parallel_loop3A_328 = vector.shape_cast %parallel_loop3A_323 : vector<16xf32> to vector<1x16xf32>
          tpu.vector_store %arg7[%parallel_loop3A_324, %parallel_loop3A_325], %parallel_loop3A_328 {strides = array<i32>} : memref<128x128xf32, #tpu.memory_space<vmem>>, vector<1x16xf32>,
        } {sc.loop_unroll_factor = 4 : i64, sc.parallel_access}
        %dma_wait3A_85 = arith.constant 64 : i32
        %dma_wait3A_86 = arith.constant 0 : i32
        %dma_wait3A_87 = tpu.memref_slice %arg9[%dma_wait3A_85, %dma_wait3A_86] : memref<128x128xf32, #tpu.memory_space<vmem>> -> memref<64x128xf32, #tpu.memory_space<vmem>>
        %dma_wait3A_88 = arith.constant 64 : i32
        %dma_wait3A_89 = tpu.memref_slice %arg10[%dma_wait3A_88] : memref<128xi32, #tpu.memory_space<vmem>> -> memref<64xi32, #tpu.memory_space<vmem>>
        %dma_wait3A_90 = arith.constant 0 : i32
        %dma_wait3A_91 = arith.constant 0 : i32
        %dma_wait3A_92 = tpu.memref_slice %arg5[%dma_wait3A_90, %dma_wait3A_91] : memref<10000x128xf32, #tpu.memory_space<hbm>> -> memref<10000x128xf32, #tpu.memory_space<hbm>>
        tpu.wait_indirect_dma semaphore(%arg15 : memref<!tpu.dma_semaphore, #tpu.memory_space<semaphore_mem>>) src(%dma_wait3A_92 : memref<10000x128xf32, #tpu.memory_space<hbm>>) dst(%dma_wait3A_87 : memref<64x128xf32, #tpu.memory_space<vmem>>)
        %parallel_loop3A_93 = arith.constant 64 : i32
        %parallel_loop3A_94 = arith.constant 128 : i32
        %parallel_loop3A_95 = arith.constant 1 : i32
        scf.for %parallel_loop3A_96 = %parallel_loop3A_93 to %parallel_loop3A_94 step %parallel_loop3A_95  : i32 {
          %parallel_loop3A_97 = arith.index_cast %parallel_loop3A_96 : i32 to index
          %parallel_loop3A_98 = arith.constant 0 : index
          %parallel_loop3A_99 = tpu.vector_load %arg7[%parallel_loop3A_97, %parallel_loop3A_98] {strides = array<i32>} : memref<128x128xf32, #tpu.memory_space<vmem>>, vector<1x16xf32>,
          %parallel_loop3A_100 = vector.shape_cast %parallel_loop3A_99 : vector<1x16xf32> to vector<16xf32>
          %parallel_loop3A_101 = arith.index_cast %parallel_loop3A_96 : i32 to index
          %parallel_loop3A_102 = arith.constant 0 : index
          %parallel_loop3A_103 = tpu.vector_load %arg9[%parallel_loop3A_101, %parallel_loop3A_102] {strides = array<i32>} : memref<128x128xf32, #tpu.memory_space<vmem>>, vector<1x16xf32>,
          %parallel_loop3A_104 = vector.shape_cast %parallel_loop3A_103 : vector<1x16xf32> to vector<16xf32>
          %parallel_loop3A_105 = arith.addf %parallel_loop3A_100, %parallel_loop3A_104 : vector<16xf32>
          %parallel_loop3A_106 = arith.constant 0.000000e+00 : f32
          %parallel_loop3A_107 = vector.broadcast %parallel_loop3A_106 : f32 to vector<16xf32>
          %parallel_loop3A_108 = arith.subf %parallel_loop3A_107, %parallel_loop3A_105 : vector<16xf32>
          %parallel_loop3A_109 = math.exp %parallel_loop3A_108 : vector<16xf32>
          %parallel_loop3A_110 = arith.constant 1.000000e+00 : f32
          %parallel_loop3A_111 = vector.broadcast %parallel_loop3A_110 : f32 to vector<16xf32>
          %parallel_loop3A_112 = arith.addf %parallel_loop3A_111, %parallel_loop3A_109 : vector<16xf32>
          %parallel_loop3A_113 = arith.constant 1.000000e+00 : f32
          %parallel_loop3A_114 = vector.broadcast %parallel_loop3A_113 : f32 to vector<16xf32>
          %parallel_loop3A_115 = arith.divf %parallel_loop3A_114, %parallel_loop3A_112 : vector<16xf32>
          %parallel_loop3A_116 = arith.index_cast %parallel_loop3A_96 : i32 to index
          %parallel_loop3A_117 = arith.constant 0 : index
          %parallel_loop3A_118 = tpu.vector_load %arg8[%parallel_loop3A_116, %parallel_loop3A_117] {strides = array<i32>} : memref<128x128xf32, #tpu.memory_space<vmem>>, vector<1x16xf32>,
          %parallel_loop3A_119 = vector.shape_cast %parallel_loop3A_118 : vector<1x16xf32> to vector<16xf32>
          %parallel_loop3A_120 = arith.mulf %parallel_loop3A_115, %parallel_loop3A_119 : vector<16xf32>
          %parallel_loop3A_121 = arith.index_cast %parallel_loop3A_96 : i32 to index
          %parallel_loop3A_122 = arith.constant 0 : index
          %parallel_loop3A_123 = tpu.vector_load %arg7[%parallel_loop3A_121, %parallel_loop3A_122] {strides = array<i32>} : memref<128x128xf32, #tpu.memory_space<vmem>>, vector<1x16xf32>,
          %parallel_loop3A_124 = vector.shape_cast %parallel_loop3A_123 : vector<1x16xf32> to vector<16xf32>
          %parallel_loop3A_125 = vector.shape_cast %parallel_loop3A_120 : vector<16xf32> to vector<1x16xf32>
          tpu.vector_store %arg7[%parallel_loop3A_121, %parallel_loop3A_122], %parallel_loop3A_125 {strides = array<i32>} : memref<128x128xf32, #tpu.memory_space<vmem>>, vector<1x16xf32>,
          %parallel_loop3A_126 = arith.index_cast %parallel_loop3A_96 : i32 to index
          %parallel_loop3A_127 = arith.constant 16 : index
          %parallel_loop3A_128 = tpu.vector_load %arg7[%parallel_loop3A_126, %parallel_loop3A_127] {strides = array<i32>} : memref<128x128xf32, #tpu.memory_space<vmem>>, vector<1x16xf32>,
          %parallel_loop3A_129 = vector.shape_cast %parallel_loop3A_128 : vector<1x16xf32> to vector<16xf32>
          %parallel_loop3A_130 = arith.index_cast %parallel_loop3A_96 : i32 to index
          %parallel_loop3A_131 = arith.constant 16 : index
          %parallel_loop3A_132 = tpu.vector_load %arg9[%parallel_loop3A_130, %parallel_loop3A_131] {strides = array<i32>} : memref<128x128xf32, #tpu.memory_space<vmem>>, vector<1x16xf32>,
          %parallel_loop3A_133 = vector.shape_cast %parallel_loop3A_132 : vector<1x16xf32> to vector<16xf32>
          %parallel_loop3A_134 = arith.addf %parallel_loop3A_129, %parallel_loop3A_133 : vector<16xf32>
          %parallel_loop3A_135 = arith.constant 0.000000e+00 : f32
          %parallel_loop3A_136 = vector.broadcast %parallel_loop3A_135 : f32 to vector<16xf32>
          %parallel_loop3A_137 = arith.subf %parallel_loop3A_136, %parallel_loop3A_134 : vector<16xf32>
          %parallel_loop3A_138 = math.exp %parallel_loop3A_137 : vector<16xf32>
          %parallel_loop3A_139 = arith.constant 1.000000e+00 : f32
          %parallel_loop3A_140 = vector.broadcast %parallel_loop3A_139 : f32 to vector<16xf32>
          %parallel_loop3A_141 = arith.addf %parallel_loop3A_140, %parallel_loop3A_138 : vector<16xf32>
          %parallel_loop3A_142 = arith.constant 1.000000e+00 : f32
          %parallel_loop3A_143 = vector.broadcast %parallel_loop3A_142 : f32 to vector<16xf32>
          %parallel_loop3A_144 = arith.divf %parallel_loop3A_143, %parallel_loop3A_141 : vector<16xf32>
          %parallel_loop3A_145 = arith.index_cast %parallel_loop3A_96 : i32 to index
          %parallel_loop3A_146 = arith.constant 16 : index
          %parallel_loop3A_147 = tpu.vector_load %arg8[%parallel_loop3A_145, %parallel_loop3A_146] {strides = array<i32>} : memref<128x128xf32, #tpu.memory_space<vmem>>, vector<1x16xf32>,
          %parallel_loop3A_148 = vector.shape_cast %parallel_loop3A_147 : vector<1x16xf32> to vector<16xf32>
          %parallel_loop3A_149 = arith.mulf %parallel_loop3A_144, %parallel_loop3A_148 : vector<16xf32>
          %parallel_loop3A_150 = arith.index_cast %parallel_loop3A_96 : i32 to index
          %parallel_loop3A_151 = arith.constant 16 : index
          %parallel_loop3A_152 = tpu.vector_load %arg7[%parallel_loop3A_150, %parallel_loop3A_151] {strides = array<i32>} : memref<128x128xf32, #tpu.memory_space<vmem>>, vector<1x16xf32>,
          %parallel_loop3A_153 = vector.shape_cast %parallel_loop3A_152 : vector<1x16xf32> to vector<16xf32>
          %parallel_loop3A_154 = vector.shape_cast %parallel_loop3A_149 : vector<16xf32> to vector<1x16xf32>
          tpu.vector_store %arg7[%parallel_loop3A_150, %parallel_loop3A_151], %parallel_loop3A_154 {strides = array<i32>} : memref<128x128xf32, #tpu.memory_space<vmem>>, vector<1x16xf32>,
          %parallel_loop3A_155 = arith.index_cast %parallel_loop3A_96 : i32 to index
          %parallel_loop3A_156 = arith.constant 32 : index
          %parallel_loop3A_157 = tpu.vector_load %arg7[%parallel_loop3A_155, %parallel_loop3A_156] {strides = array<i32>} : memref<128x128xf32, #tpu.memory_space<vmem>>, vector<1x16xf32>,
          %parallel_loop3A_158 = vector.shape_cast %parallel_loop3A_157 : vector<1x16xf32> to vector<16xf32>
          %parallel_loop3A_159 = arith.index_cast %parallel_loop3A_96 : i32 to index
          %parallel_loop3A_160 = arith.constant 32 : index
          %parallel_loop3A_161 = tpu.vector_load %arg9[%parallel_loop3A_159, %parallel_loop3A_160] {strides = array<i32>} : memref<128x128xf32, #tpu.memory_space<vmem>>, vector<1x16xf32>,
          %parallel_loop3A_162 = vector.shape_cast %parallel_loop3A_161 : vector<1x16xf32> to vector<16xf32>
          %parallel_loop3A_163 = arith.addf %parallel_loop3A_158, %parallel_loop3A_162 : vector<16xf32>
          %parallel_loop3A_164 = arith.constant 0.000000e+00 : f32
          %parallel_loop3A_165 = vector.broadcast %parallel_loop3A_164 : f32 to vector<16xf32>
          %parallel_loop3A_166 = arith.subf %parallel_loop3A_165, %parallel_loop3A_163 : vector<16xf32>
          %parallel_loop3A_167 = math.exp %parallel_loop3A_166 : vector<16xf32>
          %parallel_loop3A_168 = arith.constant 1.000000e+00 : f32
          %parallel_loop3A_169 = vector.broadcast %parallel_loop3A_168 : f32 to vector<16xf32>
          %parallel_loop3A_170 = arith.addf %parallel_loop3A_169, %parallel_loop3A_167 : vector<16xf32>
          %parallel_loop3A_171 = arith.constant 1.000000e+00 : f32
          %parallel_loop3A_172 = vector.broadcast %parallel_loop3A_171 : f32 to vector<16xf32>
          %parallel_loop3A_173 = arith.divf %parallel_loop3A_172, %parallel_loop3A_170 : vector<16xf32>
          %parallel_loop3A_174 = arith.index_cast %parallel_loop3A_96 : i32 to index
          %parallel_loop3A_175 = arith.constant 32 : index
          %parallel_loop3A_176 = tpu.vector_load %arg8[%parallel_loop3A_174, %parallel_loop3A_175] {strides = array<i32>} : memref<128x128xf32, #tpu.memory_space<vmem>>, vector<1x16xf32>,
          %parallel_loop3A_177 = vector.shape_cast %parallel_loop3A_176 : vector<1x16xf32> to vector<16xf32>
          %parallel_loop3A_178 = arith.mulf %parallel_loop3A_173, %parallel_loop3A_177 : vector<16xf32>
          %parallel_loop3A_179 = arith.index_cast %parallel_loop3A_96 : i32 to index
          %parallel_loop3A_180 = arith.constant 32 : index
          %parallel_loop3A_181 = tpu.vector_load %arg7[%parallel_loop3A_179, %parallel_loop3A_180] {strides = array<i32>} : memref<128x128xf32, #tpu.memory_space<vmem>>, vector<1x16xf32>,
          %parallel_loop3A_182 = vector.shape_cast %parallel_loop3A_181 : vector<1x16xf32> to vector<16xf32>
          %parallel_loop3A_183 = vector.shape_cast %parallel_loop3A_178 : vector<16xf32> to vector<1x16xf32>
          tpu.vector_store %arg7[%parallel_loop3A_179, %parallel_loop3A_180], %parallel_loop3A_183 {strides = array<i32>} : memref<128x128xf32, #tpu.memory_space<vmem>>, vector<1x16xf32>,
          %parallel_loop3A_184 = arith.index_cast %parallel_loop3A_96 : i32 to index
          %parallel_loop3A_185 = arith.constant 48 : index
          %parallel_loop3A_186 = tpu.vector_load %arg7[%parallel_loop3A_184, %parallel_loop3A_185] {strides = array<i32>} : memref<128x128xf32, #tpu.memory_space<vmem>>, vector<1x16xf32>,
          %parallel_loop3A_187 = vector.shape_cast %parallel_loop3A_186 : vector<1x16xf32> to vector<16xf32>
          %parallel_loop3A_188 = arith.index_cast %parallel_loop3A_96 : i32 to index
          %parallel_loop3A_189 = arith.constant 48 : index
          %parallel_loop3A_190 = tpu.vector_load %arg9[%parallel_loop3A_188, %parallel_loop3A_189] {strides = array<i32>} : memref<128x128xf32, #tpu.memory_space<vmem>>, vector<1x16xf32>,
          %parallel_loop3A_191 = vector.shape_cast %parallel_loop3A_190 : vector<1x16xf32> to vector<16xf32>
          %parallel_loop3A_192 = arith.addf %parallel_loop3A_187, %parallel_loop3A_191 : vector<16xf32>
          %parallel_loop3A_193 = arith.constant 0.000000e+00 : f32
          %parallel_loop3A_194 = vector.broadcast %parallel_loop3A_193 : f32 to vector<16xf32>
          %parallel_loop3A_195 = arith.subf %parallel_loop3A_194, %parallel_loop3A_192 : vector<16xf32>
          %parallel_loop3A_196 = math.exp %parallel_loop3A_195 : vector<16xf32>
          %parallel_loop3A_197 = arith.constant 1.000000e+00 : f32
          %parallel_loop3A_198 = vector.broadcast %parallel_loop3A_197 : f32 to vector<16xf32>
          %parallel_loop3A_199 = arith.addf %parallel_loop3A_198, %parallel_loop3A_196 : vector<16xf32>
          %parallel_loop3A_200 = arith.constant 1.000000e+00 : f32
          %parallel_loop3A_201 = vector.broadcast %parallel_loop3A_200 : f32 to vector<16xf32>
          %parallel_loop3A_202 = arith.divf %parallel_loop3A_201, %parallel_loop3A_199 : vector<16xf32>
          %parallel_loop3A_203 = arith.index_cast %parallel_loop3A_96 : i32 to index
          %parallel_loop3A_204 = arith.constant 48 : index
          %parallel_loop3A_205 = tpu.vector_load %arg8[%parallel_loop3A_203, %parallel_loop3A_204] {strides = array<i32>} : memref<128x128xf32, #tpu.memory_space<vmem>>, vector<1x16xf32>,
          %parallel_loop3A_206 = vector.shape_cast %parallel_loop3A_205 : vector<1x16xf32> to vector<16xf32>
          %parallel_loop3A_207 = arith.mulf %parallel_loop3A_202, %parallel_loop3A_206 : vector<16xf32>
          %parallel_loop3A_208 = arith.index_cast %parallel_loop3A_96 : i32 to index
          %parallel_loop3A_209 = arith.constant 48 : index
          %parallel_loop3A_210 = tpu.vector_load %arg7[%parallel_loop3A_208, %parallel_loop3A_209] {strides = array<i32>} : memref<128x128xf32, #tpu.memory_space<vmem>>, vector<1x16xf32>,
          %parallel_loop3A_211 = vector.shape_cast %parallel_loop3A_210 : vector<1x16xf32> to vector<16xf32>
          %parallel_loop3A_212 = vector.shape_cast %parallel_loop3A_207 : vector<16xf32> to vector<1x16xf32>
          tpu.vector_store %arg7[%parallel_loop3A_208, %parallel_loop3A_209], %parallel_loop3A_212 {strides = array<i32>} : memref<128x128xf32, #tpu.memory_space<vmem>>, vector<1x16xf32>,
          %parallel_loop3A_213 = arith.index_cast %parallel_loop3A_96 : i32 to index
          %parallel_loop3A_214 = arith.constant 64 : index
          %parallel_loop3A_215 = tpu.vector_load %arg7[%parallel_loop3A_213, %parallel_loop3A_214] {strides = array<i32>} : memref<128x128xf32, #tpu.memory_space<vmem>>, vector<1x16xf32>,
          %parallel_loop3A_216 = vector.shape_cast %parallel_loop3A_215 : vector<1x16xf32> to vector<16xf32>
          %parallel_loop3A_217 = arith.index_cast %parallel_loop3A_96 : i32 to index
          %parallel_loop3A_218 = arith.constant 64 : index
          %parallel_loop3A_219 = tpu.vector_load %arg9[%parallel_loop3A_217, %parallel_loop3A_218] {strides = array<i32>} : memref<128x128xf32, #tpu.memory_space<vmem>>, vector<1x16xf32>,
          %parallel_loop3A_220 = vector.shape_cast %parallel_loop3A_219 : vector<1x16xf32> to vector<16xf32>
          %parallel_loop3A_221 = arith.addf %parallel_loop3A_216, %parallel_loop3A_220 : vector<16xf32>
          %parallel_loop3A_222 = arith.constant 0.000000e+00 : f32
          %parallel_loop3A_223 = vector.broadcast %parallel_loop3A_222 : f32 to vector<16xf32>
          %parallel_loop3A_224 = arith.subf %parallel_loop3A_223, %parallel_loop3A_221 : vector<16xf32>
          %parallel_loop3A_225 = math.exp %parallel_loop3A_224 : vector<16xf32>
          %parallel_loop3A_226 = arith.constant 1.000000e+00 : f32
          %parallel_loop3A_227 = vector.broadcast %parallel_loop3A_226 : f32 to vector<16xf32>
          %parallel_loop3A_228 = arith.addf %parallel_loop3A_227, %parallel_loop3A_225 : vector<16xf32>
          %parallel_loop3A_229 = arith.constant 1.000000e+00 : f32
          %parallel_loop3A_230 = vector.broadcast %parallel_loop3A_229 : f32 to vector<16xf32>
          %parallel_loop3A_231 = arith.divf %parallel_loop3A_230, %parallel_loop3A_228 : vector<16xf32>
          %parallel_loop3A_232 = arith.index_cast %parallel_loop3A_96 : i32 to index
          %parallel_loop3A_233 = arith.constant 64 : index
          %parallel_loop3A_234 = tpu.vector_load %arg8[%parallel_loop3A_232, %parallel_loop3A_233] {strides = array<i32>} : memref<128x128xf32, #tpu.memory_space<vmem>>, vector<1x16xf32>,
          %parallel_loop3A_235 = vector.shape_cast %parallel_loop3A_234 : vector<1x16xf32> to vector<16xf32>
          %parallel_loop3A_236 = arith.mulf %parallel_loop3A_231, %parallel_loop3A_235 : vector<16xf32>
          %parallel_loop3A_237 = arith.index_cast %parallel_loop3A_96 : i32 to index
          %parallel_loop3A_238 = arith.constant 64 : index
          %parallel_loop3A_239 = tpu.vector_load %arg7[%parallel_loop3A_237, %parallel_loop3A_238] {strides = array<i32>} : memref<128x128xf32, #tpu.memory_space<vmem>>, vector<1x16xf32>,
          %parallel_loop3A_240 = vector.shape_cast %parallel_loop3A_239 : vector<1x16xf32> to vector<16xf32>
          %parallel_loop3A_241 = vector.shape_cast %parallel_loop3A_236 : vector<16xf32> to vector<1x16xf32>
          tpu.vector_store %arg7[%parallel_loop3A_237, %parallel_loop3A_238], %parallel_loop3A_241 {strides = array<i32>} : memref<128x128xf32, #tpu.memory_space<vmem>>, vector<1x16xf32>,
          %parallel_loop3A_242 = arith.index_cast %parallel_loop3A_96 : i32 to index
          %parallel_loop3A_243 = arith.constant 80 : index
          %parallel_loop3A_244 = tpu.vector_load %arg7[%parallel_loop3A_242, %parallel_loop3A_243] {strides = array<i32>} : memref<128x128xf32, #tpu.memory_space<vmem>>, vector<1x16xf32>,
          %parallel_loop3A_245 = vector.shape_cast %parallel_loop3A_244 : vector<1x16xf32> to vector<16xf32>
          %parallel_loop3A_246 = arith.index_cast %parallel_loop3A_96 : i32 to index
          %parallel_loop3A_247 = arith.constant 80 : index
          %parallel_loop3A_248 = tpu.vector_load %arg9[%parallel_loop3A_246, %parallel_loop3A_247] {strides = array<i32>} : memref<128x128xf32, #tpu.memory_space<vmem>>, vector<1x16xf32>,
          %parallel_loop3A_249 = vector.shape_cast %parallel_loop3A_248 : vector<1x16xf32> to vector<16xf32>
          %parallel_loop3A_250 = arith.addf %parallel_loop3A_245, %parallel_loop3A_249 : vector<16xf32>
          %parallel_loop3A_251 = arith.constant 0.000000e+00 : f32
          %parallel_loop3A_252 = vector.broadcast %parallel_loop3A_251 : f32 to vector<16xf32>
          %parallel_loop3A_253 = arith.subf %parallel_loop3A_252, %parallel_loop3A_250 : vector<16xf32>
          %parallel_loop3A_254 = math.exp %parallel_loop3A_253 : vector<16xf32>
          %parallel_loop3A_255 = arith.constant 1.000000e+00 : f32
          %parallel_loop3A_256 = vector.broadcast %parallel_loop3A_255 : f32 to vector<16xf32>
          %parallel_loop3A_257 = arith.addf %parallel_loop3A_256, %parallel_loop3A_254 : vector<16xf32>
          %parallel_loop3A_258 = arith.constant 1.000000e+00 : f32
          %parallel_loop3A_259 = vector.broadcast %parallel_loop3A_258 : f32 to vector<16xf32>
          %parallel_loop3A_260 = arith.divf %parallel_loop3A_259, %parallel_loop3A_257 : vector<16xf32>
          %parallel_loop3A_261 = arith.index_cast %parallel_loop3A_96 : i32 to index
          %parallel_loop3A_262 = arith.constant 80 : index
          %parallel_loop3A_263 = tpu.vector_load %arg8[%parallel_loop3A_261, %parallel_loop3A_262] {strides = array<i32>} : memref<128x128xf32, #tpu.memory_space<vmem>>, vector<1x16xf32>,
          %parallel_loop3A_264 = vector.shape_cast %parallel_loop3A_263 : vector<1x16xf32> to vector<16xf32>
          %parallel_loop3A_265 = arith.mulf %parallel_loop3A_260, %parallel_loop3A_264 : vector<16xf32>
          %parallel_loop3A_266 = arith.index_cast %parallel_loop3A_96 : i32 to index
          %parallel_loop3A_267 = arith.constant 80 : index
          %parallel_loop3A_268 = tpu.vector_load %arg7[%parallel_loop3A_266, %parallel_loop3A_267] {strides = array<i32>} : memref<128x128xf32, #tpu.memory_space<vmem>>, vector<1x16xf32>,
          %parallel_loop3A_269 = vector.shape_cast %parallel_loop3A_268 : vector<1x16xf32> to vector<16xf32>
          %parallel_loop3A_270 = vector.shape_cast %parallel_loop3A_265 : vector<16xf32> to vector<1x16xf32>
          tpu.vector_store %arg7[%parallel_loop3A_266, %parallel_loop3A_267], %parallel_loop3A_270 {strides = array<i32>} : memref<128x128xf32, #tpu.memory_space<vmem>>, vector<1x16xf32>,
          %parallel_loop3A_271 = arith.index_cast %parallel_loop3A_96 : i32 to index
          %parallel_loop3A_272 = arith.constant 96 : index
          %parallel_loop3A_273 = tpu.vector_load %arg7[%parallel_loop3A_271, %parallel_loop3A_272] {strides = array<i32>} : memref<128x128xf32, #tpu.memory_space<vmem>>, vector<1x16xf32>,
          %parallel_loop3A_274 = vector.shape_cast %parallel_loop3A_273 : vector<1x16xf32> to vector<16xf32>
          %parallel_loop3A_275 = arith.index_cast %parallel_loop3A_96 : i32 to index
          %parallel_loop3A_276 = arith.constant 96 : index
          %parallel_loop3A_277 = tpu.vector_load %arg9[%parallel_loop3A_275, %parallel_loop3A_276] {strides = array<i32>} : memref<128x128xf32, #tpu.memory_space<vmem>>, vector<1x16xf32>,
          %parallel_loop3A_278 = vector.shape_cast %parallel_loop3A_277 : vector<1x16xf32> to vector<16xf32>
          %parallel_loop3A_279 = arith.addf %parallel_loop3A_274, %parallel_loop3A_278 : vector<16xf32>
          %parallel_loop3A_280 = arith.constant 0.000000e+00 : f32
          %parallel_loop3A_281 = vector.broadcast %parallel_loop3A_280 : f32 to vector<16xf32>
          %parallel_loop3A_282 = arith.subf %parallel_loop3A_281, %parallel_loop3A_279 : vector<16xf32>
          %parallel_loop3A_283 = math.exp %parallel_loop3A_282 : vector<16xf32>
          %parallel_loop3A_284 = arith.constant 1.000000e+00 : f32
          %parallel_loop3A_285 = vector.broadcast %parallel_loop3A_284 : f32 to vector<16xf32>
          %parallel_loop3A_286 = arith.addf %parallel_loop3A_285, %parallel_loop3A_283 : vector<16xf32>
          %parallel_loop3A_287 = arith.constant 1.000000e+00 : f32
          %parallel_loop3A_288 = vector.broadcast %parallel_loop3A_287 : f32 to vector<16xf32>
          %parallel_loop3A_289 = arith.divf %parallel_loop3A_288, %parallel_loop3A_286 : vector<16xf32>
          %parallel_loop3A_290 = arith.index_cast %parallel_loop3A_96 : i32 to index
          %parallel_loop3A_291 = arith.constant 96 : index
          %parallel_loop3A_292 = tpu.vector_load %arg8[%parallel_loop3A_290, %parallel_loop3A_291] {strides = array<i32>} : memref<128x128xf32, #tpu.memory_space<vmem>>, vector<1x16xf32>,
          %parallel_loop3A_293 = vector.shape_cast %parallel_loop3A_292 : vector<1x16xf32> to vector<16xf32>
          %parallel_loop3A_294 = arith.mulf %parallel_loop3A_289, %parallel_loop3A_293 : vector<16xf32>
          %parallel_loop3A_295 = arith.index_cast %parallel_loop3A_96 : i32 to index
          %parallel_loop3A_296 = arith.constant 96 : index
          %parallel_loop3A_297 = tpu.vector_load %arg7[%parallel_loop3A_295, %parallel_loop3A_296] {strides = array<i32>} : memref<128x128xf32, #tpu.memory_space<vmem>>, vector<1x16xf32>,
          %parallel_loop3A_298 = vector.shape_cast %parallel_loop3A_297 : vector<1x16xf32> to vector<16xf32>
          %parallel_loop3A_299 = vector.shape_cast %parallel_loop3A_294 : vector<16xf32> to vector<1x16xf32>
          tpu.vector_store %arg7[%parallel_loop3A_295, %parallel_loop3A_296], %parallel_loop3A_299 {strides = array<i32>} : memref<128x128xf32, #tpu.memory_space<vmem>>, vector<1x16xf32>,
          %parallel_loop3A_300 = arith.index_cast %parallel_loop3A_96 : i32 to index
          %parallel_loop3A_301 = arith.constant 112 : index
          %parallel_loop3A_302 = tpu.vector_load %arg7[%parallel_loop3A_300, %parallel_loop3A_301] {strides = array<i32>} : memref<128x128xf32, #tpu.memory_space<vmem>>, vector<1x16xf32>,
          %parallel_loop3A_303 = vector.shape_cast %parallel_loop3A_302 : vector<1x16xf32> to vector<16xf32>
          %parallel_loop3A_304 = arith.index_cast %parallel_loop3A_96 : i32 to index
          %parallel_loop3A_305 = arith.constant 112 : index
          %parallel_loop3A_306 = tpu.vector_load %arg9[%parallel_loop3A_304, %parallel_loop3A_305] {strides = array<i32>} : memref<128x128xf32, #tpu.memory_space<vmem>>, vector<1x16xf32>,
          %parallel_loop3A_307 = vector.shape_cast %parallel_loop3A_306 : vector<1x16xf32> to vector<16xf32>
          %parallel_loop3A_308 = arith.addf %parallel_loop3A_303, %parallel_loop3A_307 : vector<16xf32>
          %parallel_loop3A_309 = arith.constant 0.000000e+00 : f32
          %parallel_loop3A_310 = vector.broadcast %parallel_loop3A_309 : f32 to vector<16xf32>
          %parallel_loop3A_311 = arith.subf %parallel_loop3A_310, %parallel_loop3A_308 : vector<16xf32>
          %parallel_loop3A_312 = math.exp %parallel_loop3A_311 : vector<16xf32>
          %parallel_loop3A_313 = arith.constant 1.000000e+00 : f32
          %parallel_loop3A_314 = vector.broadcast %parallel_loop3A_313 : f32 to vector<16xf32>
          %parallel_loop3A_315 = arith.addf %parallel_loop3A_314, %parallel_loop3A_312 : vector<16xf32>
          %parallel_loop3A_316 = arith.constant 1.000000e+00 : f32
          %parallel_loop3A_317 = vector.broadcast %parallel_loop3A_316 : f32 to vector<16xf32>
          %parallel_loop3A_318 = arith.divf %parallel_loop3A_317, %parallel_loop3A_315 : vector<16xf32>
          %parallel_loop3A_319 = arith.index_cast %parallel_loop3A_96 : i32 to index
          %parallel_loop3A_320 = arith.constant 112 : index
          %parallel_loop3A_321 = tpu.vector_load %arg8[%parallel_loop3A_319, %parallel_loop3A_320] {strides = array<i32>} : memref<128x128xf32, #tpu.memory_space<vmem>>, vector<1x16xf32>,
          %parallel_loop3A_322 = vector.shape_cast %parallel_loop3A_321 : vector<1x16xf32> to vector<16xf32>
          %parallel_loop3A_323 = arith.mulf %parallel_loop3A_318, %parallel_loop3A_322 : vector<16xf32>
          %parallel_loop3A_324 = arith.index_cast %parallel_loop3A_96 : i32 to index
          %parallel_loop3A_325 = arith.constant 112 : index
          %parallel_loop3A_326 = tpu.vector_load %arg7[%parallel_loop3A_324, %parallel_loop3A_325] {strides = array<i32>} : memref<128x128xf32, #tpu.memory_space<vmem>>, vector<1x16xf32>,
          %parallel_loop3A_327 = vector.shape_cast %parallel_loop3A_326 : vector<1x16xf32> to vector<16xf32>
          %parallel_loop3A_328 = vector.shape_cast %parallel_loop3A_323 : vector<16xf32> to vector<1x16xf32>
          tpu.vector_store %arg7[%parallel_loop3A_324, %parallel_loop3A_325], %parallel_loop3A_328 {strides = array<i32>} : memref<128x128xf32, #tpu.memory_space<vmem>>, vector<1x16xf32>,
        } {sc.loop_unroll_factor = 4 : i64, sc.parallel_access}
        "tpu.region"() ({
          %run_scoped3A = tpu.sem_alloc : memref<!tpu.dma_semaphore, #tpu.memory_space<semaphore_mem>>
          %dma_start3A_96 = arith.constant 0 : i32
          %dma_start3A_97 = arith.constant 0 : i32
          %dma_start3A_98 = tpu.memref_slice %arg11[%dma_start3A_96, %dma_start3A_97] : memref<10112x128xf32, #tpu.memory_space<vmem_shared>> -> memref<10112x128xf32, #tpu.memory_space<vmem_shared>>
          tpu.enqueue_indirect_dma source(%arg7 : memref<128x128xf32, #tpu.memory_space<vmem>>) target(%dma_start3A_98 : memref<10112x128xf32, #tpu.memory_space<vmem_shared>>) offsets(%arg10 : memref<128xi32, #tpu.memory_space<vmem>>) semaphore(%run_scoped3A : memref<!tpu.dma_semaphore, #tpu.memory_space<semaphore_mem>>) {add = true}
          %dma_wait3A_99 = arith.constant 0 : i32
          %dma_wait3A_100 = arith.constant 0 : i32
          %dma_wait3A_101 = tpu.memref_slice %arg11[%dma_wait3A_99, %dma_wait3A_100] : memref<10112x128xf32, #tpu.memory_space<vmem_shared>> -> memref<10112x128xf32, #tpu.memory_space<vmem_shared>>
          tpu.wait_indirect_dma semaphore(%run_scoped3A : memref<!tpu.dma_semaphore, #tpu.memory_space<semaphore_mem>>) src(%arg7 : memref<128x128xf32, #tpu.memory_space<vmem>>) dst(%dma_wait3A_101 : memref<10112x128xf32, #tpu.memory_space<vmem_shared>>)
          tpu.yield
        }) : () -> ()
      } else {
      }
    }
    %scan3A_31 = arith.constant 40 : i32
    %barrier3A_32 = arith.constant 0 : index
    tpu.barrier barrier_id(%barrier3A_32)
    %mul3A_33 = arith.constant 632 : i32
    %mul3A_34 = arith.muli %arg1, %mul3A_33 : i32
    %mul3A_35 = arith.constant 632 : i32
    %mul3A_36 = arith.muli %arg1, %mul3A_35 : i32
    "tpu.region"() ({
      %run_scoped3A = tpu.sem_alloc : memref<!tpu.dma_semaphore, #tpu.memory_space<semaphore_mem>>
      %dma_start3A = arith.constant 0 : i32
      %dma_start3A_37 = tpu.memref_slice %arg6[%arg0, %mul3A_36, %dma_start3A] : memref<2x10112x128xf32, #tpu.memory_space<hbm>> -> memref<1x632x128xf32, #tpu.memory_space<hbm>>
      %dma_start3A_38 = tpu.memref_squeeze %dma_start3A_37 : memref<1x632x128xf32, #tpu.memory_space<hbm>> -> memref<632x128xf32, #tpu.memory_space<hbm>>
      %dma_start3A_39 = arith.constant 0 : i32
      %dma_start3A_40 = tpu.memref_slice %arg11[%mul3A_34, %dma_start3A_39] : memref<10112x128xf32, #tpu.memory_space<vmem_shared>> -> memref<632x128xf32, #tpu.memory_space<vmem_shared>>
      tpu.enqueue_dma source(%dma_start3A_40 : memref<632x128xf32, #tpu.memory_space<vmem_shared>>) target(%dma_start3A_38 : memref<632x128xf32, #tpu.memory_space<hbm>>) target_semaphore(%run_scoped3A : memref<!tpu.dma_semaphore, #tpu.memory_space<semaphore_mem>>)
      %dma_wait3A = arith.constant 0 : i32
      %dma_wait3A_41 = tpu.memref_slice %arg6[%arg0, %mul3A_36, %dma_wait3A] : memref<2x10112x128xf32, #tpu.memory_space<hbm>> -> memref<1x632x128xf32, #tpu.memory_space<hbm>>
      %dma_wait3A_42 = tpu.memref_squeeze %dma_wait3A_41 : memref<1x632x128xf32, #tpu.memory_space<hbm>> -> memref<632x128xf32, #tpu.memory_space<hbm>>
      %dma_wait3A_43 = arith.constant 0 : i32
      %dma_wait3A_44 = tpu.memref_slice %arg11[%mul3A_34, %dma_wait3A_43] : memref<10112x128xf32, #tpu.memory_space<vmem_shared>> -> memref<632x128xf32, #tpu.memory_space<vmem_shared>>
      tpu.wait_dma2 semaphore(%run_scoped3A : memref<!tpu.dma_semaphore, #tpu.memory_space<semaphore_mem>>) src(%dma_wait3A_44 : memref<632x128xf32, #tpu.memory_space<vmem_shared>>) dst(%dma_wait3A_42 : memref<632x128xf32, #tpu.memory_space<hbm>>)
      tpu.yield
    }) : () -> ()
    return
  }
}

module attributes {stable_mosaic.version = 14 : i64} {
  func.func @_fwd_matmuls_kernel(%arg0: i32, %arg1: memref<1600x128xf32, #tpu.memory_space<vmem>>, %arg2: memref<128x128xf32, #tpu.memory_space<vmem>>, %arg3: memref<1000x128xf32, #tpu.memory_space<vmem>>, %arg4: memref<128x128xf32, #tpu.memory_space<vmem>>, %arg5: memref<1x128xf32, #tpu.memory_space<vmem>>, %arg6: memref<1600x128xf32, #tpu.memory_space<vmem>>, %arg7: memref<1000x128xf32, #tpu.memory_space<vmem>>) attributes {dimension_semantics = [#tpu.dimension_semantics<arbitrary>], iteration_bounds = array<i64: 100>, scalar_prefetch = 0 : i64, scratch_operands = 0 : i64, tpu.core_type = #tpu.core_type<tc>, window_params = [{transform_indices = @transform_0, window_bounds = array<i64: 1600, 128>}, {pipeline_mode = #tpu.pipeline_mode<synchronous>, transform_indices = @transform_1, window_bounds = array<i64: 128, 128>}, {transform_indices = @transform_2, window_bounds = array<i64: 1000, 128>}, {pipeline_mode = #tpu.pipeline_mode<synchronous>, transform_indices = @transform_3, window_bounds = array<i64: 128, 128>}, {pipeline_mode = #tpu.pipeline_mode<synchronous>, transform_indices = @transform_4, window_bounds = array<i64: 1, 128>}, {transform_indices = @transform_5, window_bounds = array<i64: 1600, 128>}, {transform_indices = @transform_6, window_bounds = array<i64: 1000, 128>}]} {
    %get3A = arith.constant 0 : index
    %get3A_0 = arith.constant 0 : index
    %get3A_1 = vector.load %arg1[%get3A, %get3A_0] : memref<1600x128xf32, #tpu.memory_space<vmem>>, vector<1600x128xf32>
    %get3A_2 = arith.constant 0 : index
    %get3A_3 = arith.constant 0 : index
    %get3A_4 = vector.load %arg2[%get3A_2, %get3A_3] : memref<128x128xf32, #tpu.memory_space<vmem>>, vector<128x128xf32>
    %dot_general3A = arith.constant dense<0.000000e+00> : vector<1600x128xf32>
    %dot_general3A_5 = tpu.matmul %get3A_1, %get3A_4, %dot_general3A {dimension_numbers = #tpu.dot_dimension_numbers<[1], [0], [0], [1], [0, 0, 1, 1], [], []>, transpose_lhs_hint = false} : vector<1600x128xf32>, vector<128x128xf32>, vector<1600x128xf32> -> vector<1600x128xf32>
    %swap3A = arith.constant 0 : index
    %swap3A_6 = arith.constant 0 : index
    %swap3A_7 = vector.load %arg6[%swap3A, %swap3A_6] : memref<1600x128xf32, #tpu.memory_space<vmem>>, vector<1600x128xf32>
    tpu.vector_store %arg6[%swap3A, %swap3A_6], %dot_general3A_5 {strides = array<i32>} : memref<1600x128xf32, #tpu.memory_space<vmem>>, vector<1600x128xf32>,
    %lt3A = arith.constant 10 : i32
    %lt3A_8 = arith.cmpi slt, %arg0, %lt3A : i32
    %convert_element_type3A = arith.extui %lt3A_8 : i1 to i32
    %cond3A = arith.constant 0 : i32
    %cond3A_9 = arith.cmpi ne, %convert_element_type3A, %cond3A : i32
    scf.if %cond3A_9 {
      %get3A_10 = arith.constant 0 : index
      %get3A_11 = arith.constant 0 : index
      %get3A_12 = vector.load %arg3[%get3A_10, %get3A_11] : memref<1000x128xf32, #tpu.memory_space<vmem>>, vector<1000x128xf32>
      %get3A_13 = arith.constant 0 : index
      %get3A_14 = arith.constant 0 : index
      %get3A_15 = vector.load %arg4[%get3A_13, %get3A_14] : memref<128x128xf32, #tpu.memory_space<vmem>>, vector<128x128xf32>
      %dot_general3A_16 = arith.constant dense<0.000000e+00> : vector<1000x128xf32>
      %dot_general3A_17 = tpu.matmul %get3A_12, %get3A_15, %dot_general3A_16 {dimension_numbers = #tpu.dot_dimension_numbers<[1], [0], [0], [1], [0, 0, 1, 1], [], []>, transpose_lhs_hint = false} : vector<1000x128xf32>, vector<128x128xf32>, vector<1000x128xf32> -> vector<1000x128xf32>
      %get3A_18 = arith.constant 0 : index
      %get3A_19 = arith.constant 0 : index
      %get3A_20 = vector.load %arg5[%get3A_18, %get3A_19] : memref<1x128xf32, #tpu.memory_space<vmem>>, vector<1x128xf32>
      %add3A = vector.broadcast %get3A_20 : vector<1x128xf32> to vector<1000x128xf32>
      %add3A_21 = arith.addf %dot_general3A_17, %add3A : vector<1000x128xf32>
      %swap3A_22 = arith.constant 0 : index
      %swap3A_23 = arith.constant 0 : index
      %swap3A_24 = vector.load %arg7[%swap3A_22, %swap3A_23] : memref<1000x128xf32, #tpu.memory_space<vmem>>, vector<1000x128xf32>
      tpu.vector_store %arg7[%swap3A_22, %swap3A_23], %add3A_21 {strides = array<i32>} : memref<1000x128xf32, #tpu.memory_space<vmem>>, vector<1000x128xf32>,
    } else {
    }
    return
  }
  func.func @transform_0(%arg0: i32) -> (i32, i32) {
    %c0_i32 = arith.constant 0 : i32
    %c0_i32_0 = arith.constant 0 : i32
    return %arg0, %c0_i32 : i32, i32
  }
  func.func @transform_1(%arg0: i32) -> (i32, i32) {
    %c0_i32 = arith.constant 0 : i32
    %c0_i32_0 = arith.constant 0 : i32
    %c0_i32_1 = arith.constant 0 : i32
    return %c0_i32, %c0_i32_0 : i32, i32
  }
  func.func @transform_2(%arg0: i32) -> (i32, i32) {
    %min3A = arith.constant 9 : i32
    %min3A_0 = arith.minsi %arg0, %min3A : i32
    %c0_i32 = arith.constant 0 : i32
    %c0_i32_1 = arith.constant 0 : i32
    return %min3A_0, %c0_i32 : i32, i32
  }
  func.func @transform_3(%arg0: i32) -> (i32, i32) {
    %c0_i32 = arith.constant 0 : i32
    %c0_i32_0 = arith.constant 0 : i32
    %c0_i32_1 = arith.constant 0 : i32
    return %c0_i32, %c0_i32_0 : i32, i32
  }
  func.func @transform_4(%arg0: i32) -> (i32, i32) {
    %c0_i32 = arith.constant 0 : i32
    %c0_i32_0 = arith.constant 0 : i32
    %c0_i32_1 = arith.constant 0 : i32
    return %c0_i32, %c0_i32_0 : i32, i32
  }
  func.func @transform_5(%arg0: i32) -> (i32, i32) {
    %c0_i32 = arith.constant 0 : i32
    %c0_i32_0 = arith.constant 0 : i32
    return %arg0, %c0_i32 : i32, i32
  }
  func.func @transform_6(%arg0: i32) -> (i32, i32) {
    %min3A = arith.constant 9 : i32
    %min3A_0 = arith.minsi %arg0, %min3A : i32
    %c0_i32 = arith.constant 0 : i32
    %c0_i32_1 = arith.constant 0 : i32
    return %min3A_0, %c0_i32 : i32, i32
  }
}

module attributes {stable_mosaic.version = 14 : i64} {
  func.func @_final_kernel(%arg0: i32, %arg1: memref<1000x128xf32, #tpu.memory_space<vmem>>, %arg2: memref<2x1000x128xf32, #tpu.memory_space<vmem>>, %arg3: memref<2x1000x128xf32, #tpu.memory_space<vmem>>, %arg4: memref<256x384xf32, #tpu.memory_space<vmem>>, %arg5: memref<1x384xf32, #tpu.memory_space<vmem>>, %arg6: memref<1000x128xf32, #tpu.memory_space<vmem>>, %arg7: memref<1000x128xf32, #tpu.memory_space<vmem>>) attributes {dimension_semantics = [#tpu.dimension_semantics<arbitrary>], iteration_bounds = array<i64: 10>, scalar_prefetch = 0 : i64, scratch_operands = 0 : i64, tpu.core_type = #tpu.core_type<tc>, window_params = [{transform_indices = @transform_0, window_bounds = array<i64: 1000, 128>}, {transform_indices = @transform_1, window_bounds = array<i64: 2, 1000, 128>}, {transform_indices = @transform_2, window_bounds = array<i64: 2, 1000, 128>}, {pipeline_mode = #tpu.pipeline_mode<synchronous>, transform_indices = @transform_3, window_bounds = array<i64: 256, 384>}, {pipeline_mode = #tpu.pipeline_mode<synchronous>, transform_indices = @transform_4, window_bounds = array<i64: 1, 384>}, {transform_indices = @transform_5, window_bounds = array<i64: 1000, 128>}, {transform_indices = @transform_6, window_bounds = array<i64: 1000, 128>}]} {
    %get3A = arith.constant 0 : index
    %get3A_0 = arith.constant 0 : index
    %get3A_1 = arith.constant 0 : index
    %get3A_2 = vector.load %arg2[%get3A, %get3A_0, %get3A_1] : memref<2x1000x128xf32, #tpu.memory_space<vmem>>, vector<1x1000x128xf32>
    %get3A_3 = vector.shape_cast %get3A_2 : vector<1x1000x128xf32> to vector<1000x128xf32>
    %get3A_4 = arith.constant 1 : index
    %get3A_5 = arith.constant 0 : index
    %get3A_6 = arith.constant 0 : index
    %get3A_7 = vector.load %arg2[%get3A_4, %get3A_5, %get3A_6] : memref<2x1000x128xf32, #tpu.memory_space<vmem>>, vector<1x1000x128xf32>
    %get3A_8 = vector.shape_cast %get3A_7 : vector<1x1000x128xf32> to vector<1000x128xf32>
    %add3A = arith.addf %get3A_3, %get3A_8 : vector<1000x128xf32>
    %get3A_9 = arith.constant 0 : index
    %get3A_10 = arith.constant 0 : index
    %get3A_11 = vector.load %arg1[%get3A_9, %get3A_10] : memref<1000x128xf32, #tpu.memory_space<vmem>>, vector<1000x128xf32>
    %concatenate3A = tpu.concatenate %get3A_11, %add3A in 1 : vector<1000x128xf32>, vector<1000x128xf32> -> vector<1000x256xf32>
    %get3A_12 = arith.constant 0 : index
    %get3A_13 = arith.constant 0 : index
    %get3A_14 = vector.load %arg4[%get3A_12, %get3A_13] : memref<256x384xf32, #tpu.memory_space<vmem>>, vector<256x384xf32>
    %dot_general3A = arith.constant dense<0.000000e+00> : vector<1000x384xf32>
    %dot_general3A_15 = tpu.matmul %concatenate3A, %get3A_14, %dot_general3A {dimension_numbers = #tpu.dot_dimension_numbers<[1], [0], [0], [1], [0, 0, 1, 1], [], []>, transpose_lhs_hint = false} : vector<1000x256xf32>, vector<256x384xf32>, vector<1000x384xf32> -> vector<1000x384xf32>
    %get3A_16 = arith.constant 0 : index
    %get3A_17 = arith.constant 0 : index
    %get3A_18 = vector.load %arg5[%get3A_16, %get3A_17] : memref<1x384xf32, #tpu.memory_space<vmem>>, vector<1x384xf32>
    %add3A_19 = vector.broadcast %get3A_18 : vector<1x384xf32> to vector<1000x384xf32>
    %add3A_20 = arith.addf %dot_general3A_15, %add3A_19 : vector<1000x384xf32>
    %slice3A = vector.extract_strided_slice %add3A_20 {offsets = [0, 0], sizes = [1000, 128], strides = [1, 1]} : vector<1000x384xf32> to vector<1000x128xf32>
    %slice3A_21 = vector.extract_strided_slice %add3A_20 {offsets = [0, 128], sizes = [1000, 128], strides = [1, 1]} : vector<1000x384xf32> to vector<1000x128xf32>
    %slice3A_22 = vector.extract_strided_slice %add3A_20 {offsets = [0, 256], sizes = [1000, 128], strides = [1, 1]} : vector<1000x384xf32> to vector<1000x128xf32>
    %get3A_23 = arith.constant 0 : index
    %get3A_24 = arith.constant 0 : index
    %get3A_25 = arith.constant 0 : index
    %get3A_26 = vector.load %arg3[%get3A_23, %get3A_24, %get3A_25] : memref<2x1000x128xf32, #tpu.memory_space<vmem>>, vector<1x1000x128xf32>
    %get3A_27 = vector.shape_cast %get3A_26 : vector<1x1000x128xf32> to vector<1000x128xf32>
    %get3A_28 = arith.constant 1 : index
    %get3A_29 = arith.constant 0 : index
    %get3A_30 = arith.constant 0 : index
    %get3A_31 = vector.load %arg3[%get3A_28, %get3A_29, %get3A_30] : memref<2x1000x128xf32, #tpu.memory_space<vmem>>, vector<1x1000x128xf32>
    %get3A_32 = vector.shape_cast %get3A_31 : vector<1x1000x128xf32> to vector<1000x128xf32>
    %add3A_33 = arith.addf %get3A_27, %get3A_32 : vector<1000x128xf32>
    %logistic3A = arith.negf %slice3A : vector<1000x128xf32>
    %logistic3A_34 = math.exp %logistic3A : vector<1000x128xf32>
    %logistic3A_35 = arith.constant 1.000000e+00 : f32
    %logistic3A_36 = vector.broadcast %logistic3A_35 : f32 to vector<1000x128xf32>
    %logistic3A_37 = arith.addf %logistic3A_36, %logistic3A_34 : vector<1000x128xf32>
    %logistic3A_38 = arith.divf %logistic3A_36, %logistic3A_37 : vector<1000x128xf32>
    %tanh3A = math.tanh %slice3A_22 : vector<1000x128xf32>
    %mul3A = arith.mulf %logistic3A_38, %tanh3A : vector<1000x128xf32>
    %add3A_39 = arith.addf %mul3A, %add3A_33 : vector<1000x128xf32>
    %swap3A = arith.constant 0 : index
    %swap3A_40 = arith.constant 0 : index
    %swap3A_41 = vector.load %arg6[%swap3A, %swap3A_40] : memref<1000x128xf32, #tpu.memory_space<vmem>>, vector<1000x128xf32>
    tpu.vector_store %arg6[%swap3A, %swap3A_40], %add3A_39 {strides = array<i32>} : memref<1000x128xf32, #tpu.memory_space<vmem>>, vector<1000x128xf32>,
    %logistic3A_42 = arith.negf %slice3A_21 : vector<1000x128xf32>
    %logistic3A_43 = math.exp %logistic3A_42 : vector<1000x128xf32>
    %logistic3A_44 = arith.constant 1.000000e+00 : f32
    %logistic3A_45 = vector.broadcast %logistic3A_44 : f32 to vector<1000x128xf32>
    %logistic3A_46 = arith.addf %logistic3A_45, %logistic3A_43 : vector<1000x128xf32>
    %logistic3A_47 = arith.divf %logistic3A_45, %logistic3A_46 : vector<1000x128xf32>
    %tanh3A_48 = math.tanh %add3A_39 : vector<1000x128xf32>
    %mul3A_49 = arith.mulf %logistic3A_47, %tanh3A_48 : vector<1000x128xf32>
    %swap3A_50 = arith.constant 0 : index
    %swap3A_51 = arith.constant 0 : index
    %swap3A_52 = vector.load %arg7[%swap3A_50, %swap3A_51] : memref<1000x128xf32, #tpu.memory_space<vmem>>, vector<1000x128xf32>
    tpu.vector_store %arg7[%swap3A_50, %swap3A_51], %mul3A_49 {strides = array<i32>} : memref<1000x128xf32, #tpu.memory_space<vmem>>, vector<1000x128xf32>,
    return
  }
  func.func @transform_0(%arg0: i32) -> (i32, i32) {
    %c0_i32 = arith.constant 0 : i32
    %c0_i32_0 = arith.constant 0 : i32
    return %arg0, %c0_i32 : i32, i32
  }
  func.func @transform_1(%arg0: i32) -> (i32, i32, i32) {
    %c0_i32 = arith.constant 0 : i32
    %c0_i32_0 = arith.constant 0 : i32
    %c0_i32_1 = arith.constant 0 : i32
    return %c0_i32, %arg0, %c0_i32_0 : i32, i32, i32
  }
  func.func @transform_2(%arg0: i32) -> (i32, i32, i32) {
    %c0_i32 = arith.constant 0 : i32
    %c0_i32_0 = arith.constant 0 : i32
    %c0_i32_1 = arith.constant 0 : i32
    return %c0_i32, %arg0, %c0_i32_0 : i32, i32, i32
  }
  func.func @transform_3(%arg0: i32) -> (i32, i32) {
    %c0_i32 = arith.constant 0 : i32
    %c0_i32_0 = arith.constant 0 : i32
    %c0_i32_1 = arith.constant 0 : i32
    return %c0_i32, %c0_i32_0 : i32, i32
  }
  func.func @transform_4(%arg0: i32) -> (i32, i32) {
    %c0_i32 = arith.constant 0 : i32
    %c0_i32_0 = arith.constant 0 : i32
    %c0_i32_1 = arith.constant 0 : i32
    return %c0_i32, %c0_i32_0 : i32, i32
  }
  func.func @transform_5(%arg0: i32) -> (i32, i32) {
    %c0_i32 = arith.constant 0 : i32
    %c0_i32_0 = arith.constant 0 : i32
    return %arg0, %c0_i32 : i32, i32
  }
  func.func @transform_6(%arg0: i32) -> (i32, i32) {
    %c0_i32 = arith.constant 0 : i32
    %c0_i32_0 = arith.constant 0 : i32
    return %arg0, %c0_i32 : i32, i32
  }
}

</mosaic_0001>

<sc_bundles>
// kernel: kernel.6.cloned.1.call-start
scs
__scs_entry_jumppad:
0x0: {  	(pc) =	sbr.rel $0x88, $3  }
0x1: {  	(tag) =	ssettag $0x0;
	lr =	simm.s32 $0x1  }
0x2: {  	[smem:$0x3F98] =	sst lr;
	_ =	strace $0xD0000000  }
0x3: {  	_ = 	snop  }
0x4: {  	_ = 	snop  }
0x5: {  	_ = 	snop  }
0x6: {  	_ = 	snop  }
0x7: {  	_ = 	snop  }
__scs_overlays_trampoline_lowered:
0x8: {  	[smem:$0x3FA7] =	sst s0  }
0x9: {  	[smem:$0x3FA8] =	sst s1  }
0xa: {  	[smem:$0x3FA9] =	sst s2  }
0xb: {  	[smem:$0x3FAA] =	sst s3  }
0xc: {  	[smem:$0x3FAB] =	sst s4  }
0xd: {  	[smem:$0x3FAC] =	sst s5  }
0xe: {  	[smem:$0x3FAD] =	sst s6  }
0xf: {  	[smem:$0x3FAE] =	sst s7  }
0x10: {  	[smem:$0x3FAF] =	sst s8  }
0x11: {  	[smem:$0x3FB0] =	sst s9;
	s0 =	simm.s32 @!p0 $0x0  }
0x12: {  	s1 =	sld [smem:$0x3F96];
	s0 =	simm.s32 @p0 $0x1  }
0x13: {  	[smem:$0x3FB1] =	sst s0;
	s0 =	simm.s32 @!p1 $0x0  }
0x14: {  	s2 =	sld [smem:$0x3F95];
	s0 =	simm.s32 @p1 $0x1  }
0x15: {  	[smem:$0x3FB2] =	sst s0;
	s0 =	simm.s32 @!p2 $0x0  }
0x16: {  	s3 =	sld [smem:$0x3FDB];
	s0 =	simm.s32 @p2 $0x1  }
0x17: {  	s4 =	simm.s32 $0x1BF5;
	[smem:$0x3FB4] =	sst s0  }
0x18: {  	s0 =	sld [smem:$0x3F97];
	_ =	swait.ge [sflag:s4], $0x0  }
0x19: {  	s7 =	sld [smem:$0x3F98]  }
0x1a: {  	s8 =	sadd.s32 $0xFFFFE003, lr  }
0x1b: {  	s9 =	sadd.s32 $0xFFFFFEF7, lr;
	s5 =	simm.s32 $0xFFFFFFFF;
	p2 =	slt.u32 s8, $0xFFFFF086  }
0x1c: {  	p1 =	slt.u32 s9, $0xF7A;
	s5 =	simm.s32 @!p2 $0x0  }
0x1d: {  	s5 =	simm.s32 @p1 $0x1;
	p0 =	seq.s32 s7, s2  }
0x1e: {  	s7 =	smul.u32 @!p0 $0xF7A, s2;
	p2 =	seq.s32 @!p0 s5, $0x0  }
0x1f: {  	s9 =	smul.u32 $0xF7A, s1;
	s8 =	simm.s32 @!p0 $0x1BF5;
	p2 =	por !p2, p0  }
0x20: {  	[sflag:s8] =	ssyncset.s32 @!p0 $0xFFFFF086;
	s6 =	sadd.s32 @!p0 s3, s7;
	s7 =	simm.s32 @!p0 $0x108  }
0x21: {  	s3 =	sadd.s32 s3, s9;
	s6 =	sadd.s32 @!p0 $0x88, s6;
	s7 =	simm.s32 @p2 $0x1082  }
0x22: {  	[simem:s7], [sflag:s8] =	dma.local @!p0 [hbm:s6], $0xF7A  }
0x23: {  	s9 =	sor.u32 $0xD0000000, s2;
	s6 =	simm.s32 $0x108;
	_ =	swait.ge @!p0 [sflag:s8], $0x0  }
0x24: {  	s3 =	sadd.s32 $0x88, s3;
	s6 =	simm.s32 @!p1 $0x1082;
	[sflag:s4] =	ssyncset.s32 $0xFFFFF086  }
0x25: {  	[simem:s6], [sflag:s4] =	dma.local [hbm:s3], $0xF7A  }
0x26: {  	[smem:$0x3F98] =	sst s1;
	(tag) =	ssettag s2;
	_ =	strace s9  }
0x27: {  	s1 =	sld [smem:$0x3FA8]  }
0x28: {  	s2 =	sld [smem:$0x3FA9]  }
0x29: {  	s4 =	sld [smem:$0x3FAB]  }
0x2a: {  	p0 =	seq.s32 s5, $0x0;
	s5 =	sld [smem:$0x3FAC]  }
0x2b: {  	s6 =	sld [smem:$0x3FAD]  }
0x2c: {  	s7 =	sld [smem:$0x3FAE]  }
0x2d: {  	s3 =	simm.s32 $0x108;
	s8 =	sld [smem:$0x3FAF]  }
0x2e: {  	s3 =	simm.s32 @!p0 $0x1082;
	s9 =	sld [smem:$0x3FB0]  }
0x2f: {  	lr =	sadd.s32 s0, s3;
	s0 =	sld [smem:$0x3FA7]  }
0x30: {  	s3 =	sld [smem:$0x3FAA]  }
0x31: {  	[smem:$0x3FB3] =	sst s10  }
0x32: {  	s10 =	sld [smem:$0x3FB1];
	_ =	sdelay $0x3  }
0x33: {  	p0 =	seq.s32 s10, $0x1;
	s10 =	sld [smem:$0x3FB3];
	_ =	sdelay $0x3  }
0x34: {  	[smem:$0x3FB3] =	sst s10  }
0x35: {  	s10 =	sld [smem:$0x3FB2];
	_ =	sdelay $0x3  }
0x36: {  	p1 =	seq.s32 s10, $0x1;
	s10 =	sld [smem:$0x3FB3];
	_ =	sdelay $0x3  }
0x37: {  	[smem:$0x3FB3] =	sst s10  }
0x38: {  	s10 =	sld [smem:$0x3FB4]  }
0x39: {  	_ = 	snop;
	(pc) =	sbr.ind lr, $3  }
0x3a: {  	_ = 	snop  }
0x3b: {  	_ = 	snop  }
0x3c: {  	p2 =	seq.s32 s10, $0x1;
	s10 =	sld [smem:$0x3FB3]  }
0x3d: {  	_ =	shalt  }
0x3e: {  	_ =	shalt  }
0x3f: {  	_ =	shalt  }
0x40: {  	_ =	shalt  }
0x41: {  	_ =	shalt  }
0x42: {  	_ =	shalt  }
0x43: {  	_ =	shalt  }
0x44: {  	_ =	shalt  }
0x45: {  	_ =	shalt  }
0x46: {  	_ =	shalt  }
0x47: {  	_ =	shalt  }
0x48: {  	_ =	shalt  }
0x49: {  	_ =	shalt  }
0x4a: {  	_ =	shalt  }
0x4b: {  	_ =	shalt  }
0x4c: {  	_ =	shalt  }
0x4d: {  	_ =	shalt  }
0x4e: {  	_ =	shalt  }
0x4f: {  	_ =	shalt  }
0x50: {  	_ =	shalt  }
0x51: {  	_ =	shalt  }
0x52: {  	_ =	shalt  }
0x53: {  	_ =	shalt  }
0x54: {  	_ =	shalt  }
0x55: {  	_ =	shalt  }
0x56: {  	_ =	shalt  }
0x57: {  	_ =	shalt  }
0x58: {  	_ =	shalt  }
0x59: {  	_ =	shalt  }
0x5a: {  	_ =	shalt  }
0x5b: {  	_ =	shalt  }
0x5c: {  	_ =	shalt  }
0x5d: {  	_ =	shalt  }
0x5e: {  	_ =	shalt  }
0x5f: {  	_ =	shalt  }
0x60: {  	_ =	shalt  }
0x61: {  	_ =	shalt  }
0x62: {  	_ =	shalt  }
0x63: {  	_ =	shalt  }
0x64: {  	_ =	shalt  }
0x65: {  	_ =	shalt  }
0x66: {  	_ =	shalt  }
0x67: {  	_ =	shalt  }
0x68: {  	_ =	shalt  }
0x69: {  	_ =	shalt  }
0x6a: {  	_ =	shalt  }
0x6b: {  	_ =	shalt  }
0x6c: {  	_ =	shalt  }
0x6d: {  	_ =	shalt  }
0x6e: {  	_ =	shalt  }
0x6f: {  	_ =	shalt  }
0x70: {  	_ =	shalt  }
0x71: {  	_ =	shalt  }
0x72: {  	_ =	shalt  }
0x73: {  	_ =	shalt  }
0x74: {  	_ =	shalt  }
0x75: {  	_ =	shalt  }
0x76: {  	_ =	shalt  }
0x77: {  	_ =	shalt  }
0x78: {  	_ =	shalt  }
0x79: {  	_ =	shalt  }
0x7a: {  	_ =	shalt  }
0x7b: {  	_ =	shalt  }
0x7c: {  	_ =	shalt  }
0x7d: {  	_ =	shalt  }
0x7e: {  	_ =	shalt  }
0x7f: {  	_ =	shalt  }
0x80: {  	_ =	shalt  }
0x81: {  	_ =	shalt  }
0x82: {  	_ =	shalt  }
0x83: {  	_ =	shalt  }
0x84: {  	_ =	shalt  }
0x85: {  	_ =	shalt  }
0x86: {  	_ =	shalt  }
0x87: {  	_ =	shalt  }
.Lfunc_end0:
.L_simem_size_0:
called_computation_lowered:
.L_overlay_start_0:
0x88: {  	s2 =	sld [smem:$0x3FD9]  }
0x89: {  	s3 =	sld [smem:$0x3FFE];
	_ =	sdelay $0x1  }
0x8a: {  	s1 =	srdreg.scid  }
0x8b: {  	s0 =	sand.u32 $0x1, s1  }
0x8c: {  	s17 =	sshll.u32 s0, $0xA;
	s2 =	sadd.s32 s3, s2  }
0x8d: {  	s2 =	sadd.s32 s2, s17  }
0x8e: {  	[smem:$0x3FBF] =	sst s2  }
0x8f: {  	_ = 	snop  }
0x90: {  	s18 =	sld [smem:$0x3FC7]  }
0x91: {  	s4 =	sld [smem:$0x3FC6];
	(tm) =	ssettm $0x1  }
0x92: {  	s19 =	sld [smem:$0x3FFB];
	_ =	sdelay $0x3  }
0x93: {  	_ =	strace s19  }
0x94: {  	s2 =	sld [smem:$0x3FFC];
	_ =	sdelay $0x3  }
0x95: {  	_ =	strace s2  }
0x96: {  	s2 =	sld [smem:$0x3FFD];
	_ =	sdelay $0x3  }
0x97: {  	_ =	strace s2  }
0x98: {  	_ =	strace $0x8FFFFFFF  }
0x99: {  	s20 =	sld [smem:$0x3FDB];
	_ =	sdelay $0x1  }
0x9a: {  	s5 =	simm.s32 $_scs_section_size  }
0x9b: {  	s6 =	simm.s32 $_size__tile_overlayer_lowered;
	s7 =	simm.s32 $_tile_overlayer_lowered  }
0x9c: {  	s8 =	simm.s32 $0x1BFF;
	s21 =	sshll.u32 s7, $0x1;
	s5 =	sadd.s32 s5, s20  }
0x9d: {  	s22 =	simm.s32 $0x0;
	s6 =	sshll.u32 s6, $0x1;
	s7 =	sadd.s32 s21, s5  }
0x9e: {  	[timem:s22], [sflag:s8] =	dma.local [hbm:s7], s6  }
0x9f: {  	_ =	swait.ge [sflag:s8], s6  }
0xa0: {  	s6 =	ssub.s32 $0x0, s6;
	[sflag:s8] =	ssyncset.done $0x0  }
0xa1: {  	[sflag:s8] =	ssyncadd.s32 s6;
	_ =	sdelay $0x1  }
0xa2: {  	s23 =	simm.s32 $0x1B8B  }
0xa3: {  	_ =	swait.ge [sflag:s23], $0x1  }
0xa4: {  	[sflag:s23] =	ssyncset.done $0x0  }
0xa5: {  	[sflag:s23] =	ssyncadd.s32 $0xFFFFFFFF  }
0xa6: {  	s6 =	sld [smem:$0x0]  }
0xa7: {  	s7 =	sand.u32 $0xFFFFFFFE, s1  }
0xa8: {  	p0 =	sne.s32 s1, s7  }
0xa9: {  	s7 =	sshll.u32 @p0 s7, $0xE  }
0xaa: {  	s7 =	sadd.s32 @p0 $0x11B8D, s7;
	s8 =	sshll.u32 @p0 s6, $0x11  }
0xab: {  	s7 =	sor.u32 @p0 s8, s7  }
0xac: {  	[sflag:s7] =	ssyncadd.remote.s32 @p0 $0x1;
	_ =	sdelay $0x1  }
0xad: {  	s7 =	simm.s32 @p0 $0x1B8D  }
0xae: {  	_ =	swait.eq @p0 [sflag:s7], $0x1  }
0xaf: {  	[sflag:s7] =	ssyncadd.s32 @p0 $0xFFFFFFFF  }
0xb0: {  	s8 =	sshll.u32 @!p0 s1, $0xE  }
0xb1: {  	s8 =	sor.u32 @!p0 $0x4000, s8;
	s7 =	simm.s32 @!p0 $0x1B8D  }
0xb2: {  	s6 =	sshll.u32 @!p0 s6, $0x11;
	s8 =	sadd.s32 @!p0 $0x11B8D, s8;
	_ =	swait.eq @!p0 [sflag:s7], $0x1  }
0xb3: {  	s6 =	sor.u32 @!p0 s6, s8;
	[sflag:s7] =	ssyncadd.s32 @!p0 $0xFFFFFFFF  }
0xb4: {  	s25 =	simm.s32 $0x1B8E;
	s24 =	sld [smem:$0x3FFE];
	[sflag:s6] =	ssyncadd.remote.s32 @!p0 $0x1  }
0xb5: {  	s26 =	simm.s32 $execute0_lowered;
	[smem:$0x3FD2] =	sst s25  }
0xb6: {  	s7 =	sshll.u32 s26, $0x1;
	_ =	strace $0x80000049;
	[dreg:$0x1] =	wrdreg $0xFFFFFFFF  }
0xb7: {  	s28 =	simm.s32 $_size_execute0_lowered;
	s5 =	sadd.s32 s5, s7;
	[dreg:$0x0] =	wrdreg $0x0  }
0xb8: {  	s7 =	sshll.u32 s28, $0x1;
	[dreg:$0x2] =	wrdreg s5  }
0xb9: {  	[dreg:$0x3] =	wrdreg s7  }
0xba: {  	[dreg:$0x4] =	wrdreg $0xC0  }
0xbb: {  	_ =	task [dreg:s22], $0x5FFFF  }
0xbc: {  	[dreg:$0x1] =	wrdreg $0xFFFFFFFF  }
0xbd: {  	[dreg:$0x0] =	wrdreg $0x60  }
0xbe: {  	[dreg:$0x2] =	wrdreg s18  }
0xbf: {  	[dreg:$0x3] =	wrdreg s4  }
0xc0: {  	[dreg:$0x4] =	wrdreg s24  }
0xc1: {  	[dreg:$0x5] =	wrdreg $0x81000  }
0xc2: {  	[dreg:$0x6] =	wrdreg $0x9  }
0xc3: {  	_ =	task.clear_ibuf [dreg:s22], $0x7FFFF;
	_ =	strace $0x90000049  }
0xc4: {  	s29 =	simm.s32 $0x9;
	_ =	strace $0x8000004B  }
0xc5: {  	_ =	swait.ge [sflag:s29], $0x1  }
0xc6: {  	[sflag:s29] =	ssyncadd.s32 $0xFFFFFFFF  }
0xc7: {  	_ =	strace $0x9000004B  }
0xc8: {  	_ =	sfence  }
0xc9: {  	s30 =	sld [smem:$0x0];
	_ =	sdelay $0x2  }
0xca: {  	s31 =	sshll.u32 s1, $0xD;
	s1 =	sshrl.u32 s1, $0x2  }
0xcb: {  	s4 =	sand.u32 $0x4000, s31;
	s1 =	sadd.s32 s1, s30  }
0xcc: {  	s0 =	sor.u32 s4, s0;
	s1 =	sshll.u32 s1, $0x11  }
0xcd: {  	s0 =	sor.u32 s1, s0  }
0xce: {  	s0 =	sadd.s32 $0x8F2B, s0  }
0xcf: {  	[sflag:s0] =	ssyncadd.remote.s32 $0x1  }
0xd0: {  	_ =	sfence.sel $0xFFFF  }
0xd1: {  	[dreg:$0x0] =	wrdreg $0xFFFFFFFF;
	(pc) =	sbr.abs _section_cstart, $3  }
0xd2: {  	[dreg:$0x1] =	wrdreg $0xFFFFFFFF  }
0xd3: {  	_ =	task.clear_ibuf [dreg:s22], $0x2FFFF;
	_ =	strace $0x9FFFFFFF  }
0xd4: {  	(tm) =	ssettm $0x7FFFFFFF  }
0xd5: {  	_ =	shalt  }
tec
execute0_lowered:
.L_overlay_start_1:
0x0: {  	(tag) =	ssettag $0x1  }
0x1: {  	s0 =	rddreg [dreg:$0x0]  }
0x2: {  	s1 =	rddreg [dreg:$0x1]  }
0x3: {  	s2 =	srdreg.scid;
	s4 =	rddreg [dreg:$0x2]  }
0x4: {  	s19 =	stileid.u32;
	s3 =	simm.s32 $0x0;
	s28 =	simm.s32 $0x80  }
0x5: {  	s29 =	simm.s32 $0x2;
	s30 =	simm.s32 $0x4;
	s31 =	simm.s32 $0x5  }
0x6: {  	s5 =	sand.u32 $0x1, s2;
	s2 =	rddreg [dreg:$0x3];
	s7 =	smul.u32 $0x13C00, s19  }
0x7: {  	[smem:$0x7FF] =	sst s3;
	s12 =	smul.u32 $0x4F000, s19;
	s26 =	sshll.u32 s19, $0xB  }
0x8: {  	s6 =	smul.u32 $0x13C000, s5;
	_ =	strace $0x8000004A;
	s8 =	ssub.s32 $0x2, s5  }
0x9: {  	s9 =	sshll.u32 s5, $0x4;
	s13 =	sshrl.u32 s12, $0x2;
	s14 =	sshrl.u32 s8, $0x1  }
0xa: {  	s25 =	sor.u32 s19, s9;
	s19 =	sshll.u32 s19, $0x4;
	s6 =	sadd.s32 s7, s6  }
0xb: {  	s12 =	ssub.s32 s8, s14;
	s9 =	sshll.u32 s25, $0xB;
	s10 =	sshll.u32 s25, $0x4  }
0xc: {  	s24 =	sor.u32 $0x4E0, s25;
	p2 =	sgt.u32 s25, $0x1;
	s6 =	sshrl.u32 s6, $0x3  }
0xd: {  	s9 =	sadd.s32 s0, s9;
	s10 =	sadd.s32 s1, s10;
	s12 =	smax.u32 s12, $0x1  }
0xe: {  	s22 =	sshll.u32 s24, $0xB;
	s23 =	sshll.u32 s24, $0x4;
	p0 =	slt.u32 s24, $0x4E2  }
0xf: {  	p1 =	sgt.u32 s24, $0x4E1;
	s6 =	sadd.s32 s6, s4;
	s4 =	sadd.s32 s13, s2  }
0x10: {  	s24 =	simm.s32 $0x3;
	s13 =	sor.u32 $0x20, s25;
	s15 =	sadd.s32 $0x4000, s4  }
0x11: {  	s16 =	sadd.s32 $0x8000, s4;
	s17 =	sadd.s32 $0xC000, s4;
	[dreg:$0x5] =	wrdreg s15  }
0x12: {  	s18 =	sadd.s32 $0x10000, s4;
	s11 =	sadd.s32 $0x2C1C00, s6;
	[dreg:$0x6] =	wrdreg s16  }
0x13: {  	s20 =	sshll.u32 s13, $0xB;
	s14 =	sshll.u32 s13, $0x4;
	[dreg:$0x7] =	wrdreg s17  }
0x14: {  	[dreg:$0x8] =	wrdreg s18;
	s15 =	sor.u32 $0x40, s25;
	s13 =	sadd.s32 s0, s20  }
0x15: {  	s14 =	sadd.s32 s1, s14;
	s17 =	sadd.s32 s0, s22;
	s18 =	sshll.u32 s5, $0xF  }
0x16: {  	s5 =	sshll.u32 s5, $0x8;
	s22 =	simm.s32 $0x8000;
	s25 =	simm.s32 $0x4000  }
0x17: {  	s21 =	sshll.u32 s15, $0xB;
	s16 =	sshll.u32 s15, $0x4;
	s5 =	sadd.s32 s5, s1  }
0x18: {  	s15 =	sadd.s32 s0, s21;
	s16 =	sadd.s32 s1, s16;
	s0 =	sadd.s32 s18, s0  }
0x19: {  	s18 =	sadd.s32 s1, s23;
	s19 =	sadd.s32 s19, s5;
	s21 =	simm.s32 $0x7  }
0x1a: {  	s23 =	simm.s32 $0x1;
	s1 =	simm.s32 $0x6;
	s0 =	sadd.s32 s26, s0  }
0x1b: {  	v0 =	vimm.f32 $0.0e+00;
	s26 =	simm.s32 $0x8080;
	s20 =	sadd.s32 $0x30000, s0;
	s0 =	simm.s32 $0x0  }
.LBB2_1:
0x1c: {  	s5 =	simm.s32 $0x0;
	s6 =	simm.s32 $0x200  }
.LBB2_2:
0x1d: {  	p3 =	sne.s32 s6, $0xFE00;
	[tilespmem:s5+$0x70] =	vst v0  }
0x1e: {  	[tilespmem:s5+$0x0] =	vst v0  }
0x1f: {  	[tilespmem:s5+$0x10] =	vst v0  }
.Ltmp0:
0x20: {  	[tilespmem:s5+$0x20] =	vst v0;
	(pc) =	sbr.rel @p3 .LBB2_2-.Ltmp0, $4  }
0x21: {  	[tilespmem:s5+$0x30] =	vst v0  }
0x22: {  	[tilespmem:s5+$0x40] =	vst v0  }
0x23: {  	[tilespmem:s5+$0x50] =	vst v0  }
0x24: {  	[tilespmem:s5+$0x60] =	vst v0;
	s5 =	sshra.s32 s6, $0x2;
	s6 =	sadd.s32 $0x200, s6  }
0x25: {  	[tilespmem:s5+$0x70] =	vst v0  }
0x26: {  	[tilespmem:s5+$0x0] =	vst v0  }
0x27: {  	[tilespmem:s5+$0x10] =	vst v0  }
0x28: {  	[tilespmem:s5+$0x20] =	vst v0  }
0x29: {  	[tilespmem:s5+$0x30] =	vst v0  }
0x2a: {  	[tilespmem:s5+$0x40] =	vst v0  }
0x2b: {  	[tilespmem:s5+$0x50] =	vst v0  }
0x2c: {  	[tilespmem:s5+$0x60] =	vst v0;
	s5 =	simm.s32 $0x0  }
0x2d: {  	[spmem:s4] =	stream.linear.scatter [tilespmem:s5], [sflag:$0x7], $0x4000, $0x38;
	[tilespmem:$0x1BD00] =	vst v63  }
0x2e: {  	_ =	swait.ge [sflag:s21], $0x4000  }
0x2f: {  	[sflag:s21] =	ssyncset.done $0x0  }
0x30: {  	s6 =	rddreg [dreg:$0x5];
	[sflag:s21] =	ssyncadd.s32 $0xFFFFC000  }
0x31: {  	[spmem:s6] =	stream.linear.scatter [tilespmem:s5], [sflag:$0x7], $0x4000, $0x38;
	[tilespmem:$0x1BD00] =	vst v63  }
0x32: {  	_ =	swait.ge [sflag:s21], $0x4000  }
0x33: {  	[sflag:s21] =	ssyncset.done $0x0  }
0x34: {  	s8 =	rddreg [dreg:$0x6];
	[sflag:s21] =	ssyncadd.s32 $0xFFFFC000  }
0x35: {  	[spmem:s8] =	stream.linear.scatter [tilespmem:s5], [sflag:$0x7], $0x4000, $0x38;
	[tilespmem:$0x1BD00] =	vst v63  }
0x36: {  	_ =	swait.ge [sflag:s21], $0x4000  }
0x37: {  	[sflag:s21] =	ssyncset.done $0x0  }
0x38: {  	s7 =	rddreg [dreg:$0x7];
	[sflag:s21] =	ssyncadd.s32 $0xFFFFC000  }
0x39: {  	[spmem:s7] =	stream.linear.scatter [tilespmem:s5], [sflag:$0x7], $0x4000, $0x38;
	[tilespmem:$0x1BD00] =	vst v63  }
0x3a: {  	_ =	swait.ge [sflag:s21], $0x4000  }
0x3b: {  	[sflag:s21] =	ssyncset.done $0x0  }
0x3c: {  	s8 =	rddreg [dreg:$0x8];
	[sflag:s21] =	ssyncadd.s32 $0xFFFFC000  }
0x3d: {  	[spmem:s8] =	stream.linear.scatter [tilespmem:s5], [sflag:$0x7], $0x3C00, $0x38;
	[tilespmem:$0x1BD00] =	vst v63  }
0x3e: {  	_ =	swait.ge [sflag:s21], $0x3C00  }
0x3f: {  	[sflag:s21] =	ssyncset.done $0x0  }
0x40: {  	[sflag:s21] =	ssyncadd.s32 $0xFFFFC400  }
0x41: {  	[bflag:$0x0] =	sbarrier.arrive $0xFFFF  }
0x42: {  	[tilespmem:s5], [sflag:$0x1] =	stream.linear.gather [hbm4b:s9+s5], $0x4000, $0x38;
	[tilespmem:$0x1BD00] =	vst v63  }
0x43: {  	_ = 	snop  }
0x44: {  	[tilespmem:s22], [sflag:$0x3] =	stream.linear.gather [hbm4b:s10+s5], $0x80, $0x38;
	[tilespmem:$0x1BD00] =	vst v63  }
0x45: {  	_ =	swait.ge [sflag:s23], $0x4000  }
0x46: {  	[sflag:s23] =	ssyncset.done $0x0  }
0x47: {  	[sflag:s23] =	ssyncadd.s32 $0xFFFFC000  }
0x48: {  	_ =	swait.ge [sflag:s24], $0x80  }
0x49: {  	[sflag:s24] =	ssyncset.done $0x0  }
0x4a: {  	[sflag:s24] =	ssyncadd.s32 $0xFFFFFF80  }
0x4b: {  	[tilespmem:s25], [sflag:$0x2] =	stream.linear.gather [hbm4b:s13+s5], $0x4000, $0x38;
	[tilespmem:$0x1BD00] =	vst v63  }
0x4c: {  	_ = 	snop  }
0x4d: {  	[tilespmem:s26], [sflag:$0x4] =	stream.linear.gather [hbm4b:s14+s5], $0x80, $0x38;
	[tilespmem:$0x1BD00] =	vst v63  }
0x4e: {  	_ = 	snop  }
0x4f: {  	[spmem:s2] =	stream.indirect.scatter.add.f32 [tilespmem:s5], [sflag:$0x5], $0x80, s22, s28, $0xb8;
	[tilespmem:$0x1BD00] =	vst v63  }
0x50: {  	_ =	swait.ge [sflag:s29], $0x4000  }
0x51: {  	[sflag:s29] =	ssyncset.done $0x0  }
0x52: {  	[sflag:s29] =	ssyncadd.s32 $0xFFFFC000  }
0x53: {  	_ =	swait.ge [sflag:s30], $0x80  }
0x54: {  	[sflag:s30] =	ssyncset.done $0x0  }
0x55: {  	[sflag:s30] =	ssyncadd.s32 $0xFFFFFF80  }
0x56: {  	_ =	swait.ge [sflag:s31], $0x4000  }
0x57: {  	[sflag:s31] =	ssyncset.done $0x0  }
0x58: {  	[sflag:s31] =	ssyncadd.s32 $0xFFFFC000  }
0x59: {  	[tilespmem:s5], [sflag:$0x1] =	stream.linear.gather [hbm4b:s15+s5], $0x4000, $0x38;
	[tilespmem:$0x1BD00] =	vst v63  }
0x5a: {  	_ = 	snop  }
0x5b: {  	[tilespmem:s22], [sflag:$0x3] =	stream.linear.gather [hbm4b:s16+s5], $0x80, $0x38;
	[tilespmem:$0x1BD00] =	vst v63  }
0x5c: {  	_ = 	snop  }
0x5d: {  	[spmem:s2] =	stream.indirect.scatter.add.f32 [tilespmem:s25], [sflag:$0x6], $0x80, s26, s28, $0xb8;
	[tilespmem:$0x1BD00] =	vst v63  }
0x5e: {  	_ =	swait.ge [sflag:s23], $0x4000  }
0x5f: {  	[sflag:s23] =	ssyncset.done $0x0  }
0x60: {  	[sflag:s23] =	ssyncadd.s32 $0xFFFFC000  }
0x61: {  	_ =	swait.ge [sflag:s24], $0x80  }
0x62: {  	[sflag:s24] =	ssyncset.done $0x0  }
0x63: {  	[sflag:s24] =	ssyncadd.s32 $0xFFFFFF80  }
0x64: {  	_ =	swait.ge [sflag:s1], $0x4000  }
0x65: {  	[sflag:s1] =	ssyncset.done $0x0  }
0x66: {  	s5 =	sadd.s32 $0x0, s19;
	[sflag:s1] =	ssyncadd.s32 $0xFFFFC000  }
0x67: {  	[tilespmem:s25], [sflag:$0x2] =	stream.linear.gather [hbm4b:s20+s3], $0x4000, $0x38;
	[tilespmem:$0x1BD00] =	vst v63  }
0x68: {  	s7 =	sadd.s32 $0x600, s5  }
0x69: {  	[tilespmem:s26], [sflag:$0x4] =	stream.linear.gather [hbm4b:s7+s3], $0x80, $0x38;
	[tilespmem:$0x1BD00] =	vst v63  }
0x6a: {  	_ = 	snop  }
0x6b: {  	[spmem:s2] =	stream.indirect.scatter.add.f32 [tilespmem:s3], [sflag:$0x5], $0x80, s22, s28, $0xb8;
	[tilespmem:$0x1BD00] =	vst v63  }
0x6c: {  	_ =	swait.ge [sflag:s29], $0x4000  }
0x6d: {  	[sflag:s29] =	ssyncset.done $0x0  }
0x6e: {  	[sflag:s29] =	ssyncadd.s32 $0xFFFFC000  }
0x6f: {  	_ =	swait.ge [sflag:s30], $0x80  }
0x70: {  	[sflag:s30] =	ssyncset.done $0x0  }
0x71: {  	[sflag:s30] =	ssyncadd.s32 $0xFFFFFF80  }
0x72: {  	_ =	swait.ge [sflag:s31], $0x4000  }
0x73: {  	[sflag:s31] =	ssyncset.done $0x0  }
0x74: {  	s8 =	sadd.s32 $0x10000, s20;
	[sflag:s31] =	ssyncadd.s32 $0xFFFFC000  }
0x75: {  	[tilespmem:s3], [sflag:$0x1] =	stream.linear.gather [hbm4b:s8+s3], $0x4000, $0x38;
	[tilespmem:$0x1BD00] =	vst v63  }
0x76: {  	s5 =	sadd.s32 $0x800, s5  }
0x77: {  	[tilespmem:s22], [sflag:$0x3] =	stream.linear.gather [hbm4b:s5+s3], $0x80, $0x38;
	[tilespmem:$0x1BD00] =	vst v63  }
0x78: {  	s6 =	sadd.s32 $0x20000, s20;
	s5 =	simm.s32 $0x400  }
.LBB2_4:
0x79: {  	[spmem:s2] =	stream.indirect.scatter.add.f32 [tilespmem:s25], [sflag:$0x6], $0x80, s26, s28, $0xb8;
	[tilespmem:$0x1BD00] =	vst v63  }
0x7a: {  	s7 =	smov.u32 s5  }
0x7b: {  	p3 =	sne.s32 s5, $0x4400;
	s5 =	sadd.s32 $0x400, s5;
	_ =	swait.ge [sflag:s23], $0x4000  }
0x7c: {  	[sflag:s23] =	ssyncset.done $0x0  }
0x7d: {  	[sflag:s23] =	ssyncadd.s32 $0xFFFFC000  }
0x7e: {  	_ =	swait.ge [sflag:s24], $0x80  }
0x7f: {  	[sflag:s24] =	ssyncset.done $0x0  }
0x80: {  	[sflag:s24] =	ssyncadd.s32 $0xFFFFFF80  }
0x81: {  	_ =	swait.ge [sflag:s1], $0x4000  }
0x82: {  	[sflag:s1] =	ssyncset.done $0x0  }
0x83: {  	s7 =	sadd.s32 s7, s19;
	[sflag:s1] =	ssyncadd.s32 $0xFFFFC000  }
0x84: {  	[tilespmem:s25], [sflag:$0x2] =	stream.linear.gather [hbm4b:s6+s3], $0x4000, $0x38;
	[tilespmem:$0x1BD00] =	vst v63  }
0x85: {  	s8 =	sadd.s32 $0x600, s7  }
0x86: {  	[tilespmem:s26], [sflag:$0x4] =	stream.linear.gather [hbm4b:s8+s3], $0x80, $0x38;
	[tilespmem:$0x1BD00] =	vst v63  }
0x87: {  	_ = 	snop  }
0x88: {  	[spmem:s2] =	stream.indirect.scatter.add.f32 [tilespmem:s3], [sflag:$0x5], $0x80, s22, s28, $0xb8;
	[tilespmem:$0x1BD00] =	vst v63  }
0x89: {  	_ =	swait.ge [sflag:s29], $0x4000  }
0x8a: {  	[sflag:s29] =	ssyncset.done $0x0  }
0x8b: {  	[sflag:s29] =	ssyncadd.s32 $0xFFFFC000  }
0x8c: {  	_ =	swait.ge [sflag:s30], $0x80  }
0x8d: {  	[sflag:s30] =	ssyncset.done $0x0  }
0x8e: {  	[sflag:s30] =	ssyncadd.s32 $0xFFFFFF80  }
0x8f: {  	_ =	swait.ge [sflag:s31], $0x4000  }
0x90: {  	[sflag:s31] =	ssyncset.done $0x0  }
.Ltmp1:
0x91: {  	s8 =	sadd.s32 $0x10000, s6;
	[sflag:s31] =	ssyncadd.s32 $0xFFFFC000;
	(pc) =	sbr.rel @p3 .LBB2_4-.Ltmp1, $4  }
0x92: {  	[tilespmem:s3], [sflag:$0x1] =	stream.linear.gather [hbm4b:s8+s3], $0x4000, $0x38;
	[tilespmem:$0x1BD00] =	vst v63  }
0x93: {  	s7 =	sadd.s32 $0x800, s7  }
0x94: {  	[tilespmem:s22], [sflag:$0x3] =	stream.linear.gather [hbm4b:s7+s3], $0x80, $0x38;
	[tilespmem:$0x1BD00] =	vst v63  }
0x95: {  	s6 =	sadd.s32 $0x20000, s6  }
0x96: {  	[spmem:s2] =	stream.indirect.scatter.add.f32 [tilespmem:s25], [sflag:$0x6], $0x80, s26, s28, $0xb8;
	[tilespmem:$0x1BD00] =	vst v63  }
0x97: {  	_ =	swait.ge [sflag:s23], $0x4000  }
0x98: {  	[sflag:s23] =	ssyncset.done $0x0  }
0x99: {  	[sflag:s23] =	ssyncadd.s32 $0xFFFFC000  }
0x9a: {  	_ =	swait.ge [sflag:s24], $0x80  }
0x9b: {  	[sflag:s24] =	ssyncset.done $0x0  }
0x9c: {  	[sflag:s24] =	ssyncadd.s32 $0xFFFFFF80  }
0x9d: {  	_ =	swait.ge [sflag:s1], $0x4000  }
0x9e: {  	[sflag:s1] =	ssyncset.done $0x0  }
0x9f: {  	s5 =	simm.s32 @p0 $0x0;
	s6 =	simm.s32 @p0 $0x4000;
	[sflag:s1] =	ssyncadd.s32 $0xFFFFC000  }
0xa0: {  	[tilespmem:s6], [sflag:$0x2] =	stream.linear.gather @p0 [hbm4b:s17+s5], $0x4000, $0x38;
	[tilespmem:$0x1BD00] =	vst v63  }
0xa1: {  	s6 =	simm.s32 @p0 $0x8080  }
0xa2: {  	[tilespmem:s6], [sflag:$0x4] =	stream.linear.gather @p0 [hbm4b:s18+s5], $0x80, $0x38;
	[tilespmem:$0x1BD00] =	vst v63  }
0xa3: {  	s7 =	simm.s32 @p0 $0x8000;
	s6 =	simm.s32 @p0 $0x80  }
0xa4: {  	[spmem:s2] =	stream.indirect.scatter.add.f32 @p0 [tilespmem:s5], [sflag:$0x5], $0x80, s7, s6, $0xb8;
	[tilespmem:$0x1BD00] =	vst v63  }
0xa5: {  	s5 =	simm.s32 @p0 $0x2  }
0xa6: {  	_ =	swait.ge @p0 [sflag:s5], $0x4000  }
0xa7: {  	[sflag:s5] =	ssyncset.done @p0 $0x0  }
0xa8: {  	[sflag:s5] =	ssyncadd.s32 @p0 $0xFFFFC000;
	s5 =	simm.s32 @p0 $0x4  }
0xa9: {  	_ =	swait.ge @p0 [sflag:s5], $0x80  }
0xaa: {  	s6 =	simm.s32 @!p0 $0x8000;
	[sflag:s5] =	ssyncset.done @p0 $0x0  }
0xab: {  	s7 =	simm.s32 @!p0 $0x0;
	[sflag:s5] =	ssyncadd.s32 @p0 $0xFFFFFF80;
	s5 =	simm.s32 @!p0 $0x80  }
0xac: {  	[spmem:s2] =	stream.indirect.scatter.add.f32 @!p0 [tilespmem:s7], [sflag:$0x5], $0x80, s6, s5, $0xb8;
	[tilespmem:$0x1BD00] =	vst v63  }
0xad: {  	_ =	swait.ge [sflag:s31], $0x4000  }
0xae: {  	s5 =	simm.s32 @!p1 $0x80;
	[sflag:s31] =	ssyncset.done $0x0  }
0xaf: {  	s6 =	simm.s32 @!p1 $0x8080;
	s7 =	simm.s32 @!p1 $0x4000;
	[sflag:s31] =	ssyncadd.s32 $0xFFFFC000  }
0xb0: {  	[spmem:s2] =	stream.indirect.scatter.add.f32 @!p1 [tilespmem:s7], [sflag:$0x6], $0x80, s6, s5, $0xb8;
	[tilespmem:$0x1BD00] =	vst v63  }
0xb1: {  	s5 =	simm.s32 @!p2 $0x6  }
0xb2: {  	s8 =	sshrl.u32 s4, $0x3;
	_ =	swait.ge @!p2 [sflag:s5], $0x4000  }
0xb3: {  	s0 =	sadd.s32 $0x1, s0;
	s7 =	stileid.u32;
	[sflag:s5] =	ssyncset.done @!p2 $0x0  }
0xb4: {  	p3 =	sne.s32 s0, s12;
	[sflag:s5] =	ssyncadd.s32 @!p2 $0xFFFFC000;
	s5 =	sshll.u32 s7, $0x6  }
.Ltmp2:
0xb5: {  	[bflag:$0x0] =	sbarrier.arrive $0xFFFF;
	s5 =	sor.u32 $0x1C07, s5;
	(pc) =	sbr.rel @p3 .LBB2_1-.Ltmp2, $4  }
0xb6: {  	[hbm:s11], [sflag:s5] =	dma.local [spmem:s8], $0x2780  }
0xb7: {  	_ =	swait.ge [sflag:s21], $0x2780  }
0xb8: {  	[sflag:s21] =	ssyncset.done $0x0  }
0xb9: {  	[sflag:s21] =	ssyncadd.s32 $0xFFFFD880  }
0xba: {  	_ =	sfence.sel $0x180000  }
0xbb: {  	[bflag:$0x0] =	sbarrier.arrive $0xFFFF  }
0xbc: {  	_ =	strace $0x9000004A  }
0xbd: {  	s0 =	stileid.u32;
	[bflag:$0x2] =	sbarrier.arrive $0xFFFF  }
0xbe: {  	p0 =	sne.s32 s0, $0x0;
	s0 =	rddreg [dreg:$0x4]  }
0xbf: {  	s0 =	sadd.s32 @!p0 $0x100000, s0  }
0xc0: {  	[sflag:s0] =	ssyncadd.tile.s32 @!p0 $0x1;
	_ =	shalt  }
.Lfunc_end2:
_tile_overlayer_lowered:
.L_overlay_start_2:
0xc1: {  	(tag) =	ssettag $0x2  }
0xc2: {  	s0 =	rddreg [dreg:$0x0];
	s2 =	stileid.u32  }
0xc3: {  	s1 =	rddreg [dreg:$0x1];
	p0 =	sne.s32 s2, $0x0  }
0xc4: {  	s3 =	rddreg [dreg:$0x2];
	[bflag:$0x3] =	sbarrier.arrive $0xFFFF;
	s2 =	simm.s32 @!p0 $0x1C07  }
0xc5: {  	[timem:s3], [sflag:s2] =	dma.local @!p0 [hbm:s0], s1  }
0xc6: {  	s0 =	simm.s32 @!p0 $0x7  }
0xc7: {  	_ =	swait.ge @!p0 [sflag:s0], s1  }
0xc8: {  	s1 =	ssub.s32 @!p0 $0x0, s1;
	[sflag:s0] =	ssyncset.done @!p0 $0x0  }
0xc9: {  	[sflag:s0] =	ssyncadd.s32 @!p0 s1  }
0xca: {  	[bflag:$0x3] =	sbarrier.arrive $0xFFFF  }
0xcb: {  	_ =	shalt  }

// kernel: kernel.9.cloned.1.call-start
scs
__scs_entry_jumppad:
0x0: {  	(pc) =	sbr.rel $0x88, $3  }
0x1: {  	(tag) =	ssettag $0x0;
	lr =	simm.s32 $0x1  }
0x2: {  	[smem:$0x3F98] =	sst lr;
	_ =	strace $0xD0000000  }
0x3: {  	_ = 	snop  }
0x4: {  	_ = 	snop  }
0x5: {  	_ = 	snop  }
0x6: {  	_ = 	snop  }
0x7: {  	_ = 	snop  }
__scs_overlays_trampoline_lowered:
0x8: {  	[smem:$0x3FA7] =	sst s0  }
0x9: {  	[smem:$0x3FA8] =	sst s1  }
0xa: {  	[smem:$0x3FA9] =	sst s2  }
0xb: {  	[smem:$0x3FAA] =	sst s3  }
0xc: {  	[smem:$0x3FAB] =	sst s4  }
0xd: {  	[smem:$0x3FAC] =	sst s5  }
0xe: {  	[smem:$0x3FAD] =	sst s6  }
0xf: {  	[smem:$0x3FAE] =	sst s7  }
0x10: {  	[smem:$0x3FAF] =	sst s8  }
0x11: {  	[smem:$0x3FB0] =	sst s9;
	s0 =	simm.s32 @!p0 $0x0  }
0x12: {  	s1 =	sld [smem:$0x3F96];
	s0 =	simm.s32 @p0 $0x1  }
0x13: {  	[smem:$0x3FB1] =	sst s0;
	s0 =	simm.s32 @!p1 $0x0  }
0x14: {  	s2 =	sld [smem:$0x3F95];
	s0 =	simm.s32 @p1 $0x1  }
0x15: {  	[smem:$0x3FB2] =	sst s0;
	s0 =	simm.s32 @!p2 $0x0  }
0x16: {  	s3 =	sld [smem:$0x3FDB];
	s0 =	simm.s32 @p2 $0x1  }
0x17: {  	s4 =	simm.s32 $0x1BF5;
	[smem:$0x3FB4] =	sst s0  }
0x18: {  	s0 =	sld [smem:$0x3F97];
	_ =	swait.ge [sflag:s4], $0x0  }
0x19: {  	s7 =	sld [smem:$0x3F98]  }
0x1a: {  	s8 =	sadd.s32 $0xFFFFE003, lr  }
0x1b: {  	s9 =	sadd.s32 $0xFFFFFEF7, lr;
	s5 =	simm.s32 $0xFFFFFFFF;
	p2 =	slt.u32 s8, $0xFFFFF086  }
0x1c: {  	p1 =	slt.u32 s9, $0xF7A;
	s5 =	simm.s32 @!p2 $0x0  }
0x1d: {  	s5 =	simm.s32 @p1 $0x1;
	p0 =	seq.s32 s7, s2  }
0x1e: {  	s7 =	smul.u32 @!p0 $0xF7A, s2;
	p2 =	seq.s32 @!p0 s5, $0x0  }
0x1f: {  	s9 =	smul.u32 $0xF7A, s1;
	s8 =	simm.s32 @!p0 $0x1BF5;
	p2 =	por !p2, p0  }
0x20: {  	[sflag:s8] =	ssyncset.s32 @!p0 $0xFFFFF086;
	s6 =	sadd.s32 @!p0 s3, s7;
	s7 =	simm.s32 @!p0 $0x108  }
0x21: {  	s3 =	sadd.s32 s3, s9;
	s6 =	sadd.s32 @!p0 $0x88, s6;
	s7 =	simm.s32 @p2 $0x1082  }
0x22: {  	[simem:s7], [sflag:s8] =	dma.local @!p0 [hbm:s6], $0xF7A  }
0x23: {  	s9 =	sor.u32 $0xD0000000, s2;
	s6 =	simm.s32 $0x108;
	_ =	swait.ge @!p0 [sflag:s8], $0x0  }
0x24: {  	s3 =	sadd.s32 $0x88, s3;
	s6 =	simm.s32 @!p1 $0x1082;
	[sflag:s4] =	ssyncset.s32 $0xFFFFF086  }
0x25: {  	[simem:s6], [sflag:s4] =	dma.local [hbm:s3], $0xF7A  }
0x26: {  	[smem:$0x3F98] =	sst s1;
	(tag) =	ssettag s2;
	_ =	strace s9  }
0x27: {  	s1 =	sld [smem:$0x3FA8]  }
0x28: {  	s2 =	sld [smem:$0x3FA9]  }
0x29: {  	s4 =	sld [smem:$0x3FAB]  }
0x2a: {  	p0 =	seq.s32 s5, $0x0;
	s5 =	sld [smem:$0x3FAC]  }
0x2b: {  	s6 =	sld [smem:$0x3FAD]  }
0x2c: {  	s7 =	sld [smem:$0x3FAE]  }
0x2d: {  	s3 =	simm.s32 $0x108;
	s8 =	sld [smem:$0x3FAF]  }
0x2e: {  	s3 =	simm.s32 @!p0 $0x1082;
	s9 =	sld [smem:$0x3FB0]  }
0x2f: {  	lr =	sadd.s32 s0, s3;
	s0 =	sld [smem:$0x3FA7]  }
0x30: {  	s3 =	sld [smem:$0x3FAA]  }
0x31: {  	[smem:$0x3FB3] =	sst s10  }
0x32: {  	s10 =	sld [smem:$0x3FB1];
	_ =	sdelay $0x3  }
0x33: {  	p0 =	seq.s32 s10, $0x1;
	s10 =	sld [smem:$0x3FB3];
	_ =	sdelay $0x3  }
0x34: {  	[smem:$0x3FB3] =	sst s10  }
0x35: {  	s10 =	sld [smem:$0x3FB2];
	_ =	sdelay $0x3  }
0x36: {  	p1 =	seq.s32 s10, $0x1;
	s10 =	sld [smem:$0x3FB3];
	_ =	sdelay $0x3  }
0x37: {  	[smem:$0x3FB3] =	sst s10  }
0x38: {  	s10 =	sld [smem:$0x3FB4]  }
0x39: {  	_ = 	snop;
	(pc) =	sbr.ind lr, $3  }
0x3a: {  	_ = 	snop  }
0x3b: {  	_ = 	snop  }
0x3c: {  	p2 =	seq.s32 s10, $0x1;
	s10 =	sld [smem:$0x3FB3]  }
0x3d: {  	_ =	shalt  }
0x3e: {  	_ =	shalt  }
0x3f: {  	_ =	shalt  }
0x40: {  	_ =	shalt  }
0x41: {  	_ =	shalt  }
0x42: {  	_ =	shalt  }
0x43: {  	_ =	shalt  }
0x44: {  	_ =	shalt  }
0x45: {  	_ =	shalt  }
0x46: {  	_ =	shalt  }
0x47: {  	_ =	shalt  }
0x48: {  	_ =	shalt  }
0x49: {  	_ =	shalt  }
0x4a: {  	_ =	shalt  }
0x4b: {  	_ =	shalt  }
0x4c: {  	_ =	shalt  }
0x4d: {  	_ =	shalt  }
0x4e: {  	_ =	shalt  }
0x4f: {  	_ =	shalt  }
0x50: {  	_ =	shalt  }
0x51: {  	_ =	shalt  }
0x52: {  	_ =	shalt  }
0x53: {  	_ =	shalt  }
0x54: {  	_ =	shalt  }
0x55: {  	_ =	shalt  }
0x56: {  	_ =	shalt  }
0x57: {  	_ =	shalt  }
0x58: {  	_ =	shalt  }
0x59: {  	_ =	shalt  }
0x5a: {  	_ =	shalt  }
0x5b: {  	_ =	shalt  }
0x5c: {  	_ =	shalt  }
0x5d: {  	_ =	shalt  }
0x5e: {  	_ =	shalt  }
0x5f: {  	_ =	shalt  }
0x60: {  	_ =	shalt  }
0x61: {  	_ =	shalt  }
0x62: {  	_ =	shalt  }
0x63: {  	_ =	shalt  }
0x64: {  	_ =	shalt  }
0x65: {  	_ =	shalt  }
0x66: {  	_ =	shalt  }
0x67: {  	_ =	shalt  }
0x68: {  	_ =	shalt  }
0x69: {  	_ =	shalt  }
0x6a: {  	_ =	shalt  }
0x6b: {  	_ =	shalt  }
0x6c: {  	_ =	shalt  }
0x6d: {  	_ =	shalt  }
0x6e: {  	_ =	shalt  }
0x6f: {  	_ =	shalt  }
0x70: {  	_ =	shalt  }
0x71: {  	_ =	shalt  }
0x72: {  	_ =	shalt  }
0x73: {  	_ =	shalt  }
0x74: {  	_ =	shalt  }
0x75: {  	_ =	shalt  }
0x76: {  	_ =	shalt  }
0x77: {  	_ =	shalt  }
0x78: {  	_ =	shalt  }
0x79: {  	_ =	shalt  }
0x7a: {  	_ =	shalt  }
0x7b: {  	_ =	shalt  }
0x7c: {  	_ =	shalt  }
0x7d: {  	_ =	shalt  }
0x7e: {  	_ =	shalt  }
0x7f: {  	_ =	shalt  }
0x80: {  	_ =	shalt  }
0x81: {  	_ =	shalt  }
0x82: {  	_ =	shalt  }
0x83: {  	_ =	shalt  }
0x84: {  	_ =	shalt  }
0x85: {  	_ =	shalt  }
0x86: {  	_ =	shalt  }
0x87: {  	_ =	shalt  }
.Lfunc_end0:
.L_simem_size_0:
called_computation.1_lowered:
.L_overlay_start_0:
0x88: {  	s2 =	sld [smem:$0x3FD9]  }
0x89: {  	s3 =	sld [smem:$0x3FFE];
	_ =	sdelay $0x1  }
0x8a: {  	s1 =	srdreg.scid  }
0x8b: {  	s0 =	sand.u32 $0x1, s1  }
0x8c: {  	s14 =	sshll.u32 s0, $0xA;
	s2 =	sadd.s32 s3, s2  }
0x8d: {  	s2 =	sadd.s32 s2, s14  }
0x8e: {  	[smem:$0x3FBF] =	sst s2  }
0x8f: {  	_ = 	snop  }
0x90: {  	s2 =	sld [smem:$0x3FD0];
	_ =	sdelay $0x1  }
0x91: {  	s15 =	sld [smem:$0x3FC8]  }
0x92: {  	s5 =	simm.s32 $0xB;
	s6 =	simm.s32 $0x10;
	s4 =	sld [smem:$0x3FC6]  }
0x93: {  	[smem:s6], [sflag:s5] =	dma.local [hbm:s2], $0x1  }
0x94: {  	_ =	swait.eq [sflag:s5], $0x1  }
0x95: {  	[sflag:s5] =	ssyncset.done $0x0  }
0x96: {  	[sflag:s5] =	ssyncadd.s32 $0xFFFFFFFF  }
0x97: {  	s16 =	sld [smem:$0x11];
	(tm) =	ssettm $0x1  }
0x98: {  	s17 =	sld [smem:$0x3FFB];
	_ =	sdelay $0x3  }
0x99: {  	_ =	strace s17  }
0x9a: {  	s5 =	sld [smem:$0x3FFC];
	_ =	sdelay $0x3  }
0x9b: {  	_ =	strace s5  }
0x9c: {  	s5 =	sld [smem:$0x3FFD];
	_ =	sdelay $0x3  }
0x9d: {  	_ =	strace s5  }
0x9e: {  	_ =	strace $0x8FFFFFFF  }
0x9f: {  	s18 =	sld [smem:$0x3FDB];
	_ =	sdelay $0x1  }
0xa0: {  	s19 =	simm.s32 $_scs_section_size  }
0xa1: {  	s7 =	simm.s32 $_size__tile_overlayer_lowered;
	s8 =	simm.s32 $_tile_overlayer_lowered  }
0xa2: {  	s22 =	simm.s32 $0x1BFF;
	s21 =	sshll.u32 s8, $0x1;
	s5 =	sadd.s32 s19, s18  }
0xa3: {  	s9 =	simm.s32 $0x0;
	s20 =	sshll.u32 s7, $0x1;
	s7 =	sadd.s32 s21, s5  }
0xa4: {  	[timem:s9], [sflag:s22] =	dma.local [hbm:s7], s20  }
0xa5: {  	_ =	swait.ge [sflag:s22], s20  }
0xa6: {  	s6 =	ssub.s32 $0x0, s20;
	[sflag:s22] =	ssyncset.done $0x0  }
0xa7: {  	[sflag:s22] =	ssyncadd.s32 s6;
	_ =	sdelay $0x1  }
0xa8: {  	s23 =	simm.s32 $0x1B8B  }
0xa9: {  	_ =	swait.ge [sflag:s23], $0x1  }
0xaa: {  	[sflag:s23] =	ssyncset.done $0x0  }
0xab: {  	s25 =	simm.s32 $0x1B8E;
	s24 =	sld [smem:$0x3FFE];
	[sflag:s23] =	ssyncadd.s32 $0xFFFFFFFF  }
0xac: {  	s26 =	simm.s32 $execute0_lowered;
	[smem:$0x3FD2] =	sst s25  }
0xad: {  	s7 =	sshll.u32 s26, $0x1;
	_ =	strace $0x80000046;
	[dreg:$0x1] =	wrdreg $0xFFFFFFFF  }
0xae: {  	s28 =	simm.s32 $_size_execute0_lowered;
	s5 =	sadd.s32 s5, s7;
	[dreg:$0x0] =	wrdreg $0x0  }
0xaf: {  	s7 =	sshll.u32 s28, $0x1;
	[dreg:$0x2] =	wrdreg s5  }
0xb0: {  	[dreg:$0x3] =	wrdreg s7  }
0xb1: {  	[dreg:$0x4] =	wrdreg $0xC0  }
0xb2: {  	_ =	task [dreg:s9], $0x5FFFF  }
0xb3: {  	[dreg:$0x1] =	wrdreg $0xFFFFFFFF  }
0xb4: {  	[dreg:$0x0] =	wrdreg $0x60  }
0xb5: {  	[dreg:$0x2] =	wrdreg s24  }
0xb6: {  	[dreg:$0x3] =	wrdreg s15  }
0xb7: {  	[dreg:$0x4] =	wrdreg s4  }
0xb8: {  	[dreg:$0x5] =	wrdreg s16  }
0xb9: {  	[dreg:$0x6] =	wrdreg $0xC0800  }
0xba: {  	[dreg:$0x7] =	wrdreg $0xA  }
0xbb: {  	_ =	task.clear_ibuf [dreg:s9], $0x8FFFF;
	_ =	strace $0x90000046  }
0xbc: {  	s29 =	simm.s32 $0xA;
	_ =	strace $0x80000048  }
0xbd: {  	_ =	swait.ge [sflag:s29], $0x1  }
0xbe: {  	[sflag:s29] =	ssyncadd.s32 $0xFFFFFFFF  }
0xbf: {  	_ =	strace $0x90000048  }
0xc0: {  	_ =	sfence  }
0xc1: {  	s30 =	sld [smem:$0x0];
	_ =	sdelay $0x2  }
0xc2: {  	s31 =	sshll.u32 s1, $0xD;
	s1 =	sshrl.u32 s1, $0x2  }
0xc3: {  	s3 =	sand.u32 $0x4000, s31;
	s1 =	sadd.s32 s1, s30  }
0xc4: {  	s0 =	sor.u32 s3, s0;
	s1 =	sshll.u32 s1, $0x11  }
0xc5: {  	s0 =	sor.u32 s1, s0  }
0xc6: {  	s0 =	sadd.s32 $0x8F2B, s0  }
0xc7: {  	[sflag:s0] =	ssyncadd.remote.s32 $0x1  }
0xc8: {  	_ =	sfence.sel $0xFFFF  }
0xc9: {  	[dreg:$0x0] =	wrdreg $0xFFFFFFFF;
	(pc) =	sbr.abs _section_cstart, $3  }
0xca: {  	[dreg:$0x1] =	wrdreg $0xFFFFFFFF  }
0xcb: {  	_ =	task.clear_ibuf [dreg:s9], $0x2FFFF;
	_ =	strace $0x9FFFFFFF  }
0xcc: {  	(tm) =	ssettm $0x7FFFFFFF  }
0xcd: {  	_ =	shalt  }
tec
execute0_lowered:
.L_overlay_start_1:
0x0: {  	(tag) =	ssettag $0x1  }
0x1: {  	s0 =	rddreg [dreg:$0x0]  }
0x2: {  	s3 =	rddreg [dreg:$0x3]  }
0x3: {  	s10 =	rddreg [dreg:$0x4]  }
0x4: {  	s1 =	srdreg.scid;
	s6 =	simm.s32 $0x0;
	s5 =	stileid.u32  }
0x5: {  	s16 =	simm.s32 $0x5;
	s18 =	simm.s32 $0xC000;
	s19 =	simm.s32 $0x6  }
0x6: {  	s28 =	simm.s32 $0x4;
	s29 =	simm.s32 $0x80;
	s4 =	smul.u32 $0x13C00, s5  }
0x7: {  	s1 =	sand.u32 $0x1, s1;
	[smem:$0x7FF] =	sst s6;
	s8 =	smul.u32 $0x4F000, s5  }
0x8: {  	s7 =	sadd.s32 $0x1C00, s0;
	s2 =	smul.u32 $0x13C000, s1;
	s20 =	ssub.s32 $0x2, s1  }
0x9: {  	s22 =	smov.u32 s10;
	_ =	strace $0x80000047;
	s9 =	sshrl.u32 s20, $0x1  }
0xa: {  	s8 =	sshrl.u32 s8, $0x2;
	s2 =	sadd.s32 s4, s2;
	s21 =	ssub.s32 s20, s9  }
0xb: {  	s23 =	sadd.s32 s8, s10;
	s9 =	sshll.u32 s1, $0x4;
	s20 =	simm.s32 $0x40  }
0xc: {  	s1 =	simm.s32 $0x0;
	s24 =	sadd.s32 $0x4000, s23;
	[dreg:$0x6] =	wrdreg s23  }
0xd: {  	s2 =	sshrl.u32 s2, $0x3;
	s25 =	sadd.s32 $0x8000, s23;
	[dreg:$0x7] =	wrdreg s24  }
.Ltmp0:
0xe: {  	s26 =	sadd.s32 $0xC000, s23;
	[dreg:$0x8] =	wrdreg s25;
	(pc) =	sbr.rel .LBB2_1-.Ltmp0, $4  }
0xf: {  	s30 =	sadd.s32 $0x10000, s23;
	s31 =	smax.u32 s21, $0x1;
	[dreg:$0x9] =	wrdreg s26  }
0x10: {  	s23 =	simm.s32 $0xA000;
	s0 =	sadd.s32 s2, s0;
	[dreg:$0xa] =	wrdreg s30  }
0x11: {  	[dreg:$0xc] =	wrdreg s31;
	s24 =	simm.s32 $0x1;
	s0 =	sadd.s32 $0x272C00, s0  }
0x12: {  	v0 =	vimm.f32 $0.0e+00;
	s25 =	simm.s32 $0x2;
	s26 =	simm.s32 $0x3;
	[dreg:$0xb] =	wrdreg s0  }
.LBB2_11:
0x13: {  	[bflag:$0x0] =	sbarrier.arrive $0xFFFF  }
0x14: {  	s0 =	sshll.u32 s5, $0x6;
	s1 =	rddreg [dreg:$0x6]  }
0x15: {  	s0 =	sor.u32 $0x1C05, s0;
	s2 =	rddreg [dreg:$0xb];
	s1 =	sshrl.u32 s1, $0x3  }
0x16: {  	[hbm:s2], [sflag:s0] =	dma.local [spmem:s1], $0x2780  }
0x17: {  	_ =	swait.ge [sflag:s16], $0x2780  }
0x18: {  	s30 =	rddreg [dreg:$0xd]  }
0x19: {  	s31 =	rddreg [dreg:$0xc];
	s1 =	sadd.s32 $0x1, s30  }
0x1a: {  	p0 =	sne.s32 s1, s31  }
.Ltmp1:
0x1b: {  	_ = 	snop;
	(pc) =	sbr.rel @!p0 .LBB2_12-.Ltmp1, $3  }
0x1c: {  	_ =	sdelay $0x1  }
0x1d: {  	[sflag:s16] =	ssyncset.done $0x0  }
0x1e: {  	[sflag:s16] =	ssyncadd.s32 $0xFFFFD880  }
.LBB2_1:
0x1f: {  	[dreg:$0xd] =	wrdreg s1;
	s0 =	simm.s32 $0x0;
	s1 =	simm.s32 $0x200  }
.LBB2_2:
0x20: {  	p0 =	sne.s32 s1, $0xFE00;
	[tilespmem:s0+$0x70] =	vst v0  }
0x21: {  	[tilespmem:s0+$0x0] =	vst v0  }
0x22: {  	[tilespmem:s0+$0x10] =	vst v0  }
.Ltmp2:
0x23: {  	[tilespmem:s0+$0x20] =	vst v0;
	(pc) =	sbr.rel @p0 .LBB2_2-.Ltmp2, $4  }
0x24: {  	[tilespmem:s0+$0x30] =	vst v0  }
0x25: {  	[tilespmem:s0+$0x40] =	vst v0  }
0x26: {  	[tilespmem:s0+$0x50] =	vst v0  }
0x27: {  	[tilespmem:s0+$0x60] =	vst v0;
	s0 =	sshra.s32 s1, $0x2;
	s1 =	sadd.s32 $0x200, s1  }
0x28: {  	[tilespmem:s0+$0x70] =	vst v0  }
0x29: {  	[tilespmem:s0+$0x0] =	vst v0  }
0x2a: {  	[tilespmem:s0+$0x10] =	vst v0  }
0x2b: {  	[tilespmem:s0+$0x20] =	vst v0  }
0x2c: {  	[tilespmem:s0+$0x30] =	vst v0  }
0x2d: {  	[tilespmem:s0+$0x40] =	vst v0  }
0x2e: {  	[tilespmem:s0+$0x50] =	vst v0  }
0x2f: {  	[tilespmem:s0+$0x60] =	vst v0;
	s31 =	simm.s32 $0x0;
	s14 =	rddreg [dreg:$0x6]  }
0x30: {  	[spmem:s14] =	stream.linear.scatter [tilespmem:s31], [sflag:$0x5], $0x4000, $0x38;
	[tilespmem:$0x1FC80] =	vst v63  }
0x31: {  	_ =	swait.ge [sflag:s16], $0x4000  }
0x32: {  	[sflag:s16] =	ssyncset.done $0x0  }
0x33: {  	s15 =	rddreg [dreg:$0x7];
	[sflag:s16] =	ssyncadd.s32 $0xFFFFC000  }
0x34: {  	[spmem:s15] =	stream.linear.scatter [tilespmem:s31], [sflag:$0x5], $0x4000, $0x38;
	[tilespmem:$0x1FC80] =	vst v63  }
0x35: {  	_ =	swait.ge [sflag:s16], $0x4000  }
0x36: {  	[sflag:s16] =	ssyncset.done $0x0  }
0x37: {  	s17 =	rddreg [dreg:$0x8];
	[sflag:s16] =	ssyncadd.s32 $0xFFFFC000  }
0x38: {  	[spmem:s17] =	stream.linear.scatter [tilespmem:s31], [sflag:$0x5], $0x4000, $0x38;
	[tilespmem:$0x1FC80] =	vst v63  }
0x39: {  	_ =	swait.ge [sflag:s16], $0x4000  }
0x3a: {  	[sflag:s16] =	ssyncset.done $0x0  }
0x3b: {  	s21 =	rddreg [dreg:$0x9];
	[sflag:s16] =	ssyncadd.s32 $0xFFFFC000  }
0x3c: {  	[spmem:s21] =	stream.linear.scatter [tilespmem:s31], [sflag:$0x5], $0x4000, $0x38;
	[tilespmem:$0x1FC80] =	vst v63  }
0x3d: {  	_ =	swait.ge [sflag:s16], $0x4000  }
0x3e: {  	[sflag:s16] =	ssyncset.done $0x0  }
0x3f: {  	s30 =	rddreg [dreg:$0xa];
	[sflag:s16] =	ssyncadd.s32 $0xFFFFC000  }
0x40: {  	[spmem:s30] =	stream.linear.scatter [tilespmem:s31], [sflag:$0x5], $0x3C00, $0x38;
	[tilespmem:$0x1FC80] =	vst v63  }
.Ltmp3:
0x41: {  	_ =	swait.ge [sflag:s16], $0x3C00;
	(pc) =	sbr.rel .LBB2_4-.Ltmp3, $3  }
0x42: {  	[sflag:s16] =	ssyncset.done $0x0  }
0x43: {  	[sflag:s16] =	ssyncadd.s32 $0xFFFFC400  }
0x44: {  	[bflag:$0x0] =	sbarrier.arrive $0xFFFF;
	_ =	sdelay $0x1  }
.LBB2_10:
0x45: {  	s31 =	sadd.s32 $0x1, s31  }
0x46: {  	p0 =	sne.s32 s31, $0x28  }
.Ltmp4:
0x47: {  	_ = 	snop;
	(pc) =	sbr.rel @!p0 .LBB2_11-.Ltmp4, $1  }
0x48: {  	_ =	sdelay $0x3  }
.LBB2_4:
0x49: {  	s0 =	sshll.u32 s31, $0x5  }
0x4a: {  	s0 =	sor.u32 s0, s9  }
0x4b: {  	s0 =	sor.u32 s5, s0  }
0x4c: {  	p0 =	sgt.u32 s0, $0x4E1  }
.Ltmp5:
0x4d: {  	_ = 	snop;
	(pc) =	sbr.rel @p0 .LBB2_10-.Ltmp5, $1  }
0x4e: {  	_ =	sdelay $0x3  }
0x4f: {  	s1 =	sshll.u32 s0, $0xB  }
0x50: {  	s11 =	rddreg [dreg:$0x1];
	s12 =	simm.s32 $0x4000;
	s2 =	sadd.s32 s7, s1  }
0x51: {  	[tilespmem:s6], [sflag:$0x1] =	stream.linear.gather [hbm4b:s2+s6], $0x4000, $0x38;
	[tilespmem:$0x1FC80] =	vst v63  }
0x52: {  	s13 =	sshll.u32 s0, $0x4;
	s14 =	rddreg [dreg:$0x2];
	s1 =	sadd.s32 s11, s1  }
0x53: {  	[tilespmem:s12], [sflag:$0x2] =	stream.linear.gather [hbm4b:s1+s6], $0x4000, $0x38;
	[tilespmem:$0x1FC80] =	vst v63  }
0x54: {  	s0 =	sadd.s32 s14, s13  }
0x55: {  	[tilespmem:s18], [sflag:$0x6] =	stream.linear.gather [hbm4b:s0+s6], $0x80, $0x38;
	[tilespmem:$0x1FC80] =	vst v63  }
0x56: {  	_ =	swait.ge [sflag:s19], $0x80  }
0x57: {  	[sflag:s19] =	ssyncset.done $0x0  }
0x58: {  	s15 =	simm.s32 $0x8000;
	[sflag:s19] =	ssyncadd.s32 $0xFFFFFF80  }
0x59: {  	[tilespmem:s15], [sflag:$0x3] =	stream.indirect.gather [hbm4b:s3+s20], $0x80, s18, s20, $0xb8;
	[tilespmem:$0x1FC80] =	vst v63  }
0x5a: {  	s17 =	simm.s32 $0xC040  }
0x5b: {  	[tilespmem:s23], [sflag:$0x4] =	stream.indirect.gather [hbm4b:s3+s20], $0x80, s17, s20, $0xb8;
	[tilespmem:$0x1FC80] =	vst v63  }
0x5c: {  	_ =	swait.ge [sflag:s24], $0x4000  }
0x5d: {  	[sflag:s24] =	ssyncset.done $0x0  }
0x5e: {  	[sflag:s24] =	ssyncadd.s32 $0xFFFFC000  }
0x5f: {  	_ =	swait.ge [sflag:s25], $0x4000  }
0x60: {  	[sflag:s25] =	ssyncset.done $0x0  }
0x61: {  	[sflag:s25] =	ssyncadd.s32 $0xFFFFC000  }
0x62: {  	_ =	swait.ge [sflag:s26], $0x2000  }
0x63: {  	[sflag:s26] =	ssyncset.done $0x0  }
0x64: {  	s0 =	simm.s32 $0x100;
	[sflag:s26] =	ssyncadd.s32 $0xFFFFE000  }
0x65: {  	s21 =	simm.s32 $0x8100;
	v1 =	vld [tilespmem:s0+$0x80]  }
0x66: {  	v2 =	vld [tilespmem:s21+$0x80];
	_ =	sdelay $0x4  }
0x67: {  	v3 =	vld [tilespmem:s0+$0xFFFFFF80];
	v1 =	vadd.f32 v2, v1  }
0x68: {  	v4 =	vld [tilespmem:s21+$0xFFFFFF80]  }
0x69: {  	v5 =	vld [tilespmem:s0+$0x0];
	v1 =	vsub.f32 $0.0e+00, v1  }
0x6a: {  	v6 =	vld [tilespmem:s21+$0x0]  }
0x6b: {  	v1 =	vmul.f32 $1.442695020e+00, v1  }
0x6c: {  	v7 =	vld [tilespmem:s0+$0xFFFFFF00]  }
0x6d: {  	v2 =	vld [tilespmem:s21+$0xFFFFFF00];
	(erf) = vpow2.f32 v1;
	v1 =	vadd.f32 v4, v3;
	_ =	sdelay $0x1  }
0x6e: {  	v3 =	vadd.f32 v6, v5;
	v1 =	vsub.f32 $0.0e+00, v1;
	_ =	sdelay $0x1  }
0x6f: {  	v3 =	vsub.f32 $0.0e+00, v3;
	v1 =	vmul.f32 $1.442695020e+00, v1  }
0x70: {  	v2 =	vadd.f32 v2, v7  }
0x71: {  	(erf) = vpow2.f32 v1;
	v1 =	vmul.f32 $1.442695020e+00, v3  }
0x72: {  	v2 =	vsub.f32 $0.0e+00, v2  }
0x73: {  	(erf) = vpow2.f32 v1  }
0x74: {  	v2 =	vmul.f32 $1.442695020e+00, v2;
	v3 =	vpop (erf)  }
0x75: {  	v1 =	vadd.f32 $1.000000000e+00, v3  }
0x76: {  	(erf) = vpow2.f32 v2  }
0x77: {  	(erf) = vrcp.f32 v1;
	_ =	sdelay $0x2  }
0x78: {  	v1 =	vpop (erf)  }
0x79: {  	s30 =	simm.s32 $0x4100;
	v1 =	vadd.f32 $1.000000000e+00, v1  }
0x7a: {  	v2 =	vld [tilespmem:s30+$0x80];
	v3 =	vpop (erf)  }
0x7b: {  	(erf) = vrcp.f32 v1;
	v1 =	vadd.f32 $1.000000000e+00, v3;
	_ =	sdelay $0x1  }
0x7c: {  	v3 =	vpop (erf);
	(erf) = vrcp.f32 v1  }
0x7d: {  	v3 =	vadd.f32 $1.000000000e+00, v3;
	v8 =	vpop (erf)  }
0x7e: {  	v11 =	vld [tilespmem:s30+$0x0];
	v1 =	vmul.f32 v8, v2  }
0x7f: {  	(erf) = vrcp.f32 v3;
	v2 =	vld [tilespmem:s30+$0xFFFFFF80]  }
0x80: {  	v3 =	vld [tilespmem:s0+$0x90];
	[tilespmem:s0+$0x80] =	vst v1  }
0x81: {  	v10 =	vld [tilespmem:s21+$0x90];
	_ =	sdelay $0x1  }
0x82: {  	v12 =	vpop (erf)  }
0x83: {  	v14 =	vld [tilespmem:s30+$0xFFFFFF00];
	v17 =	vmul.f32 v12, v2  }
0x84: {  	v18 =	vpop (erf)  }
0x85: {  	v5 =	vld [tilespmem:s0+$0xFFFFFF90];
	v3 =	vadd.f32 v10, v3;
	[tilespmem:s0+$0xFFFFFF80] =	vst v17;
	v10 =	vmul.f32 v18, v11  }
0x86: {  	v17 =	vld [tilespmem:s21+$0xFFFFFF90]  }
0x87: {  	v6 =	vld [tilespmem:s0+$0x10];
	v11 =	vpop (erf);
	[tilespmem:s0+$0x0] =	vst v10  }
0x88: {  	v11 =	vmul.f32 v11, v14;
	v14 =	vsub.f32 $0.0e+00, v3;
	v10 =	vld [tilespmem:s21+$0x10];
	_ =	sdelay $0x1  }
0x89: {  	v4 =	vld [tilespmem:s0+$0xFFFFFF10];
	[tilespmem:s0+$0xFFFFFF00] =	vst v11;
	v11 =	vmul.f32 $1.442695020e+00, v14  }
0x8a: {  	v14 =	vld [tilespmem:s21+$0xFFFFFF10];
	v5 =	vadd.f32 v17, v5  }
0x8b: {  	(erf) = vpow2.f32 v11  }
0x8c: {  	v5 =	vsub.f32 $0.0e+00, v5;
	v6 =	vadd.f32 v10, v6;
	_ =	sdelay $0x1  }
0x8d: {  	v5 =	vmul.f32 $1.442695020e+00, v5;
	v6 =	vsub.f32 $0.0e+00, v6  }
0x8e: {  	v4 =	vadd.f32 v14, v4  }
0x8f: {  	(erf) = vpow2.f32 v5;
	v5 =	vmul.f32 $1.442695020e+00, v6  }
0x90: {  	v4 =	vsub.f32 $0.0e+00, v4  }
0x91: {  	(erf) = vpow2.f32 v5  }
0x92: {  	v4 =	vmul.f32 $1.442695020e+00, v4  }
0x93: {  	v5 =	vpop (erf)  }
0x94: {  	(erf) = vpow2.f32 v4;
	v4 =	vadd.f32 $1.000000000e+00, v5;
	_ =	sdelay $0x1  }
0x95: {  	(erf) = vrcp.f32 v4;
	_ =	sdelay $0x1  }
0x96: {  	v4 =	vpop (erf)  }
0x97: {  	v4 =	vadd.f32 $1.000000000e+00, v4  }
0x98: {  	v6 =	vpop (erf)  }
0x99: {  	v5 =	vld [tilespmem:s30+$0x90];
	(erf) = vrcp.f32 v4;
	v4 =	vadd.f32 $1.000000000e+00, v6;
	_ =	sdelay $0x1  }
0x9a: {  	v6 =	vpop (erf)  }
0x9b: {  	v6 =	vadd.f32 $1.000000000e+00, v6  }
0x9c: {  	(erf) = vrcp.f32 v4;
	v4 =	vpop (erf)  }
0x9d: {  	(erf) = vrcp.f32 v6;
	v4 =	vmul.f32 v4, v5;
	v5 =	vld [tilespmem:s30+$0xFFFFFF90];
	_ =	sdelay $0x3  }
0x9e: {  	v17 =	vld [tilespmem:s30+$0xFFFFFF10];
	v6 =	vpop (erf)  }
0x9f: {  	[tilespmem:s0+$0x90] =	vst v4;
	v4 =	vld [tilespmem:s0+$0xA0];
	v19 =	vmul.f32 v6, v5  }
0xa0: {  	v14 =	vld [tilespmem:s21+$0xA0];
	_ =	sdelay $0x1  }
0xa1: {  	v18 =	vld [tilespmem:s30+$0x10];
	v20 =	vpop (erf)  }
0xa2: {  	[tilespmem:s0+$0xFFFFFF90] =	vst v19;
	v19 =	vpop (erf)  }
0xa3: {  	v15 =	vld [tilespmem:s0+$0xFFFFFFA0];
	v17 =	vmul.f32 v19, v17  }
0xa4: {  	v4 =	vadd.f32 v14, v4;
	v21 =	vld [tilespmem:s21+$0xFFFFFFA0]  }
0xa5: {  	v13 =	vld [tilespmem:s0+$0xFFFFFF20];
	[tilespmem:s0+$0xFFFFFF10] =	vst v17  }
0xa6: {  	v18 =	vmul.f32 v20, v18;
	v19 =	vsub.f32 $0.0e+00, v4;
	v17 =	vld [tilespmem:s21+$0xFFFFFF20];
	_ =	sdelay $0x1  }
0xa7: {  	[tilespmem:s0+$0x10] =	vst v18;
	v18 =	vmul.f32 $1.442695020e+00, v19  }
0xa8: {  	v15 =	vadd.f32 v21, v15  }
0xa9: {  	(erf) = vpow2.f32 v18  }
0xaa: {  	v16 =	vld [tilespmem:s0+$0x20];
	v15 =	vsub.f32 $0.0e+00, v15;
	v13 =	vadd.f32 v17, v13  }
0xab: {  	v19 =	vld [tilespmem:s21+$0x20]  }
0xac: {  	v15 =	vmul.f32 $1.442695020e+00, v15;
	v13 =	vsub.f32 $0.0e+00, v13;
	_ =	sdelay $0x1  }
0xad: {  	(erf) = vpow2.f32 v15;
	v13 =	vmul.f32 $1.442695020e+00, v13;
	_ =	sdelay $0x1  }
0xae: {  	v16 =	vadd.f32 v19, v16;
	_ =	sdelay $0x1  }
0xaf: {  	v15 =	vsub.f32 $0.0e+00, v16;
	(erf) = vpow2.f32 v13;
	v13 =	vpop (erf)  }
0xb0: {  	v13 =	vadd.f32 $1.000000000e+00, v13  }
0xb1: {  	v15 =	vmul.f32 $1.442695020e+00, v15;
	_ =	sdelay $0x1  }
0xb2: {  	s12 =	simm.s32 $0x8300;
	(erf) = vpow2.f32 v15  }
0xb3: {  	s10 =	simm.s32 $0x300;
	v16 =	vld [tilespmem:s12+$0x80];
	(erf) = vrcp.f32 v13;
	v13 =	vpop (erf)  }
0xb4: {  	v15 =	vld [tilespmem:s10+$0x80];
	v13 =	vadd.f32 $1.000000000e+00, v13;
	_ =	sdelay $0x1  }
0xb5: {  	v22 =	vld [tilespmem:s12+$0x0]  }
0xb6: {  	v18 =	vld [tilespmem:s12+$0xFFFFFF80]  }
0xb7: {  	v17 =	vld [tilespmem:s10+$0xFFFFFF80];
	(erf) = vrcp.f32 v13;
	v13 =	vpop (erf)  }
0xb8: {  	v19 =	vld [tilespmem:s12+$0xFFFFFF00];
	v15 =	vadd.f32 v16, v15;
	v13 =	vadd.f32 $1.000000000e+00, v13  }
0xb9: {  	v16 =	vld [tilespmem:s30+$0xA0]  }
0xba: {  	v15 =	vsub.f32 $0.0e+00, v15;
	v21 =	vpop (erf);
	(erf) = vrcp.f32 v13;
	v13 =	vld [tilespmem:s10+$0xFFFFFF00]  }
0xbb: {  	v20 =	vld [tilespmem:s10+$0x0];
	v21 =	vadd.f32 $1.000000000e+00, v21  }
0xbc: {  	v17 =	vadd.f32 v18, v17;
	v18 =	vld [tilespmem:s30+$0xFFFFFFA0];
	v15 =	vmul.f32 $1.442695020e+00, v15  }
0xbd: {  	v23 =	vpop (erf);
	(erf) = vrcp.f32 v21  }
0xbe: {  	v16 =	vmul.f32 v23, v16;
	(erf) = vpow2.f32 v15  }
0xbf: {  	v17 =	vsub.f32 $0.0e+00, v17;
	v13 =	vadd.f32 v19, v13  }
0xc0: {  	[tilespmem:s0+$0xA0] =	vst v16;
	v16 =	vadd.f32 v22, v20;
	v22 =	vpop (erf)  }
0xc1: {  	v17 =	vmul.f32 $1.442695020e+00, v17;
	v18 =	vmul.f32 v22, v18;
	v13 =	vsub.f32 $0.0e+00, v13  }
0xc2: {  	v23 =	vsub.f32 $0.0e+00, v16  }
0xc3: {  	v15 =	vld [tilespmem:s30+$0xFFFFFF20];
	(erf) = vpow2.f32 v17;
	v13 =	vmul.f32 $1.442695020e+00, v13  }
0xc4: {  	v20 =	vld [tilespmem:s0+$0xB0];
	v17 =	vmul.f32 $1.442695020e+00, v23  }
0xc5: {  	v19 =	vld [tilespmem:s21+$0xB0];
	[tilespmem:s0+$0xFFFFFFA0] =	vst v18;
	v18 =	vpop (erf)  }
0xc6: {  	v21 =	vld [tilespmem:s30+$0x20];
	(erf) = vpow2.f32 v17;
	v22 =	vpop (erf)  }
0xc7: {  	v9 =	vld [tilespmem:s0+$0xFFFFFFB0];
	(erf) = vpow2.f32 v13;
	v13 =	vpop (erf)  }
0xc8: {  	v15 =	vmul.f32 v18, v15;
	v18 =	vld [tilespmem:s21+$0xFFFFFFB0];
	v13 =	vadd.f32 $1.000000000e+00, v13;
	_ =	sdelay $0x1  }
0xc9: {  	v17 =	vadd.f32 v19, v20  }
0xca: {  	v7 =	vld [tilespmem:s0+$0xFFFFFF30];
	v19 =	vmul.f32 v22, v21  }
0xcb: {  	v8 =	vld [tilespmem:s0+$0x30];
	[tilespmem:s0+$0xFFFFFF20] =	vst v15;
	v15 =	vsub.f32 $0.0e+00, v17;
	(erf) = vrcp.f32 v13;
	v13 =	vpop (erf)  }
0xcc: {  	v17 =	vld [tilespmem:s21+$0xFFFFFF30];
	[tilespmem:s0+$0x20] =	vst v19;
	v9 =	vadd.f32 v18, v9;
	v13 =	vadd.f32 $1.000000000e+00, v13  }
0xcd: {  	v19 =	vld [tilespmem:s21+$0x30];
	v15 =	vmul.f32 $1.442695020e+00, v15  }
0xce: {  	v9 =	vsub.f32 $0.0e+00, v9  }
0xcf: {  	(erf) = vpow2.f32 v15  }
0xd0: {  	v9 =	vmul.f32 $1.442695020e+00, v9;
	(erf) = vrcp.f32 v13;
	v13 =	vpop (erf)  }
0xd1: {  	s11 =	simm.s32 $0x4300;
	v7 =	vadd.f32 v17, v7;
	v17 =	vpop (erf)  }
0xd2: {  	v15 =	vld [tilespmem:s11+$0x80];
	v8 =	vadd.f32 v19, v8;
	(erf) = vpow2.f32 v9;
	v9 =	vadd.f32 $1.000000000e+00, v17  }
0xd3: {  	v7 =	vsub.f32 $0.0e+00, v7;
	v13 =	vadd.f32 $1.000000000e+00, v13  }
0xd4: {  	v8 =	vsub.f32 $0.0e+00, v8  }
0xd5: {  	v7 =	vmul.f32 $1.442695020e+00, v7;
	(erf) = vrcp.f32 v13  }
0xd6: {  	v8 =	vmul.f32 $1.442695020e+00, v8;
	(erf) = vrcp.f32 v9;
	v9 =	vpop (erf)  }
0xd7: {  	v13 =	vld [tilespmem:s11+$0xFFFFFF80];
	(erf) = vpow2.f32 v7;
	v7 =	vmul.f32 v9, v15;
	_ =	sdelay $0x1  }
0xd8: {  	v27 =	vld [tilespmem:s10+$0xFFFFFF90]  }
0xd9: {  	v28 =	vld [tilespmem:s10+$0x10];
	(erf) = vpow2.f32 v8;
	v8 =	vpop (erf)  }
0xda: {  	v24 =	vld [tilespmem:s10+$0xFFFFFF20];
	[tilespmem:s10+$0x80] =	vst v7;
	v7 =	vpop (erf)  }
0xdb: {  	v17 =	vld [tilespmem:s11+$0x0];
	v13 =	vmul.f32 v7, v13  }
0xdc: {  	v15 =	vld [tilespmem:s11+$0xFFFFFF00]  }
0xdd: {  	v19 =	vld [tilespmem:s10+$0x90]  }
0xde: {  	v8 =	vadd.f32 $1.000000000e+00, v8;
	v29 =	vld [tilespmem:s12+$0x90];
	v30 =	vpop (erf)  }
0xdf: {  	v25 =	vld [tilespmem:s10+$0xFFFFFFA0];
	v30 =	vadd.f32 $1.000000000e+00, v30;
	[tilespmem:s10+$0xFFFFFF80] =	vst v13;
	v13 =	vpop (erf)  }
0xe0: {  	v26 =	vld [tilespmem:s10+$0x20];
	(erf) = vrcp.f32 v8;
	v17 =	vmul.f32 v13, v17;
	v13 =	vpop (erf)  }
0xe1: {  	v21 =	vld [tilespmem:s10+$0xFFFFFF10];
	v15 =	vmul.f32 v13, v15  }
0xe2: {  	v31 =	vld [tilespmem:s12+$0xFFFFFF90]  }
0xe3: {  	v19 =	vadd.f32 v29, v19;
	v29 =	vld [tilespmem:s30+$0xB0];
	(erf) = vrcp.f32 v30;
	v30 =	vpop (erf);
	[tilespmem:s10+$0xFFFFFF00] =	vst v15  }
0xe4: {  	[tilespmem:s10+$0x0] =	vst v17;
	v17 =	vadd.f32 $1.000000000e+00, v30;
	v32 =	vld [tilespmem:s12+$0xFFFFFF10]  }
0xe5: {  	v15 =	vld [tilespmem:s12+$0x10]  }
0xe6: {  	v1 =	vld [tilespmem:s0+$0xFFFFFF40];
	(erf) = vrcp.f32 v17  }
0xe7: {  	v12 =	vld [tilespmem:s0+$0xFFFFFFC0];
	v19 =	vsub.f32 $0.0e+00, v19;
	v30 =	vpop (erf)  }
0xe8: {  	v2 =	vld [tilespmem:s0+$0x40];
	v30 =	vadd.f32 $1.000000000e+00, v30  }
0xe9: {  	v3 =	vld [tilespmem:s0+$0xFFFFFF50];
	v19 =	vmul.f32 $1.442695020e+00, v19;
	v17 =	vadd.f32 v31, v27;
	v27 =	vpop (erf);
	v21 =	vadd.f32 v32, v21  }
0xea: {  	v11 =	vld [tilespmem:s0+$0xFFFFFFD0];
	(erf) = vrcp.f32 v30;
	v27 =	vmul.f32 v27, v29;
	v15 =	vadd.f32 v15, v28  }
0xeb: {  	v29 =	vld [tilespmem:s30+$0xFFFFFF30];
	v17 =	vsub.f32 $0.0e+00, v17;
	(erf) = vpow2.f32 v19;
	v21 =	vsub.f32 $0.0e+00, v21  }
0xec: {  	v30 =	vld [tilespmem:s30+$0xFFFFFFB0];
	v15 =	vsub.f32 $0.0e+00, v15  }
0xed: {  	v10 =	vld [tilespmem:s0+$0x50];
	v17 =	vmul.f32 $1.442695020e+00, v17  }
0xee: {  	v5 =	vld [tilespmem:s0+$0xFFFFFFE0];
	v28 =	vpop (erf);
	v15 =	vmul.f32 $1.442695020e+00, v15  }
0xef: {  	v6 =	vld [tilespmem:s0+$0xFFFFFF60];
	(erf) = vpow2.f32 v17;
	v17 =	vmul.f32 $1.442695020e+00, v21;
	v21 =	vpop (erf)  }
0xf0: {  	v19 =	vld [tilespmem:s30+$0x30];
	(erf) = vpow2.f32 v15;
	v15 =	vmul.f32 v21, v29  }
0xf1: {  	[tilespmem:s0+$0xB0] =	vst v27;
	v27 =	vld [tilespmem:s0+$0xC0];
	v28 =	vmul.f32 v28, v30  }
0xf2: {  	v31 =	vld [tilespmem:s21+$0xC0]  }
0xf3: {  	v14 =	vld [tilespmem:s0+$0xFFFFFF70];
	[tilespmem:s0+$0xFFFFFFB0] =	vst v28;
	v21 =	vpop (erf)  }
0xf4: {  	v4 =	vld [tilespmem:s0+$0x60];
	[tilespmem:s0+$0xFFFFFF30] =	vst v15;
	v15 =	vpop (erf)  }
0xf5: {  	v28 =	vld [tilespmem:s21+$0xFFFFFFC0];
	v15 =	vadd.f32 $1.000000000e+00, v15  }
0xf6: {  	(erf) = vpow2.f32 v17;
	v17 =	vmul.f32 v21, v19;
	v21 =	vld [tilespmem:s21+$0xFFFFFF40]  }
0xf7: {  	v16 =	vld [tilespmem:s0+$0xFFFFFFF0];
	v19 =	vadd.f32 v31, v27  }
0xf8: {  	v23 =	vld [tilespmem:s10+$0xFFFFFFB0]  }
0xf9: {  	v20 =	vld [tilespmem:s0+$0x70];
	[tilespmem:s0+$0x30] =	vst v17;
	v17 =	vsub.f32 $0.0e+00, v19;
	(erf) = vrcp.f32 v15;
	v15 =	vpop (erf)  }
0xfa: {  	v12 =	vadd.f32 v28, v12;
	v27 =	vld [tilespmem:s21+$0x40];
	v15 =	vadd.f32 $1.000000000e+00, v15  }
0xfb: {  	v22 =	vld [tilespmem:s10+$0x30];
	v17 =	vmul.f32 $1.442695020e+00, v17;
	v1 =	vadd.f32 v21, v1  }
0xfc: {  	v18 =	vld [tilespmem:s10+$0xFFFFFF30];
	v12 =	vsub.f32 $0.0e+00, v12  }
0xfd: {  	v9 =	vld [tilespmem:s10+$0xFFFFFFC0];
	(erf) = vpow2.f32 v17;
	v1 =	vsub.f32 $0.0e+00, v1  }
0xfe: {  	v8 =	vld [tilespmem:s10+$0xFFFFFF40];
	v12 =	vmul.f32 $1.442695020e+00, v12;
	(erf) = vrcp.f32 v15;
	v15 =	vpop (erf)  }
0xff: {  	v2 =	vadd.f32 v27, v2;
	v27 =	vld [tilespmem:s11+$0x90];
	v1 =	vmul.f32 $1.442695020e+00, v1;
	v15 =	vadd.f32 $1.000000000e+00, v15;
	v17 =	vpop (erf)  }
0x100: {  	v7 =	vld [tilespmem:s10+$0x40];
	(erf) = vpow2.f32 v12;
	v12 =	vadd.f32 $1.000000000e+00, v17  }
0x101: {  	v13 =	vld [tilespmem:s10+$0xFFFFFF50];
	v2 =	vsub.f32 $0.0e+00, v2;
	(erf) = vrcp.f32 v15  }
0x102: {  	v43 =	vld [tilespmem:s30+$0xC0];
	(erf) = vrcp.f32 v12  }
0x103: {  	v30 =	vld [tilespmem:s11+$0x10];
	v2 =	vmul.f32 $1.442695020e+00, v2;
	(erf) = vpow2.f32 v1;
	v1 =	vpop (erf)  }
0x104: {  	v28 =	vld [tilespmem:s11+$0xFFFFFF90];
	v1 =	vmul.f32 v1, v27  }
0x105: {  	v29 =	vld [tilespmem:s11+$0xFFFFFF10]  }
0x106: {  	v31 =	vld [tilespmem:s30+$0xFFFFFFC0]  }
0x107: {  	v19 =	vld [tilespmem:s10+$0xFFFFFFD0];
	(erf) = vpow2.f32 v2;
	v2 =	vpop (erf)  }
0x108: {  	v40 =	vld [tilespmem:s30+$0xFFFFFF40];
	[tilespmem:s10+$0x90] =	vst v1;
	v1 =	vpop (erf)  }
0x109: {  	v33 =	vld [tilespmem:s30+$0x40];
	v28 =	vmul.f32 v1, v28  }
0x10a: {  	v21 =	vld [tilespmem:s10+$0x50];
	v2 =	vadd.f32 $1.000000000e+00, v2  }
0x10b: {  	v17 =	vld [tilespmem:s10+$0xFFFFFF60]  }
0x10c: {  	v27 =	vld [tilespmem:s10+$0xA0];
	(erf) = vrcp.f32 v2;
	v34 =	vpop (erf)  }
0x10d: {  	v2 =	vld [tilespmem:s12+$0xA0];
	[tilespmem:s10+$0xFFFFFF90] =	vst v28;
	v28 =	vpop (erf)  }
0x10e: {  	v15 =	vld [tilespmem:s10+$0xFFFFFFE0];
	v36 =	vpop (erf)  }
0x10f: {  	v12 =	vld [tilespmem:s10+$0x60];
	v34 =	vadd.f32 $1.000000000e+00, v34;
	v28 =	vmul.f32 v28, v30;
	v41 =	vpop (erf)  }
0x110: {  	v35 =	vld [tilespmem:s12+$0xFFFFFFA0];
	v37 =	vpop (erf)  }
0x111: {  	v1 =	vld [tilespmem:s10+$0xFFFFFF70];
	(erf) = vrcp.f32 v34;
	v29 =	vmul.f32 v36, v29;
	[tilespmem:s10+$0x10] =	vst v28;
	v28 =	vadd.f32 $1.000000000e+00, v37  }
0x112: {  	v27 =	vadd.f32 v2, v27;
	v2 =	vld [tilespmem:s10+$0xFFFFFFF0];
	v42 =	vadd.f32 $1.000000000e+00, v41  }
0x113: {  	v30 =	vld [tilespmem:s11+$0xFFFFFFA0];
	[tilespmem:s10+$0xFFFFFF10] =	vst v29  }
0x114: {  	v29 =	vld [tilespmem:s12+$0xFFFFFF20];
	(erf) = vrcp.f32 v42  }
0x115: {  	v27 =	vsub.f32 $0.0e+00, v27;
	v25 =	vadd.f32 v35, v25;
	v34 =	vld [tilespmem:s12+$0x20];
	(erf) = vrcp.f32 v28;
	v28 =	vpop (erf)  }
0x116: {  	v28 =	vmul.f32 v28, v43  }
0x117: {  	v27 =	vmul.f32 $1.442695020e+00, v27;
	v25 =	vsub.f32 $0.0e+00, v25;
	_ =	sdelay $0x1  }
0x118: {  	(erf) = vpow2.f32 v27;
	v25 =	vmul.f32 $1.442695020e+00, v25;
	v24 =	vadd.f32 v29, v24  }
0x119: {  	v27 =	vld [tilespmem:s0+$0xD0];
	[tilespmem:s0+$0xC0] =	vst v28;
	v26 =	vadd.f32 v34, v26;
	v28 =	vpop (erf)  }
0x11a: {  	v24 =	vsub.f32 $0.0e+00, v24;
	v29 =	vld [tilespmem:s21+$0xD0];
	v28 =	vmul.f32 v28, v31  }
0x11b: {  	(erf) = vpow2.f32 v25;
	v26 =	vsub.f32 $0.0e+00, v26  }
0x11c: {  	v24 =	vmul.f32 $1.442695020e+00, v24;
	v25 =	vpop (erf);
	[tilespmem:s0+$0xFFFFFFC0] =	vst v28  }
0x11d: {  	v26 =	vmul.f32 $1.442695020e+00, v26;
	v25 =	vmul.f32 v25, v40;
	v31 =	vpop (erf);
	v28 =	vld [tilespmem:s21+$0xFFFFFFD0]  }
0x11e: {  	(erf) = vpow2.f32 v24;
	v24 =	vmul.f32 v31, v33  }
0x11f: {  	(erf) = vpow2.f32 v26;
	v26 =	vadd.f32 v29, v27;
	[tilespmem:s0+$0xFFFFFF40] =	vst v25  }
0x120: {  	v27 =	vld [tilespmem:s21+$0xFFFFFF50];
	[tilespmem:s0+$0x40] =	vst v24  }
0x121: {  	v25 =	vpop (erf);
	v24 =	vsub.f32 $0.0e+00, v26;
	v26 =	vld [tilespmem:s21+$0x50]  }
0x122: {  	s13 =	simm.s32 $0x500;
	v25 =	vadd.f32 $1.000000000e+00, v25;
	v11 =	vadd.f32 v28, v11  }
0x123: {  	s14 =	simm.s32 $0x8500;
	v24 =	vmul.f32 $1.442695020e+00, v24;
	v28 =	vld [tilespmem:s13+$0x80]  }
0x124: {  	v29 =	vpop (erf);
	(erf) = vrcp.f32 v25;
	v25 =	vld [tilespmem:s14+$0x80];
	v11 =	vsub.f32 $0.0e+00, v11  }
0x125: {  	v44 =	vld [tilespmem:s14+$0xFFFFFF00];
	(erf) = vpow2.f32 v24;
	v24 =	vadd.f32 $1.000000000e+00, v29;
	v3 =	vadd.f32 v27, v3  }
0x126: {  	v31 =	vld [tilespmem:s11+$0xA0];
	v10 =	vadd.f32 v26, v10;
	v11 =	vmul.f32 $1.442695020e+00, v11  }
0x127: {  	v27 =	vld [tilespmem:s13+$0xFFFFFF80];
	v29 =	vpop (erf);
	(erf) = vrcp.f32 v24;
	v3 =	vsub.f32 $0.0e+00, v3  }
0x128: {  	v26 =	vld [tilespmem:s14+$0xFFFFFF80];
	v24 =	vadd.f32 $1.000000000e+00, v29;
	v29 =	vpop (erf);
	v10 =	vsub.f32 $0.0e+00, v10;
	(erf) = vpow2.f32 v11  }
0x129: {  	v3 =	vmul.f32 $1.442695020e+00, v3;
	v11 =	vadd.f32 v25, v28;
	v25 =	vadd.f32 $1.000000000e+00, v29;
	v28 =	vld [tilespmem:s13+$0x0]  }
0x12a: {  	v10 =	vmul.f32 $1.442695020e+00, v10;
	(erf) = vrcp.f32 v24;
	v24 =	vld [tilespmem:s14+$0x0]  }
0x12b: {  	v11 =	vsub.f32 $0.0e+00, v11;
	(erf) = vrcp.f32 v25;
	v25 =	vld [tilespmem:s13+$0xFFFFFF00];
	_ =	sdelay $0x1  }
0x12c: {  	(erf) = vpow2.f32 v3;
	v3 =	vpop (erf);
	v11 =	vmul.f32 $1.442695020e+00, v11  }
0x12d: {  	v26 =	vadd.f32 v26, v27;
	v27 =	vmul.f32 v3, v31;
	(erf) = vpow2.f32 v10;
	v10 =	vpop (erf)  }
0x12e: {  	v29 =	vld [tilespmem:s11+$0xFFFFFF20];
	v10 =	vadd.f32 $1.000000000e+00, v10;
	v24 =	vadd.f32 v24, v28  }
0x12f: {  	v26 =	vsub.f32 $0.0e+00, v26;
	(erf) = vpow2.f32 v11;
	[tilespmem:s10+$0xA0] =	vst v27;
	v27 =	vld [tilespmem:s10+$0xB0];
	v28 =	vpop (erf);
	v25 =	vadd.f32 v44, v25  }
0x130: {  	v45 =	vld [tilespmem:s12+$0xB0];
	(erf) = vrcp.f32 v10;
	v10 =	vmul.f32 v28, v30;
	v24 =	vsub.f32 $0.0e+00, v24;
	v28 =	vpop (erf)  }
0x131: {  	v31 =	vld [tilespmem:s11+$0x20];
	v26 =	vmul.f32 $1.442695020e+00, v26;
	v25 =	vsub.f32 $0.0e+00, v25;
	v28 =	vadd.f32 $1.000000000e+00, v28  }
0x132: {  	[tilespmem:s10+$0xFFFFFFA0] =	vst v10;
	v10 =	vmul.f32 $1.442695020e+00, v24  }
0x133: {  	(erf) = vpow2.f32 v26;
	v25 =	vmul.f32 $1.442695020e+00, v25  }
0x134: {  	v24 =	vpop (erf);
	(erf) = vrcp.f32 v28  }
0x135: {  	v27 =	vadd.f32 v45, v27;
	v24 =	vmul.f32 v24, v29;
	(erf) = vpow2.f32 v10;
	v28 =	vpop (erf)  }
0x136: {  	v26 =	vld [tilespmem:s12+$0xFFFFFFB0];
	v10 =	vpop (erf);
	v28 =	vmul.f32 v28, v31;
	(erf) = vpow2.f32 v25  }
0x137: {  	v29 =	vld [tilespmem:s30+$0xD0];
	v27 =	vsub.f32 $0.0e+00, v27;
	[tilespmem:s10+$0xFFFFFF20] =	vst v24;
	v10 =	vadd.f32 $1.000000000e+00, v10;
	v25 =	vpop (erf)  }
0x138: {  	v24 =	vadd.f32 $1.000000000e+00, v25;
	v25 =	vpop (erf);
	[tilespmem:s10+$0x20] =	vst v28  }
0x139: {  	(erf) = vrcp.f32 v10;
	v10 =	vadd.f32 $1.000000000e+00, v25;
	v25 =	vld [tilespmem:s12+$0x30]  }
0x13a: {  	v47 =	vld [tilespmem:s12+$0xFFFFFF30]  }
0x13b: {  	v26 =	vadd.f32 v26, v23;
	v28 =	vmul.f32 $1.442695020e+00, v27;
	v27 =	vpop (erf);
	(erf) = vrcp.f32 v24  }
0x13c: {  	(erf) = vrcp.f32 v10;
	v10 =	vmul.f32 v27, v29;
	v29 =	vpop (erf)  }
0x13d: {  	v26 =	vsub.f32 $0.0e+00, v26;
	v34 =	vpop (erf)  }
0x13e: {  	(erf) = vpow2.f32 v28;
	v28 =	vadd.f32 $1.000000000e+00, v29;
	v25 =	vadd.f32 v25, v22;
	v22 =	vpop (erf)  }
0x13f: {  	[tilespmem:s0+$0xD0] =	vst v10;
	v10 =	vadd.f32 v47, v18;
	v18 =	vld [tilespmem:s0+$0xE0];
	v48 =	vpop (erf)  }
0x140: {  	s15 =	simm.s32 $0x4500;
	v26 =	vmul.f32 $1.442695020e+00, v26;
	(erf) = vrcp.f32 v28;
	v28 =	vld [tilespmem:s21+$0xE0];
	v35 =	vadd.f32 $1.000000000e+00, v48  }
0x141: {  	v49 =	vld [tilespmem:s15+$0x80];
	v10 =	vsub.f32 $0.0e+00, v10;
	v29 =	vadd.f32 $1.000000000e+00, v22  }
0x142: {  	(erf) = vpow2.f32 v26  }
0x143: {  	v50 =	vsub.f32 $0.0e+00, v25;
	v10 =	vmul.f32 $1.442695020e+00, v10;
	(erf) = vrcp.f32 v29;
	v38 =	vpop (erf)  }
0x144: {  	(erf) = vrcp.f32 v35;
	v35 =	vpop (erf)  }
0x145: {  	v46 =	vld [tilespmem:s13+$0xFFFFFF90];
	v29 =	vmul.f32 $1.442695020e+00, v50;
	(erf) = vpow2.f32 v10;
	v10 =	vadd.f32 v28, v18;
	v18 =	vpop (erf)  }
0x146: {  	v51 =	vld [tilespmem:s15+$0xFFFFFF80];
	v28 =	vmul.f32 v18, v49  }
0x147: {  	v39 =	vld [tilespmem:s15+$0xFFFFFF00];
	(erf) = vpow2.f32 v29;
	v18 =	vpop (erf);
	v10 =	vsub.f32 $0.0e+00, v10  }
0x148: {  	v52 =	vld [tilespmem:s15+$0x0];
	v29 =	vadd.f32 $1.000000000e+00, v18  }
0x149: {  	v40 =	vld [tilespmem:s13+$0x90];
	[tilespmem:s13+$0x80] =	vst v28;
	v10 =	vmul.f32 $1.442695020e+00, v10  }
0x14a: {  	v41 =	vld [tilespmem:s14+$0x90];
	v28 =	vpop (erf);
	(erf) = vrcp.f32 v29  }
0x14b: {  	v33 =	vld [tilespmem:s13+$0xFFFFFF10];
	v37 =	vmul.f32 v28, v51;
	v42 =	vpop (erf);
	(erf) = vpow2.f32 v10  }
0x14c: {  	v11 =	vld [tilespmem:s30+$0xFFFFFFD0]  }
0x14d: {  	v30 =	vld [tilespmem:s30+$0xFFFFFF50];
	v10 =	vadd.f32 $1.000000000e+00, v42;
	v53 =	vpop (erf);
	[tilespmem:s13+$0xFFFFFF80] =	vst v37  }
0x14e: {  	v36 =	vmul.f32 v53, v52;
	v55 =	vpop (erf);
	v54 =	vld [tilespmem:s14+$0xFFFFFF90]  }
0x14f: {  	v43 =	vld [tilespmem:s11+$0xB0];
	(erf) = vrcp.f32 v10;
	v37 =	vmul.f32 v55, v39;
	v56 =	vpop (erf);
	v57 =	vadd.f32 v41, v40  }
0x150: {  	v31 =	vld [tilespmem:s13+$0x10];
	[tilespmem:s13+$0x0] =	vst v36;
	v39 =	vadd.f32 $1.000000000e+00, v56;
	v58 =	vpop (erf)  }
0x151: {  	[tilespmem:s13+$0xFFFFFF00] =	vst v37;
	v59 =	vld [tilespmem:s14+$0x10];
	v40 =	vadd.f32 $1.000000000e+00, v58;
	v36 =	vsub.f32 $0.0e+00, v57  }
0x152: {  	v60 =	vld [tilespmem:s14+$0xFFFFFF10];
	(erf) = vrcp.f32 v39  }
0x153: {  	v63 =	vld [tilespmem:s11+$0xFFFFFFB0];
	(erf) = vrcp.f32 v40;
	v36 =	vmul.f32 $1.442695020e+00, v36;
	v32 =	vadd.f32 v54, v46;
	v62 =	vpop (erf)  }
0x154: {  	v61 =	vld [tilespmem:s11+$0xFFFFFF30];
	v11 =	vmul.f32 v34, v11;
	v30 =	vmul.f32 v38, v30;
	v44 =	vpop (erf)  }
0x155: {  	v48 =	vld [tilespmem:s11+$0x30];
	(erf) = vpow2.f32 v36;
	v32 =	vsub.f32 $0.0e+00, v32;
	v50 =	vadd.f32 $1.000000000e+00, v44  }
0x156: {  	[tilespmem:s0+$0xFFFFFF50] =	vst v30;
	v49 =	vld [tilespmem:s30+$0x50];
	v40 =	vmul.f32 v62, v43;
	v31 =	vadd.f32 v59, v31  }
0x157: {  	[tilespmem:s0+$0xFFFFFFD0] =	vst v11;
	v11 =	vld [tilespmem:s21+$0xFFFFFF60];
	v33 =	vadd.f32 v60, v33;
	v32 =	vmul.f32 $1.442695020e+00, v32;
	(erf) = vrcp.f32 v50  }
0x158: {  	v51 =	vld [tilespmem:s10+$0xC0];
	[tilespmem:s10+$0xB0] =	vst v40;
	v52 =	vpop (erf);
	v31 =	vsub.f32 $0.0e+00, v31  }
0x159: {  	v40 =	vld [tilespmem:s12+$0xC0];
	v30 =	vmul.f32 v52, v63;
	v33 =	vsub.f32 $0.0e+00, v33;
	(erf) = vpow2.f32 v32  }
0x15a: {  	v60 =	vld [tilespmem:s30+$0xE0];
	v31 =	vmul.f32 $1.442695020e+00, v31  }
0x15b: {  	v55 =	vmul.f32 v35, v49;
	[tilespmem:s10+$0xFFFFFFB0] =	vst v30;
	v30 =	vld [tilespmem:s21+$0xFFFFFFE0];
	v53 =	vmul.f32 $1.442695020e+00, v33;
	v54 =	vpop (erf)  }
0x15c: {  	v56 =	vld [tilespmem:s12+$0xFFFFFFC0];
	(erf) = vpow2.f32 v31;
	v31 =	vmul.f32 v54, v61;
	v57 =	vpop (erf)  }
0x15d: {  	[tilespmem:s0+$0x50] =	vst v55;
	(erf) = vpow2.f32 v53;
	v58 =	vmul.f32 v57, v48  }
0x15e: {  	v59 =	vadd.f32 v40, v51;
	[tilespmem:s10+$0xFFFFFF30] =	vst v31;
	v31 =	vld [tilespmem:s21+$0x60];
	v61 =	vpop (erf)  }
0x15f: {  	v6 =	vadd.f32 v11, v6;
	v62 =	vld [tilespmem:s12+$0xFFFFFF40];
	[tilespmem:s10+$0x30] =	vst v58;
	v11 =	vadd.f32 $1.000000000e+00, v61  }
0x160: {  	v63 =	vsub.f32 $0.0e+00, v59;
	v38 =	vld [tilespmem:s12+$0x40];
	v5 =	vadd.f32 v30, v5;
	v30 =	vpop (erf)  }
0x161: {  	v9 =	vadd.f32 v56, v9;
	(erf) = vrcp.f32 v11;
	v11 =	vmul.f32 v30, v60  }
0x162: {  	v6 =	vsub.f32 $0.0e+00, v6;
	v32 =	vmul.f32 $1.442695020e+00, v63;
	v39 =	vpop (erf)  }
0x163: {  	v3 =	vld [tilespmem:s10+$0x70];
	v9 =	vsub.f32 $0.0e+00, v9;
	v40 =	vadd.f32 $1.000000000e+00, v39  }
0x164: {  	v23 =	vld [tilespmem:s13+$0x20];
	(erf) = vpow2.f32 v32;
	v4 =	vadd.f32 v31, v4;
	v8 =	vadd.f32 v62, v8  }
0x165: {  	v24 =	vld [tilespmem:s13+$0xFFFFFF20];
	[tilespmem:s0+$0xE0] =	vst v11;
	v9 =	vmul.f32 $1.442695020e+00, v9;
	v7 =	vadd.f32 v38, v7;
	v11 =	vpop (erf);
	(erf) = vrcp.f32 v40  }
0x166: {  	v6 =	vmul.f32 $1.442695020e+00, v6;
	v31 =	vld [tilespmem:s0+$0xF0];
	v8 =	vsub.f32 $0.0e+00, v8;
	v11 =	vadd.f32 $1.000000000e+00, v11;
	v43 =	vpop (erf)  }
0x167: {  	v42 =	vld [tilespmem:s21+$0xF0];
	(erf) = vpow2.f32 v9;
	v7 =	vsub.f32 $0.0e+00, v7;
	v9 =	vadd.f32 $1.000000000e+00, v43  }
0x168: {  	v44 =	vld [tilespmem:s15+$0x90];
	v4 =	vsub.f32 $0.0e+00, v4;
	v8 =	vmul.f32 $1.442695020e+00, v8;
	(erf) = vrcp.f32 v11  }
0x169: {  	v27 =	vld [tilespmem:s13+$0xFFFFFFA0];
	v5 =	vsub.f32 $0.0e+00, v5;
	v7 =	vmul.f32 $1.442695020e+00, v7;
	(erf) = vrcp.f32 v9  }
0x16a: {  	v41 =	vld [tilespmem:s15+$0xFFFFFF90];
	v4 =	vmul.f32 $1.442695020e+00, v4;
	(erf) = vpow2.f32 v8  }
0x16b: {  	v22 =	vld [tilespmem:s13+$0xFFFFFF30];
	v5 =	vmul.f32 $1.442695020e+00, v5;
	(erf) = vpow2.f32 v7  }
0x16c: {  	v26 =	vld [tilespmem:s13+$0x30];
	v9 =	vadd.f32 v42, v31;
	v8 =	vpop (erf);
	(erf) = vpow2.f32 v6  }
0x16d: {  	v25 =	vld [tilespmem:s13+$0xFFFFFFB0];
	v7 =	vpop (erf);
	v6 =	vmul.f32 v8, v44;
	(erf) = vpow2.f32 v5  }
0x16e: {  	v18 =	vld [tilespmem:s13+$0xFFFFFF40];
	v8 =	vadd.f32 $1.000000000e+00, v7;
	v5 =	vsub.f32 $0.0e+00, v9;
	(erf) = vpow2.f32 v4;
	v4 =	vpop (erf)  }
0x16f: {  	v45 =	vld [tilespmem:s15+$0xFFFFFF10];
	v4 =	vmul.f32 v4, v41  }
0x170: {  	[tilespmem:s13+$0x90] =	vst v6;
	v6 =	vld [tilespmem:s13+$0xA0];
	(erf) = vrcp.f32 v8;
	v5 =	vmul.f32 $1.442695020e+00, v5  }
0x171: {  	v47 =	vpop (erf);
	v48 =	vld [tilespmem:s14+$0xA0]  }
0x172: {  	v29 =	vld [tilespmem:s13+$0xFFFFFFC0];
	v49 =	vpop (erf);
	(erf) = vpow2.f32 v5  }
0x173: {  	v46 =	vld [tilespmem:s15+$0x10];
	v32 =	vadd.f32 $1.000000000e+00, v47;
	[tilespmem:s13+$0xFFFFFF90] =	vst v4;
	v4 =	vpop (erf)  }
0x174: {  	v5 =	vld [tilespmem:s14+$0xFFFFFFA0];
	v50 =	vpop (erf);
	v51 =	vmul.f32 v4, v45  }
0x175: {  	v54 =	vld [tilespmem:s11+$0xC0];
	(erf) = vrcp.f32 v32;
	v52 =	vadd.f32 $1.000000000e+00, v50;
	v53 =	vpop (erf)  }
0x176: {  	v28 =	vld [tilespmem:s13+$0x40];
	v6 =	vadd.f32 v48, v6;
	v55 =	vadd.f32 $1.000000000e+00, v53;
	v56 =	vpop (erf);
	[tilespmem:s13+$0xFFFFFF10] =	vst v51  }
0x177: {  	(erf) = vrcp.f32 v52;
	v58 =	vpop (erf);
	v59 =	vld [tilespmem:s14+$0xFFFFFF20]  }
0x178: {  	v10 =	vld [tilespmem:s13+$0xFFFFFF50];
	v6 =	vsub.f32 $0.0e+00, v6;
	(erf) = vrcp.f32 v55;
	v60 =	vpop (erf)  }
0x179: {  	v35 =	vld [tilespmem:s30+$0xFFFFFFE0];
	v34 =	vmul.f32 v49, v46;
	v57 =	vadd.f32 $1.000000000e+00, v56;
	v5 =	vadd.f32 v5, v27;
	v62 =	vpop (erf)  }
0x17a: {  	v37 =	vld [tilespmem:s11+$0xFFFFFFC0];
	v63 =	vadd.f32 $1.000000000e+00, v58;
	v27 =	vmul.f32 v62, v54  }
0x17b: {  	v38 =	vld [tilespmem:s11+$0xFFFFFF40];
	[tilespmem:s13+$0x10] =	vst v34;
	v6 =	vmul.f32 $1.442695020e+00, v6;
	(erf) = vrcp.f32 v57;
	v5 =	vsub.f32 $0.0e+00, v5;
	v43 =	vpop (erf)  }
0x17c: {  	v61 =	vld [tilespmem:s14+$0x20];
	(erf) = vrcp.f32 v63;
	[tilespmem:s10+$0xC0] =	vst v27;
	v27 =	vadd.f32 $1.000000000e+00, v43;
	v24 =	vadd.f32 v59, v24  }
0x17d: {  	v31 =	vld [tilespmem:s11+$0x40];
	(erf) = vpow2.f32 v6  }
0x17e: {  	v44 =	vld [tilespmem:s10+$0xD0];
	v5 =	vmul.f32 $1.442695020e+00, v5;
	v46 =	vpop (erf);
	v24 =	vsub.f32 $0.0e+00, v24  }
0x17f: {  	v36 =	vadd.f32 $1.000000000e+00, v60;
	v47 =	vld [tilespmem:s12+$0xD0];
	v37 =	vmul.f32 v46, v37;
	(erf) = vrcp.f32 v27  }
0x180: {  	v33 =	vld [tilespmem:s30+$0xFFFFFF60];
	(erf) = vpow2.f32 v5;
	v24 =	vmul.f32 $1.442695020e+00, v24;
	v27 =	vpop (erf)  }
0x181: {  	v30 =	vld [tilespmem:s13+$0xFFFFFFD0];
	v23 =	vadd.f32 v61, v23;
	(erf) = vrcp.f32 v36;
	v50 =	vmul.f32 v27, v38;
	v27 =	vpop (erf)  }
0x182: {  	v11 =	vld [tilespmem:s13+$0x50];
	(erf) = vpow2.f32 v24;
	v24 =	vmul.f32 v27, v31  }
0x183: {  	v7 =	vld [tilespmem:s13+$0xFFFFFF60];
	v5 =	vsub.f32 $0.0e+00, v23;
	[tilespmem:s10+$0xFFFFFFC0] =	vst v37  }
0x184: {  	v48 =	vld [tilespmem:s12+$0xFFFFFFD0];
	v38 =	vpop (erf);
	v31 =	vadd.f32 v47, v44  }
0x185: {  	v9 =	vld [tilespmem:s13+$0xFFFFFFE0];
	v49 =	vmul.f32 $1.442695020e+00, v5;
	v40 =	vpop (erf)  }
0x186: {  	s8 =	simm.s32 $0x700;
	v8 =	vld [tilespmem:s13+$0x60];
	[tilespmem:s10+$0x40] =	vst v24;
	v31 =	vsub.f32 $0.0e+00, v31;
	v24 =	vpop (erf)  }
0x187: {  	v53 =	vld [tilespmem:s8+$0x80];
	(erf) = vpow2.f32 v49;
	[tilespmem:s10+$0xFFFFFF40] =	vst v50;
	v24 =	vadd.f32 $1.000000000e+00, v24  }
0x188: {  	v51 =	vld [tilespmem:s12+$0xFFFFFF50]  }
0x189: {  	s4 =	simm.s32 $0x8700;
	v52 =	vld [tilespmem:s12+$0x50];
	v19 =	vadd.f32 v48, v19  }
0x18a: {  	v55 =	vld [tilespmem:s4+$0x80];
	v54 =	vmul.f32 $1.442695020e+00, v31;
	v31 =	vpop (erf)  }
0x18b: {  	v4 =	vld [tilespmem:s13+$0xFFFFFF70];
	v19 =	vsub.f32 $0.0e+00, v19;
	(erf) = vrcp.f32 v24;
	v24 =	vpop (erf)  }
0x18c: {  	v34 =	vld [tilespmem:s30+$0x60];
	v24 =	vadd.f32 $1.000000000e+00, v24  }
0x18d: {  	v45 =	vld [tilespmem:s15+$0xFFFFFFA0];
	(erf) = vpow2.f32 v54;
	v19 =	vmul.f32 $1.442695020e+00, v19;
	v41 =	vpop (erf)  }
0x18e: {  	v56 =	vld [tilespmem:s8+$0xFFFFFF80];
	v13 =	vadd.f32 v51, v13;
	v21 =	vadd.f32 v52, v21;
	v57 =	vpop (erf);
	(erf) = vrcp.f32 v24  }
0x18f: {  	v36 =	vadd.f32 v55, v53;
	v49 =	vld [tilespmem:s4+$0x0];
	(erf) = vpow2.f32 v19;
	v19 =	vadd.f32 $1.000000000e+00, v57  }
0x190: {  	v13 =	vsub.f32 $0.0e+00, v13;
	v21 =	vsub.f32 $0.0e+00, v21;
	v24 =	vld [tilespmem:s4+$0xFFFFFF80];
	v58 =	vpop (erf)  }
0x191: {  	v48 =	vld [tilespmem:s8+$0x0];
	v42 =	vadd.f32 $1.000000000e+00, v58;
	(erf) = vrcp.f32 v19;
	v19 =	vsub.f32 $0.0e+00, v36  }
0x192: {  	v32 =	vld [tilespmem:s30+$0xF0];
	v13 =	vmul.f32 $1.442695020e+00, v13;
	v21 =	vmul.f32 $1.442695020e+00, v21  }
0x193: {  	v59 =	vld [tilespmem:s15+$0xA0];
	(erf) = vrcp.f32 v42  }
0x194: {  	v60 =	vld [tilespmem:s8+$0xFFFFFF00];
	(erf) = vpow2.f32 v13;
	v13 =	vmul.f32 $1.442695020e+00, v19  }
0x195: {  	v47 =	vld [tilespmem:s4+$0xFFFFFF00];
	v24 =	vadd.f32 v24, v56;
	v19 =	vpop (erf)  }
0x196: {  	v39 =	vld [tilespmem:s15+$0xFFFFFF20];
	v61 =	vadd.f32 v49, v48;
	(erf) = vpow2.f32 v21;
	v21 =	vpop (erf)  }
0x197: {  	v62 =	vld [tilespmem:s13+$0xB0];
	v24 =	vsub.f32 $0.0e+00, v24;
	v21 =	vadd.f32 $1.000000000e+00, v21  }
0x198: {  	v6 =	vld [tilespmem:s13+$0xFFFFFFF0];
	v19 =	vmul.f32 v19, v59;
	(erf) = vpow2.f32 v13;
	v13 =	vpop (erf)  }
0x199: {  	v43 =	vld [tilespmem:s8+$0xFFFFFF10];
	v63 =	vsub.f32 $0.0e+00, v61;
	v24 =	vmul.f32 $1.442695020e+00, v24;
	v13 =	vmul.f32 v13, v45  }
0x19a: {  	v46 =	vld [tilespmem:s8+$0xFFFFFF90];
	[tilespmem:s13+$0xA0] =	vst v19;
	v19 =	vadd.f32 v47, v60  }
0x19b: {  	v23 =	vld [tilespmem:s15+$0x20];
	(erf) = vrcp.f32 v21;
	[tilespmem:s13+$0xFFFFFFA0] =	vst v13;
	v13 =	vmul.f32 $1.442695020e+00, v63;
	v21 =	vpop (erf)  }
0x19c: {  	v37 =	vld [tilespmem:s8+$0xFFFFFFA0];
	v19 =	vsub.f32 $0.0e+00, v19;
	v21 =	vadd.f32 $1.000000000e+00, v21  }
0x19d: {  	v5 =	vld [tilespmem:s13+$0x70];
	(erf) = vpow2.f32 v24;
	v24 =	vpop (erf)  }
0x19e: {  	v52 =	vld [tilespmem:s14+$0xB0];
	v19 =	vmul.f32 $1.442695020e+00, v19;
	v53 =	vpop (erf);
	(erf) = vrcp.f32 v21  }
0x19f: {  	v27 =	vld [tilespmem:s11+$0xFFFFFFD0];
	v24 =	vmul.f32 v24, v39;
	(erf) = vpow2.f32 v13;
	v13 =	vpop (erf)  }
0x1a0: {  	v35 =	vmul.f32 v40, v35;
	v21 =	vld [tilespmem:s14+$0xFFFFFFB0];
	v55 =	vpop (erf)  }
0x1a1: {  	v44 =	vld [tilespmem:s8+$0x10];
	v41 =	vmul.f32 v41, v34;
	[tilespmem:s13+$0xFFFFFF20] =	vst v24;
	(erf) = vpow2.f32 v19;
	v19 =	vadd.f32 $1.000000000e+00, v55  }
0x1a2: {  	[tilespmem:s0+$0xFFFFFFE0] =	vst v35;
	v45 =	vmul.f32 v53, v23;
	v13 =	vadd.f32 $1.000000000e+00, v13;
	v56 =	vld [tilespmem:s14+$0xFFFFFF30]  }
0x1a3: {  	v54 =	vld [tilespmem:s11+$0xD0];
	[tilespmem:s0+$0x60] =	vst v41;
	v47 =	vadd.f32 v52, v62;
	v24 =	vpop (erf)  }
0x1a4: {  	v41 =	vld [tilespmem:s21+$0xFFFFFFF0];
	[tilespmem:s13+$0x20] =	vst v45;
	(erf) = vrcp.f32 v13;
	v58 =	vadd.f32 $1.000000000e+00, v24  }
0x1a5: {  	v57 =	vsub.f32 $0.0e+00, v47;
	v13 =	vld [tilespmem:s14+$0x30];
	(erf) = vrcp.f32 v19;
	v21 =	vadd.f32 v21, v25;
	v19 =	vpop (erf)  }
0x1a6: {  	v36 =	vld [tilespmem:s8+$0xFFFFFF20];
	v59 =	vpop (erf);
	(erf) = vrcp.f32 v58  }
0x1a7: {  	s2 =	simm.s32 $0x4700;
	v42 =	vld [tilespmem:s11+$0xFFFFFF50];
	v45 =	vmul.f32 $1.442695020e+00, v57;
	v21 =	vsub.f32 $0.0e+00, v21;
	v22 =	vadd.f32 v56, v22  }
0x1a8: {  	v63 =	vld [tilespmem:s2+$0x0];
	v19 =	vmul.f32 v19, v54;
	v60 =	vadd.f32 $1.000000000e+00, v59  }
0x1a9: {  	v49 =	vld [tilespmem:s15+$0xFFFFFFB0];
	(erf) = vpow2.f32 v45;
	v48 =	vpop (erf);
	v21 =	vmul.f32 $1.442695020e+00, v21;
	v22 =	vsub.f32 $0.0e+00, v22  }
0x1aa: {  	v13 =	vadd.f32 v13, v26;
	[tilespmem:s10+$0xD0] =	vst v19;
	v19 =	vld [tilespmem:s10+$0xE0];
	v26 =	vpop (erf);
	(erf) = vrcp.f32 v60  }
0x1ab: {  	v26 =	vadd.f32 $1.000000000e+00, v26;
	v62 =	vpop (erf);
	v22 =	vmul.f32 $1.442695020e+00, v22;
	(erf) = vpow2.f32 v21;
	v21 =	vld [tilespmem:s2+$0x80]  }
0x1ac: {  	v61 =	vld [tilespmem:s12+$0xE0];
	v13 =	vsub.f32 $0.0e+00, v13;
	v47 =	vadd.f32 $1.000000000e+00, v62  }
0x1ad: {  	v39 =	vld [tilespmem:s8+$0x20];
	(erf) = vrcp.f32 v26;
	v53 =	vpop (erf)  }
0x1ae: {  	v23 =	vld [tilespmem:s8+$0xFFFFFF30];
	v13 =	vmul.f32 $1.442695020e+00, v13;
	(erf) = vrcp.f32 v47;
	v54 =	vpop (erf)  }
0x1af: {  	v52 =	vld [tilespmem:s2+$0xFFFFFF00];
	(erf) = vpow2.f32 v22;
	v22 =	vpop (erf)  }
0x1b0: {  	v50 =	vld [tilespmem:s15+$0xFFFFFF30];
	(erf) = vpow2.f32 v13;
	v13 =	vmul.f32 v22, v21  }
0x1b1: {  	v26 =	vld [tilespmem:s2+$0xFFFFFF80];
	v45 =	vadd.f32 v61, v19  }
0x1b2: {  	v51 =	vld [tilespmem:s15+$0x30]  }
0x1b3: {  	v24 =	vld [tilespmem:s8+$0xFFFFFFB0];
	v22 =	vpop (erf);
	v45 =	vsub.f32 $0.0e+00, v45  }
0x1b4: {  	v25 =	vld [tilespmem:s8+$0x30];
	v55 =	vadd.f32 $1.000000000e+00, v22;
	[tilespmem:s8+$0x80] =	vst v13;
	v13 =	vpop (erf)  }
0x1b5: {  	v56 =	vld [tilespmem:s8+$0x90];
	v45 =	vmul.f32 $1.442695020e+00, v45;
	v57 =	vpop (erf)  }
0x1b6: {  	v59 =	vld [tilespmem:s15+$0xB0];
	(erf) = vrcp.f32 v55;
	v13 =	vmul.f32 v13, v26;
	v60 =	vadd.f32 $1.000000000e+00, v57  }
0x1b7: {  	v48 =	vmul.f32 v48, v27;
	v55 =	vld [tilespmem:s4+$0x90];
	(erf) = vpow2.f32 v45  }
0x1b8: {  	v27 =	vld [tilespmem:s8+$0x50];
	v42 =	vmul.f32 v53, v42;
	v61 =	vpop (erf);
	[tilespmem:s8+$0xFFFFFF80] =	vst v13  }
0x1b9: {  	[tilespmem:s10+$0xFFFFFFD0] =	vst v48;
	v57 =	vmul.f32 v61, v63;
	v62 =	vpop (erf);
	v58 =	vld [tilespmem:s4+$0xFFFFFF90];
	(erf) = vrcp.f32 v60  }
0x1ba: {  	v19 =	vld [tilespmem:s8+$0xFFFFFF40];
	[tilespmem:s10+$0xFFFFFF50] =	vst v42;
	v63 =	vmul.f32 v62, v52;
	v60 =	vpop (erf)  }
0x1bb: {  	v48 =	vld [tilespmem:s12+$0xFFFFFF60];
	[tilespmem:s8+$0x0] =	vst v57;
	v52 =	vadd.f32 $1.000000000e+00, v60;
	v61 =	vpop (erf)  }
0x1bc: {  	v55 =	vadd.f32 v55, v56;
	[tilespmem:s8+$0xFFFFFF00] =	vst v63;
	v57 =	vld [tilespmem:s4+$0x10];
	v56 =	vadd.f32 $1.000000000e+00, v61  }
0x1bd: {  	v60 =	vld [tilespmem:s4+$0xFFFFFF10];
	(erf) = vrcp.f32 v52  }
0x1be: {  	v21 =	vld [tilespmem:s8+$0xFFFFFFC0];
	v55 =	vsub.f32 $0.0e+00, v55;
	v62 =	vadd.f32 v58, v46;
	(erf) = vrcp.f32 v56  }
0x1bf: {  	v22 =	vld [tilespmem:s8+$0x40];
	v63 =	vpop (erf)  }
0x1c0: {  	v26 =	vld [tilespmem:s8+$0xFFFFFF50];
	v55 =	vmul.f32 $1.442695020e+00, v55;
	v61 =	vpop (erf);
	v52 =	vsub.f32 $0.0e+00, v62  }
0x1c1: {  	v56 =	vmul.f32 v63, v59;
	v58 =	vadd.f32 $1.000000000e+00, v61;
	v44 =	vadd.f32 v57, v44;
	v62 =	vld [tilespmem:s11+$0x50]  }
0x1c2: {  	v13 =	vld [tilespmem:s8+$0xFFFFFFD0];
	(erf) = vpow2.f32 v55;
	v43 =	vadd.f32 v60, v43;
	v52 =	vmul.f32 $1.442695020e+00, v52;
	v63 =	vpop (erf)  }
0x1c3: {  	v55 =	vld [tilespmem:s13+$0xC0];
	[tilespmem:s13+$0xB0] =	vst v56;
	(erf) = vrcp.f32 v58;
	v57 =	vsub.f32 $0.0e+00, v44;
	v58 =	vmul.f32 v63, v49  }
0x1c4: {  	v59 =	vld [tilespmem:s14+$0xC0];
	v43 =	vsub.f32 $0.0e+00, v43  }
0x1c5: {  	v47 =	vld [tilespmem:s2+$0xFFFFFF90];
	(erf) = vpow2.f32 v52;
	v42 =	vmul.f32 $1.442695020e+00, v57;
	[tilespmem:s13+$0xFFFFFFB0] =	vst v58  }
0x1c6: {  	v43 =	vmul.f32 $1.442695020e+00, v43;
	v53 =	vmul.f32 v54, v62;
	v60 =	vld [tilespmem:s14+$0xFFFFFFC0];
	v61 =	vpop (erf)  }
0x1c7: {  	v44 =	vld [tilespmem:s12+$0xFFFFFFE0];
	(erf) = vpow2.f32 v42;
	v50 =	vmul.f32 v61, v50;
	v62 =	vpop (erf)  }
0x1c8: {  	v63 =	vld [tilespmem:s11+$0xE0];
	[tilespmem:s10+$0x50] =	vst v53;
	(erf) = vpow2.f32 v43;
	v56 =	vmul.f32 v62, v51  }
0x1c9: {  	v49 =	vadd.f32 v59, v55;
	[tilespmem:s13+$0xFFFFFF30] =	vst v50;
	v50 =	vld [tilespmem:s12+$0x60]  }
0x1ca: {  	[tilespmem:s13+$0x30] =	vst v56;
	v43 =	vld [tilespmem:s14+$0xFFFFFF40]  }
0x1cb: {  	v57 =	vpop (erf);
	v58 =	vsub.f32 $0.0e+00, v49;
	v29 =	vadd.f32 v60, v29;
	v60 =	vld [tilespmem:s14+$0x40]  }
0x1cc: {  	v38 =	vmul.f32 v38, v33;
	v45 =	vld [tilespmem:s2+$0xFFFFFF10];
	v59 =	vadd.f32 $1.000000000e+00, v57;
	v61 =	vpop (erf)  }
0x1cd: {  	v17 =	vadd.f32 v48, v17;
	v46 =	vld [tilespmem:s2+$0x10];
	v62 =	vmul.f32 v61, v63;
	v63 =	vmul.f32 $1.442695020e+00, v58  }
0x1ce: {  	v52 =	vld [tilespmem:s11+$0xFFFFFFE0];
	v56 =	vadd.f32 v44, v15;
	(erf) = vrcp.f32 v59;
	v55 =	vpop (erf);
	v29 =	vsub.f32 $0.0e+00, v29  }
0x1cf: {  	v42 =	vld [tilespmem:s15+$0xFFFFFFC0];
	(erf) = vpow2.f32 v63;
	v57 =	vadd.f32 $1.000000000e+00, v55;
	v43 =	vadd.f32 v43, v18  }
0x1d0: {  	v33 =	vld [tilespmem:s15+$0xFFFFFF40];
	v29 =	vmul.f32 $1.442695020e+00, v29;
	v12 =	vadd.f32 v50, v12;
	v59 =	vpop (erf);
	v28 =	vadd.f32 v60, v28  }
0x1d1: {  	v58 =	vld [tilespmem:s10+$0xF0];
	[tilespmem:s10+$0xE0] =	vst v62;
	(erf) = vrcp.f32 v57;
	v44 =	vadd.f32 $1.000000000e+00, v59;
	v61 =	vpop (erf);
	v43 =	vsub.f32 $0.0e+00, v43  }
0x1d2: {  	v60 =	vld [tilespmem:s12+$0xF0];
	(erf) = vpow2.f32 v29;
	v50 =	vadd.f32 $1.000000000e+00, v61;
	v28 =	vsub.f32 $0.0e+00, v28  }
0x1d3: {  	v62 =	vld [tilespmem:s2+$0x90];
	(erf) = vrcp.f32 v44;
	v43 =	vmul.f32 $1.442695020e+00, v43  }
0x1d4: {  	v17 =	vsub.f32 $0.0e+00, v17;
	v15 =	vld [tilespmem:s8+$0xFFFFFF60];
	(erf) = vrcp.f32 v50;
	v28 =	vmul.f32 $1.442695020e+00, v28  }
0x1d5: {  	v40 =	vld [tilespmem:s15+$0x40];
	v34 =	vsub.f32 $0.0e+00, v56;
	v12 =	vsub.f32 $0.0e+00, v12;
	(erf) = vpow2.f32 v43  }
0x1d6: {  	v56 =	vld [tilespmem:s8+$0xA0];
	v29 =	vmul.f32 $1.442695020e+00, v17;
	(erf) = vpow2.f32 v28  }
0x1d7: {  	v63 =	vmul.f32 $1.442695020e+00, v34;
	v34 =	vld [tilespmem:s11+$0x60];
	v12 =	vmul.f32 $1.442695020e+00, v12;
	v49 =	vpop (erf);
	v48 =	vadd.f32 v60, v58  }
0x1d8: {  	[tilespmem:s0+$0xFFFFFF60] =	vst v38;
	v18 =	vld [tilespmem:s8+$0xFFFFFFE0];
	v38 =	vmul.f32 v49, v62;
	(erf) = vpow2.f32 v29;
	v28 =	vpop (erf)  }
0x1d9: {  	v17 =	vld [tilespmem:s8+$0x60];
	v53 =	vsub.f32 $0.0e+00, v48;
	(erf) = vpow2.f32 v63;
	v28 =	vadd.f32 $1.000000000e+00, v28  }
0x1da: {  	v44 =	vld [tilespmem:s11+$0xFFFFFF60];
	[tilespmem:s8+$0x90] =	vst v38;
	v54 =	vpop (erf);
	(erf) = vpow2.f32 v12  }
0x1db: {  	v35 =	vmul.f32 $1.442695020e+00, v53;
	v12 =	vpop (erf);
	(erf) = vrcp.f32 v28;
	v28 =	vld [tilespmem:s4+$0xA0]  }
0x1dc: {  	v16 =	vadd.f32 v41, v16;
	v29 =	vld [tilespmem:s21+$0xFFFFFF70];
	v55 =	vmul.f32 v54, v47;
	v58 =	vpop (erf)  }
0x1dd: {  	v48 =	vld [tilespmem:s21+$0x70];
	v57 =	vadd.f32 $1.000000000e+00, v12;
	(erf) = vpow2.f32 v35;
	v60 =	vpop (erf)  }
0x1de: {  	v53 =	vsub.f32 $0.0e+00, v16;
	v16 =	vld [tilespmem:s8+$0x70];
	[tilespmem:s8+$0xFFFFFF90] =	vst v55;
	v61 =	vpop (erf)  }
0x1df: {  	v59 =	vld [tilespmem:s4+$0xFFFFFFA0];
	(erf) = vrcp.f32 v57;
	v45 =	vmul.f32 v60, v45;
	v63 =	vpop (erf)  }
0x1e0: {  	v51 =	vmul.f32 v31, v32;
	v54 =	vld [tilespmem:s15+$0xC0];
	v28 =	vadd.f32 v28, v56;
	v31 =	vadd.f32 $1.000000000e+00, v63  }
0x1e1: {  	v12 =	vld [tilespmem:s8+$0xFFFFFF70];
	v29 =	vadd.f32 v29, v14;
	v38 =	vmul.f32 v58, v46;
	v62 =	vadd.f32 $1.000000000e+00, v61;
	[tilespmem:s8+$0xFFFFFF10] =	vst v45  }
0x1e2: {  	v55 =	vpop (erf);
	v56 =	vld [tilespmem:s4+$0xFFFFFF20];
	v28 =	vsub.f32 $0.0e+00, v28  }
0x1e3: {  	v14 =	vld [tilespmem:s8+$0xFFFFFFF0];
	[tilespmem:s8+$0x10] =	vst v38;
	v60 =	vsub.f32 $0.0e+00, v29;
	(erf) = vrcp.f32 v62;
	v32 =	vadd.f32 $1.000000000e+00, v55;
	v57 =	vpop (erf)  }
0x1e4: {  	v58 =	vadd.f32 v59, v37;
	v59 =	vld [tilespmem:s4+$0x20];
	(erf) = vrcp.f32 v31;
	v31 =	vpop (erf);
	v28 =	vmul.f32 $1.442695020e+00, v28  }
0x1e5: {  	v35 =	vld [tilespmem:s2+$0xFFFFFFA0];
	v61 =	vadd.f32 $1.000000000e+00, v57;
	v57 =	vadd.f32 v48, v20;
	v29 =	vpop (erf)  }
0x1e6: {  	v38 =	vld [tilespmem:s2+$0x20];
	(erf) = vrcp.f32 v32;
	v62 =	vsub.f32 $0.0e+00, v58;
	v63 =	vmul.f32 v29, v54;
	v29 =	vpop (erf)  }
0x1e7: {  	v55 =	vld [tilespmem:s13+$0xD0];
	(erf) = vrcp.f32 v61;
	v36 =	vadd.f32 v56, v36;
	v54 =	vadd.f32 $1.000000000e+00, v29  }
0x1e8: {  	v37 =	vld [tilespmem:s2+$0xFFFFFF20];
	v31 =	vadd.f32 $1.000000000e+00, v31;
	v32 =	vmul.f32 $1.442695020e+00, v62;
	(erf) = vpow2.f32 v28;
	v28 =	vpop (erf);
	[tilespmem:s13+$0xC0] =	vst v63  }
0x1e9: {  	v39 =	vadd.f32 v59, v39;
	v28 =	vmul.f32 v28, v42;
	(erf) = vrcp.f32 v54;
	v43 =	vld [tilespmem:s14+$0xD0]  }
0x1ea: {  	v20 =	vld [tilespmem:s30+$0xFFFFFFF0];
	v56 =	vmul.f32 $1.442695020e+00, v60;
	v36 =	vsub.f32 $0.0e+00, v36;
	(erf) = vpow2.f32 v32  }
0x1eb: {  	v58 =	vmul.f32 $1.442695020e+00, v53;
	v29 =	vld [tilespmem:s30+$0xFFFFFF70];
	[tilespmem:s13+$0xFFFFFFC0] =	vst v28;
	v28 =	vsub.f32 $0.0e+00, v39;
	(erf) = vrcp.f32 v31  }
0x1ec: {  	v36 =	vmul.f32 $1.442695020e+00, v36;
	v31 =	vpop (erf);
	v59 =	vld [tilespmem:s14+$0xFFFFFFD0];
	(erf) = vpow2.f32 v56  }
0x1ed: {  	v45 =	vsub.f32 $0.0e+00, v57;
	v33 =	vmul.f32 v31, v33;
	v32 =	vld [tilespmem:s15+$0xFFFFFFD0];
	v31 =	vpop (erf);
	v60 =	vmul.f32 $1.442695020e+00, v28  }
0x1ee: {  	v40 =	vmul.f32 v31, v40;
	v31 =	vld [tilespmem:s11+$0xF0];
	(erf) = vpow2.f32 v36;
	v41 =	vadd.f32 v43, v55  }
0x1ef: {  	v45 =	vmul.f32 $1.442695020e+00, v45;
	v61 =	vpop (erf);
	v28 =	vld [tilespmem:s30+$0x70];
	[tilespmem:s13+$0xFFFFFF40] =	vst v33;
	(erf) = vpow2.f32 v60  }
0x1f0: {  	v36 =	vmul.f32 v61, v44;
	v62 =	vpop (erf);
	v33 =	vld [tilespmem:s14+$0xFFFFFF50];
	[tilespmem:s13+$0x40] =	vst v40;
	(erf) = vpow2.f32 v58  }
0x1f1: {  	s1 =	simm.s32 $0x4700;
	[tilespmem:s0+$0xF0] =	vst v51;
	v63 =	vpop (erf);
	v40 =	vmul.f32 v62, v52;
	v43 =	vsub.f32 $0.0e+00, v41;
	v42 =	vadd.f32 v59, v30;
	v30 =	vld [tilespmem:s14+$0x50]  }
0x1f2: {  	s17 =	simm.s32 $0xC;
	s21 =	simm.s32 $0x900;
	s30 =	simm.s32 $0x8700;
	[tilespmem:s10+$0xFFFFFF60] =	vst v36;
	v44 =	vadd.f32 $1.000000000e+00, v63;
	v36 =	vld [tilespmem:s15+$0xFFFFFF50];
	(erf) = vpow2.f32 v45;
	v41 =	vpop (erf)  }
.LBB2_6:
0x1f3: {  	v39 =	vld [tilespmem:s21+$0x80];
	s4 =	sadd.s32 $0x200, s4;
	v45 =	vpop (erf);
	v42 =	vsub.f32 $0.0e+00, v42;
	v43 =	vmul.f32 $1.442695020e+00, v43;
	[tilespmem:s10+$0xFFFFFFE0] =	vst v40;
	v46 =	vmul.f32 v41, v31  }
0x1f4: {  	v40 =	vld [tilespmem:s4+$0x80];
	v41 =	vadd.f32 $1.000000000e+00, v45;
	(erf) = vrcp.f32 v44;
	v44 =	vpop (erf)  }
0x1f5: {  	v45 =	vld [tilespmem:s4+$0xFFFFFF00];
	v33 =	vadd.f32 v33, v10;
	v47 =	vmul.f32 $1.442695020e+00, v42;
	(erf) = vpow2.f32 v43;
	[tilespmem:s10+$0xF0] =	vst v46;
	v31 =	vpop (erf)  }
0x1f6: {  	s17 =	sadd.s32 $0x4, s17;
	v34 =	vmul.f32 v44, v34;
	v10 =	vmovc v26;
	v43 =	vld [tilespmem:s21+$0xFFFFFF80];
	(erf) = vrcp.f32 v41;
	v30 =	vadd.f32 v30, v11;
	v11 =	vmovc v27  }
0x1f7: {  	p0 =	slt.u32 s17, $0x3C;
	v31 =	vadd.f32 $1.000000000e+00, v31;
	v26 =	vld [tilespmem:s4+$0xFFFFFF80];
	v27 =	vpop (erf);
	v33 =	vsub.f32 $0.0e+00, v33;
	(erf) = vpow2.f32 v47  }
0x1f8: {  	v41 =	vld [tilespmem:s21+$0x0];
	v48 =	vadd.f32 $1.000000000e+00, v27;
	v42 =	vpop (erf);
	v30 =	vsub.f32 $0.0e+00, v30;
	[tilespmem:s10+$0x60] =	vst v34  }
0x1f9: {  	v34 =	vadd.f32 v40, v39;
	v39 =	vadd.f32 $1.000000000e+00, v42;
	v42 =	vld [tilespmem:s2+$0xA0];
	v33 =	vmul.f32 $1.442695020e+00, v33;
	v40 =	vpop (erf)  }
0x1fa: {  	v44 =	vld [tilespmem:s4+$0x0];
	(erf) = vrcp.f32 v48;
	v30 =	vmul.f32 $1.442695020e+00, v30;
	v46 =	vadd.f32 $1.000000000e+00, v40  }
0x1fb: {  	v47 =	vld [tilespmem:s21+$0xFFFFFF00];
	v40 =	vsub.f32 $0.0e+00, v34;
	(erf) = vrcp.f32 v39;
	v27 =	vpop (erf)  }
0x1fc: {  	v34 =	vld [tilespmem:s21+$0xFFFFFF10];
	v26 =	vadd.f32 v26, v43;
	(erf) = vpow2.f32 v33;
	v39 =	vadd.f32 $1.000000000e+00, v27  }
0x1fd: {  	v27 =	vld [tilespmem:s21+$0xFFFFFF90];
	v48 =	vmul.f32 $1.442695020e+00, v40;
	v43 =	vpop (erf);
	(erf) = vpow2.f32 v30  }
0x1fe: {  	v26 =	vsub.f32 $0.0e+00, v26;
	v40 =	vld [tilespmem:s21+$0x10];
	v42 =	vmul.f32 v43, v42;
	v43 =	vpop (erf);
	(erf) = vrcp.f32 v31  }
0x1ff: {  	v30 =	vld [tilespmem:s21+$0xFFFFFF20];
	v31 =	vadd.f32 v44, v41;
	(erf) = vpow2.f32 v48;
	v33 =	vpop (erf);
	v41 =	vadd.f32 $1.000000000e+00, v43  }
0x200: {  	v43 =	vadd.f32 v45, v47;
	v26 =	vmul.f32 $1.442695020e+00, v26;
	v47 =	vmul.f32 v33, v35;
	[tilespmem:s8+$0xA0] =	vst v42;
	v42 =	vld [tilespmem:s8+$0xB0];
	v33 =	vpop (erf)  }
0x201: {  	v31 =	vsub.f32 $0.0e+00, v31;
	v44 =	vld [tilespmem:s30+$0xB0];
	v45 =	vadd.f32 $1.000000000e+00, v33;
	(erf) = vrcp.f32 v41  }
0x202: {  	v41 =	vsub.f32 $0.0e+00, v43;
	v33 =	vld [tilespmem:s21+$0xFFFFFFA0];
	(erf) = vpow2.f32 v26;
	[tilespmem:s8+$0xFFFFFFA0] =	vst v47  }
0x203: {  	v26 =	vmul.f32 $1.442695020e+00, v31;
	v31 =	vld [tilespmem:s21+$0x20];
	v35 =	vpop (erf);
	(erf) = vrcp.f32 v45  }
0x204: {  	v41 =	vmul.f32 $1.442695020e+00, v41;
	v35 =	vmul.f32 v35, v37;
	v37 =	vld [tilespmem:s30+$0xFFFFFFB0];
	v43 =	vpop (erf)  }
0x205: {  	v45 =	vld [tilespmem:s21+$0xFFFFFF30];
	(erf) = vpow2.f32 v26;
	v26 =	vmul.f32 v43, v38;
	v38 =	vpop (erf)  }
0x206: {  	(erf) = vpow2.f32 v41;
	[tilespmem:s8+$0xFFFFFF20] =	vst v35;
	v35 =	vadd.f32 v44, v42;
	v38 =	vadd.f32 $1.000000000e+00, v38;
	v41 =	vld [tilespmem:s15+$0xD0];
	v42 =	vpop (erf)  }
0x207: {  	v43 =	vld [tilespmem:s30+$0xFFFFFF30];
	[tilespmem:s8+$0x20] =	vst v26;
	v26 =	vadd.f32 $1.000000000e+00, v42;
	v42 =	vpop (erf);
	(erf) = vrcp.f32 v46  }
0x208: {  	v44 =	vpop (erf);
	v46 =	vld [tilespmem:s30+$0x30];
	v35 =	vsub.f32 $0.0e+00, v35;
	(erf) = vrcp.f32 v38;
	v47 =	vmul.f32 v42, v29  }
0x209: {  	v38 =	vadd.f32 $1.000000000e+00, v44;
	v37 =	vadd.f32 v37, v24;
	v24 =	vld [tilespmem:s21+$0xFFFFFFB0];
	(erf) = vrcp.f32 v26  }
0x20a: {  	v26 =	vld [tilespmem:s21+$0x30];
	v35 =	vmul.f32 $1.442695020e+00, v35;
	v42 =	vpop (erf);
	[tilespmem:s0+$0xFFFFFF70] =	vst v47;
	(erf) = vrcp.f32 v39  }
0x20b: {  	v29 =	vpop (erf);
	(erf) = vrcp.f32 v38;
	v38 =	vld [tilespmem:s2+$0xFFFFFF30];
	v37 =	vsub.f32 $0.0e+00, v37;
	v39 =	vmul.f32 v42, v41  }
0x20c: {  	v42 =	vadd.f32 $1.000000000e+00, v29;
	v41 =	vadd.f32 v43, v23;
	v43 =	vld [tilespmem:s2+$0xFFFFFFB0];
	(erf) = vpow2.f32 v35;
	v23 =	vpop (erf)  }
0x20d: {  	v35 =	vmul.f32 $1.442695020e+00, v37;
	v46 =	vadd.f32 v46, v25;
	v32 =	vmul.f32 v23, v32;
	[tilespmem:s13+$0xD0] =	vst v39;
	v37 =	vld [tilespmem:s13+$0xE0];
	v23 =	vmovc v45  }
0x20e: {  	(erf) = vrcp.f32 v42;
	v29 =	vpop (erf);
	v39 =	vsub.f32 $0.0e+00, v41;
	v41 =	vld [tilespmem:s14+$0xE0]  }
0x20f: {  	s2 =	sadd.s32 $0x200, s2;
	v47 =	vadd.f32 $1.000000000e+00, v29;
	v44 =	vpop (erf);
	v45 =	vsub.f32 $0.0e+00, v46;
	v42 =	vld [tilespmem:s1+$0x30];
	(erf) = vpow2.f32 v35;
	[tilespmem:s13+$0xFFFFFFD0] =	vst v32  }
0x210: {  	v25 =	vmov v26;
	v32 =	vadd.f32 $1.000000000e+00, v44;
	v35 =	vld [tilespmem:s2+$0x80];
	v48 =	vmul.f32 $1.442695020e+00, v39;
	v44 =	vpop (erf)  }
0x211: {  	v46 =	vld [tilespmem:s2+$0xFFFFFF00];
	(erf) = vrcp.f32 v47;
	v26 =	vmul.f32 $1.442695020e+00, v45;
	v29 =	vpop (erf)  }
0x212: {  	v45 =	vld [tilespmem:s2+$0xFFFFFF80];
	(erf) = vrcp.f32 v32;
	v29 =	vmul.f32 v29, v36;
	v36 =	vpop (erf)  }
0x213: {  	v20 =	vmul.f32 v44, v20;
	v32 =	vld [tilespmem:s2+$0x0];
	(erf) = vpow2.f32 v48;
	v37 =	vadd.f32 v41, v37;
	v39 =	vpop (erf)  }
0x214: {  	v41 =	vld [tilespmem:s21+$0xFFFFFF40];
	v44 =	vpop (erf);
	(erf) = vpow2.f32 v26;
	[tilespmem:s13+$0xFFFFFF50] =	vst v29;
	v47 =	vmul.f32 v39, v28  }
0x215: {  	v28 =	vld [tilespmem:s21+$0xFFFFFFC0];
	v29 =	vmul.f32 v44, v35;
	v35 =	vpop (erf);
	v39 =	vsub.f32 $0.0e+00, v37;
	[tilespmem:s0+$0xFFFFFFF0] =	vst v20  }
0x216: {  	v37 =	vld [tilespmem:s21+$0x40];
	v20 =	vadd.f32 $1.000000000e+00, v35;
	[tilespmem:s0+$0x70] =	vst v47;
	s0 =	smov.u32 s10;
	s10 =	smov.u32 s13;
	s13 =	smov.u32 s8  }
0x217: {  	s8 =	smov.u32 s21;
	[tilespmem:s21+$0x80] =	vst v29;
	v29 =	vld [tilespmem:s21+$0x90];
	v26 =	vpop (erf);
	v47 =	vmul.f32 $1.442695020e+00, v39  }
0x218: {  	v39 =	vmul.f32 v26, v45;
	v44 =	vld [tilespmem:s4+$0x90];
	v45 =	vpop (erf);
	(erf) = vrcp.f32 v20  }
0x219: {  	v26 =	vld [tilespmem:s21+$0xFFFFFF50];
	v20 =	vadd.f32 $1.000000000e+00, v45;
	(erf) = vpow2.f32 v47  }
0x21a: {  	[tilespmem:s21+$0xFFFFFF80] =	vst v39;
	v39 =	vld [tilespmem:s21+$0xFFFFFFD0];
	v35 =	vpop (erf)  }
0x21b: {  	v45 =	vld [tilespmem:s4+$0xFFFFFF90];
	v35 =	vmul.f32 v35, v32;
	v32 =	vpop (erf);
	(erf) = vrcp.f32 v20  }
0x21c: {  	v20 =	vmul.f32 v32, v46;
	v32 =	vld [tilespmem:s2+$0xFFFFFF90];
	v46 =	vpop (erf)  }
0x21d: {  	[tilespmem:s21+$0x0] =	vst v35;
	v29 =	vadd.f32 v44, v29;
	v35 =	vadd.f32 $1.000000000e+00, v46;
	v44 =	vld [tilespmem:s1+$0xB0];
	v46 =	vpop (erf)  }
0x21e: {  	[tilespmem:s21+$0xFFFFFF00] =	vst v20;
	v20 =	vld [tilespmem:s4+$0x10];
	v49 =	vadd.f32 $1.000000000e+00, v46  }
0x21f: {  	v47 =	vld [tilespmem:s4+$0xFFFFFF10];
	v48 =	vsub.f32 $0.0e+00, v29;
	(erf) = vrcp.f32 v35  }
0x220: {  	v29 =	vld [tilespmem:s2+$0xFFFFFF10];
	v27 =	vadd.f32 v45, v27;
	(erf) = vrcp.f32 v49  }
0x221: {  	v35 =	vld [tilespmem:s2+$0x10];
	v45 =	vmul.f32 $1.442695020e+00, v48;
	v46 =	vpop (erf)  }
0x222: {  	v48 =	vsub.f32 $0.0e+00, v27;
	v27 =	vld [tilespmem:s21+$0x50];
	v44 =	vmul.f32 v46, v44;
	v46 =	vpop (erf)  }
0x223: {  	v20 =	vadd.f32 v20, v40;
	(erf) = vpow2.f32 v45;
	v40 =	vld [tilespmem:s15+$0x50];
	v45 =	vadd.f32 $1.000000000e+00, v46  }
0x224: {  	v34 =	vadd.f32 v47, v34;
	v46 =	vmul.f32 $1.442695020e+00, v48;
	[tilespmem:s13+$0xB0] =	vst v44;
	v44 =	vld [tilespmem:s13+$0xC0];
	v47 =	vpop (erf)  }
0x225: {  	v20 =	vsub.f32 $0.0e+00, v20;
	v43 =	vmul.f32 v47, v43;
	v47 =	vld [tilespmem:s30+$0xC0];
	(erf) = vrcp.f32 v45  }
0x226: {  	v34 =	vsub.f32 $0.0e+00, v34;
	(erf) = vpow2.f32 v46;
	v45 =	vld [tilespmem:s14+$0xFFFFFF60]  }
0x227: {  	v20 =	vmul.f32 $1.442695020e+00, v20;
	[tilespmem:s13+$0xFFFFFFB0] =	vst v43;
	v43 =	vld [tilespmem:s14+$0xFFFFFFE0]  }
0x228: {  	v34 =	vmul.f32 $1.442695020e+00, v34;
	v46 =	vld [tilespmem:s30+$0xFFFFFFC0];
	v48 =	vpop (erf);
	v36 =	vmul.f32 v36, v40  }
0x229: {  	(erf) = vpow2.f32 v20;
	v38 =	vmul.f32 v48, v38;
	v20 =	vld [tilespmem:s1+$0xFFFFFFC0];
	v40 =	vpop (erf)  }
0x22a: {  	(erf) = vpow2.f32 v34;
	v34 =	vmul.f32 v40, v42;
	v40 =	vadd.f32 v47, v44;
	[tilespmem:s10+$0x50] =	vst v36;
	v42 =	vld [tilespmem:s15+$0xE0]  }
0x22b: {  	[tilespmem:s13+$0xFFFFFF30] =	vst v38;
	v36 =	vadd.f32 v45, v7;
	v38 =	vld [tilespmem:s14+$0x60];
	v7 =	vmov v15  }
0x22c: {  	v15 =	vpop (erf);
	v44 =	vld [tilespmem:s30+$0xFFFFFF40];
	[tilespmem:s13+$0x30] =	vst v34;
	v34 =	vsub.f32 $0.0e+00, v40;
	v40 =	vadd.f32 v43, v9;
	v9 =	vmov v18  }
0x22d: {  	v15 =	vadd.f32 $1.000000000e+00, v15;
	v18 =	vadd.f32 v46, v21;
	v43 =	vld [tilespmem:s30+$0x40];
	v21 =	vmov v28  }
0x22e: {  	v45 =	vsub.f32 $0.0e+00, v36;
	v28 =	vld [tilespmem:s1+$0xFFFFFF40];
	v34 =	vmul.f32 $1.442695020e+00, v34;
	v40 =	vsub.f32 $0.0e+00, v40;
	v46 =	vpop (erf)  }
0x22f: {  	v47 =	vpop (erf);
	(erf) = vrcp.f32 v15;
	v18 =	vsub.f32 $0.0e+00, v18;
	v36 =	vld [tilespmem:s1+$0x40];
	v42 =	vmul.f32 v46, v42  }
0x230: {  	v15 =	vld [tilespmem:s21+$0xFFFFFF60];
	v46 =	vadd.f32 $1.000000000e+00, v47;
	(erf) = vpow2.f32 v34;
	v34 =	vadd.f32 v38, v8;
	v8 =	vmovc v17  }
0x231: {  	v17 =	vadd.f32 v44, v19;
	v38 =	vmul.f32 $1.442695020e+00, v18;
	v44 =	vmul.f32 $1.442695020e+00, v45;
	[tilespmem:s10+$0xE0] =	vst v42;
	v42 =	vld [tilespmem:s10+$0xF0];
	v19 =	vmovc v41  }
0x232: {  	(erf) = vrcp.f32 v46;
	v41 =	vpop (erf);
	v48 =	vadd.f32 v43, v22;
	v34 =	vsub.f32 $0.0e+00, v34;
	v43 =	vld [tilespmem:s14+$0xF0]  }
0x233: {  	v18 =	vld [tilespmem:s21+$0xFFFFFFE0];
	v41 =	vadd.f32 $1.000000000e+00, v41;
	v45 =	vpop (erf);
	v46 =	vsub.f32 $0.0e+00, v17;
	(erf) = vpow2.f32 v38  }
0x234: {  	v47 =	vmul.f32 $1.442695020e+00, v40;
	v22 =	vmovc v37;
	v38 =	vadd.f32 $1.000000000e+00, v45;
	v17 =	vld [tilespmem:s21+$0x60];
	v45 =	vsub.f32 $0.0e+00, v48  }
0x235: {  	v37 =	vld [tilespmem:s2+$0x90];
	(erf) = vrcp.f32 v41;
	v40 =	vmul.f32 $1.442695020e+00, v46  }
0x236: {  	(erf) = vrcp.f32 v38;
	v46 =	vmul.f32 $1.442695020e+00, v45;
	v41 =	vld [tilespmem:s15+$0xFFFFFF60]  }
0x237: {  	v45 =	vmul.f32 $1.442695020e+00, v34;
	(erf) = vpow2.f32 v40;
	v40 =	vld [tilespmem:s15+$0xFFFFFFE0];
	v42 =	vadd.f32 v43, v42  }
0x238: {  	v43 =	vpop (erf);
	(erf) = vpow2.f32 v46;
	v34 =	vld [tilespmem:s15+$0x60]  }
0x239: {  	v38 =	vpop (erf);
	v42 =	vsub.f32 $0.0e+00, v42;
	(erf) = vpow2.f32 v44;
	v44 =	vld [tilespmem:s12+$0xFFFFFF70]  }
0x23a: {  	v37 =	vmul.f32 v43, v37;
	v38 =	vadd.f32 $1.000000000e+00, v38;
	(erf) = vpow2.f32 v47;
	v43 =	vld [tilespmem:s12+$0xFFFFFFF0]  }
0x23b: {  	v46 =	vpop (erf);
	v42 =	vmul.f32 $1.442695020e+00, v42;
	(erf) = vpow2.f32 v45;
	v45 =	vld [tilespmem:s12+$0x70];
	s12 =	smov.u32 s14;
	s14 =	smov.u32 s30;
	s30 =	smov.u32 s4  }
0x23c: {  	v47 =	vmul.f32 v46, v32;
	[tilespmem:s21+$0x90] =	vst v37;
	v37 =	vld [tilespmem:s21+$0xA0];
	v46 =	vpop (erf);
	(erf) = vrcp.f32 v38  }
0x23d: {  	v38 =	vld [tilespmem:s4+$0xA0];
	v46 =	vadd.f32 $1.000000000e+00, v46;
	(erf) = vpow2.f32 v42  }
0x23e: {  	[tilespmem:s21+$0xFFFFFF90] =	vst v47;
	v32 =	vpop (erf);
	v42 =	vadd.f32 v44, v1;
	v1 =	vmov v4;
	v4 =	vmov v12;
	v12 =	vld [tilespmem:s21+$0xFFFFFF70]  }
0x23f: {  	v44 =	vld [tilespmem:s4+$0xFFFFFFA0];
	v32 =	vmul.f32 v32, v35;
	v35 =	vpop (erf);
	(erf) = vrcp.f32 v46;
	v47 =	vadd.f32 v43, v2  }
0x240: {  	v29 =	vmul.f32 v35, v29;
	v35 =	vld [tilespmem:s2+$0xFFFFFFA0];
	v43 =	vpop (erf);
	v42 =	vsub.f32 $0.0e+00, v42;
	v3 =	vadd.f32 v45, v3  }
0x241: {  	v2 =	vmov v6;
	v45 =	vld [tilespmem:s21+$0xFFFFFFF0];
	[tilespmem:s21+$0x10] =	vst v32;
	v32 =	vadd.f32 $1.000000000e+00, v43;
	v43 =	vpop (erf);
	v46 =	vsub.f32 $0.0e+00, v47  }
0x242: {  	[tilespmem:s21+$0xFFFFFF10] =	vst v29;
	v6 =	vadd.f32 v38, v37;
	v49 =	vadd.f32 $1.000000000e+00, v43;
	v43 =	vld [tilespmem:s1+$0xC0];
	v37 =	vpop (erf);
	v42 =	vmul.f32 $1.442695020e+00, v42  }
0x243: {  	v48 =	vsub.f32 $0.0e+00, v3;
	v47 =	vld [tilespmem:s4+$0xFFFFFF20];
	(erf) = vrcp.f32 v32;
	v32 =	vadd.f32 $1.000000000e+00, v37;
	v38 =	vpop (erf)  }
0x244: {  	v3 =	vadd.f32 v44, v33;
	v33 =	vld [tilespmem:s4+$0x20];
	v51 =	vsub.f32 $0.0e+00, v6;
	(erf) = vrcp.f32 v49;
	v29 =	vpop (erf)  }
0x245: {  	v49 =	vadd.f32 $1.000000000e+00, v38;
	v37 =	vld [tilespmem:s2+$0xFFFFFF20];
	v44 =	vpop (erf);
	v50 =	vadd.f32 $1.000000000e+00, v29;
	(erf) = vrcp.f32 v32  }
0x246: {  	v46 =	vmul.f32 $1.442695020e+00, v46;
	v52 =	vsub.f32 $0.0e+00, v3;
	v38 =	vld [tilespmem:s2+$0x20];
	v29 =	vmul.f32 $1.442695020e+00, v51;
	v6 =	vpop (erf)  }
0x247: {  	v32 =	vld [tilespmem:s21+$0x70];
	v43 =	vmul.f32 v44, v43;
	v44 =	vadd.f32 $1.000000000e+00, v6;
	(erf) = vrcp.f32 v49;
	v6 =	vmovc v14;
	v14 =	vmovc v45  }
0x248: {  	v30 =	vadd.f32 v47, v30;
	v45 =	vmul.f32 $1.442695020e+00, v52;
	(erf) = vpow2.f32 v29;
	v3 =	vpop (erf);
	v29 =	vld [tilespmem:s11+$0xFFFFFF70]  }
0x249: {  	v31 =	vadd.f32 v33, v31;
	v20 =	vmul.f32 v3, v20;
	[tilespmem:s13+$0xC0] =	vst v43;
	v33 =	vld [tilespmem:s13+$0xD0];
	(erf) = vrcp.f32 v44;
	v3 =	vmovc v5  }
0x24a: {  	v5 =	vmovc v16;
	v30 =	vsub.f32 $0.0e+00, v30;
	(erf) = vpow2.f32 v45;
	v43 =	vld [tilespmem:s14+$0xD0];
	v45 =	vmul.f32 $1.442695020e+00, v48  }
0x24b: {  	v48 =	vsub.f32 $0.0e+00, v31;
	[tilespmem:s13+$0xFFFFFFC0] =	vst v20;
	(erf) = vrcp.f32 v50;
	v20 =	vld [tilespmem:s11+$0xFFFFFFF0]  }
0x24c: {  	v30 =	vmul.f32 $1.442695020e+00, v30;
	v44 =	vld [tilespmem:s14+$0xFFFFFFD0];
	v47 =	vpop (erf);
	(erf) = vpow2.f32 v42;
	v16 =	vmov v32  }
0x24d: {  	v42 =	vmul.f32 $1.442695020e+00, v48;
	v28 =	vmul.f32 v47, v28;
	v32 =	vld [tilespmem:s1+$0xFFFFFFD0];
	v31 =	vpop (erf)  }
.Ltmp6:
0x24e: {  	(erf) = vpow2.f32 v30;
	v30 =	vmul.f32 v31, v36;
	v31 =	vld [tilespmem:s15+$0xF0];
	v36 =	vpop (erf);
	(pc) =	sbr.rel @p0 .LBB2_6-.Ltmp6, $4  }
0x24f: {  	(erf) = vpow2.f32 v42;
	[tilespmem:s13+$0xFFFFFF40] =	vst v28;
	v43 =	vadd.f32 v43, v33;
	v36 =	vmul.f32 v36, v41;
	v28 =	vld [tilespmem:s11+$0x70];
	s11 =	smov.u32 s15;
	s15 =	smov.u32 s1;
	s1 =	smov.u32 s2  }
0x250: {  	v33 =	vld [tilespmem:s14+$0xFFFFFF50];
	[tilespmem:s13+$0x40] =	vst v30;
	v41 =	vpop (erf);
	(erf) = vpow2.f32 v46  }
0x251: {  	v46 =	vpop (erf);
	v42 =	vadd.f32 v44, v13;
	v30 =	vld [tilespmem:s14+$0x50];
	v43 =	vsub.f32 $0.0e+00, v43;
	[tilespmem:s10+$0xFFFFFF60] =	vst v36;
	v40 =	vmul.f32 v41, v40  }
0x252: {  	s21 =	sadd.s32 $0x200, s21;
	v13 =	vmov v39;
	v44 =	vadd.f32 $1.000000000e+00, v46;
	v36 =	vld [tilespmem:s15+$0xFFFFFF50];
	v41 =	vpop (erf);
	(erf) = vpow2.f32 v45  }
0x253: {  	v39 =	vpop (erf);
	v42 =	vsub.f32 $0.0e+00, v42;
	v43 =	vmul.f32 $1.442695020e+00, v43  }
0x254: {  	(erf) = vrcp.f32 v44;
	v39 =	vadd.f32 $1.000000000e+00, v39  }
0x255: {  	v58 =	vpop (erf);
	v42 =	vmul.f32 $1.442695020e+00, v42;
	(erf) = vpow2.f32 v43  }
0x256: {  	v59 =	vpop (erf);
	(erf) = vrcp.f32 v39;
	v11 =	vadd.f32 v30, v11  }
0x257: {  	v10 =	vadd.f32 v33, v10;
	(erf) = vpow2.f32 v42;
	v30 =	vpop (erf)  }
0x258: {  	v30 =	vadd.f32 $1.000000000e+00, v30;
	v11 =	vsub.f32 $0.0e+00, v11  }
0x259: {  	v60 =	vld [tilespmem:s2+$0xA0];
	v10 =	vsub.f32 $0.0e+00, v10;
	v61 =	vpop (erf)  }
0x25a: {  	v31 =	vmul.f32 v41, v31;
	v62 =	vadd.f32 $1.000000000e+00, v61;
	v11 =	vmul.f32 $1.442695020e+00, v11  }
0x25b: {  	v63 =	vpop (erf);
	v10 =	vmul.f32 $1.442695020e+00, v10;
	(erf) = vrcp.f32 v30  }
0x25c: {  	[tilespmem:s10+$0xF0] =	vst v31;
	v31 =	vmul.f32 v58, v34;
	v30 =	vpop (erf);
	(erf) = vrcp.f32 v62  }
0x25d: {  	v45 =	vpop (erf);
	(erf) = vpow2.f32 v10  }
0x25e: {  	[tilespmem:s10+$0xFFFFFFE0] =	vst v40;
	v33 =	vadd.f32 $1.000000000e+00, v59;
	v10 =	vmul.f32 v45, v60;
	(erf) = vpow2.f32 v11;
	v11 =	vpop (erf)  }
0x25f: {  	[tilespmem:s10+$0x60] =	vst v31;
	v46 =	vpop (erf)  }
0x260: {  	(erf) = vrcp.f32 v33;
	[tilespmem:s8+$0xA0] =	vst v10;
	v10 =	vld [tilespmem:s8+$0xB0];
	v31 =	vpop (erf)  }
0x261: {  	v33 =	vld [tilespmem:s30+$0xB0];
	_ =	sdelay $0x1  }
0x262: {  	v11 =	vadd.f32 $1.000000000e+00, v11;
	_ =	sdelay $0x2  }
0x263: {  	v34 =	vmul.f32 v46, v35;
	(erf) = vrcp.f32 v11;
	v47 =	vpop (erf);
	v10 =	vadd.f32 v33, v10  }
0x264: {  	v31 =	vadd.f32 $1.000000000e+00, v31;
	v49 =	vmul.f32 v47, v37;
	v11 =	vpop (erf)  }
0x265: {  	v48 =	vadd.f32 $1.000000000e+00, v63;
	v53 =	vld [tilespmem:s15+$0xD0];
	[tilespmem:s8+$0xFFFFFFA0] =	vst v34;
	v50 =	vpop (erf);
	v11 =	vmul.f32 v11, v38;
	v10 =	vsub.f32 $0.0e+00, v10  }
0x266: {  	(erf) = vrcp.f32 v31;
	v31 =	vld [tilespmem:s30+$0xFFFFFFB0];
	[tilespmem:s8+$0xFFFFFF20] =	vst v49;
	v51 =	vadd.f32 $1.000000000e+00, v50;
	v52 =	vpop (erf)  }
0x267: {  	(erf) = vrcp.f32 v48;
	v54 =	vld [tilespmem:s30+$0xFFFFFF30];
	v35 =	vadd.f32 $1.000000000e+00, v52;
	[tilespmem:s8+$0x20] =	vst v11;
	v10 =	vmul.f32 $1.442695020e+00, v10  }
0x268: {  	v30 =	vadd.f32 $1.000000000e+00, v30;
	(erf) = vrcp.f32 v51;
	v11 =	vld [tilespmem:s30+$0x30]  }
0x269: {  	(erf) = vrcp.f32 v35  }
0x26a: {  	(erf) = vrcp.f32 v30  }
0x26b: {  	v24 =	vadd.f32 v31, v24;
	(erf) = vpow2.f32 v10;
	v10 =	vpop (erf)  }
0x26c: {  	v23 =	vadd.f32 v54, v23;
	v30 =	vpop (erf)  }
0x26d: {  	v24 =	vsub.f32 $0.0e+00, v24;
	v11 =	vadd.f32 v11, v25;
	v30 =	vmul.f32 v30, v53  }
0x26e: {  	v23 =	vsub.f32 $0.0e+00, v23  }
0x26f: {  	v24 =	vmul.f32 $1.442695020e+00, v24;
	[tilespmem:s13+$0xD0] =	vst v30;
	v30 =	vsub.f32 $0.0e+00, v11  }
0x270: {  	v31 =	vld [tilespmem:s13+$0xE0];
	v25 =	vpop (erf);
	v23 =	vmul.f32 $1.442695020e+00, v23  }
0x271: {  	(erf) = vpow2.f32 v24;
	v11 =	vpop (erf);
	v55 =	vld [tilespmem:s14+$0xE0];
	v24 =	vmul.f32 $1.442695020e+00, v30  }
0x272: {  	(erf) = vpow2.f32 v23;
	v33 =	vpop (erf)  }
0x273: {  	v30 =	vpop (erf);
	(erf) = vpow2.f32 v24  }
0x274: {  	v23 =	vpop (erf)  }
0x275: {  	v24 =	vpop (erf)  }
0x276: {  	v31 =	vadd.f32 v55, v31;
	v24 =	vadd.f32 $1.000000000e+00, v24;
	_ =	sdelay $0x1  }
0x277: {  	(erf) = vrcp.f32 v24;
	v24 =	vsub.f32 $0.0e+00, v31;
	_ =	sdelay $0x1  }
0x278: {  	v31 =	vpop (erf);
	v24 =	vmul.f32 $1.442695020e+00, v24  }
0x279: {  	v31 =	vadd.f32 $1.000000000e+00, v31;
	v56 =	vpop (erf)  }
0x27a: {  	(erf) = vpow2.f32 v24;
	v24 =	vadd.f32 $1.000000000e+00, v56;
	v58 =	vpop (erf)  }
0x27b: {  	v57 =	vld [tilespmem:s1+$0xB0];
	(erf) = vrcp.f32 v31;
	v31 =	vadd.f32 $1.000000000e+00, v58  }
0x27c: {  	(erf) = vrcp.f32 v24  }
0x27d: {  	(erf) = vrcp.f32 v31;
	_ =	sdelay $0x1  }
0x27e: {  	v59 =	vld [tilespmem:s2+$0xFFFFFFB0];
	v24 =	vpop (erf)  }
0x27f: {  	v60 =	vld [tilespmem:s1+$0x30];
	v24 =	vmul.f32 v24, v57  }
0x280: {  	v31 =	vld [tilespmem:s2+$0xFFFFFF30]  }
0x281: {  	[tilespmem:s8+$0xB0] =	vst v24;
	v24 =	vld [tilespmem:s8+$0xC0]  }
0x282: {  	v61 =	vld [tilespmem:s30+$0xC0];
	v62 =	vpop (erf)  }
0x283: {  	v25 =	vmul.f32 v25, v32;
	v63 =	vpop (erf)  }
0x284: {  	v42 =	vld [tilespmem:s15+$0x50];
	v34 =	vmul.f32 v63, v59;
	v43 =	vpop (erf)  }
0x285: {  	[tilespmem:s13+$0xFFFFFFD0] =	vst v25;
	v44 =	vadd.f32 $1.000000000e+00, v62;
	v31 =	vmul.f32 v43, v31;
	v45 =	vpop (erf)  }
0x286: {  	[tilespmem:s8+$0xFFFFFFB0] =	vst v34;
	v47 =	vmul.f32 v45, v60  }
0x287: {  	v33 =	vmul.f32 v33, v36;
	(erf) = vrcp.f32 v44;
	v24 =	vadd.f32 v61, v24;
	v48 =	vld [tilespmem:s30+$0xFFFFFFC0];
	[tilespmem:s8+$0xFFFFFF30] =	vst v31  }
0x288: {  	v31 =	vld [tilespmem:s30+$0xFFFFFF40];
	[tilespmem:s8+$0x30] =	vst v47  }
0x289: {  	[tilespmem:s13+$0xFFFFFF50] =	vst v33;
	v25 =	vmul.f32 v30, v42;
	v24 =	vsub.f32 $0.0e+00, v24;
	v30 =	vld [tilespmem:s30+$0x40]  }
0x28a: {  	v46 =	vld [tilespmem:s14+$0xFFFFFF60]  }
0x28b: {  	v49 =	vld [tilespmem:s14+$0xFFFFFFE0];
	v24 =	vmul.f32 $1.442695020e+00, v24  }
0x28c: {  	[tilespmem:s13+$0x50] =	vst v25;
	v25 =	vld [tilespmem:s15+$0xE0];
	v21 =	vadd.f32 v48, v21  }
0x28d: {  	v50 =	vld [tilespmem:s14+$0x60];
	(erf) = vpow2.f32 v24;
	v19 =	vadd.f32 v31, v19  }
0x28e: {  	v21 =	vsub.f32 $0.0e+00, v21;
	v22 =	vadd.f32 v30, v22  }
0x28f: {  	v7 =	vadd.f32 v46, v7;
	v19 =	vsub.f32 $0.0e+00, v19  }
0x290: {  	v9 =	vadd.f32 v49, v9;
	v24 =	vpop (erf);
	v21 =	vmul.f32 $1.442695020e+00, v21;
	v22 =	vsub.f32 $0.0e+00, v22  }
0x291: {  	v7 =	vsub.f32 $0.0e+00, v7;
	v24 =	vmul.f32 v24, v25;
	v19 =	vmul.f32 $1.442695020e+00, v19  }
0x292: {  	v8 =	vadd.f32 v50, v8;
	(erf) = vpow2.f32 v21;
	v21 =	vmul.f32 $1.442695020e+00, v22  }
0x293: {  	v9 =	vsub.f32 $0.0e+00, v9;
	[tilespmem:s13+$0xE0] =	vst v24;
	(erf) = vpow2.f32 v19;
	v19 =	vld [tilespmem:s13+$0xF0]  }
0x294: {  	v7 =	vmul.f32 $1.442695020e+00, v7;
	v8 =	vsub.f32 $0.0e+00, v8;
	(erf) = vpow2.f32 v21;
	v21 =	vld [tilespmem:s14+$0xF0]  }
0x295: {  	v9 =	vmul.f32 $1.442695020e+00, v9  }
0x296: {  	v8 =	vmul.f32 $1.442695020e+00, v8;
	(erf) = vpow2.f32 v7;
	v22 =	vpop (erf)  }
0x297: {  	(erf) = vpow2.f32 v9;
	v7 =	vadd.f32 $1.000000000e+00, v22  }
0x298: {  	(erf) = vpow2.f32 v8  }
0x299: {  	(erf) = vrcp.f32 v7;
	v7 =	vadd.f32 v21, v19;
	_ =	sdelay $0x1  }
0x29a: {  	v7 =	vsub.f32 $0.0e+00, v7  }
0x29b: {  	v8 =	vpop (erf)  }
0x29c: {  	v9 =	vpop (erf);
	v7 =	vmul.f32 $1.442695020e+00, v7  }
0x29d: {  	v21 =	vld [tilespmem:s1+$0xC0];
	v8 =	vadd.f32 $1.000000000e+00, v8;
	v19 =	vpop (erf)  }
0x29e: {  	v22 =	vpop (erf);
	(erf) = vpow2.f32 v7;
	v7 =	vadd.f32 $1.000000000e+00, v9  }
0x29f: {  	v25 =	vld [tilespmem:s12+$0xFFFFFF70];
	v24 =	vpop (erf);
	(erf) = vrcp.f32 v8;
	v8 =	vadd.f32 $1.000000000e+00, v19  }
0x2a0: {  	v31 =	vld [tilespmem:s12+$0x70];
	v9 =	vpop (erf);
	(erf) = vrcp.f32 v7  }
0x2a1: {  	v30 =	vld [tilespmem:s12+$0xFFFFFFF0];
	v19 =	vpop (erf);
	(erf) = vrcp.f32 v8  }
0x2a2: {  	v8 =	vld [tilespmem:s1+$0xFFFFFFC0];
	v7 =	vmul.f32 v19, v21  }
0x2a3: {  	v21 =	vld [tilespmem:s1+$0xFFFFFF40]  }
0x2a4: {  	v1 =	vadd.f32 v25, v1;
	[tilespmem:s8+$0xC0] =	vst v7;
	v7 =	vld [tilespmem:s8+$0xD0]  }
0x2a5: {  	v24 =	vadd.f32 $1.000000000e+00, v24;
	v19 =	vld [tilespmem:s30+$0xD0]  }
0x2a6: {  	v25 =	vld [tilespmem:s1+$0x40];
	v1 =	vsub.f32 $0.0e+00, v1;
	v22 =	vadd.f32 $1.000000000e+00, v22  }
0x2a7: {  	v3 =	vadd.f32 v31, v3;
	v2 =	vadd.f32 v30, v2;
	v30 =	vpop (erf)  }
0x2a8: {  	v1 =	vmul.f32 $1.442695020e+00, v1;
	(erf) = vrcp.f32 v22;
	v22 =	vadd.f32 $1.000000000e+00, v30;
	v30 =	vpop (erf)  }
0x2a9: {  	v2 =	vsub.f32 $0.0e+00, v2;
	(erf) = vrcp.f32 v24;
	v8 =	vmul.f32 v30, v8;
	v24 =	vpop (erf)  }
0x2aa: {  	v9 =	vadd.f32 $1.000000000e+00, v9;
	v7 =	vadd.f32 v19, v7;
	v19 =	vmul.f32 v24, v21;
	v21 =	vpop (erf)  }
0x2ab: {  	v3 =	vsub.f32 $0.0e+00, v3;
	(erf) = vrcp.f32 v22;
	[tilespmem:s8+$0xFFFFFFC0] =	vst v8;
	v8 =	vmul.f32 v21, v25  }
0x2ac: {  	v2 =	vmul.f32 $1.442695020e+00, v2;
	(erf) = vrcp.f32 v9;
	v7 =	vsub.f32 $0.0e+00, v7;
	v9 =	vld [tilespmem:s30+$0xFFFFFFD0];
	[tilespmem:s8+$0xFFFFFF40] =	vst v19  }
0x2ad: {  	v3 =	vmul.f32 $1.442695020e+00, v3;
	(erf) = vpow2.f32 v1;
	v1 =	vld [tilespmem:s30+$0xFFFFFF50];
	[tilespmem:s8+$0x40] =	vst v8  }
0x2ae: {  	(erf) = vpow2.f32 v2;
	v2 =	vmul.f32 $1.442695020e+00, v7;
	v7 =	vld [tilespmem:s30+$0x50];
	_ =	sdelay $0x1  }
0x2af: {  	(erf) = vpow2.f32 v3  }
0x2b0: {  	(erf) = vpow2.f32 v2  }
0x2b1: {  	v3 =	vadd.f32 v1, v26  }
0x2b2: {  	v8 =	vpop (erf);
	v2 =	vadd.f32 v9, v13;
	v7 =	vadd.f32 v7, v27  }
0x2b3: {  	v9 =	vpop (erf);
	v3 =	vsub.f32 $0.0e+00, v3  }
0x2b4: {  	v1 =	vpop (erf);
	v2 =	vsub.f32 $0.0e+00, v2;
	v7 =	vsub.f32 $0.0e+00, v7  }
0x2b5: {  	v13 =	vpop (erf);
	v3 =	vmul.f32 $1.442695020e+00, v3  }
0x2b6: {  	v2 =	vmul.f32 $1.442695020e+00, v2;
	v19 =	vpop (erf)  }
0x2b7: {  	v21 =	vpop (erf)  }
0x2b8: {  	(erf) = vpow2.f32 v2;
	v2 =	vmul.f32 $1.442695020e+00, v7;
	v7 =	vpop (erf)  }
0x2b9: {  	v19 =	vadd.f32 $1.000000000e+00, v19;
	(erf) = vpow2.f32 v3;
	v3 =	vpop (erf)  }
0x2ba: {  	(erf) = vpow2.f32 v2;
	v2 =	vadd.f32 $1.000000000e+00, v3  }
0x2bb: {  	(erf) = vrcp.f32 v19  }
0x2bc: {  	(erf) = vrcp.f32 v2;
	_ =	sdelay $0x4  }
0x2bd: {  	v19 =	vld [tilespmem:s1+$0xD0];
	v3 =	vpop (erf)  }
0x2be: {  	v22 =	vpop (erf)  }
0x2bf: {  	v24 =	vpop (erf)  }
0x2c0: {  	v2 =	vpop (erf)  }
0x2c1: {  	v25 =	vpop (erf)  }
0x2c2: {  	v19 =	vmul.f32 v25, v19;
	_ =	sdelay $0x1  }
0x2c3: {  	[tilespmem:s8+$0xD0] =	vst v19;
	v19 =	vld [tilespmem:s8+$0xE0]  }
0x2c4: {  	v25 =	vld [tilespmem:s30+$0xE0];
	_ =	sdelay $0x3  }
0x2c5: {  	v3 =	vadd.f32 $1.000000000e+00, v3  }
0x2c6: {  	v21 =	vadd.f32 $1.000000000e+00, v21;
	v19 =	vadd.f32 v25, v19  }
0x2c7: {  	(erf) = vrcp.f32 v3;
	v3 =	vadd.f32 $1.000000000e+00, v22  }
0x2c8: {  	v22 =	vadd.f32 $1.000000000e+00, v24;
	(erf) = vrcp.f32 v21;
	v19 =	vsub.f32 $0.0e+00, v19  }
0x2c9: {  	v7 =	vadd.f32 $1.000000000e+00, v7;
	(erf) = vrcp.f32 v3  }
0x2ca: {  	(erf) = vrcp.f32 v22;
	v3 =	vmul.f32 $1.442695020e+00, v19  }
0x2cb: {  	(erf) = vrcp.f32 v7  }
0x2cc: {  	(erf) = vpow2.f32 v3;
	_ =	sdelay $0x3  }
0x2cd: {  	v19 =	vpop (erf)  }
0x2ce: {  	v3 =	vpop (erf)  }
0x2cf: {  	v21 =	vpop (erf)  }
0x2d0: {  	v22 =	vpop (erf)  }
0x2d1: {  	v7 =	vpop (erf)  }
0x2d2: {  	v24 =	vpop (erf)  }
0x2d3: {  	v24 =	vadd.f32 $1.000000000e+00, v24;
	_ =	sdelay $0x1  }
0x2d4: {  	v25 =	vld [tilespmem:s1+$0xFFFFFFD0];
	(erf) = vrcp.f32 v24  }
0x2d5: {  	v24 =	vld [tilespmem:s1+$0xFFFFFF50];
	_ =	sdelay $0x1  }
0x2d6: {  	v26 =	vld [tilespmem:s1+$0x50];
	_ =	sdelay $0x1  }
0x2d7: {  	v27 =	vld [tilespmem:s1+$0xE0];
	v19 =	vmul.f32 v19, v25  }
0x2d8: {  	v21 =	vmul.f32 v21, v24  }
0x2d9: {  	[tilespmem:s8+$0xFFFFFFD0] =	vst v19  }
0x2da: {  	[tilespmem:s8+$0xFFFFFF50] =	vst v21;
	v21 =	vmul.f32 v22, v26  }
0x2db: {  	v24 =	vld [tilespmem:s30+$0xFFFFFFE0];
	v22 =	vpop (erf)  }
0x2dc: {  	v19 =	vld [tilespmem:s30+$0xFFFFFF60];
	[tilespmem:s8+$0x50] =	vst v21;
	v22 =	vmul.f32 v22, v27  }
0x2dd: {  	v21 =	vld [tilespmem:s30+$0x60]  }
0x2de: {  	[tilespmem:s8+$0xE0] =	vst v22;
	v22 =	vld [tilespmem:s8+$0xF0]  }
0x2df: {  	v25 =	vld [tilespmem:s30+$0xF0];
	_ =	sdelay $0x1  }
0x2e0: {  	v15 =	vadd.f32 v19, v15  }
0x2e1: {  	v18 =	vadd.f32 v24, v18  }
0x2e2: {  	v15 =	vsub.f32 $0.0e+00, v15;
	v17 =	vadd.f32 v21, v17  }
0x2e3: {  	v18 =	vsub.f32 $0.0e+00, v18;
	v19 =	vadd.f32 v25, v22  }
0x2e4: {  	v15 =	vmul.f32 $1.442695020e+00, v15;
	v17 =	vsub.f32 $0.0e+00, v17  }
0x2e5: {  	v18 =	vmul.f32 $1.442695020e+00, v18;
	v19 =	vsub.f32 $0.0e+00, v19  }
0x2e6: {  	v17 =	vmul.f32 $1.442695020e+00, v17;
	(erf) = vpow2.f32 v15  }
0x2e7: {  	(erf) = vpow2.f32 v18;
	v15 =	vmul.f32 $1.442695020e+00, v19  }
0x2e8: {  	(erf) = vpow2.f32 v17;
	v17 =	vld [tilespmem:s15+$0xFFFFFF60]  }
0x2e9: {  	(erf) = vpow2.f32 v15;
	v15 =	vld [tilespmem:s15+$0xFFFFFFE0];
	_ =	sdelay $0x1  }
0x2ea: {  	v18 =	vld [tilespmem:s15+$0x60];
	_ =	sdelay $0x1  }
0x2eb: {  	v8 =	vmul.f32 v8, v17  }
0x2ec: {  	v9 =	vmul.f32 v9, v15  }
0x2ed: {  	[tilespmem:s13+$0xFFFFFF60] =	vst v8  }
0x2ee: {  	v15 =	vpop (erf);
	[tilespmem:s13+$0xFFFFFFE0] =	vst v9;
	v9 =	vmul.f32 v13, v18;
	v13 =	vld [tilespmem:s14+$0xFFFFFF70]  }
0x2ef: {  	v8 =	vpop (erf);
	v15 =	vadd.f32 $1.000000000e+00, v15  }
0x2f0: {  	v17 =	vpop (erf);
	v18 =	vld [tilespmem:s14+$0xFFFFFFF0];
	[tilespmem:s13+$0x60] =	vst v9  }
0x2f1: {  	v8 =	vadd.f32 $1.000000000e+00, v8;
	(erf) = vrcp.f32 v15;
	v19 =	vpop (erf);
	v15 =	vld [tilespmem:s14+$0x70]  }
0x2f2: {  	v9 =	vadd.f32 $1.000000000e+00, v19  }
0x2f3: {  	v17 =	vadd.f32 $1.000000000e+00, v17;
	(erf) = vrcp.f32 v8;
	v4 =	vadd.f32 v13, v4  }
0x2f4: {  	(erf) = vrcp.f32 v9  }
0x2f5: {  	(erf) = vrcp.f32 v17;
	v6 =	vadd.f32 v18, v6;
	v4 =	vsub.f32 $0.0e+00, v4  }
0x2f6: {  	v5 =	vadd.f32 v15, v5  }
0x2f7: {  	v6 =	vsub.f32 $0.0e+00, v6;
	v4 =	vmul.f32 $1.442695020e+00, v4  }
0x2f8: {  	v8 =	vld [tilespmem:s1+$0xFFFFFF60];
	v5 =	vsub.f32 $0.0e+00, v5  }
0x2f9: {  	v9 =	vld [tilespmem:s1+$0xFFFFFFE0];
	v6 =	vmul.f32 $1.442695020e+00, v6  }
0x2fa: {  	v13 =	vld [tilespmem:s1+$0x60];
	v5 =	vmul.f32 $1.442695020e+00, v5  }
0x2fb: {  	(erf) = vpow2.f32 v4;
	v4 =	vpop (erf)  }
0x2fc: {  	(erf) = vpow2.f32 v6;
	v15 =	vpop (erf)  }
0x2fd: {  	v4 =	vmul.f32 v4, v8;
	v6 =	vpop (erf)  }
0x2fe: {  	(erf) = vpow2.f32 v5;
	v8 =	vmul.f32 v15, v9;
	v5 =	vpop (erf)  }
0x2ff: {  	[tilespmem:s8+$0xFFFFFF60] =	vst v4;
	v4 =	vmul.f32 v5, v13  }
0x300: {  	[tilespmem:s8+$0xFFFFFFE0] =	vst v8;
	v5 =	vld [tilespmem:s30+$0xFFFFFF70]  }
0x301: {  	[tilespmem:s8+$0x60] =	vst v4;
	v4 =	vld [tilespmem:s30+$0xFFFFFFF0]  }
0x302: {  	v8 =	vld [tilespmem:s30+$0x70];
	_ =	sdelay $0x1  }
0x303: {  	v9 =	vpop (erf)  }
0x304: {  	v9 =	vadd.f32 $1.000000000e+00, v9;
	v13 =	vpop (erf);
	v5 =	vadd.f32 v5, v12  }
0x305: {  	v12 =	vadd.f32 $1.000000000e+00, v13;
	v4 =	vadd.f32 v4, v14  }
0x306: {  	v13 =	vpop (erf);
	v5 =	vsub.f32 $0.0e+00, v5;
	v8 =	vadd.f32 v8, v16  }
0x307: {  	(erf) = vrcp.f32 v9;
	v13 =	vadd.f32 $1.000000000e+00, v13;
	v4 =	vsub.f32 $0.0e+00, v4  }
0x308: {  	(erf) = vrcp.f32 v12;
	v5 =	vmul.f32 $1.442695020e+00, v5;
	v8 =	vsub.f32 $0.0e+00, v8  }
0x309: {  	(erf) = vrcp.f32 v13;
	v4 =	vmul.f32 $1.442695020e+00, v4  }
0x30a: {  	(erf) = vpow2.f32 v5;
	v8 =	vmul.f32 $1.442695020e+00, v8  }
0x30b: {  	(erf) = vpow2.f32 v4  }
0x30c: {  	(erf) = vpow2.f32 v8;
	_ =	sdelay $0x3  }
0x30d: {  	v4 =	vpop (erf)  }
0x30e: {  	v5 =	vpop (erf)  }
0x30f: {  	v8 =	vpop (erf)  }
0x310: {  	v9 =	vld [tilespmem:s15+$0xF0];
	v12 =	vpop (erf)  }
0x311: {  	v13 =	vld [tilespmem:s11+$0xFFFFFF70];
	v12 =	vadd.f32 $1.000000000e+00, v12;
	v14 =	vpop (erf)  }
0x312: {  	v10 =	vmul.f32 v10, v29;
	v15 =	vld [tilespmem:s11+$0xFFFFFFF0];
	v14 =	vadd.f32 $1.000000000e+00, v14;
	v16 =	vpop (erf)  }
0x313: {  	v11 =	vmul.f32 v11, v20;
	v17 =	vld [tilespmem:s11+$0x70];
	(erf) = vrcp.f32 v12;
	v16 =	vadd.f32 $1.000000000e+00, v16  }
0x314: {  	[tilespmem:s0+$0xFFFFFF70] =	vst v10;
	v10 =	vmul.f32 v23, v28;
	v12 =	vld [tilespmem:s1+$0xF0];
	(erf) = vrcp.f32 v14  }
0x315: {  	[tilespmem:s0+$0xFFFFFFF0] =	vst v11;
	v1 =	vmul.f32 v1, v9;
	v9 =	vld [tilespmem:s15+$0xFFFFFF70];
	(erf) = vrcp.f32 v16  }
0x316: {  	[tilespmem:s0+$0x70] =	vst v10;
	v10 =	vld [tilespmem:s15+$0xFFFFFFF0];
	v2 =	vmul.f32 v2, v13  }
0x317: {  	[tilespmem:s13+$0xF0] =	vst v1;
	v1 =	vmul.f32 v3, v15;
	v3 =	vld [tilespmem:s15+$0x70]  }
0x318: {  	[tilespmem:s10+$0xFFFFFF70] =	vst v2;
	v2 =	vmul.f32 v7, v17;
	v7 =	vld [tilespmem:s1+$0xFFFFFF70]  }
0x319: {  	[tilespmem:s10+$0xFFFFFFF0] =	vst v1;
	v1 =	vmul.f32 v6, v12;
	v6 =	vld [tilespmem:s1+$0xFFFFFFF0]  }
0x31a: {  	[tilespmem:s10+$0x70] =	vst v2;
	v2 =	vmul.f32 v4, v9;
	v4 =	vld [tilespmem:s1+$0x70]  }
0x31b: {  	[tilespmem:s8+$0xF0] =	vst v1;
	v1 =	vmul.f32 v5, v10  }
0x31c: {  	[tilespmem:s13+$0xFFFFFF70] =	vst v2;
	v2 =	vmul.f32 v8, v3;
	v3 =	vpop (erf)  }
0x31d: {  	[tilespmem:s13+$0xFFFFFFF0] =	vst v1;
	v1 =	vmul.f32 v3, v7;
	v3 =	vpop (erf)  }
0x31e: {  	[tilespmem:s13+$0x70] =	vst v2;
	v2 =	vmul.f32 v3, v6;
	v3 =	vpop (erf)  }
0x31f: {  	[tilespmem:s8+$0xFFFFFF70] =	vst v1;
	v1 =	vmul.f32 v3, v4  }
0x320: {  	[tilespmem:s8+$0xFFFFFFF0] =	vst v2  }
0x321: {  	[tilespmem:s8+$0x70] =	vst v1  }
0x322: {  	_ =	swait.ge [sflag:s28], $0x2000  }
0x323: {  	[sflag:s28] =	ssyncset.done $0x0  }
0x324: {  	s0 =	simm.s32 $0x21F0;
	[sflag:s28] =	ssyncadd.s32 $0xFFFFE000  }
0x325: {  	s21 =	simm.s32 $0xA1F0;
	v1 =	vld [tilespmem:s0+$0xFFFFFF90]  }
0x326: {  	v2 =	vld [tilespmem:s21+$0xFFFFFF90];
	_ =	sdelay $0x4  }
0x327: {  	v3 =	vld [tilespmem:s0+$0xFFFFFE90];
	v1 =	vadd.f32 v2, v1  }
0x328: {  	v4 =	vld [tilespmem:s21+$0xFFFFFE90]  }
0x329: {  	v5 =	vld [tilespmem:s0+$0xFFFFFF10];
	v1 =	vsub.f32 $0.0e+00, v1  }
0x32a: {  	v6 =	vld [tilespmem:s21+$0xFFFFFF10]  }
0x32b: {  	v1 =	vmul.f32 $1.442695020e+00, v1  }
0x32c: {  	v7 =	vld [tilespmem:s0+$0xFFFFFE10]  }
0x32d: {  	v2 =	vld [tilespmem:s21+$0xFFFFFE10];
	(erf) = vpow2.f32 v1;
	v1 =	vadd.f32 v4, v3;
	_ =	sdelay $0x1  }
0x32e: {  	v3 =	vadd.f32 v6, v5;
	v1 =	vsub.f32 $0.0e+00, v1;
	_ =	sdelay $0x1  }
0x32f: {  	v3 =	vsub.f32 $0.0e+00, v3;
	v1 =	vmul.f32 $1.442695020e+00, v1  }
0x330: {  	v2 =	vadd.f32 v2, v7  }
0x331: {  	(erf) = vpow2.f32 v1;
	v1 =	vmul.f32 $1.442695020e+00, v3  }
0x332: {  	v2 =	vsub.f32 $0.0e+00, v2  }
0x333: {  	(erf) = vpow2.f32 v1  }
0x334: {  	v2 =	vmul.f32 $1.442695020e+00, v2;
	v3 =	vpop (erf)  }
0x335: {  	v1 =	vadd.f32 $1.000000000e+00, v3  }
0x336: {  	(erf) = vpow2.f32 v2  }
0x337: {  	(erf) = vrcp.f32 v1;
	_ =	sdelay $0x2  }
0x338: {  	v1 =	vpop (erf)  }
0x339: {  	s30 =	simm.s32 $0x61F0;
	v1 =	vadd.f32 $1.000000000e+00, v1  }
0x33a: {  	v2 =	vld [tilespmem:s30+$0xFFFFFF90];
	v3 =	vpop (erf)  }
0x33b: {  	(erf) = vrcp.f32 v1;
	v1 =	vadd.f32 $1.000000000e+00, v3;
	_ =	sdelay $0x1  }
0x33c: {  	v3 =	vpop (erf);
	(erf) = vrcp.f32 v1  }
0x33d: {  	v3 =	vadd.f32 $1.000000000e+00, v3;
	v8 =	vpop (erf)  }
0x33e: {  	v11 =	vld [tilespmem:s30+$0xFFFFFF10];
	v1 =	vmul.f32 v8, v2  }
0x33f: {  	(erf) = vrcp.f32 v3;
	v2 =	vld [tilespmem:s30+$0xFFFFFE90]  }
0x340: {  	v3 =	vld [tilespmem:s0+$0xFFFFFFA0];
	[tilespmem:s0+$0xFFFFFF90] =	vst v1  }
0x341: {  	v10 =	vld [tilespmem:s21+$0xFFFFFFA0];
	_ =	sdelay $0x1  }
0x342: {  	v12 =	vpop (erf)  }
0x343: {  	v14 =	vld [tilespmem:s30+$0xFFFFFE10];
	v17 =	vmul.f32 v12, v2  }
0x344: {  	v18 =	vpop (erf)  }
0x345: {  	v5 =	vld [tilespmem:s0+$0xFFFFFEA0];
	v3 =	vadd.f32 v10, v3;
	[tilespmem:s0+$0xFFFFFE90] =	vst v17;
	v10 =	vmul.f32 v18, v11  }
0x346: {  	v17 =	vld [tilespmem:s21+$0xFFFFFEA0]  }
0x347: {  	v6 =	vld [tilespmem:s0+$0xFFFFFF20];
	v11 =	vpop (erf);
	[tilespmem:s0+$0xFFFFFF10] =	vst v10  }
0x348: {  	v11 =	vmul.f32 v11, v14;
	v14 =	vsub.f32 $0.0e+00, v3;
	v10 =	vld [tilespmem:s21+$0xFFFFFF20];
	_ =	sdelay $0x1  }
0x349: {  	v4 =	vld [tilespmem:s0+$0xFFFFFE20];
	[tilespmem:s0+$0xFFFFFE10] =	vst v11;
	v11 =	vmul.f32 $1.442695020e+00, v14  }
0x34a: {  	v14 =	vld [tilespmem:s21+$0xFFFFFE20];
	v5 =	vadd.f32 v17, v5  }
0x34b: {  	(erf) = vpow2.f32 v11  }
0x34c: {  	v5 =	vsub.f32 $0.0e+00, v5;
	v6 =	vadd.f32 v10, v6;
	_ =	sdelay $0x1  }
0x34d: {  	v5 =	vmul.f32 $1.442695020e+00, v5;
	v6 =	vsub.f32 $0.0e+00, v6  }
0x34e: {  	v4 =	vadd.f32 v14, v4  }
0x34f: {  	(erf) = vpow2.f32 v5;
	v5 =	vmul.f32 $1.442695020e+00, v6  }
0x350: {  	v4 =	vsub.f32 $0.0e+00, v4  }
0x351: {  	(erf) = vpow2.f32 v5  }
0x352: {  	v4 =	vmul.f32 $1.442695020e+00, v4  }
0x353: {  	v5 =	vpop (erf)  }
0x354: {  	(erf) = vpow2.f32 v4;
	v4 =	vadd.f32 $1.000000000e+00, v5;
	_ =	sdelay $0x1  }
0x355: {  	(erf) = vrcp.f32 v4;
	_ =	sdelay $0x1  }
0x356: {  	v4 =	vpop (erf)  }
0x357: {  	v4 =	vadd.f32 $1.000000000e+00, v4  }
0x358: {  	v6 =	vpop (erf)  }
0x359: {  	v5 =	vld [tilespmem:s30+$0xFFFFFFA0];
	(erf) = vrcp.f32 v4;
	v4 =	vadd.f32 $1.000000000e+00, v6;
	_ =	sdelay $0x1  }
0x35a: {  	v6 =	vpop (erf)  }
0x35b: {  	v6 =	vadd.f32 $1.000000000e+00, v6  }
0x35c: {  	(erf) = vrcp.f32 v4;
	v4 =	vpop (erf)  }
0x35d: {  	(erf) = vrcp.f32 v6;
	v4 =	vmul.f32 v4, v5;
	v5 =	vld [tilespmem:s30+$0xFFFFFEA0];
	_ =	sdelay $0x3  }
0x35e: {  	v17 =	vld [tilespmem:s30+$0xFFFFFE20];
	v6 =	vpop (erf)  }
0x35f: {  	[tilespmem:s0+$0xFFFFFFA0] =	vst v4;
	v4 =	vld [tilespmem:s0+$0xFFFFFFB0];
	v19 =	vmul.f32 v6, v5  }
0x360: {  	v14 =	vld [tilespmem:s21+$0xFFFFFFB0];
	_ =	sdelay $0x1  }
0x361: {  	v18 =	vld [tilespmem:s30+$0xFFFFFF20];
	v20 =	vpop (erf)  }
0x362: {  	[tilespmem:s0+$0xFFFFFEA0] =	vst v19;
	v19 =	vpop (erf)  }
0x363: {  	v15 =	vld [tilespmem:s0+$0xFFFFFEB0];
	v17 =	vmul.f32 v19, v17  }
0x364: {  	v4 =	vadd.f32 v14, v4;
	v21 =	vld [tilespmem:s21+$0xFFFFFEB0]  }
0x365: {  	v13 =	vld [tilespmem:s0+$0xFFFFFE30];
	[tilespmem:s0+$0xFFFFFE20] =	vst v17  }
0x366: {  	v18 =	vmul.f32 v20, v18;
	v19 =	vsub.f32 $0.0e+00, v4;
	v17 =	vld [tilespmem:s21+$0xFFFFFE30];
	_ =	sdelay $0x1  }
0x367: {  	[tilespmem:s0+$0xFFFFFF20] =	vst v18;
	v18 =	vmul.f32 $1.442695020e+00, v19  }
0x368: {  	v15 =	vadd.f32 v21, v15  }
0x369: {  	(erf) = vpow2.f32 v18  }
0x36a: {  	v16 =	vld [tilespmem:s0+$0xFFFFFF30];
	v15 =	vsub.f32 $0.0e+00, v15;
	v13 =	vadd.f32 v17, v13  }
0x36b: {  	v19 =	vld [tilespmem:s21+$0xFFFFFF30]  }
0x36c: {  	v15 =	vmul.f32 $1.442695020e+00, v15;
	v13 =	vsub.f32 $0.0e+00, v13;
	_ =	sdelay $0x1  }
0x36d: {  	(erf) = vpow2.f32 v15;
	v13 =	vmul.f32 $1.442695020e+00, v13;
	_ =	sdelay $0x1  }
0x36e: {  	v16 =	vadd.f32 v19, v16;
	_ =	sdelay $0x1  }
0x36f: {  	v15 =	vsub.f32 $0.0e+00, v16;
	(erf) = vpow2.f32 v13;
	v13 =	vpop (erf)  }
0x370: {  	v13 =	vadd.f32 $1.000000000e+00, v13  }
0x371: {  	v15 =	vmul.f32 $1.442695020e+00, v15;
	_ =	sdelay $0x1  }
0x372: {  	s12 =	simm.s32 $0xA3F0;
	(erf) = vpow2.f32 v15  }
0x373: {  	s10 =	simm.s32 $0x23F0;
	v16 =	vld [tilespmem:s12+$0xFFFFFF90];
	(erf) = vrcp.f32 v13;
	v13 =	vpop (erf)  }
0x374: {  	v15 =	vld [tilespmem:s10+$0xFFFFFF90];
	v13 =	vadd.f32 $1.000000000e+00, v13;
	_ =	sdelay $0x1  }
0x375: {  	v22 =	vld [tilespmem:s12+$0xFFFFFF10]  }
0x376: {  	v18 =	vld [tilespmem:s12+$0xFFFFFE90]  }
0x377: {  	v17 =	vld [tilespmem:s10+$0xFFFFFE90];
	(erf) = vrcp.f32 v13;
	v13 =	vpop (erf)  }
0x378: {  	v19 =	vld [tilespmem:s12+$0xFFFFFE10];
	v15 =	vadd.f32 v16, v15;
	v13 =	vadd.f32 $1.000000000e+00, v13  }
0x379: {  	v16 =	vld [tilespmem:s30+$0xFFFFFFB0]  }
0x37a: {  	v15 =	vsub.f32 $0.0e+00, v15;
	v21 =	vpop (erf);
	(erf) = vrcp.f32 v13;
	v13 =	vld [tilespmem:s10+$0xFFFFFE10]  }
0x37b: {  	v20 =	vld [tilespmem:s10+$0xFFFFFF10];
	v21 =	vadd.f32 $1.000000000e+00, v21  }
0x37c: {  	v17 =	vadd.f32 v18, v17;
	v18 =	vld [tilespmem:s30+$0xFFFFFEB0];
	v15 =	vmul.f32 $1.442695020e+00, v15  }
0x37d: {  	v23 =	vpop (erf);
	(erf) = vrcp.f32 v21  }
0x37e: {  	v16 =	vmul.f32 v23, v16;
	(erf) = vpow2.f32 v15  }
0x37f: {  	v17 =	vsub.f32 $0.0e+00, v17;
	v13 =	vadd.f32 v19, v13  }
0x380: {  	[tilespmem:s0+$0xFFFFFFB0] =	vst v16;
	v16 =	vadd.f32 v22, v20;
	v22 =	vpop (erf)  }
0x381: {  	v17 =	vmul.f32 $1.442695020e+00, v17;
	v18 =	vmul.f32 v22, v18;
	v13 =	vsub.f32 $0.0e+00, v13  }
0x382: {  	v23 =	vsub.f32 $0.0e+00, v16  }
0x383: {  	v15 =	vld [tilespmem:s30+$0xFFFFFE30];
	(erf) = vpow2.f32 v17;
	v13 =	vmul.f32 $1.442695020e+00, v13  }
0x384: {  	v20 =	vld [tilespmem:s0+$0xFFFFFFC0];
	v17 =	vmul.f32 $1.442695020e+00, v23  }
0x385: {  	v19 =	vld [tilespmem:s21+$0xFFFFFFC0];
	[tilespmem:s0+$0xFFFFFEB0] =	vst v18;
	v18 =	vpop (erf)  }
0x386: {  	v21 =	vld [tilespmem:s30+$0xFFFFFF30];
	(erf) = vpow2.f32 v17;
	v22 =	vpop (erf)  }
0x387: {  	v9 =	vld [tilespmem:s0+$0xFFFFFEC0];
	(erf) = vpow2.f32 v13;
	v13 =	vpop (erf)  }
0x388: {  	v15 =	vmul.f32 v18, v15;
	v18 =	vld [tilespmem:s21+$0xFFFFFEC0];
	v13 =	vadd.f32 $1.000000000e+00, v13;
	_ =	sdelay $0x1  }
0x389: {  	v17 =	vadd.f32 v19, v20  }
0x38a: {  	v7 =	vld [tilespmem:s0+$0xFFFFFE40];
	v20 =	vmul.f32 v22, v21  }
0x38b: {  	v8 =	vld [tilespmem:s0+$0xFFFFFF40];
	[tilespmem:s0+$0xFFFFFE30] =	vst v15;
	v15 =	vsub.f32 $0.0e+00, v17;
	(erf) = vrcp.f32 v13;
	v13 =	vpop (erf)  }
0x38c: {  	v17 =	vld [tilespmem:s21+$0xFFFFFE40];
	[tilespmem:s0+$0xFFFFFF30] =	vst v20;
	v9 =	vadd.f32 v18, v9;
	v13 =	vadd.f32 $1.000000000e+00, v13  }
0x38d: {  	v20 =	vld [tilespmem:s21+$0xFFFFFF40];
	v15 =	vmul.f32 $1.442695020e+00, v15  }
0x38e: {  	v9 =	vsub.f32 $0.0e+00, v9  }
0x38f: {  	(erf) = vpow2.f32 v15  }
0x390: {  	v9 =	vmul.f32 $1.442695020e+00, v9;
	(erf) = vrcp.f32 v13;
	v13 =	vpop (erf)  }
0x391: {  	s11 =	simm.s32 $0x63F0;
	v7 =	vadd.f32 v17, v7;
	v17 =	vpop (erf)  }
0x392: {  	v15 =	vld [tilespmem:s11+$0xFFFFFF90];
	v8 =	vadd.f32 v20, v8;
	(erf) = vpow2.f32 v9;
	v9 =	vadd.f32 $1.000000000e+00, v17  }
0x393: {  	v7 =	vsub.f32 $0.0e+00, v7;
	v13 =	vadd.f32 $1.000000000e+00, v13  }
0x394: {  	v8 =	vsub.f32 $0.0e+00, v8  }
0x395: {  	v7 =	vmul.f32 $1.442695020e+00, v7;
	(erf) = vrcp.f32 v13  }
0x396: {  	v8 =	vmul.f32 $1.442695020e+00, v8;
	(erf) = vrcp.f32 v9;
	v9 =	vpop (erf)  }
0x397: {  	v13 =	vld [tilespmem:s11+$0xFFFFFE90];
	(erf) = vpow2.f32 v7;
	v7 =	vmul.f32 v9, v15;
	_ =	sdelay $0x1  }
0x398: {  	v27 =	vld [tilespmem:s10+$0xFFFFFEA0]  }
0x399: {  	v28 =	vld [tilespmem:s10+$0xFFFFFF20];
	(erf) = vpow2.f32 v8;
	v8 =	vpop (erf)  }
0x39a: {  	v24 =	vld [tilespmem:s10+$0xFFFFFE30];
	[tilespmem:s10+$0xFFFFFF90] =	vst v7;
	v7 =	vpop (erf)  }
0x39b: {  	v17 =	vld [tilespmem:s11+$0xFFFFFF10];
	v13 =	vmul.f32 v7, v13  }
0x39c: {  	v15 =	vld [tilespmem:s11+$0xFFFFFE10]  }
0x39d: {  	v20 =	vld [tilespmem:s10+$0xFFFFFFA0]  }
0x39e: {  	v8 =	vadd.f32 $1.000000000e+00, v8;
	v29 =	vld [tilespmem:s12+$0xFFFFFFA0];
	v30 =	vpop (erf)  }
0x39f: {  	v25 =	vld [tilespmem:s10+$0xFFFFFEB0];
	v30 =	vadd.f32 $1.000000000e+00, v30;
	[tilespmem:s10+$0xFFFFFE90] =	vst v13;
	v13 =	vpop (erf)  }
0x3a0: {  	v26 =	vld [tilespmem:s10+$0xFFFFFF30];
	(erf) = vrcp.f32 v8;
	v17 =	vmul.f32 v13, v17;
	v13 =	vpop (erf)  }
0x3a1: {  	v21 =	vld [tilespmem:s10+$0xFFFFFE20];
	v15 =	vmul.f32 v13, v15  }
0x3a2: {  	v31 =	vld [tilespmem:s12+$0xFFFFFEA0]  }
0x3a3: {  	(erf) = vrcp.f32 v30;
	v20 =	vadd.f32 v29, v20;
	v29 =	vld [tilespmem:s30+$0xFFFFFFC0];
	v30 =	vpop (erf);
	[tilespmem:s10+$0xFFFFFE10] =	vst v15  }
0x3a4: {  	[tilespmem:s10+$0xFFFFFF10] =	vst v17;
	v17 =	vadd.f32 $1.000000000e+00, v30;
	v51 =	vld [tilespmem:s12+$0xFFFFFE20]  }
0x3a5: {  	v15 =	vld [tilespmem:s12+$0xFFFFFF20]  }
0x3a6: {  	v1 =	vld [tilespmem:s0+$0xFFFFFE50];
	(erf) = vrcp.f32 v17  }
0x3a7: {  	v12 =	vld [tilespmem:s0+$0xFFFFFED0];
	v20 =	vsub.f32 $0.0e+00, v20;
	v30 =	vpop (erf)  }
0x3a8: {  	v2 =	vld [tilespmem:s0+$0xFFFFFF50];
	v30 =	vadd.f32 $1.000000000e+00, v30  }
0x3a9: {  	v3 =	vld [tilespmem:s0+$0xFFFFFE60];
	v20 =	vmul.f32 $1.442695020e+00, v20;
	v17 =	vadd.f32 v31, v27;
	v27 =	vpop (erf);
	v21 =	vadd.f32 v51, v21  }
0x3aa: {  	v11 =	vld [tilespmem:s0+$0xFFFFFEE0];
	(erf) = vrcp.f32 v30;
	v27 =	vmul.f32 v27, v29;
	v15 =	vadd.f32 v15, v28  }
0x3ab: {  	v29 =	vld [tilespmem:s30+$0xFFFFFE40];
	v17 =	vsub.f32 $0.0e+00, v17;
	(erf) = vpow2.f32 v20;
	v21 =	vsub.f32 $0.0e+00, v21  }
0x3ac: {  	v30 =	vld [tilespmem:s30+$0xFFFFFEC0];
	v15 =	vsub.f32 $0.0e+00, v15  }
0x3ad: {  	v10 =	vld [tilespmem:s0+$0xFFFFFF60];
	v17 =	vmul.f32 $1.442695020e+00, v17  }
0x3ae: {  	v5 =	vld [tilespmem:s0+$0xFFFFFEF0];
	v28 =	vpop (erf);
	v15 =	vmul.f32 $1.442695020e+00, v15  }
0x3af: {  	v6 =	vld [tilespmem:s0+$0xFFFFFE70];
	(erf) = vpow2.f32 v17;
	v17 =	vmul.f32 $1.442695020e+00, v21;
	v21 =	vpop (erf)  }
0x3b0: {  	v20 =	vld [tilespmem:s30+$0xFFFFFF40];
	(erf) = vpow2.f32 v15;
	v15 =	vmul.f32 v21, v29  }
0x3b1: {  	[tilespmem:s0+$0xFFFFFFC0] =	vst v27;
	v27 =	vld [tilespmem:s0+$0xFFFFFFD0];
	v28 =	vmul.f32 v28, v30  }
0x3b2: {  	v31 =	vld [tilespmem:s21+$0xFFFFFFD0]  }
0x3b3: {  	v14 =	vld [tilespmem:s0+$0xFFFFFE80];
	[tilespmem:s0+$0xFFFFFEC0] =	vst v28;
	v21 =	vpop (erf)  }
0x3b4: {  	v4 =	vld [tilespmem:s0+$0xFFFFFF70];
	[tilespmem:s0+$0xFFFFFE40] =	vst v15;
	v15 =	vpop (erf)  }
0x3b5: {  	v28 =	vld [tilespmem:s21+$0xFFFFFED0];
	v15 =	vadd.f32 $1.000000000e+00, v15  }
0x3b6: {  	(erf) = vpow2.f32 v17;
	v17 =	vmul.f32 v21, v20;
	v21 =	vld [tilespmem:s21+$0xFFFFFE50]  }
0x3b7: {  	v16 =	vld [tilespmem:s0+$0xFFFFFF00];
	v20 =	vadd.f32 v31, v27  }
0x3b8: {  	v23 =	vld [tilespmem:s10+$0xFFFFFEC0]  }
0x3b9: {  	v19 =	vld [tilespmem:s0+$0xFFFFFF80];
	[tilespmem:s0+$0xFFFFFF40] =	vst v17;
	v17 =	vsub.f32 $0.0e+00, v20;
	(erf) = vrcp.f32 v15;
	v15 =	vpop (erf)  }
0x3ba: {  	v12 =	vadd.f32 v28, v12;
	v27 =	vld [tilespmem:s21+$0xFFFFFF50];
	v15 =	vadd.f32 $1.000000000e+00, v15  }
0x3bb: {  	v22 =	vld [tilespmem:s10+$0xFFFFFF40];
	v17 =	vmul.f32 $1.442695020e+00, v17;
	v1 =	vadd.f32 v21, v1  }
0x3bc: {  	v18 =	vld [tilespmem:s10+$0xFFFFFE40];
	v12 =	vsub.f32 $0.0e+00, v12  }
0x3bd: {  	v9 =	vld [tilespmem:s10+$0xFFFFFED0];
	(erf) = vpow2.f32 v17;
	v1 =	vsub.f32 $0.0e+00, v1  }
0x3be: {  	v8 =	vld [tilespmem:s10+$0xFFFFFE50];
	v12 =	vmul.f32 $1.442695020e+00, v12;
	(erf) = vrcp.f32 v15;
	v15 =	vpop (erf)  }
0x3bf: {  	v2 =	vadd.f32 v27, v2;
	v27 =	vld [tilespmem:s11+$0xFFFFFFA0];
	v1 =	vmul.f32 $1.442695020e+00, v1;
	v15 =	vadd.f32 $1.000000000e+00, v15;
	v17 =	vpop (erf)  }
0x3c0: {  	v7 =	vld [tilespmem:s10+$0xFFFFFF50];
	(erf) = vpow2.f32 v12;
	v12 =	vadd.f32 $1.000000000e+00, v17  }
0x3c1: {  	v13 =	vld [tilespmem:s10+$0xFFFFFE60];
	v2 =	vsub.f32 $0.0e+00, v2;
	(erf) = vrcp.f32 v15  }
0x3c2: {  	v59 =	vld [tilespmem:s30+$0xFFFFFFD0];
	(erf) = vrcp.f32 v12  }
0x3c3: {  	v30 =	vld [tilespmem:s11+$0xFFFFFF20];
	v2 =	vmul.f32 $1.442695020e+00, v2;
	(erf) = vpow2.f32 v1;
	v1 =	vpop (erf)  }
0x3c4: {  	v28 =	vld [tilespmem:s11+$0xFFFFFEA0];
	v1 =	vmul.f32 v1, v27  }
0x3c5: {  	v29 =	vld [tilespmem:s11+$0xFFFFFE20]  }
0x3c6: {  	v31 =	vld [tilespmem:s30+$0xFFFFFED0]  }
0x3c7: {  	v20 =	vld [tilespmem:s10+$0xFFFFFEE0];
	(erf) = vpow2.f32 v2;
	v2 =	vpop (erf)  }
0x3c8: {  	v52 =	vld [tilespmem:s30+$0xFFFFFE50];
	[tilespmem:s10+$0xFFFFFFA0] =	vst v1;
	v1 =	vpop (erf)  }
0x3c9: {  	v53 =	vld [tilespmem:s30+$0xFFFFFF50];
	v28 =	vmul.f32 v1, v28  }
0x3ca: {  	v21 =	vld [tilespmem:s10+$0xFFFFFF60];
	v2 =	vadd.f32 $1.000000000e+00, v2  }
0x3cb: {  	v17 =	vld [tilespmem:s10+$0xFFFFFE70]  }
0x3cc: {  	v27 =	vld [tilespmem:s10+$0xFFFFFFB0];
	(erf) = vrcp.f32 v2;
	v54 =	vpop (erf)  }
0x3cd: {  	v2 =	vld [tilespmem:s12+$0xFFFFFFB0];
	[tilespmem:s10+$0xFFFFFEA0] =	vst v28;
	v28 =	vpop (erf)  }
0x3ce: {  	v15 =	vld [tilespmem:s10+$0xFFFFFEF0];
	v56 =	vpop (erf)  }
0x3cf: {  	v12 =	vld [tilespmem:s10+$0xFFFFFF70];
	v34 =	vadd.f32 $1.000000000e+00, v54;
	v28 =	vmul.f32 v28, v30;
	v57 =	vpop (erf)  }
0x3d0: {  	v55 =	vld [tilespmem:s12+$0xFFFFFEB0];
	v60 =	vpop (erf)  }
0x3d1: {  	v1 =	vld [tilespmem:s10+$0xFFFFFE80];
	v29 =	vmul.f32 v56, v29;
	(erf) = vrcp.f32 v34;
	[tilespmem:s10+$0xFFFFFF20] =	vst v28;
	v28 =	vadd.f32 $1.000000000e+00, v60  }
0x3d2: {  	v27 =	vadd.f32 v2, v27;
	v2 =	vld [tilespmem:s10+$0xFFFFFF00];
	v58 =	vadd.f32 $1.000000000e+00, v57  }
0x3d3: {  	v30 =	vld [tilespmem:s11+$0xFFFFFEB0];
	[tilespmem:s10+$0xFFFFFE20] =	vst v29  }
0x3d4: {  	v29 =	vld [tilespmem:s12+$0xFFFFFE30];
	(erf) = vrcp.f32 v58  }
0x3d5: {  	v27 =	vsub.f32 $0.0e+00, v27;
	v25 =	vadd.f32 v55, v25;
	v34 =	vld [tilespmem:s12+$0xFFFFFF30];
	(erf) = vrcp.f32 v28;
	v28 =	vpop (erf)  }
0x3d6: {  	v28 =	vmul.f32 v28, v59  }
0x3d7: {  	v27 =	vmul.f32 $1.442695020e+00, v27;
	v25 =	vsub.f32 $0.0e+00, v25;
	_ =	sdelay $0x1  }
0x3d8: {  	(erf) = vpow2.f32 v27;
	v25 =	vmul.f32 $1.442695020e+00, v25;
	v24 =	vadd.f32 v29, v24  }
0x3d9: {  	v27 =	vld [tilespmem:s0+$0xFFFFFFE0];
	[tilespmem:s0+$0xFFFFFFD0] =	vst v28;
	v26 =	vadd.f32 v34, v26;
	v28 =	vpop (erf)  }
0x3da: {  	v24 =	vsub.f32 $0.0e+00, v24;
	v29 =	vld [tilespmem:s21+$0xFFFFFFE0];
	v28 =	vmul.f32 v28, v31  }
0x3db: {  	(erf) = vpow2.f32 v25;
	v26 =	vsub.f32 $0.0e+00, v26  }
0x3dc: {  	v24 =	vmul.f32 $1.442695020e+00, v24;
	v25 =	vpop (erf);
	[tilespmem:s0+$0xFFFFFED0] =	vst v28  }
0x3dd: {  	v26 =	vmul.f32 $1.442695020e+00, v26;
	v25 =	vmul.f32 v25, v52;
	v31 =	vpop (erf);
	v28 =	vld [tilespmem:s21+$0xFFFFFEE0]  }
0x3de: {  	(erf) = vpow2.f32 v24;
	v24 =	vmul.f32 v31, v53  }
0x3df: {  	(erf) = vpow2.f32 v26;
	v26 =	vadd.f32 v29, v27;
	[tilespmem:s0+$0xFFFFFE50] =	vst v25  }
0x3e0: {  	v27 =	vld [tilespmem:s21+$0xFFFFFE60];
	[tilespmem:s0+$0xFFFFFF50] =	vst v24  }
0x3e1: {  	v25 =	vpop (erf);
	v24 =	vsub.f32 $0.0e+00, v26;
	v26 =	vld [tilespmem:s21+$0xFFFFFF60]  }
0x3e2: {  	s13 =	simm.s32 $0x25F0;
	v25 =	vadd.f32 $1.000000000e+00, v25;
	v11 =	vadd.f32 v28, v11  }
0x3e3: {  	s14 =	simm.s32 $0xA5F0;
	v24 =	vmul.f32 $1.442695020e+00, v24;
	v28 =	vld [tilespmem:s13+$0xFFFFFF90]  }
0x3e4: {  	v29 =	vpop (erf);
	(erf) = vrcp.f32 v25;
	v25 =	vld [tilespmem:s14+$0xFFFFFF90];
	v11 =	vsub.f32 $0.0e+00, v11  }
0x3e5: {  	v61 =	vld [tilespmem:s14+$0xFFFFFE10];
	(erf) = vpow2.f32 v24;
	v24 =	vadd.f32 $1.000000000e+00, v29;
	v3 =	vadd.f32 v27, v3  }
0x3e6: {  	v31 =	vld [tilespmem:s11+$0xFFFFFFB0];
	v10 =	vadd.f32 v26, v10;
	v11 =	vmul.f32 $1.442695020e+00, v11  }
0x3e7: {  	v27 =	vld [tilespmem:s13+$0xFFFFFE90];
	v29 =	vpop (erf);
	(erf) = vrcp.f32 v24;
	v3 =	vsub.f32 $0.0e+00, v3  }
0x3e8: {  	v26 =	vld [tilespmem:s14+$0xFFFFFE90];
	v24 =	vadd.f32 $1.000000000e+00, v29;
	v29 =	vpop (erf);
	v10 =	vsub.f32 $0.0e+00, v10;
	(erf) = vpow2.f32 v11  }
0x3e9: {  	v3 =	vmul.f32 $1.442695020e+00, v3;
	v11 =	vadd.f32 v25, v28;
	v25 =	vadd.f32 $1.000000000e+00, v29;
	v28 =	vld [tilespmem:s13+$0xFFFFFF10]  }
0x3ea: {  	v10 =	vmul.f32 $1.442695020e+00, v10;
	(erf) = vrcp.f32 v24;
	v24 =	vld [tilespmem:s14+$0xFFFFFF10]  }
0x3eb: {  	v11 =	vsub.f32 $0.0e+00, v11;
	(erf) = vrcp.f32 v25;
	v25 =	vld [tilespmem:s13+$0xFFFFFE10];
	_ =	sdelay $0x1  }
0x3ec: {  	(erf) = vpow2.f32 v3;
	v3 =	vpop (erf);
	v11 =	vmul.f32 $1.442695020e+00, v11  }
0x3ed: {  	v26 =	vadd.f32 v26, v27;
	v27 =	vmul.f32 v3, v31;
	(erf) = vpow2.f32 v10;
	v10 =	vpop (erf)  }
0x3ee: {  	v29 =	vld [tilespmem:s11+$0xFFFFFE30];
	v10 =	vadd.f32 $1.000000000e+00, v10;
	v24 =	vadd.f32 v24, v28  }
0x3ef: {  	v26 =	vsub.f32 $0.0e+00, v26;
	(erf) = vpow2.f32 v11;
	[tilespmem:s10+$0xFFFFFFB0] =	vst v27;
	v27 =	vld [tilespmem:s10+$0xFFFFFFC0];
	v28 =	vpop (erf);
	v25 =	vadd.f32 v61, v25  }
0x3f0: {  	v62 =	vld [tilespmem:s12+$0xFFFFFFC0];
	(erf) = vrcp.f32 v10;
	v10 =	vmul.f32 v28, v30;
	v24 =	vsub.f32 $0.0e+00, v24;
	v28 =	vpop (erf)  }
0x3f1: {  	v31 =	vld [tilespmem:s11+$0xFFFFFF30];
	v26 =	vmul.f32 $1.442695020e+00, v26;
	v25 =	vsub.f32 $0.0e+00, v25;
	v28 =	vadd.f32 $1.000000000e+00, v28  }
0x3f2: {  	[tilespmem:s10+$0xFFFFFEB0] =	vst v10;
	v10 =	vmul.f32 $1.442695020e+00, v24  }
0x3f3: {  	(erf) = vpow2.f32 v26;
	v25 =	vmul.f32 $1.442695020e+00, v25  }
0x3f4: {  	v24 =	vpop (erf);
	(erf) = vrcp.f32 v28  }
0x3f5: {  	v27 =	vadd.f32 v62, v27;
	v24 =	vmul.f32 v24, v29;
	(erf) = vpow2.f32 v10;
	v28 =	vpop (erf)  }
0x3f6: {  	v26 =	vld [tilespmem:s12+$0xFFFFFEC0];
	v10 =	vpop (erf);
	v28 =	vmul.f32 v28, v31;
	(erf) = vpow2.f32 v25  }
0x3f7: {  	v29 =	vld [tilespmem:s30+$0xFFFFFFE0];
	v27 =	vsub.f32 $0.0e+00, v27;
	[tilespmem:s10+$0xFFFFFE30] =	vst v24;
	v10 =	vadd.f32 $1.000000000e+00, v10;
	v25 =	vpop (erf)  }
0x3f8: {  	v24 =	vadd.f32 $1.000000000e+00, v25;
	v25 =	vpop (erf);
	[tilespmem:s10+$0xFFFFFF30] =	vst v28  }
0x3f9: {  	(erf) = vrcp.f32 v10;
	v10 =	vadd.f32 $1.000000000e+00, v25;
	v25 =	vld [tilespmem:s12+$0xFFFFFF40]  }
0x3fa: {  	v42 =	vld [tilespmem:s12+$0xFFFFFE40]  }
0x3fb: {  	v26 =	vadd.f32 v26, v23;
	v28 =	vmul.f32 $1.442695020e+00, v27;
	v27 =	vpop (erf);
	(erf) = vrcp.f32 v24  }
0x3fc: {  	(erf) = vrcp.f32 v10;
	v10 =	vmul.f32 v27, v29;
	v29 =	vpop (erf)  }
0x3fd: {  	v26 =	vsub.f32 $0.0e+00, v26;
	v34 =	vpop (erf)  }
0x3fe: {  	(erf) = vpow2.f32 v28;
	v28 =	vadd.f32 $1.000000000e+00, v29;
	v25 =	vadd.f32 v25, v22;
	v22 =	vpop (erf)  }
0x3ff: {  	[tilespmem:s0+$0xFFFFFFE0] =	vst v10;
	v10 =	vadd.f32 v42, v18;
	v18 =	vld [tilespmem:s0+$0xFFFFFFF0];
	v43 =	vpop (erf)  }
0x400: {  	s15 =	simm.s32 $0x65F0;
	v26 =	vmul.f32 $1.442695020e+00, v26;
	(erf) = vrcp.f32 v28;
	v28 =	vld [tilespmem:s21+$0xFFFFFFF0];
	v35 =	vadd.f32 $1.000000000e+00, v43  }
0x401: {  	v44 =	vld [tilespmem:s15+$0xFFFFFF90];
	v10 =	vsub.f32 $0.0e+00, v10;
	v29 =	vadd.f32 $1.000000000e+00, v22  }
0x402: {  	(erf) = vpow2.f32 v26  }
0x403: {  	v45 =	vsub.f32 $0.0e+00, v25;
	v10 =	vmul.f32 $1.442695020e+00, v10;
	(erf) = vrcp.f32 v29;
	v38 =	vpop (erf)  }
0x404: {  	(erf) = vrcp.f32 v35;
	v35 =	vpop (erf)  }
0x405: {  	v33 =	vld [tilespmem:s13+$0xFFFFFE20];
	v29 =	vmul.f32 $1.442695020e+00, v45;
	(erf) = vpow2.f32 v10;
	v10 =	vadd.f32 v28, v18;
	v18 =	vpop (erf)  }
0x406: {  	v46 =	vld [tilespmem:s15+$0xFFFFFE90];
	v28 =	vmul.f32 v18, v44  }
0x407: {  	v47 =	vld [tilespmem:s15+$0xFFFFFE10];
	(erf) = vpow2.f32 v29;
	v18 =	vpop (erf);
	v10 =	vsub.f32 $0.0e+00, v10  }
0x408: {  	v48 =	vld [tilespmem:s15+$0xFFFFFF10];
	v29 =	vadd.f32 $1.000000000e+00, v18  }
0x409: {  	v49 =	vld [tilespmem:s13+$0xFFFFFFA0];
	[tilespmem:s13+$0xFFFFFF90] =	vst v28;
	v10 =	vmul.f32 $1.442695020e+00, v10  }
0x40a: {  	v50 =	vld [tilespmem:s14+$0xFFFFFFA0];
	v28 =	vpop (erf);
	(erf) = vrcp.f32 v29  }
0x40b: {  	v63 =	vld [tilespmem:s13+$0xFFFFFEA0];
	v37 =	vmul.f32 v28, v46;
	v51 =	vpop (erf);
	(erf) = vpow2.f32 v10  }
0x40c: {  	v11 =	vld [tilespmem:s30+$0xFFFFFEE0];
	v10 =	vadd.f32 $1.000000000e+00, v51  }
0x40d: {  	v30 =	vld [tilespmem:s30+$0xFFFFFE60];
	v52 =	vpop (erf);
	[tilespmem:s13+$0xFFFFFE90] =	vst v37  }
0x40e: {  	v36 =	vmul.f32 v52, v48;
	v54 =	vpop (erf);
	v53 =	vld [tilespmem:s14+$0xFFFFFEA0];
	(erf) = vrcp.f32 v10  }
0x40f: {  	v56 =	vld [tilespmem:s11+$0xFFFFFFC0];
	v37 =	vmul.f32 v54, v47;
	v55 =	vpop (erf);
	v57 =	vadd.f32 v50, v49  }
0x410: {  	v31 =	vld [tilespmem:s13+$0xFFFFFF20];
	[tilespmem:s13+$0xFFFFFF10] =	vst v36;
	v39 =	vadd.f32 $1.000000000e+00, v55;
	v58 =	vpop (erf)  }
0x411: {  	v11 =	vmul.f32 v34, v11;
	[tilespmem:s13+$0xFFFFFE10] =	vst v37;
	v59 =	vld [tilespmem:s14+$0xFFFFFF20];
	v40 =	vadd.f32 $1.000000000e+00, v58;
	v36 =	vsub.f32 $0.0e+00, v57  }
0x412: {  	v30 =	vmul.f32 v38, v30;
	v60 =	vld [tilespmem:s14+$0xFFFFFE20];
	(erf) = vrcp.f32 v39  }
0x413: {  	(erf) = vrcp.f32 v40;
	v36 =	vmul.f32 $1.442695020e+00, v36;
	v32 =	vadd.f32 v53, v63;
	v62 =	vpop (erf);
	v63 =	vld [tilespmem:s11+$0xFFFFFEC0]  }
0x414: {  	v61 =	vld [tilespmem:s11+$0xFFFFFE40];
	[tilespmem:s0+$0xFFFFFE60] =	vst v30;
	v49 =	vpop (erf)  }
0x415: {  	[tilespmem:s0+$0xFFFFFEE0] =	vst v11;
	v11 =	vld [tilespmem:s21+$0xFFFFFE70];
	(erf) = vpow2.f32 v36;
	v32 =	vsub.f32 $0.0e+00, v32;
	v51 =	vadd.f32 $1.000000000e+00, v49  }
0x416: {  	v50 =	vld [tilespmem:s30+$0xFFFFFF60];
	v40 =	vmul.f32 v62, v56;
	v31 =	vadd.f32 v59, v31  }
0x417: {  	v48 =	vld [tilespmem:s11+$0xFFFFFF40];
	v33 =	vadd.f32 v60, v33;
	v32 =	vmul.f32 $1.442695020e+00, v32;
	v53 =	vpop (erf);
	(erf) = vrcp.f32 v51  }
0x418: {  	v52 =	vld [tilespmem:s10+$0xFFFFFFD0];
	[tilespmem:s10+$0xFFFFFFC0] =	vst v40;
	v31 =	vsub.f32 $0.0e+00, v31;
	v30 =	vmul.f32 v53, v63  }
0x419: {  	v40 =	vld [tilespmem:s12+$0xFFFFFFD0];
	v33 =	vsub.f32 $0.0e+00, v33;
	(erf) = vpow2.f32 v32  }
0x41a: {  	v31 =	vmul.f32 $1.442695020e+00, v31;
	[tilespmem:s10+$0xFFFFFEC0] =	vst v30;
	v30 =	vld [tilespmem:s21+$0xFFFFFEF0]  }
0x41b: {  	v56 =	vmul.f32 v35, v50;
	v54 =	vmul.f32 $1.442695020e+00, v33;
	v55 =	vpop (erf);
	v57 =	vld [tilespmem:s12+$0xFFFFFED0]  }
0x41c: {  	(erf) = vpow2.f32 v31;
	v31 =	vmul.f32 v55, v61;
	v58 =	vpop (erf);
	v61 =	vld [tilespmem:s30+$0xFFFFFFF0]  }
0x41d: {  	[tilespmem:s0+$0xFFFFFF60] =	vst v56;
	(erf) = vpow2.f32 v54;
	v59 =	vmul.f32 v58, v48  }
0x41e: {  	v60 =	vadd.f32 v40, v52;
	[tilespmem:s10+$0xFFFFFE40] =	vst v31;
	v31 =	vld [tilespmem:s21+$0xFFFFFF70];
	v62 =	vpop (erf)  }
0x41f: {  	v6 =	vadd.f32 v11, v6;
	v63 =	vld [tilespmem:s12+$0xFFFFFE50];
	[tilespmem:s10+$0xFFFFFF40] =	vst v59;
	v11 =	vadd.f32 $1.000000000e+00, v62  }
0x420: {  	v39 =	vsub.f32 $0.0e+00, v60;
	v40 =	vld [tilespmem:s12+$0xFFFFFF50];
	v5 =	vadd.f32 v30, v5;
	v30 =	vpop (erf)  }
0x421: {  	v9 =	vadd.f32 v57, v9;
	(erf) = vrcp.f32 v11;
	v11 =	vmul.f32 v30, v61  }
0x422: {  	v6 =	vsub.f32 $0.0e+00, v6;
	v32 =	vmul.f32 $1.442695020e+00, v39;
	v41 =	vpop (erf)  }
0x423: {  	v3 =	vld [tilespmem:s10+$0xFFFFFF80];
	v9 =	vsub.f32 $0.0e+00, v9;
	v42 =	vadd.f32 $1.000000000e+00, v41  }
0x424: {  	v23 =	vld [tilespmem:s13+$0xFFFFFF30];
	(erf) = vpow2.f32 v32;
	v4 =	vadd.f32 v31, v4;
	v8 =	vadd.f32 v63, v8  }
0x425: {  	v24 =	vld [tilespmem:s13+$0xFFFFFE30];
	[tilespmem:s0+$0xFFFFFFF0] =	vst v11;
	v9 =	vmul.f32 $1.442695020e+00, v9;
	v7 =	vadd.f32 v40, v7;
	v11 =	vpop (erf);
	(erf) = vrcp.f32 v42  }
0x426: {  	v6 =	vmul.f32 $1.442695020e+00, v6;
	v31 =	vld [tilespmem:s0+$0x0];
	v8 =	vsub.f32 $0.0e+00, v8;
	v11 =	vadd.f32 $1.000000000e+00, v11;
	v45 =	vpop (erf)  }
0x427: {  	v44 =	vld [tilespmem:s21+$0x0];
	(erf) = vpow2.f32 v9;
	v7 =	vsub.f32 $0.0e+00, v7;
	v9 =	vadd.f32 $1.000000000e+00, v45  }
0x428: {  	v46 =	vld [tilespmem:s15+$0xFFFFFFA0];
	v4 =	vsub.f32 $0.0e+00, v4;
	v8 =	vmul.f32 $1.442695020e+00, v8;
	(erf) = vrcp.f32 v11  }
0x429: {  	v27 =	vld [tilespmem:s13+$0xFFFFFEB0];
	v5 =	vsub.f32 $0.0e+00, v5;
	v7 =	vmul.f32 $1.442695020e+00, v7;
	(erf) = vrcp.f32 v9  }
0x42a: {  	v43 =	vld [tilespmem:s15+$0xFFFFFEA0];
	v4 =	vmul.f32 $1.442695020e+00, v4;
	(erf) = vpow2.f32 v8  }
0x42b: {  	v22 =	vld [tilespmem:s13+$0xFFFFFE40];
	v5 =	vmul.f32 $1.442695020e+00, v5;
	(erf) = vpow2.f32 v7  }
0x42c: {  	v26 =	vld [tilespmem:s13+$0xFFFFFF40];
	v9 =	vadd.f32 v44, v31;
	v8 =	vpop (erf);
	(erf) = vpow2.f32 v6  }
0x42d: {  	v25 =	vld [tilespmem:s13+$0xFFFFFEC0];
	v7 =	vpop (erf);
	v6 =	vmul.f32 v8, v46;
	(erf) = vpow2.f32 v5  }
0x42e: {  	v18 =	vld [tilespmem:s13+$0xFFFFFE50];
	v8 =	vadd.f32 $1.000000000e+00, v7;
	v5 =	vsub.f32 $0.0e+00, v9;
	(erf) = vpow2.f32 v4;
	v4 =	vpop (erf)  }
0x42f: {  	v47 =	vld [tilespmem:s15+$0xFFFFFE20];
	v4 =	vmul.f32 v4, v43  }
0x430: {  	[tilespmem:s13+$0xFFFFFFA0] =	vst v6;
	v6 =	vld [tilespmem:s13+$0xFFFFFFB0];
	(erf) = vrcp.f32 v8;
	v5 =	vmul.f32 $1.442695020e+00, v5;
	v31 =	vpop (erf)  }
0x431: {  	v50 =	vld [tilespmem:s14+$0xFFFFFFB0];
	v31 =	vadd.f32 $1.000000000e+00, v31  }
0x432: {  	v29 =	vld [tilespmem:s13+$0xFFFFFED0];
	v51 =	vpop (erf);
	(erf) = vpow2.f32 v5  }
0x433: {  	v48 =	vld [tilespmem:s15+$0xFFFFFF20];
	[tilespmem:s13+$0xFFFFFEA0] =	vst v4;
	v4 =	vpop (erf)  }
0x434: {  	v5 =	vld [tilespmem:s14+$0xFFFFFEB0];
	v52 =	vpop (erf);
	v35 =	vmul.f32 v4, v47  }
0x435: {  	v53 =	vld [tilespmem:s11+$0xFFFFFFD0];
	(erf) = vrcp.f32 v31;
	v37 =	vadd.f32 $1.000000000e+00, v52;
	v31 =	vpop (erf)  }
0x436: {  	v28 =	vld [tilespmem:s13+$0xFFFFFF50];
	v6 =	vadd.f32 v50, v6;
	v54 =	vadd.f32 $1.000000000e+00, v31;
	v55 =	vpop (erf);
	[tilespmem:s13+$0xFFFFFE20] =	vst v35  }
0x437: {  	(erf) = vrcp.f32 v37;
	v57 =	vpop (erf);
	v58 =	vld [tilespmem:s14+$0xFFFFFE30]  }
0x438: {  	v10 =	vld [tilespmem:s13+$0xFFFFFE60];
	v6 =	vsub.f32 $0.0e+00, v6;
	(erf) = vrcp.f32 v54;
	v59 =	vpop (erf)  }
0x439: {  	v49 =	vld [tilespmem:s11+$0xFFFFFED0];
	v34 =	vmul.f32 v51, v48;
	v56 =	vadd.f32 $1.000000000e+00, v55;
	v5 =	vadd.f32 v5, v27;
	v61 =	vpop (erf)  }
0x43a: {  	v33 =	vld [tilespmem:s11+$0xFFFFFF50];
	v36 =	vadd.f32 $1.000000000e+00, v57;
	v27 =	vmul.f32 v61, v53  }
0x43b: {  	v39 =	vld [tilespmem:s11+$0xFFFFFE50];
	[tilespmem:s13+$0xFFFFFF20] =	vst v34;
	v6 =	vmul.f32 $1.442695020e+00, v6;
	(erf) = vrcp.f32 v56;
	v5 =	vsub.f32 $0.0e+00, v5;
	v62 =	vpop (erf)  }
0x43c: {  	v60 =	vld [tilespmem:s14+$0xFFFFFF30];
	(erf) = vrcp.f32 v36;
	[tilespmem:s10+$0xFFFFFFD0] =	vst v27;
	v27 =	vadd.f32 $1.000000000e+00, v62;
	v24 =	vadd.f32 v58, v24  }
0x43d: {  	v30 =	vld [tilespmem:s13+$0xFFFFFEE0];
	(erf) = vpow2.f32 v6  }
0x43e: {  	v63 =	vld [tilespmem:s10+$0xFFFFFFE0];
	v5 =	vmul.f32 $1.442695020e+00, v5;
	v47 =	vpop (erf);
	v24 =	vsub.f32 $0.0e+00, v24  }
0x43f: {  	s8 =	simm.s32 $0x27F0;
	v11 =	vld [tilespmem:s13+$0xFFFFFF60];
	v32 =	vadd.f32 $1.000000000e+00, v59;
	v38 =	vmul.f32 v47, v49;
	(erf) = vrcp.f32 v27  }
0x440: {  	v44 =	vld [tilespmem:s8+$0xFFFFFF20];
	(erf) = vpow2.f32 v5;
	v24 =	vmul.f32 $1.442695020e+00, v24;
	v27 =	vpop (erf)  }
0x441: {  	v46 =	vld [tilespmem:s8+$0xFFFFFEA0];
	v23 =	vadd.f32 v60, v23;
	(erf) = vrcp.f32 v32;
	v51 =	vmul.f32 v27, v39;
	v27 =	vpop (erf)  }
0x442: {  	v48 =	vld [tilespmem:s12+$0xFFFFFFE0];
	(erf) = vpow2.f32 v24;
	v24 =	vmul.f32 v27, v33  }
0x443: {  	v7 =	vld [tilespmem:s13+$0xFFFFFE70];
	v5 =	vsub.f32 $0.0e+00, v23;
	[tilespmem:s10+$0xFFFFFED0] =	vst v38  }
0x444: {  	v49 =	vld [tilespmem:s12+$0xFFFFFEE0];
	v39 =	vpop (erf)  }
0x445: {  	v9 =	vld [tilespmem:s13+$0xFFFFFEF0];
	v50 =	vmul.f32 $1.442695020e+00, v5;
	v40 =	vpop (erf)  }
0x446: {  	v8 =	vld [tilespmem:s13+$0xFFFFFF70];
	[tilespmem:s10+$0xFFFFFF50] =	vst v24;
	v24 =	vpop (erf)  }
0x447: {  	v55 =	vld [tilespmem:s8+$0xFFFFFF90];
	v52 =	vadd.f32 v48, v63;
	(erf) = vpow2.f32 v50;
	[tilespmem:s10+$0xFFFFFE50] =	vst v51;
	v24 =	vadd.f32 $1.000000000e+00, v24  }
0x448: {  	v53 =	vld [tilespmem:s12+$0xFFFFFE60]  }
0x449: {  	s2 =	simm.s32 $0xA7F0;
	v33 =	vsub.f32 $0.0e+00, v52;
	v54 =	vld [tilespmem:s12+$0xFFFFFF60];
	v20 =	vadd.f32 v49, v20  }
0x44a: {  	v57 =	vld [tilespmem:s2+$0xFFFFFF90];
	v32 =	vpop (erf)  }
0x44b: {  	v43 =	vld [tilespmem:s8+$0xFFFFFE20];
	v56 =	vmul.f32 $1.442695020e+00, v33;
	v20 =	vsub.f32 $0.0e+00, v20;
	(erf) = vrcp.f32 v24;
	v24 =	vpop (erf)  }
0x44c: {  	v4 =	vld [tilespmem:s13+$0xFFFFFE80];
	v24 =	vadd.f32 $1.000000000e+00, v24  }
0x44d: {  	v34 =	vld [tilespmem:s8+$0xFFFFFE30];
	v20 =	vmul.f32 $1.442695020e+00, v20;
	(erf) = vpow2.f32 v56;
	v41 =	vpop (erf)  }
0x44e: {  	v58 =	vld [tilespmem:s8+$0xFFFFFE90];
	v13 =	vadd.f32 v53, v13;
	v21 =	vadd.f32 v54, v21;
	v59 =	vpop (erf);
	(erf) = vrcp.f32 v24  }
0x44f: {  	v42 =	vadd.f32 v57, v55;
	v48 =	vld [tilespmem:s8+$0xFFFFFF10];
	(erf) = vpow2.f32 v20;
	v20 =	vadd.f32 $1.000000000e+00, v59  }
0x450: {  	v13 =	vsub.f32 $0.0e+00, v13;
	v21 =	vsub.f32 $0.0e+00, v21;
	v24 =	vld [tilespmem:s2+$0xFFFFFE90];
	v60 =	vpop (erf)  }
0x451: {  	v49 =	vld [tilespmem:s2+$0xFFFFFF10];
	v38 =	vadd.f32 $1.000000000e+00, v60;
	(erf) = vrcp.f32 v20;
	v20 =	vsub.f32 $0.0e+00, v42  }
0x452: {  	v36 =	vld [tilespmem:s15+$0xFFFFFEB0];
	v13 =	vmul.f32 $1.442695020e+00, v13;
	v21 =	vmul.f32 $1.442695020e+00, v21  }
0x453: {  	v61 =	vld [tilespmem:s15+$0xFFFFFFB0];
	(erf) = vrcp.f32 v38  }
0x454: {  	v47 =	vld [tilespmem:s2+$0xFFFFFE10];
	(erf) = vpow2.f32 v13;
	v13 =	vmul.f32 $1.442695020e+00, v20  }
0x455: {  	v50 =	vld [tilespmem:s8+$0xFFFFFE10];
	v24 =	vadd.f32 v24, v58;
	v20 =	vpop (erf)  }
0x456: {  	v31 =	vld [tilespmem:s30+$0xFFFFFE70];
	v62 =	vadd.f32 v49, v48;
	(erf) = vpow2.f32 v21;
	v21 =	vpop (erf)  }
0x457: {  	v35 =	vld [tilespmem:s30+$0xFFFFFF70];
	v24 =	vsub.f32 $0.0e+00, v24;
	v21 =	vadd.f32 $1.000000000e+00, v21  }
0x458: {  	v37 =	vld [tilespmem:s30+$0xFFFFFEF0];
	v20 =	vmul.f32 v20, v61;
	(erf) = vpow2.f32 v13;
	v13 =	vpop (erf)  }
0x459: {  	v45 =	vld [tilespmem:s15+$0xFFFFFE30];
	v52 =	vsub.f32 $0.0e+00, v62;
	v24 =	vmul.f32 $1.442695020e+00, v24;
	v13 =	vmul.f32 v13, v36  }
0x45a: {  	v6 =	vld [tilespmem:s13+$0xFFFFFF00];
	[tilespmem:s13+$0xFFFFFFB0] =	vst v20;
	v20 =	vadd.f32 v47, v50  }
0x45b: {  	v55 =	vld [tilespmem:s11+$0xFFFFFFE0];
	(erf) = vrcp.f32 v21;
	[tilespmem:s13+$0xFFFFFEB0] =	vst v13;
	v13 =	vmul.f32 $1.442695020e+00, v52;
	v21 =	vpop (erf)  }
0x45c: {  	v23 =	vld [tilespmem:s15+$0xFFFFFF30];
	v20 =	vsub.f32 $0.0e+00, v20;
	v21 =	vadd.f32 $1.000000000e+00, v21  }
0x45d: {  	v63 =	vld [tilespmem:s13+$0xFFFFFFC0];
	(erf) = vpow2.f32 v24;
	v24 =	vpop (erf)  }
0x45e: {  	v53 =	vld [tilespmem:s14+$0xFFFFFFC0];
	v20 =	vmul.f32 $1.442695020e+00, v20;
	v54 =	vpop (erf);
	(erf) = vrcp.f32 v21  }
0x45f: {  	v5 =	vld [tilespmem:s13+$0xFFFFFF80];
	v24 =	vmul.f32 v24, v45;
	(erf) = vpow2.f32 v13;
	v13 =	vpop (erf)  }
0x460: {  	v21 =	vld [tilespmem:s14+$0xFFFFFEC0];
	v56 =	vpop (erf)  }
0x461: {  	v27 =	vld [tilespmem:s11+$0xFFFFFEE0];
	[tilespmem:s13+$0xFFFFFE30] =	vst v24;
	(erf) = vpow2.f32 v20;
	v20 =	vadd.f32 $1.000000000e+00, v56  }
0x462: {  	v49 =	vmul.f32 v54, v23;
	v13 =	vadd.f32 $1.000000000e+00, v13;
	v57 =	vld [tilespmem:s14+$0xFFFFFE40]  }
0x463: {  	s4 =	simm.s32 $0x67F0;
	v33 =	vld [tilespmem:s30+$0x0];
	v47 =	vadd.f32 v53, v63;
	v24 =	vpop (erf)  }
0x464: {  	v62 =	vld [tilespmem:s4+$0xFFFFFF10];
	[tilespmem:s13+$0xFFFFFF30] =	vst v49;
	(erf) = vrcp.f32 v13;
	v58 =	vadd.f32 $1.000000000e+00, v24  }
0x465: {  	v47 =	vsub.f32 $0.0e+00, v47;
	v13 =	vld [tilespmem:s14+$0xFFFFFF40];
	(erf) = vrcp.f32 v20;
	v21 =	vadd.f32 v21, v25;
	v20 =	vpop (erf)  }
0x466: {  	v42 =	vld [tilespmem:s11+$0xFFFFFE60];
	v59 =	vpop (erf);
	(erf) = vrcp.f32 v58  }
0x467: {  	v38 =	vld [tilespmem:s8+$0xFFFFFEB0];
	v47 =	vmul.f32 $1.442695020e+00, v47;
	v21 =	vsub.f32 $0.0e+00, v21;
	v22 =	vadd.f32 v57, v22  }
0x468: {  	v36 =	vld [tilespmem:s8+$0xFFFFFF30];
	v20 =	vmul.f32 v20, v55;
	v45 =	vadd.f32 $1.000000000e+00, v59  }
0x469: {  	v52 =	vld [tilespmem:s4+$0xFFFFFE10];
	(erf) = vpow2.f32 v47;
	v48 =	vpop (erf);
	v21 =	vmul.f32 $1.442695020e+00, v21;
	v22 =	vsub.f32 $0.0e+00, v22  }
0x46a: {  	v13 =	vadd.f32 v13, v26;
	[tilespmem:s10+$0xFFFFFFE0] =	vst v20;
	v20 =	vld [tilespmem:s10+$0xFFFFFFF0];
	v26 =	vpop (erf);
	(erf) = vrcp.f32 v45  }
0x46b: {  	v26 =	vadd.f32 $1.000000000e+00, v26;
	v61 =	vpop (erf);
	v22 =	vmul.f32 $1.442695020e+00, v22;
	(erf) = vpow2.f32 v21;
	v21 =	vld [tilespmem:s4+$0xFFFFFF90]  }
0x46c: {  	v60 =	vld [tilespmem:s12+$0xFFFFFFF0];
	v13 =	vsub.f32 $0.0e+00, v13;
	v47 =	vadd.f32 $1.000000000e+00, v61  }
0x46d: {  	v50 =	vld [tilespmem:s15+$0xFFFFFEC0];
	(erf) = vrcp.f32 v26;
	v53 =	vpop (erf)  }
0x46e: {  	v23 =	vld [tilespmem:s8+$0xFFFFFE40];
	v13 =	vmul.f32 $1.442695020e+00, v13;
	(erf) = vrcp.f32 v47;
	v54 =	vpop (erf)  }
0x46f: {  	v49 =	vld [tilespmem:s15+$0xFFFFFE40];
	(erf) = vpow2.f32 v22;
	v22 =	vpop (erf)  }
0x470: {  	v51 =	vld [tilespmem:s15+$0xFFFFFF40];
	(erf) = vpow2.f32 v13;
	v13 =	vmul.f32 v22, v21  }
0x471: {  	v26 =	vld [tilespmem:s4+$0xFFFFFE90];
	v45 =	vadd.f32 v60, v20  }
0x472: {  	v56 =	vld [tilespmem:s8+$0xFFFFFFA0]  }
0x473: {  	v24 =	vld [tilespmem:s8+$0xFFFFFEC0];
	v22 =	vpop (erf);
	v45 =	vsub.f32 $0.0e+00, v45  }
0x474: {  	v25 =	vld [tilespmem:s8+$0xFFFFFF40];
	v55 =	vadd.f32 $1.000000000e+00, v22;
	[tilespmem:s8+$0xFFFFFF90] =	vst v13;
	v13 =	vpop (erf)  }
0x475: {  	v59 =	vld [tilespmem:s15+$0xFFFFFFC0];
	v48 =	vmul.f32 v48, v27;
	v45 =	vmul.f32 $1.442695020e+00, v45;
	v57 =	vpop (erf)  }
0x476: {  	v27 =	vld [tilespmem:s8+$0xFFFFFF60];
	(erf) = vrcp.f32 v55;
	v13 =	vmul.f32 v13, v26;
	v63 =	vadd.f32 $1.000000000e+00, v57  }
0x477: {  	v55 =	vld [tilespmem:s2+$0xFFFFFFA0];
	(erf) = vpow2.f32 v45  }
0x478: {  	v42 =	vmul.f32 v53, v42;
	v53 =	vld [tilespmem:s11+$0xFFFFFF60];
	v60 =	vpop (erf);
	[tilespmem:s8+$0xFFFFFE90] =	vst v13  }
0x479: {  	[tilespmem:s10+$0xFFFFFEE0] =	vst v48;
	v57 =	vmul.f32 v60, v62;
	v61 =	vpop (erf);
	v58 =	vld [tilespmem:s2+$0xFFFFFEA0]  }
0x47a: {  	v20 =	vld [tilespmem:s8+$0xFFFFFE50];
	[tilespmem:s10+$0xFFFFFE60] =	vst v42;
	(erf) = vrcp.f32 v63;
	v62 =	vmul.f32 v61, v52;
	v63 =	vpop (erf)  }
0x47b: {  	v31 =	vmul.f32 v39, v31;
	v48 =	vld [tilespmem:s12+$0xFFFFFE70];
	[tilespmem:s8+$0xFFFFFF10] =	vst v57;
	v52 =	vadd.f32 $1.000000000e+00, v63;
	v60 =	vpop (erf)  }
0x47c: {  	v35 =	vmul.f32 v41, v35;
	v55 =	vadd.f32 v55, v56;
	[tilespmem:s8+$0xFFFFFE10] =	vst v62;
	v57 =	vld [tilespmem:s2+$0xFFFFFF20];
	v56 =	vadd.f32 $1.000000000e+00, v60  }
0x47d: {  	v53 =	vmul.f32 v54, v53;
	v60 =	vld [tilespmem:s2+$0xFFFFFE20];
	(erf) = vrcp.f32 v52  }
0x47e: {  	[tilespmem:s0+$0xFFFFFE70] =	vst v31;
	v21 =	vld [tilespmem:s8+$0xFFFFFED0];
	v55 =	vsub.f32 $0.0e+00, v55;
	v61 =	vadd.f32 v58, v46;
	(erf) = vrcp.f32 v56  }
0x47f: {  	v22 =	vld [tilespmem:s8+$0xFFFFFF50];
	[tilespmem:s10+$0xFFFFFF60] =	vst v53;
	v62 =	vpop (erf)  }
0x480: {  	[tilespmem:s0+$0xFFFFFF70] =	vst v35;
	v17 =	vadd.f32 v48, v17;
	v31 =	vld [tilespmem:s11+$0xFFFFFF70];
	v55 =	vmul.f32 $1.442695020e+00, v55;
	v63 =	vpop (erf);
	v52 =	vsub.f32 $0.0e+00, v61  }
0x481: {  	v48 =	vld [tilespmem:s21+$0xFFFFFF80];
	v56 =	vmul.f32 v62, v59;
	v58 =	vadd.f32 $1.000000000e+00, v63;
	v44 =	vadd.f32 v57, v44  }
0x482: {  	v26 =	vld [tilespmem:s8+$0xFFFFFE60];
	(erf) = vpow2.f32 v55;
	v43 =	vadd.f32 v60, v43  }
0x483: {  	v55 =	vld [tilespmem:s13+$0xFFFFFFD0];
	[tilespmem:s13+$0xFFFFFFC0] =	vst v56;
	v52 =	vmul.f32 $1.442695020e+00, v52;
	(erf) = vrcp.f32 v58;
	v60 =	vpop (erf);
	v61 =	vsub.f32 $0.0e+00, v44  }
0x484: {  	v63 =	vld [tilespmem:s14+$0xFFFFFFD0];
	v62 =	vmul.f32 v60, v50;
	v43 =	vsub.f32 $0.0e+00, v43  }
0x485: {  	v13 =	vld [tilespmem:s8+$0xFFFFFEE0];
	(erf) = vpow2.f32 v52;
	v42 =	vmul.f32 $1.442695020e+00, v61  }
0x486: {  	v47 =	vld [tilespmem:s4+$0xFFFFFEA0];
	[tilespmem:s13+$0xFFFFFEC0] =	vst v62;
	v43 =	vmul.f32 $1.442695020e+00, v43;
	v57 =	vpop (erf)  }
0x487: {  	v52 =	vld [tilespmem:s14+$0xFFFFFED0];
	(erf) = vpow2.f32 v42;
	v49 =	vmul.f32 v57, v49;
	v58 =	vpop (erf)  }
0x488: {  	v59 =	vld [tilespmem:s11+$0xFFFFFFF0];
	v60 =	vmul.f32 v58, v51  }
0x489: {  	v44 =	vld [tilespmem:s12+$0xFFFFFEF0];
	v50 =	vadd.f32 v63, v55;
	(erf) = vpow2.f32 v43;
	[tilespmem:s13+$0xFFFFFE40] =	vst v49  }
0x48a: {  	[tilespmem:s13+$0xFFFFFF40] =	vst v60;
	v43 =	vld [tilespmem:s14+$0xFFFFFE50]  }
0x48b: {  	v61 =	vpop (erf);
	v62 =	vsub.f32 $0.0e+00, v50;
	v56 =	vld [tilespmem:s14+$0xFFFFFF50]  }
0x48c: {  	v45 =	vld [tilespmem:s4+$0xFFFFFE20];
	v63 =	vadd.f32 $1.000000000e+00, v61;
	v29 =	vadd.f32 v52, v29;
	v57 =	vpop (erf)  }
0x48d: {  	v46 =	vld [tilespmem:s4+$0xFFFFFF20];
	v58 =	vmul.f32 v57, v59;
	v59 =	vmul.f32 $1.442695020e+00, v62  }
0x48e: {  	v39 =	vmul.f32 v40, v37;
	v49 =	vld [tilespmem:s12+$0xFFFFFF70];
	(erf) = vrcp.f32 v63;
	v60 =	vpop (erf);
	v29 =	vsub.f32 $0.0e+00, v29  }
0x48f: {  	v42 =	vld [tilespmem:s15+$0xFFFFFED0];
	v61 =	vadd.f32 v44, v15;
	(erf) = vpow2.f32 v59;
	v62 =	vadd.f32 $1.000000000e+00, v60  }
0x490: {  	v15 =	vld [tilespmem:s8+$0xFFFFFE70];
	v29 =	vmul.f32 $1.442695020e+00, v29;
	v43 =	vadd.f32 v43, v18;
	v54 =	vpop (erf);
	v28 =	vadd.f32 v56, v28  }
0x491: {  	v63 =	vld [tilespmem:s10+$0x0];
	v41 =	vsub.f32 $0.0e+00, v61;
	[tilespmem:s10+$0xFFFFFFF0] =	vst v58;
	(erf) = vrcp.f32 v62;
	v44 =	vadd.f32 $1.000000000e+00, v54  }
0x492: {  	v55 =	vld [tilespmem:s12+$0x0];
	v56 =	vpop (erf);
	(erf) = vpow2.f32 v29;
	v43 =	vsub.f32 $0.0e+00, v43;
	v28 =	vsub.f32 $0.0e+00, v28  }
0x493: {  	v57 =	vld [tilespmem:s4+$0xFFFFFFA0];
	v12 =	vadd.f32 v49, v12;
	v50 =	vadd.f32 $1.000000000e+00, v56;
	(erf) = vrcp.f32 v44  }
0x494: {  	v17 =	vsub.f32 $0.0e+00, v17;
	v37 =	vld [tilespmem:s15+$0xFFFFFE50];
	v43 =	vmul.f32 $1.442695020e+00, v43;
	v28 =	vmul.f32 $1.442695020e+00, v28  }
0x495: {  	v40 =	vld [tilespmem:s15+$0xFFFFFF50];
	v41 =	vmul.f32 $1.442695020e+00, v41;
	v12 =	vsub.f32 $0.0e+00, v12;
	(erf) = vrcp.f32 v50  }
0x496: {  	v18 =	vld [tilespmem:s8+$0xFFFFFEF0];
	v29 =	vmul.f32 $1.442695020e+00, v17;
	(erf) = vpow2.f32 v43  }
0x497: {  	v17 =	vld [tilespmem:s8+$0xFFFFFF70];
	v12 =	vmul.f32 $1.442695020e+00, v12;
	v58 =	vadd.f32 v55, v63;
	v59 =	vpop (erf);
	(erf) = vpow2.f32 v28  }
0x498: {  	v63 =	vld [tilespmem:s8+$0xFFFFFFB0];
	v61 =	vmul.f32 v59, v57;
	(erf) = vpow2.f32 v29;
	v28 =	vpop (erf)  }
0x499: {  	[tilespmem:s0+$0xFFFFFEF0] =	vst v39;
	v60 =	vsub.f32 $0.0e+00, v58;
	v29 =	vld [tilespmem:s21+$0xFFFFFE80];
	(erf) = vpow2.f32 v41;
	v28 =	vadd.f32 $1.000000000e+00, v28  }
0x49a: {  	[tilespmem:s8+$0xFFFFFFA0] =	vst v61;
	v41 =	vld [tilespmem:s21+$0xFFFFFF00];
	(erf) = vpow2.f32 v12  }
0x49b: {  	v39 =	vmul.f32 $1.442695020e+00, v60;
	v62 =	vpop (erf);
	(erf) = vrcp.f32 v28;
	v28 =	vld [tilespmem:s2+$0xFFFFFFB0]  }
0x49c: {  	v44 =	vld [tilespmem:s11+$0xFFFFFE70];
	v35 =	vmul.f32 v62, v47;
	v12 =	vpop (erf)  }
0x49d: {  	v50 =	vld [tilespmem:s11+$0xFFFFFEF0];
	v52 =	vadd.f32 $1.000000000e+00, v12;
	(erf) = vpow2.f32 v39  }
0x49e: {  	v59 =	vld [tilespmem:s15+$0xFFFFFFD0];
	v53 =	vpop (erf);
	[tilespmem:s8+$0xFFFFFEA0] =	vst v35  }
0x49f: {  	v55 =	vpop (erf);
	v29 =	vadd.f32 v29, v14;
	v54 =	vld [tilespmem:s2+$0xFFFFFEB0];
	(erf) = vrcp.f32 v52  }
0x4a0: {  	v12 =	vld [tilespmem:s8+$0xFFFFFE80];
	v45 =	vmul.f32 v55, v45;
	v16 =	vadd.f32 v41, v16;
	v56 =	vpop (erf);
	v28 =	vadd.f32 v28, v63  }
0x4a1: {  	v39 =	vmul.f32 v53, v46;
	v14 =	vld [tilespmem:s8+$0xFFFFFF00];
	v57 =	vadd.f32 $1.000000000e+00, v56;
	v58 =	vpop (erf);
	v56 =	vsub.f32 $0.0e+00, v29  }
0x4a2: {  	v35 =	vld [tilespmem:s4+$0xFFFFFEB0];
	[tilespmem:s8+$0xFFFFFE20] =	vst v45;
	v60 =	vadd.f32 $1.000000000e+00, v58;
	v61 =	vpop (erf);
	v28 =	vsub.f32 $0.0e+00, v28  }
0x4a3: {  	[tilespmem:s8+$0xFFFFFF20] =	vst v39;
	v62 =	vld [tilespmem:s2+$0xFFFFFE30];
	v58 =	vsub.f32 $0.0e+00, v16;
	(erf) = vrcp.f32 v57;
	v63 =	vadd.f32 $1.000000000e+00, v61;
	v52 =	vpop (erf)  }
0x4a4: {  	v53 =	vadd.f32 v54, v38;
	v54 =	vld [tilespmem:s2+$0xFFFFFF30];
	(erf) = vrcp.f32 v60;
	v55 =	vpop (erf);
	v28 =	vmul.f32 $1.442695020e+00, v28  }
0x4a5: {  	v33 =	vmul.f32 v32, v33;
	v39 =	vld [tilespmem:s4+$0xFFFFFF30];
	v43 =	vadd.f32 $1.000000000e+00, v52;
	v52 =	vadd.f32 v48, v19;
	v29 =	vpop (erf)  }
0x4a6: {  	v16 =	vld [tilespmem:s8+$0xFFFFFF80];
	(erf) = vrcp.f32 v63;
	v45 =	vsub.f32 $0.0e+00, v53;
	v57 =	vmul.f32 v29, v59;
	v29 =	vpop (erf)  }
0x4a7: {  	v61 =	vld [tilespmem:s13+$0xFFFFFFE0];
	v32 =	vadd.f32 $1.000000000e+00, v55;
	(erf) = vrcp.f32 v43;
	v59 =	vadd.f32 $1.000000000e+00, v29  }
0x4a8: {  	v38 =	vld [tilespmem:s4+$0xFFFFFE30];
	v34 =	vadd.f32 v62, v34;
	v60 =	vmul.f32 $1.442695020e+00, v45;
	(erf) = vpow2.f32 v28;
	v28 =	vpop (erf)  }
0x4a9: {  	v19 =	vld [tilespmem:s30+$0xFFFFFF00];
	[tilespmem:s13+$0xFFFFFFD0] =	vst v57;
	v36 =	vadd.f32 v54, v36;
	(erf) = vrcp.f32 v59;
	v28 =	vmul.f32 v28, v42  }
0x4aa: {  	v62 =	vmul.f32 $1.442695020e+00, v56;
	v34 =	vsub.f32 $0.0e+00, v34;
	v63 =	vld [tilespmem:s14+$0xFFFFFFE0];
	(erf) = vpow2.f32 v60  }
0x4ab: {  	v53 =	vmul.f32 $1.442695020e+00, v58;
	v29 =	vld [tilespmem:s30+$0xFFFFFE80];
	(erf) = vrcp.f32 v32;
	[tilespmem:s13+$0xFFFFFED0] =	vst v28;
	v28 =	vsub.f32 $0.0e+00, v36  }
0x4ac: {  	v54 =	vmul.f32 $1.442695020e+00, v34;
	v56 =	vpop (erf);
	(erf) = vpow2.f32 v62;
	v55 =	vld [tilespmem:s14+$0xFFFFFEE0]  }
0x4ad: {  	v57 =	vsub.f32 $0.0e+00, v52;
	v32 =	vld [tilespmem:s11+$0x0];
	v37 =	vmul.f32 v56, v37;
	v58 =	vpop (erf);
	v59 =	vmul.f32 $1.442695020e+00, v28  }
0x4ae: {  	v34 =	vld [tilespmem:s15+$0xFFFFFEE0];
	v40 =	vmul.f32 v58, v40;
	(erf) = vpow2.f32 v54  }
0x4af: {  	v46 =	vmul.f32 $1.442695020e+00, v57;
	v60 =	vpop (erf);
	[tilespmem:s13+$0xFFFFFE50] =	vst v37;
	v61 =	vadd.f32 v63, v61;
	v28 =	vld [tilespmem:s30+$0xFFFFFF80];
	(erf) = vpow2.f32 v59  }
0x4b0: {  	v36 =	vmul.f32 v60, v44;
	v41 =	vld [tilespmem:s14+$0xFFFFFE60];
	[tilespmem:s13+$0xFFFFFF50] =	vst v40;
	v62 =	vpop (erf);
	(erf) = vpow2.f32 v53  }
0x4b1: {  	s17 =	simm.s32 $0x4C;
	[tilespmem:s0+$0x0] =	vst v33;
	v63 =	vpop (erf);
	v42 =	vld [tilespmem:s14+$0xFFFFFF60];
	v44 =	vsub.f32 $0.0e+00, v61;
	v33 =	vmul.f32 v62, v50;
	v43 =	vadd.f32 v55, v30  }
0x4b2: {  	s1 =	simm.s32 $0x67F0;
	s21 =	simm.s32 $0x29F0;
	s30 =	simm.s32 $0xA7F0;
	[tilespmem:s10+$0xFFFFFE70] =	vst v36;
	v40 =	vadd.f32 $1.000000000e+00, v63;
	v36 =	vld [tilespmem:s15+$0xFFFFFE60];
	v30 =	vpop (erf);
	(erf) = vpow2.f32 v46  }
.LBB2_8:
0x4b3: {  	v37 =	vld [tilespmem:s21+$0xFFFFFF90];
	s2 =	sadd.s32 $0x200, s2;
	v45 =	vpop (erf);
	v43 =	vsub.f32 $0.0e+00, v43;
	v44 =	vmul.f32 $1.442695020e+00, v44;
	[tilespmem:s10+$0xFFFFFEF0] =	vst v33;
	v46 =	vmul.f32 v30, v32  }
0x4b4: {  	v32 =	vld [tilespmem:s2+$0xFFFFFF90];
	v33 =	vadd.f32 $1.000000000e+00, v45;
	(erf) = vrcp.f32 v40;
	v40 =	vpop (erf)  }
0x4b5: {  	v45 =	vld [tilespmem:s2+$0xFFFFFE10];
	v41 =	vadd.f32 v41, v10;
	v43 =	vmul.f32 $1.442695020e+00, v43;
	(erf) = vpow2.f32 v44;
	[tilespmem:s10+$0x0] =	vst v46;
	v30 =	vpop (erf)  }
0x4b6: {  	s17 =	sadd.s32 $0x4, s17;
	v31 =	vmul.f32 v40, v31;
	v10 =	vmovc v26;
	v44 =	vld [tilespmem:s21+$0xFFFFFE90];
	(erf) = vrcp.f32 v33;
	v33 =	vadd.f32 v42, v11;
	v11 =	vmovc v27  }
0x4b7: {  	p0 =	slt.u32 s17, $0x7C;
	v30 =	vadd.f32 $1.000000000e+00, v30;
	v26 =	vld [tilespmem:s2+$0xFFFFFE90];
	v27 =	vpop (erf);
	v40 =	vsub.f32 $0.0e+00, v41;
	(erf) = vpow2.f32 v43  }
0x4b8: {  	v41 =	vld [tilespmem:s21+$0xFFFFFF10];
	v48 =	vadd.f32 $1.000000000e+00, v27;
	v42 =	vpop (erf);
	v33 =	vsub.f32 $0.0e+00, v33;
	[tilespmem:s10+$0xFFFFFF70] =	vst v31  }
0x4b9: {  	v31 =	vadd.f32 v32, v37;
	v32 =	vadd.f32 $1.000000000e+00, v42;
	v37 =	vld [tilespmem:s4+$0xFFFFFFB0];
	v40 =	vmul.f32 $1.442695020e+00, v40;
	v42 =	vpop (erf)  }
0x4ba: {  	v43 =	vld [tilespmem:s2+$0xFFFFFF10];
	(erf) = vrcp.f32 v48;
	v33 =	vmul.f32 $1.442695020e+00, v33;
	v42 =	vadd.f32 $1.000000000e+00, v42  }
0x4bb: {  	v46 =	vld [tilespmem:s21+$0xFFFFFE10];
	v48 =	vsub.f32 $0.0e+00, v31;
	(erf) = vrcp.f32 v32;
	v27 =	vpop (erf)  }
0x4bc: {  	v31 =	vld [tilespmem:s21+$0xFFFFFE20];
	v26 =	vadd.f32 v26, v44;
	(erf) = vpow2.f32 v40;
	v44 =	vadd.f32 $1.000000000e+00, v27  }
0x4bd: {  	v27 =	vld [tilespmem:s21+$0xFFFFFEA0];
	v48 =	vmul.f32 $1.442695020e+00, v48;
	v47 =	vpop (erf);
	(erf) = vpow2.f32 v33  }
0x4be: {  	v26 =	vsub.f32 $0.0e+00, v26;
	v40 =	vld [tilespmem:s21+$0xFFFFFF20];
	v47 =	vmul.f32 v47, v37;
	v37 =	vpop (erf);
	(erf) = vrcp.f32 v30  }
0x4bf: {  	v30 =	vld [tilespmem:s21+$0xFFFFFE30];
	v41 =	vadd.f32 v43, v41;
	(erf) = vpow2.f32 v48;
	v32 =	vpop (erf);
	v37 =	vadd.f32 $1.000000000e+00, v37  }
0x4c0: {  	v43 =	vadd.f32 v45, v46;
	v26 =	vmul.f32 $1.442695020e+00, v26;
	v32 =	vmul.f32 v32, v35;
	[tilespmem:s8+$0xFFFFFFB0] =	vst v47;
	v35 =	vld [tilespmem:s8+$0xFFFFFFC0];
	v33 =	vpop (erf)  }
0x4c1: {  	v47 =	vsub.f32 $0.0e+00, v41;
	v45 =	vld [tilespmem:s30+$0xFFFFFFC0];
	v46 =	vadd.f32 $1.000000000e+00, v33;
	(erf) = vrcp.f32 v37  }
0x4c2: {  	v37 =	vsub.f32 $0.0e+00, v43;
	v33 =	vld [tilespmem:s21+$0xFFFFFEB0];
	(erf) = vpow2.f32 v26;
	[tilespmem:s8+$0xFFFFFEB0] =	vst v32  }
0x4c3: {  	v26 =	vmul.f32 $1.442695020e+00, v47;
	v32 =	vld [tilespmem:s21+$0xFFFFFF30];
	v41 =	vpop (erf);
	(erf) = vrcp.f32 v46  }
0x4c4: {  	v37 =	vmul.f32 $1.442695020e+00, v37;
	v38 =	vmul.f32 v41, v38;
	v41 =	vld [tilespmem:s30+$0xFFFFFEC0];
	v43 =	vpop (erf)  }
0x4c5: {  	v46 =	vld [tilespmem:s21+$0xFFFFFE40];
	(erf) = vpow2.f32 v26;
	v26 =	vmul.f32 v43, v39;
	v39 =	vpop (erf)  }
0x4c6: {  	(erf) = vpow2.f32 v37;
	[tilespmem:s8+$0xFFFFFE30] =	vst v38;
	v35 =	vadd.f32 v45, v35;
	v37 =	vadd.f32 $1.000000000e+00, v39;
	v38 =	vld [tilespmem:s15+$0xFFFFFFE0];
	v39 =	vpop (erf)  }
0x4c7: {  	v43 =	vld [tilespmem:s30+$0xFFFFFE40];
	[tilespmem:s8+$0xFFFFFF30] =	vst v26;
	v26 =	vadd.f32 $1.000000000e+00, v39;
	v39 =	vpop (erf);
	(erf) = vrcp.f32 v42  }
0x4c8: {  	v42 =	vpop (erf);
	v45 =	vld [tilespmem:s30+$0xFFFFFF40];
	v35 =	vsub.f32 $0.0e+00, v35;
	(erf) = vrcp.f32 v37;
	v39 =	vmul.f32 v39, v29  }
0x4c9: {  	v37 =	vadd.f32 $1.000000000e+00, v42;
	v41 =	vadd.f32 v41, v24;
	v24 =	vld [tilespmem:s21+$0xFFFFFEC0];
	(erf) = vrcp.f32 v26  }
0x4ca: {  	v26 =	vld [tilespmem:s21+$0xFFFFFF40];
	v35 =	vmul.f32 $1.442695020e+00, v35;
	v42 =	vpop (erf);
	[tilespmem:s0+$0xFFFFFE80] =	vst v39;
	(erf) = vrcp.f32 v44  }
0x4cb: {  	v29 =	vpop (erf);
	(erf) = vrcp.f32 v37;
	v39 =	vld [tilespmem:s4+$0xFFFFFE40];
	v37 =	vsub.f32 $0.0e+00, v41;
	v38 =	vmul.f32 v42, v38  }
0x4cc: {  	v42 =	vadd.f32 $1.000000000e+00, v29;
	v41 =	vadd.f32 v43, v23;
	v43 =	vld [tilespmem:s4+$0xFFFFFEC0];
	(erf) = vpow2.f32 v35;
	v23 =	vpop (erf)  }
0x4cd: {  	v35 =	vmul.f32 $1.442695020e+00, v37;
	v47 =	vadd.f32 v45, v25;
	v34 =	vmul.f32 v23, v34;
	[tilespmem:s13+$0xFFFFFFE0] =	vst v38;
	v37 =	vld [tilespmem:s13+$0xFFFFFFF0];
	v23 =	vmovc v46  }
0x4ce: {  	(erf) = vrcp.f32 v42;
	v29 =	vpop (erf);
	v38 =	vsub.f32 $0.0e+00, v41;
	v41 =	vld [tilespmem:s14+$0xFFFFFFF0]  }
0x4cf: {  	s4 =	sadd.s32 $0x200, s4;
	v48 =	vadd.f32 $1.000000000e+00, v29;
	v44 =	vpop (erf);
	v45 =	vsub.f32 $0.0e+00, v47;
	v42 =	vld [tilespmem:s1+$0xFFFFFF40];
	(erf) = vpow2.f32 v35;
	[tilespmem:s13+$0xFFFFFEE0] =	vst v34  }
0x4d0: {  	v25 =	vmov v26;
	v34 =	vadd.f32 $1.000000000e+00, v44;
	v35 =	vld [tilespmem:s4+$0xFFFFFF90];
	v47 =	vmul.f32 $1.442695020e+00, v38;
	v44 =	vpop (erf)  }
0x4d1: {  	v46 =	vld [tilespmem:s4+$0xFFFFFE10];
	(erf) = vrcp.f32 v48;
	v26 =	vmul.f32 $1.442695020e+00, v45;
	v29 =	vpop (erf)  }
0x4d2: {  	v45 =	vld [tilespmem:s4+$0xFFFFFE90];
	(erf) = vrcp.f32 v34;
	v29 =	vmul.f32 v29, v36;
	v36 =	vpop (erf)  }
0x4d3: {  	v19 =	vmul.f32 v44, v19;
	v34 =	vld [tilespmem:s4+$0xFFFFFF10];
	(erf) = vpow2.f32 v47;
	v37 =	vadd.f32 v41, v37;
	v38 =	vpop (erf)  }
0x4d4: {  	v41 =	vld [tilespmem:s21+$0xFFFFFE50];
	v44 =	vpop (erf);
	(erf) = vpow2.f32 v26;
	[tilespmem:s13+$0xFFFFFE60] =	vst v29;
	v47 =	vmul.f32 v38, v28  }
0x4d5: {  	v28 =	vld [tilespmem:s21+$0xFFFFFED0];
	v29 =	vmul.f32 v44, v35;
	v35 =	vpop (erf);
	v37 =	vsub.f32 $0.0e+00, v37;
	[tilespmem:s0+$0xFFFFFF00] =	vst v19  }
0x4d6: {  	v38 =	vld [tilespmem:s21+$0xFFFFFF50];
	v19 =	vadd.f32 $1.000000000e+00, v35;
	[tilespmem:s0+$0xFFFFFF80] =	vst v47;
	s0 =	smov.u32 s10;
	s10 =	smov.u32 s13;
	s13 =	smov.u32 s8  }
0x4d7: {  	s8 =	smov.u32 s21;
	[tilespmem:s21+$0xFFFFFF90] =	vst v29;
	v29 =	vld [tilespmem:s21+$0xFFFFFFA0];
	v26 =	vpop (erf);
	v47 =	vmul.f32 $1.442695020e+00, v37  }
0x4d8: {  	v37 =	vmul.f32 v26, v45;
	v44 =	vld [tilespmem:s2+$0xFFFFFFA0];
	v45 =	vpop (erf);
	(erf) = vrcp.f32 v19  }
0x4d9: {  	v26 =	vld [tilespmem:s21+$0xFFFFFE60];
	v19 =	vadd.f32 $1.000000000e+00, v45;
	(erf) = vpow2.f32 v47  }
0x4da: {  	[tilespmem:s21+$0xFFFFFE90] =	vst v37;
	v37 =	vld [tilespmem:s21+$0xFFFFFEE0];
	v35 =	vpop (erf)  }
0x4db: {  	v45 =	vld [tilespmem:s2+$0xFFFFFEA0];
	v35 =	vmul.f32 v35, v34;
	v34 =	vpop (erf);
	(erf) = vrcp.f32 v19  }
0x4dc: {  	v19 =	vmul.f32 v34, v46;
	v34 =	vld [tilespmem:s4+$0xFFFFFEA0];
	v46 =	vpop (erf)  }
0x4dd: {  	[tilespmem:s21+$0xFFFFFF10] =	vst v35;
	v29 =	vadd.f32 v44, v29;
	v35 =	vadd.f32 $1.000000000e+00, v46;
	v44 =	vld [tilespmem:s1+$0xFFFFFFC0];
	v46 =	vpop (erf)  }
0x4de: {  	[tilespmem:s21+$0xFFFFFE10] =	vst v19;
	v19 =	vld [tilespmem:s2+$0xFFFFFF20];
	v49 =	vadd.f32 $1.000000000e+00, v46  }
0x4df: {  	v47 =	vld [tilespmem:s2+$0xFFFFFE20];
	v48 =	vsub.f32 $0.0e+00, v29;
	(erf) = vrcp.f32 v35  }
0x4e0: {  	v29 =	vld [tilespmem:s4+$0xFFFFFE20];
	v27 =	vadd.f32 v45, v27;
	(erf) = vrcp.f32 v49  }
0x4e1: {  	v35 =	vld [tilespmem:s4+$0xFFFFFF20];
	v45 =	vmul.f32 $1.442695020e+00, v48;
	v46 =	vpop (erf)  }
0x4e2: {  	v48 =	vsub.f32 $0.0e+00, v27;
	v27 =	vld [tilespmem:s21+$0xFFFFFF60];
	v44 =	vmul.f32 v46, v44;
	v46 =	vpop (erf)  }
0x4e3: {  	v19 =	vadd.f32 v19, v40;
	(erf) = vpow2.f32 v45;
	v40 =	vld [tilespmem:s15+$0xFFFFFF60];
	v45 =	vadd.f32 $1.000000000e+00, v46  }
0x4e4: {  	v31 =	vadd.f32 v47, v31;
	v46 =	vmul.f32 $1.442695020e+00, v48;
	[tilespmem:s13+$0xFFFFFFC0] =	vst v44;
	v44 =	vld [tilespmem:s13+$0xFFFFFFD0];
	v47 =	vpop (erf)  }
0x4e5: {  	v19 =	vsub.f32 $0.0e+00, v19;
	v43 =	vmul.f32 v47, v43;
	v47 =	vld [tilespmem:s30+$0xFFFFFFD0];
	(erf) = vrcp.f32 v45  }
0x4e6: {  	v31 =	vsub.f32 $0.0e+00, v31;
	(erf) = vpow2.f32 v46;
	v45 =	vld [tilespmem:s14+$0xFFFFFE70]  }
0x4e7: {  	v19 =	vmul.f32 $1.442695020e+00, v19;
	[tilespmem:s13+$0xFFFFFEC0] =	vst v43;
	v43 =	vld [tilespmem:s14+$0xFFFFFEF0]  }
0x4e8: {  	v31 =	vmul.f32 $1.442695020e+00, v31;
	v46 =	vld [tilespmem:s30+$0xFFFFFED0];
	v48 =	vpop (erf);
	v36 =	vmul.f32 v36, v40  }
0x4e9: {  	(erf) = vpow2.f32 v19;
	v39 =	vmul.f32 v48, v39;
	v19 =	vld [tilespmem:s1+$0xFFFFFED0];
	v40 =	vpop (erf)  }
0x4ea: {  	(erf) = vpow2.f32 v31;
	v31 =	vmul.f32 v40, v42;
	v40 =	vadd.f32 v47, v44;
	[tilespmem:s10+$0xFFFFFF60] =	vst v36;
	v42 =	vld [tilespmem:s15+$0xFFFFFFF0]  }
0x4eb: {  	[tilespmem:s13+$0xFFFFFE40] =	vst v39;
	v36 =	vadd.f32 v45, v7;
	v39 =	vld [tilespmem:s14+$0xFFFFFF70];
	v7 =	vmov v15  }
0x4ec: {  	v15 =	vpop (erf);
	v44 =	vld [tilespmem:s30+$0xFFFFFE50];
	[tilespmem:s13+$0xFFFFFF40] =	vst v31;
	v31 =	vsub.f32 $0.0e+00, v40;
	v40 =	vadd.f32 v43, v9;
	v9 =	vmov v18  }
0x4ed: {  	v15 =	vadd.f32 $1.000000000e+00, v15;
	v18 =	vadd.f32 v46, v21;
	v43 =	vld [tilespmem:s30+$0xFFFFFF50];
	v21 =	vmov v28  }
0x4ee: {  	v45 =	vsub.f32 $0.0e+00, v36;
	v28 =	vld [tilespmem:s1+$0xFFFFFE50];
	v31 =	vmul.f32 $1.442695020e+00, v31;
	v40 =	vsub.f32 $0.0e+00, v40;
	v46 =	vpop (erf)  }
0x4ef: {  	v47 =	vpop (erf);
	(erf) = vrcp.f32 v15;
	v18 =	vsub.f32 $0.0e+00, v18;
	v36 =	vld [tilespmem:s1+$0xFFFFFF50];
	v42 =	vmul.f32 v46, v42  }
0x4f0: {  	v15 =	vld [tilespmem:s21+$0xFFFFFE70];
	v46 =	vadd.f32 $1.000000000e+00, v47;
	(erf) = vpow2.f32 v31;
	v31 =	vadd.f32 v39, v8;
	v8 =	vmovc v17  }
0x4f1: {  	v17 =	vadd.f32 v44, v20;
	v39 =	vmul.f32 $1.442695020e+00, v18;
	v44 =	vmul.f32 $1.442695020e+00, v45;
	[tilespmem:s10+$0xFFFFFFF0] =	vst v42;
	v42 =	vld [tilespmem:s10+$0x0];
	v20 =	vmovc v41  }
0x4f2: {  	(erf) = vrcp.f32 v46;
	v41 =	vpop (erf);
	v48 =	vadd.f32 v43, v22;
	v31 =	vsub.f32 $0.0e+00, v31;
	v43 =	vld [tilespmem:s14+$0x0]  }
0x4f3: {  	v18 =	vld [tilespmem:s21+$0xFFFFFEF0];
	v41 =	vadd.f32 $1.000000000e+00, v41;
	v45 =	vpop (erf);
	v46 =	vsub.f32 $0.0e+00, v17;
	(erf) = vpow2.f32 v39  }
0x4f4: {  	v47 =	vmul.f32 $1.442695020e+00, v40;
	v22 =	vmovc v38;
	v39 =	vadd.f32 $1.000000000e+00, v45;
	v17 =	vld [tilespmem:s21+$0xFFFFFF70];
	v45 =	vsub.f32 $0.0e+00, v48  }
0x4f5: {  	v38 =	vld [tilespmem:s4+$0xFFFFFFA0];
	(erf) = vrcp.f32 v41;
	v40 =	vmul.f32 $1.442695020e+00, v46  }
0x4f6: {  	(erf) = vrcp.f32 v39;
	v46 =	vmul.f32 $1.442695020e+00, v45;
	v41 =	vld [tilespmem:s15+$0xFFFFFE70]  }
0x4f7: {  	v45 =	vmul.f32 $1.442695020e+00, v31;
	(erf) = vpow2.f32 v40;
	v40 =	vld [tilespmem:s15+$0xFFFFFEF0];
	v42 =	vadd.f32 v43, v42  }
0x4f8: {  	v43 =	vpop (erf);
	(erf) = vpow2.f32 v46;
	v31 =	vld [tilespmem:s15+$0xFFFFFF70]  }
0x4f9: {  	v39 =	vpop (erf);
	v42 =	vsub.f32 $0.0e+00, v42;
	(erf) = vpow2.f32 v44;
	v44 =	vld [tilespmem:s12+$0xFFFFFE80]  }
0x4fa: {  	v38 =	vmul.f32 v43, v38;
	v39 =	vadd.f32 $1.000000000e+00, v39;
	(erf) = vpow2.f32 v47;
	v43 =	vld [tilespmem:s12+$0xFFFFFF00]  }
0x4fb: {  	v46 =	vpop (erf);
	v42 =	vmul.f32 $1.442695020e+00, v42;
	(erf) = vpow2.f32 v45;
	v45 =	vld [tilespmem:s12+$0xFFFFFF80];
	s12 =	smov.u32 s14;
	s14 =	smov.u32 s30;
	s30 =	smov.u32 s2  }
0x4fc: {  	v47 =	vmul.f32 v46, v34;
	[tilespmem:s21+$0xFFFFFFA0] =	vst v38;
	v38 =	vld [tilespmem:s21+$0xFFFFFFB0];
	v46 =	vpop (erf);
	(erf) = vrcp.f32 v39  }
0x4fd: {  	v39 =	vld [tilespmem:s2+$0xFFFFFFB0];
	v46 =	vadd.f32 $1.000000000e+00, v46;
	(erf) = vpow2.f32 v42  }
0x4fe: {  	[tilespmem:s21+$0xFFFFFEA0] =	vst v47;
	v34 =	vpop (erf);
	v42 =	vadd.f32 v44, v1;
	v1 =	vmov v4;
	v4 =	vmov v12;
	v12 =	vld [tilespmem:s21+$0xFFFFFE80]  }
0x4ff: {  	v44 =	vld [tilespmem:s2+$0xFFFFFEB0];
	v34 =	vmul.f32 v34, v35;
	v35 =	vpop (erf);
	(erf) = vrcp.f32 v46;
	v47 =	vadd.f32 v43, v2  }
0x500: {  	v29 =	vmul.f32 v35, v29;
	v35 =	vld [tilespmem:s4+$0xFFFFFEB0];
	v43 =	vpop (erf);
	v42 =	vsub.f32 $0.0e+00, v42;
	v3 =	vadd.f32 v45, v3  }
0x501: {  	v2 =	vmov v6;
	v45 =	vld [tilespmem:s21+$0xFFFFFF00];
	[tilespmem:s21+$0xFFFFFF20] =	vst v34;
	v34 =	vadd.f32 $1.000000000e+00, v43;
	v43 =	vpop (erf);
	v46 =	vsub.f32 $0.0e+00, v47  }
0x502: {  	[tilespmem:s21+$0xFFFFFE20] =	vst v29;
	v6 =	vadd.f32 v39, v38;
	v49 =	vadd.f32 $1.000000000e+00, v43;
	v43 =	vld [tilespmem:s1+$0xFFFFFFD0];
	v38 =	vpop (erf);
	v42 =	vmul.f32 $1.442695020e+00, v42  }
0x503: {  	v48 =	vsub.f32 $0.0e+00, v3;
	v47 =	vld [tilespmem:s2+$0xFFFFFE30];
	(erf) = vrcp.f32 v34;
	v34 =	vadd.f32 $1.000000000e+00, v38;
	v39 =	vpop (erf)  }
0x504: {  	v3 =	vadd.f32 v44, v33;
	v33 =	vld [tilespmem:s2+$0xFFFFFF30];
	v51 =	vsub.f32 $0.0e+00, v6;
	(erf) = vrcp.f32 v49;
	v29 =	vpop (erf)  }
0x505: {  	v49 =	vadd.f32 $1.000000000e+00, v39;
	v38 =	vld [tilespmem:s4+$0xFFFFFE30];
	v44 =	vpop (erf);
	v50 =	vadd.f32 $1.000000000e+00, v29;
	(erf) = vrcp.f32 v34  }
0x506: {  	v46 =	vmul.f32 $1.442695020e+00, v46;
	v52 =	vsub.f32 $0.0e+00, v3;
	v39 =	vld [tilespmem:s4+$0xFFFFFF30];
	v29 =	vmul.f32 $1.442695020e+00, v51;
	v6 =	vpop (erf)  }
0x507: {  	v34 =	vld [tilespmem:s21+$0xFFFFFF80];
	v43 =	vmul.f32 v44, v43;
	v44 =	vadd.f32 $1.000000000e+00, v6;
	(erf) = vrcp.f32 v49;
	v6 =	vmovc v14;
	v14 =	vmovc v45  }
0x508: {  	v30 =	vadd.f32 v47, v30;
	v45 =	vmul.f32 $1.442695020e+00, v52;
	(erf) = vpow2.f32 v29;
	v3 =	vpop (erf);
	v29 =	vld [tilespmem:s11+$0xFFFFFE80]  }
0x509: {  	v32 =	vadd.f32 v33, v32;
	v19 =	vmul.f32 v3, v19;
	[tilespmem:s13+$0xFFFFFFD0] =	vst v43;
	v33 =	vld [tilespmem:s13+$0xFFFFFFE0];
	(erf) = vrcp.f32 v44;
	v3 =	vmovc v5  }
0x50a: {  	v5 =	vmovc v16;
	v30 =	vsub.f32 $0.0e+00, v30;
	(erf) = vpow2.f32 v45;
	v43 =	vld [tilespmem:s14+$0xFFFFFFE0];
	v45 =	vmul.f32 $1.442695020e+00, v48  }
0x50b: {  	v48 =	vsub.f32 $0.0e+00, v32;
	[tilespmem:s13+$0xFFFFFED0] =	vst v19;
	(erf) = vrcp.f32 v50;
	v19 =	vld [tilespmem:s11+$0xFFFFFF00]  }
0x50c: {  	v30 =	vmul.f32 $1.442695020e+00, v30;
	v44 =	vld [tilespmem:s14+$0xFFFFFEE0];
	v47 =	vpop (erf);
	(erf) = vpow2.f32 v42;
	v16 =	vmov v34  }
0x50d: {  	v42 =	vmul.f32 $1.442695020e+00, v48;
	v28 =	vmul.f32 v47, v28;
	v34 =	vld [tilespmem:s1+$0xFFFFFEE0];
	v32 =	vpop (erf)  }
.Ltmp7:
0x50e: {  	(erf) = vpow2.f32 v30;
	v47 =	vmul.f32 v32, v36;
	v32 =	vld [tilespmem:s15+$0x0];
	v36 =	vpop (erf);
	(pc) =	sbr.rel @p0 .LBB2_8-.Ltmp7, $4  }
0x50f: {  	(erf) = vpow2.f32 v42;
	[tilespmem:s13+$0xFFFFFE50] =	vst v28;
	v33 =	vadd.f32 v43, v33;
	v36 =	vmul.f32 v36, v41;
	v28 =	vld [tilespmem:s11+$0xFFFFFF80];
	s11 =	smov.u32 s15;
	s15 =	smov.u32 s1;
	s1 =	smov.u32 s4  }
0x510: {  	v41 =	vld [tilespmem:s14+$0xFFFFFE60];
	[tilespmem:s13+$0xFFFFFF50] =	vst v47;
	v30 =	vpop (erf);
	(erf) = vpow2.f32 v46  }
0x511: {  	v46 =	vpop (erf);
	v43 =	vadd.f32 v44, v13;
	v42 =	vld [tilespmem:s14+$0xFFFFFF60];
	v44 =	vsub.f32 $0.0e+00, v33;
	[tilespmem:s10+$0xFFFFFE70] =	vst v36;
	v33 =	vmul.f32 v30, v40  }
0x512: {  	s21 =	sadd.s32 $0x200, s21;
	v13 =	vmov v37;
	v40 =	vadd.f32 $1.000000000e+00, v46;
	v36 =	vld [tilespmem:s15+$0xFFFFFE60];
	v30 =	vpop (erf);
	(erf) = vpow2.f32 v45  }
0x513: {  	_ = 	snop  }
0x514: {  	(erf) = vrcp.f32 v40  }
0x515: {  	v51 =	vpop (erf)  }
0x516: {  	v43 =	vsub.f32 $0.0e+00, v43;
	v44 =	vmul.f32 $1.442695020e+00, v44;
	v37 =	vpop (erf)  }
0x517: {  	v40 =	vadd.f32 $1.000000000e+00, v51;
	v52 =	vpop (erf)  }
0x518: {  	v10 =	vadd.f32 v41, v10;
	v43 =	vmul.f32 $1.442695020e+00, v43;
	(erf) = vpow2.f32 v44;
	v53 =	vpop (erf)  }
0x519: {  	v54 =	vld [tilespmem:s4+$0xFFFFFFB0];
	v11 =	vadd.f32 v42, v11;
	(erf) = vrcp.f32 v40;
	v55 =	vadd.f32 $1.000000000e+00, v53;
	v56 =	vpop (erf)  }
0x51a: {  	v10 =	vsub.f32 $0.0e+00, v10;
	(erf) = vpow2.f32 v43;
	v42 =	vadd.f32 $1.000000000e+00, v56  }
0x51b: {  	v11 =	vsub.f32 $0.0e+00, v11;
	v57 =	vpop (erf);
	(erf) = vrcp.f32 v55  }
0x51c: {  	v10 =	vmul.f32 $1.442695020e+00, v10;
	v58 =	vpop (erf);
	(erf) = vrcp.f32 v42  }
0x51d: {  	v11 =	vmul.f32 $1.442695020e+00, v11;
	v59 =	vpop (erf)  }
0x51e: {  	(erf) = vpow2.f32 v10;
	v60 =	vmul.f32 v59, v54  }
0x51f: {  	(erf) = vpow2.f32 v11  }
0x520: {  	v61 =	vld [tilespmem:s8+$0xFFFFFFC0];
	[tilespmem:s8+$0xFFFFFFB0] =	vst v60  }
0x521: {  	v62 =	vpop (erf);
	v63 =	vld [tilespmem:s30+$0xFFFFFFC0]  }
0x522: {  	v48 =	vpop (erf)  }
0x523: {  	v41 =	vadd.f32 $1.000000000e+00, v52;
	v45 =	vpop (erf)  }
0x524: {  	v11 =	vadd.f32 $1.000000000e+00, v62;
	v35 =	vmul.f32 v48, v35;
	v49 =	vpop (erf)  }
0x525: {  	(erf) = vrcp.f32 v41;
	v50 =	vadd.f32 $1.000000000e+00, v45;
	v51 =	vpop (erf);
	v52 =	vmul.f32 v49, v38  }
0x526: {  	(erf) = vrcp.f32 v11;
	[tilespmem:s8+$0xFFFFFEB0] =	vst v35;
	v11 =	vmul.f32 v51, v39;
	v10 =	vadd.f32 v63, v61  }
0x527: {  	v43 =	vadd.f32 $1.000000000e+00, v57;
	v54 =	vld [tilespmem:s30+$0xFFFFFEC0];
	v53 =	vpop (erf);
	[tilespmem:s8+$0xFFFFFE30] =	vst v52  }
0x528: {  	(erf) = vrcp.f32 v50;
	v38 =	vadd.f32 $1.000000000e+00, v53;
	v55 =	vpop (erf);
	v57 =	vld [tilespmem:s30+$0xFFFFFE40];
	[tilespmem:s8+$0xFFFFFF30] =	vst v11;
	v10 =	vsub.f32 $0.0e+00, v10  }
0x529: {  	(erf) = vrcp.f32 v43;
	v39 =	vadd.f32 $1.000000000e+00, v55;
	v11 =	vld [tilespmem:s30+$0xFFFFFF40]  }
0x52a: {  	v40 =	vadd.f32 $1.000000000e+00, v58;
	(erf) = vrcp.f32 v38;
	v10 =	vmul.f32 $1.442695020e+00, v10  }
0x52b: {  	v56 =	vld [tilespmem:s15+$0xFFFFFFE0];
	(erf) = vrcp.f32 v39  }
0x52c: {  	(erf) = vrcp.f32 v40  }
0x52d: {  	v24 =	vadd.f32 v54, v24;
	v23 =	vadd.f32 v57, v23  }
0x52e: {  	(erf) = vpow2.f32 v10;
	v11 =	vadd.f32 v11, v25;
	v10 =	vpop (erf)  }
0x52f: {  	v24 =	vsub.f32 $0.0e+00, v24;
	v23 =	vsub.f32 $0.0e+00, v23;
	v58 =	vpop (erf)  }
0x530: {  	v35 =	vmul.f32 v58, v56  }
0x531: {  	v24 =	vmul.f32 $1.442695020e+00, v24;
	v59 =	vsub.f32 $0.0e+00, v11;
	v25 =	vpop (erf);
	v23 =	vmul.f32 $1.442695020e+00, v23  }
0x532: {  	v60 =	vld [tilespmem:s13+$0xFFFFFFF0];
	v11 =	vpop (erf);
	[tilespmem:s13+$0xFFFFFFE0] =	vst v35  }
0x533: {  	v63 =	vmul.f32 $1.442695020e+00, v59;
	v61 =	vpop (erf);
	(erf) = vpow2.f32 v24;
	v62 =	vld [tilespmem:s14+$0xFFFFFFF0]  }
0x534: {  	v35 =	vpop (erf);
	(erf) = vpow2.f32 v23  }
0x535: {  	v23 =	vpop (erf);
	(erf) = vpow2.f32 v63;
	_ =	sdelay $0x1  }
0x536: {  	v41 =	vpop (erf)  }
0x537: {  	v24 =	vadd.f32 $1.000000000e+00, v41;
	v38 =	vadd.f32 v62, v60;
	_ =	sdelay $0x1  }
0x538: {  	(erf) = vrcp.f32 v24;
	v42 =	vsub.f32 $0.0e+00, v38;
	_ =	sdelay $0x1  }
0x539: {  	v43 =	vpop (erf);
	v24 =	vmul.f32 $1.442695020e+00, v42  }
0x53a: {  	v38 =	vadd.f32 $1.000000000e+00, v43;
	v44 =	vpop (erf)  }
0x53b: {  	(erf) = vpow2.f32 v24;
	v46 =	vadd.f32 $1.000000000e+00, v44;
	v47 =	vpop (erf)  }
0x53c: {  	v45 =	vld [tilespmem:s1+$0xFFFFFFC0];
	(erf) = vrcp.f32 v38;
	v48 =	vadd.f32 $1.000000000e+00, v47  }
0x53d: {  	(erf) = vrcp.f32 v46  }
0x53e: {  	(erf) = vrcp.f32 v48;
	_ =	sdelay $0x1  }
0x53f: {  	v51 =	vld [tilespmem:s4+$0xFFFFFEC0];
	v49 =	vpop (erf)  }
0x540: {  	v53 =	vld [tilespmem:s8+$0xFFFFFFD0];
	v24 =	vmul.f32 v49, v45  }
0x541: {  	v50 =	vld [tilespmem:s4+$0xFFFFFE40]  }
0x542: {  	v52 =	vld [tilespmem:s1+$0xFFFFFF40];
	[tilespmem:s8+$0xFFFFFFC0] =	vst v24  }
0x543: {  	v54 =	vld [tilespmem:s30+$0xFFFFFFD0];
	v55 =	vpop (erf)  }
0x544: {  	v36 =	vmul.f32 v61, v36;
	v56 =	vpop (erf)  }
0x545: {  	v57 =	vld [tilespmem:s15+$0xFFFFFF60];
	v59 =	vadd.f32 $1.000000000e+00, v55;
	v39 =	vmul.f32 v56, v51;
	v58 =	vpop (erf)  }
0x546: {  	[tilespmem:s13+$0xFFFFFE60] =	vst v36;
	v38 =	vmul.f32 v58, v50;
	v60 =	vpop (erf)  }
0x547: {  	v61 =	vld [tilespmem:s14+$0xFFFFFE70];
	(erf) = vrcp.f32 v59;
	[tilespmem:s8+$0xFFFFFEC0] =	vst v39;
	v62 =	vmul.f32 v60, v52  }
0x548: {  	v25 =	vmul.f32 v25, v34;
	v24 =	vadd.f32 v54, v53;
	v63 =	vld [tilespmem:s30+$0xFFFFFED0];
	[tilespmem:s8+$0xFFFFFE40] =	vst v38  }
0x549: {  	v42 =	vld [tilespmem:s30+$0xFFFFFE50];
	[tilespmem:s8+$0xFFFFFF40] =	vst v62  }
0x54a: {  	[tilespmem:s13+$0xFFFFFEE0] =	vst v25;
	v45 =	vmul.f32 v35, v57;
	v24 =	vsub.f32 $0.0e+00, v24;
	v46 =	vld [tilespmem:s30+$0xFFFFFF50]  }
0x54b: {  	v47 =	vld [tilespmem:s14+$0xFFFFFEF0]  }
0x54c: {  	v48 =	vld [tilespmem:s15+$0xFFFFFFF0];
	[tilespmem:s13+$0xFFFFFF60] =	vst v45;
	v24 =	vmul.f32 $1.442695020e+00, v24  }
0x54d: {  	v49 =	vld [tilespmem:s14+$0xFFFFFF70];
	v21 =	vadd.f32 v63, v21  }
0x54e: {  	v7 =	vadd.f32 v61, v7;
	(erf) = vpow2.f32 v24;
	v20 =	vadd.f32 v42, v20  }
0x54f: {  	v21 =	vsub.f32 $0.0e+00, v21;
	v22 =	vadd.f32 v46, v22  }
0x550: {  	v9 =	vadd.f32 v47, v9;
	v50 =	vpop (erf);
	v20 =	vsub.f32 $0.0e+00, v20  }
0x551: {  	v24 =	vmul.f32 v50, v48;
	v21 =	vmul.f32 $1.442695020e+00, v21;
	v22 =	vsub.f32 $0.0e+00, v22  }
0x552: {  	v7 =	vsub.f32 $0.0e+00, v7;
	v8 =	vadd.f32 v49, v8;
	v20 =	vmul.f32 $1.442695020e+00, v20  }
0x553: {  	v9 =	vsub.f32 $0.0e+00, v9;
	v52 =	vld [tilespmem:s13+$0x0];
	[tilespmem:s13+$0xFFFFFFF0] =	vst v24;
	(erf) = vpow2.f32 v21;
	v51 =	vmul.f32 $1.442695020e+00, v22  }
0x554: {  	v7 =	vmul.f32 $1.442695020e+00, v7;
	v8 =	vsub.f32 $0.0e+00, v8;
	v53 =	vld [tilespmem:s14+$0x0];
	(erf) = vpow2.f32 v20  }
0x555: {  	v9 =	vmul.f32 $1.442695020e+00, v9;
	(erf) = vpow2.f32 v51  }
0x556: {  	v8 =	vmul.f32 $1.442695020e+00, v8;
	(erf) = vpow2.f32 v7  }
0x557: {  	v54 =	vpop (erf);
	(erf) = vpow2.f32 v9  }
0x558: {  	v55 =	vadd.f32 $1.000000000e+00, v54;
	(erf) = vpow2.f32 v8  }
0x559: {  	v56 =	vadd.f32 v53, v52  }
0x55a: {  	(erf) = vrcp.f32 v55  }
0x55b: {  	v7 =	vsub.f32 $0.0e+00, v56  }
0x55c: {  	v57 =	vpop (erf)  }
0x55d: {  	v7 =	vmul.f32 $1.442695020e+00, v7;
	v58 =	vpop (erf)  }
0x55e: {  	v8 =	vadd.f32 $1.000000000e+00, v57;
	v59 =	vpop (erf)  }
0x55f: {  	v60 =	vld [tilespmem:s1+$0xFFFFFFD0];
	v62 =	vmul.f32 v37, v31;
	v37 =	vadd.f32 $1.000000000e+00, v58;
	v61 =	vpop (erf);
	(erf) = vpow2.f32 v7  }
0x560: {  	v36 =	vld [tilespmem:s12+$0xFFFFFE80];
	v63 =	vpop (erf);
	(erf) = vrcp.f32 v8  }
0x561: {  	[tilespmem:s10+$0xFFFFFEF0] =	vst v33;
	v38 =	vpop (erf);
	(erf) = vrcp.f32 v37  }
0x562: {  	v39 =	vld [tilespmem:s12+$0xFFFFFF00];
	v40 =	vadd.f32 $1.000000000e+00, v59  }
0x563: {  	v45 =	vld [tilespmem:s8+$0xFFFFFFE0];
	v41 =	vpop (erf)  }
0x564: {  	v44 =	vld [tilespmem:s1+$0xFFFFFED0];
	[tilespmem:s10+$0xFFFFFF70] =	vst v62;
	(erf) = vrcp.f32 v40;
	v43 =	vmul.f32 v41, v60  }
0x565: {  	v1 =	vadd.f32 v36, v1;
	v42 =	vld [tilespmem:s12+$0xFFFFFF80]  }
0x566: {  	v47 =	vld [tilespmem:s1+$0xFFFFFE50];
	[tilespmem:s8+$0xFFFFFFD0] =	vst v43  }
0x567: {  	v1 =	vsub.f32 $0.0e+00, v1;
	v2 =	vadd.f32 v39, v2;
	v46 =	vld [tilespmem:s30+$0xFFFFFFE0]  }
0x568: {  	v22 =	vadd.f32 $1.000000000e+00, v61;
	v49 =	vpop (erf)  }
0x569: {  	v1 =	vmul.f32 $1.442695020e+00, v1;
	v2 =	vsub.f32 $0.0e+00, v2;
	v48 =	vld [tilespmem:s1+$0xFFFFFF50];
	v25 =	vadd.f32 $1.000000000e+00, v63;
	v51 =	vpop (erf)  }
0x56a: {  	v3 =	vadd.f32 v42, v3;
	(erf) = vrcp.f32 v22;
	v50 =	vadd.f32 $1.000000000e+00, v49;
	v52 =	vpop (erf)  }
0x56b: {  	v9 =	vadd.f32 $1.000000000e+00, v38;
	(erf) = vrcp.f32 v25;
	v53 =	vmul.f32 v52, v47  }
0x56c: {  	v8 =	vmul.f32 v51, v44;
	v7 =	vadd.f32 v46, v45;
	(erf) = vrcp.f32 v50  }
0x56d: {  	v2 =	vmul.f32 $1.442695020e+00, v2;
	v3 =	vsub.f32 $0.0e+00, v3;
	v54 =	vpop (erf);
	(erf) = vrcp.f32 v9;
	[tilespmem:s8+$0xFFFFFE50] =	vst v53  }
0x56e: {  	[tilespmem:s8+$0xFFFFFED0] =	vst v8;
	v55 =	vmul.f32 v54, v48;
	v7 =	vsub.f32 $0.0e+00, v7;
	(erf) = vpow2.f32 v1;
	v1 =	vld [tilespmem:s30+$0xFFFFFE60]  }
0x56f: {  	v3 =	vmul.f32 $1.442695020e+00, v3;
	v56 =	vld [tilespmem:s30+$0xFFFFFEE0]  }
0x570: {  	[tilespmem:s8+$0xFFFFFF50] =	vst v55;
	(erf) = vpow2.f32 v2;
	v2 =	vmul.f32 $1.442695020e+00, v7  }
0x571: {  	v57 =	vld [tilespmem:s30+$0xFFFFFF60];
	(erf) = vpow2.f32 v3  }
0x572: {  	(erf) = vpow2.f32 v2  }
0x573: {  	v3 =	vadd.f32 v1, v26  }
0x574: {  	v58 =	vpop (erf);
	v2 =	vadd.f32 v56, v13  }
0x575: {  	v59 =	vpop (erf);
	v3 =	vsub.f32 $0.0e+00, v3  }
0x576: {  	v1 =	vpop (erf);
	v2 =	vsub.f32 $0.0e+00, v2;
	v7 =	vadd.f32 v57, v27  }
0x577: {  	v60 =	vpop (erf);
	v3 =	vmul.f32 $1.442695020e+00, v3  }
0x578: {  	v2 =	vmul.f32 $1.442695020e+00, v2;
	v61 =	vpop (erf);
	v7 =	vsub.f32 $0.0e+00, v7  }
0x579: {  	v62 =	vpop (erf)  }
0x57a: {  	(erf) = vpow2.f32 v2;
	v2 =	vmul.f32 $1.442695020e+00, v7;
	v63 =	vpop (erf)  }
0x57b: {  	v20 =	vadd.f32 $1.000000000e+00, v61;
	(erf) = vpow2.f32 v3;
	v3 =	vpop (erf)  }
0x57c: {  	(erf) = vpow2.f32 v2;
	v2 =	vadd.f32 $1.000000000e+00, v3  }
0x57d: {  	(erf) = vrcp.f32 v20  }
0x57e: {  	(erf) = vrcp.f32 v2;
	_ =	sdelay $0x4  }
0x57f: {  	v31 =	vld [tilespmem:s1+$0xFFFFFFE0];
	v3 =	vpop (erf)  }
0x580: {  	v33 =	vpop (erf)  }
0x581: {  	v34 =	vpop (erf)  }
0x582: {  	v2 =	vpop (erf)  }
0x583: {  	v35 =	vpop (erf)  }
0x584: {  	v20 =	vmul.f32 v35, v31;
	_ =	sdelay $0x1  }
0x585: {  	v36 =	vld [tilespmem:s8+$0xFFFFFFF0];
	[tilespmem:s8+$0xFFFFFFE0] =	vst v20  }
0x586: {  	v37 =	vld [tilespmem:s30+$0xFFFFFFF0];
	_ =	sdelay $0x3  }
0x587: {  	v3 =	vadd.f32 $1.000000000e+00, v3  }
0x588: {  	v21 =	vadd.f32 $1.000000000e+00, v62;
	v20 =	vadd.f32 v37, v36  }
0x589: {  	(erf) = vrcp.f32 v3;
	v3 =	vadd.f32 $1.000000000e+00, v33  }
0x58a: {  	v38 =	vadd.f32 $1.000000000e+00, v34;
	(erf) = vrcp.f32 v21;
	v20 =	vsub.f32 $0.0e+00, v20  }
0x58b: {  	v7 =	vadd.f32 $1.000000000e+00, v63;
	(erf) = vrcp.f32 v3  }
0x58c: {  	(erf) = vrcp.f32 v38;
	v3 =	vmul.f32 $1.442695020e+00, v20  }
0x58d: {  	(erf) = vrcp.f32 v7  }
0x58e: {  	(erf) = vpow2.f32 v3;
	_ =	sdelay $0x3  }
0x58f: {  	v39 =	vpop (erf)  }
0x590: {  	v3 =	vpop (erf)  }
0x591: {  	v40 =	vpop (erf)  }
0x592: {  	v22 =	vpop (erf)  }
0x593: {  	v7 =	vpop (erf)  }
0x594: {  	v41 =	vpop (erf)  }
0x595: {  	v24 =	vadd.f32 $1.000000000e+00, v41;
	_ =	sdelay $0x1  }
0x596: {  	(erf) = vrcp.f32 v24;
	_ =	sdelay $0x1  }
0x597: {  	v42 =	vld [tilespmem:s1+$0xFFFFFE60]  }
0x598: {  	v43 =	vld [tilespmem:s1+$0xFFFFFEE0]  }
0x599: {  	v44 =	vld [tilespmem:s1+$0xFFFFFF60]  }
0x59a: {  	v45 =	vld [tilespmem:s1+$0xFFFFFFF0];
	_ =	sdelay $0x1  }
0x59b: {  	v21 =	vmul.f32 v40, v42  }
0x59c: {  	v20 =	vmul.f32 v39, v43  }
0x59d: {  	v50 =	vld [tilespmem:s8+$0x0];
	v46 =	vmul.f32 v22, v44;
	[tilespmem:s8+$0xFFFFFE60] =	vst v21;
	v47 =	vpop (erf)  }
0x59e: {  	[tilespmem:s8+$0xFFFFFEE0] =	vst v20;
	v48 =	vld [tilespmem:s30+$0xFFFFFE70];
	v22 =	vmul.f32 v47, v45  }
0x59f: {  	v49 =	vld [tilespmem:s30+$0xFFFFFEF0];
	[tilespmem:s8+$0xFFFFFF60] =	vst v46  }
0x5a0: {  	v21 =	vld [tilespmem:s30+$0xFFFFFF70];
	[tilespmem:s8+$0xFFFFFFF0] =	vst v22  }
0x5a1: {  	v51 =	vld [tilespmem:s30+$0x0];
	_ =	sdelay $0x1  }
0x5a2: {  	v15 =	vadd.f32 v48, v15  }
0x5a3: {  	v18 =	vadd.f32 v49, v18  }
0x5a4: {  	v17 =	vadd.f32 v21, v17;
	v15 =	vsub.f32 $0.0e+00, v15  }
0x5a5: {  	v18 =	vsub.f32 $0.0e+00, v18;
	v52 =	vadd.f32 v51, v50  }
0x5a6: {  	v17 =	vsub.f32 $0.0e+00, v17;
	v15 =	vmul.f32 $1.442695020e+00, v15  }
0x5a7: {  	v18 =	vmul.f32 $1.442695020e+00, v18;
	v20 =	vsub.f32 $0.0e+00, v52  }
0x5a8: {  	v17 =	vmul.f32 $1.442695020e+00, v17;
	(erf) = vpow2.f32 v15  }
0x5a9: {  	(erf) = vpow2.f32 v18;
	v53 =	vmul.f32 $1.442695020e+00, v20  }
0x5aa: {  	(erf) = vpow2.f32 v17  }
0x5ab: {  	v54 =	vld [tilespmem:s15+$0xFFFFFE70];
	(erf) = vpow2.f32 v53  }
0x5ac: {  	v55 =	vld [tilespmem:s15+$0xFFFFFEF0]  }
0x5ad: {  	v56 =	vld [tilespmem:s15+$0xFFFFFF70];
	_ =	sdelay $0x2  }
0x5ae: {  	v8 =	vmul.f32 v58, v54  }
0x5af: {  	v9 =	vmul.f32 v59, v55;
	v57 =	vpop (erf)  }
0x5b0: {  	[tilespmem:s13+$0xFFFFFE70] =	vst v8;
	v59 =	vmul.f32 v60, v56;
	v58 =	vpop (erf)  }
0x5b1: {  	[tilespmem:s13+$0xFFFFFEF0] =	vst v9;
	v60 =	vld [tilespmem:s14+$0xFFFFFE80];
	v15 =	vadd.f32 $1.000000000e+00, v57;
	v61 =	vpop (erf)  }
0x5b2: {  	v62 =	vld [tilespmem:s14+$0xFFFFFF00];
	[tilespmem:s13+$0xFFFFFF70] =	vst v59;
	v8 =	vadd.f32 $1.000000000e+00, v58;
	v63 =	vpop (erf)  }
0x5b3: {  	v25 =	vld [tilespmem:s14+$0xFFFFFF80];
	(erf) = vrcp.f32 v15;
	v24 =	vadd.f32 $1.000000000e+00, v63  }
0x5b4: {  	v17 =	vadd.f32 $1.000000000e+00, v61;
	(erf) = vrcp.f32 v8  }
0x5b5: {  	(erf) = vrcp.f32 v24  }
0x5b6: {  	(erf) = vrcp.f32 v17  }
0x5b7: {  	v4 =	vadd.f32 v60, v4  }
0x5b8: {  	v6 =	vadd.f32 v62, v6;
	v5 =	vadd.f32 v25, v5;
	v26 =	vld [tilespmem:s1+$0xFFFFFE70]  }
0x5b9: {  	v4 =	vsub.f32 $0.0e+00, v4;
	v27 =	vld [tilespmem:s1+$0xFFFFFEF0]  }
0x5ba: {  	v6 =	vsub.f32 $0.0e+00, v6;
	v5 =	vsub.f32 $0.0e+00, v5  }
0x5bb: {  	v4 =	vmul.f32 $1.442695020e+00, v4;
	v31 =	vld [tilespmem:s1+$0xFFFFFF70]  }
0x5bc: {  	v6 =	vmul.f32 $1.442695020e+00, v6;
	v5 =	vmul.f32 $1.442695020e+00, v5;
	v33 =	vpop (erf)  }
0x5bd: {  	v34 =	vpop (erf);
	(erf) = vpow2.f32 v4;
	v4 =	vmul.f32 v33, v26  }
0x5be: {  	v36 =	vmul.f32 v34, v27;
	(erf) = vpow2.f32 v6;
	v35 =	vpop (erf)  }
0x5bf: {  	[tilespmem:s8+$0xFFFFFE70] =	vst v4;
	(erf) = vpow2.f32 v5;
	v37 =	vpop (erf)  }
0x5c0: {  	[tilespmem:s8+$0xFFFFFEF0] =	vst v36;
	v39 =	vld [tilespmem:s30+$0xFFFFFE80];
	v38 =	vmul.f32 v37, v31  }
0x5c1: {  	v40 =	vld [tilespmem:s30+$0xFFFFFF00]  }
0x5c2: {  	[tilespmem:s8+$0xFFFFFF70] =	vst v38  }
0x5c3: {  	v41 =	vld [tilespmem:s30+$0xFFFFFF80];
	_ =	sdelay $0x1  }
0x5c4: {  	v5 =	vadd.f32 v39, v12  }
0x5c5: {  	v4 =	vadd.f32 v40, v14;
	v42 =	vpop (erf)  }
0x5c6: {  	v9 =	vadd.f32 $1.000000000e+00, v42;
	v43 =	vpop (erf);
	v5 =	vsub.f32 $0.0e+00, v5  }
0x5c7: {  	v44 =	vadd.f32 $1.000000000e+00, v43;
	v45 =	vpop (erf);
	v8 =	vadd.f32 v41, v16  }
0x5c8: {  	v4 =	vsub.f32 $0.0e+00, v4;
	(erf) = vrcp.f32 v9;
	v13 =	vadd.f32 $1.000000000e+00, v45  }
0x5c9: {  	v5 =	vmul.f32 $1.442695020e+00, v5;
	(erf) = vrcp.f32 v44;
	v8 =	vsub.f32 $0.0e+00, v8  }
0x5ca: {  	v4 =	vmul.f32 $1.442695020e+00, v4;
	(erf) = vrcp.f32 v13  }
0x5cb: {  	(erf) = vpow2.f32 v5;
	v8 =	vmul.f32 $1.442695020e+00, v8  }
0x5cc: {  	(erf) = vpow2.f32 v4  }
0x5cd: {  	(erf) = vpow2.f32 v8;
	_ =	sdelay $0x3  }
0x5ce: {  	v49 =	vld [tilespmem:s15+$0x0];
	v46 =	vpop (erf)  }
0x5cf: {  	v47 =	vpop (erf)  }
0x5d0: {  	v54 =	vld [tilespmem:s11+$0xFFFFFF00];
	v48 =	vpop (erf)  }
0x5d1: {  	v50 =	vpop (erf)  }
0x5d2: {  	v10 =	vmul.f32 v10, v29;
	v52 =	vld [tilespmem:s11+$0xFFFFFE80];
	v12 =	vadd.f32 $1.000000000e+00, v50;
	v53 =	vpop (erf)  }
0x5d3: {  	v1 =	vmul.f32 v1, v49;
	v15 =	vadd.f32 $1.000000000e+00, v53;
	v55 =	vpop (erf)  }
0x5d4: {  	[tilespmem:s0+$0xFFFFFE80] =	vst v10;
	v11 =	vmul.f32 v11, v19;
	v56 =	vld [tilespmem:s11+$0xFFFFFF80];
	(erf) = vrcp.f32 v12;
	v17 =	vadd.f32 $1.000000000e+00, v55  }
0x5d5: {  	[tilespmem:s13+$0x0] =	vst v1;
	v1 =	vmul.f32 v3, v54;
	v58 =	vld [tilespmem:s1+$0x0];
	(erf) = vrcp.f32 v15  }
0x5d6: {  	[tilespmem:s0+$0xFFFFFF00] =	vst v11;
	v59 =	vld [tilespmem:s15+$0xFFFFFE80];
	v57 =	vmul.f32 v23, v28;
	(erf) = vrcp.f32 v17  }
0x5d7: {  	v60 =	vld [tilespmem:s15+$0xFFFFFF00];
	[tilespmem:s10+$0xFFFFFF00] =	vst v1;
	v2 =	vmul.f32 v2, v52  }
0x5d8: {  	v3 =	vld [tilespmem:s15+$0xFFFFFF80];
	v51 =	vmul.f32 v30, v32;
	[tilespmem:s0+$0xFFFFFF80] =	vst v57  }
0x5d9: {  	[tilespmem:s10+$0xFFFFFE80] =	vst v2;
	v2 =	vmul.f32 v7, v56;
	v61 =	vld [tilespmem:s1+$0xFFFFFE80]  }
0x5da: {  	[tilespmem:s10+$0x0] =	vst v51;
	v62 =	vld [tilespmem:s1+$0xFFFFFF00];
	v1 =	vmul.f32 v35, v58  }
0x5db: {  	[tilespmem:s10+$0xFFFFFF80] =	vst v2;
	v63 =	vld [tilespmem:s1+$0xFFFFFF80];
	v2 =	vmul.f32 v46, v59  }
0x5dc: {  	[tilespmem:s8+$0x0] =	vst v1;
	v1 =	vmul.f32 v47, v60  }
0x5dd: {  	[tilespmem:s13+$0xFFFFFE80] =	vst v2;
	v2 =	vmul.f32 v48, v3;
	v3 =	vpop (erf)  }
0x5de: {  	[tilespmem:s13+$0xFFFFFF00] =	vst v1;
	v1 =	vmul.f32 v3, v61;
	v3 =	vpop (erf)  }
0x5df: {  	[tilespmem:s13+$0xFFFFFF80] =	vst v2;
	v2 =	vmul.f32 v3, v62;
	v3 =	vpop (erf)  }
0x5e0: {  	[tilespmem:s8+$0xFFFFFE80] =	vst v1;
	v1 =	vmul.f32 v3, v63  }
0x5e1: {  	[tilespmem:s8+$0xFFFFFF00] =	vst v2  }
.Ltmp8:
0x5e2: {  	[tilespmem:s8+$0xFFFFFF80] =	vst v1;
	(pc) =	sbr.rel .LBB2_10-.Ltmp8, $4  }
0x5e3: {  	[spmem:s22] =	stream.indirect.scatter.add.f32 [tilespmem:s6], [sflag:$0x5], $0x80, s18, s29, $0xb8;
	[tilespmem:$0x1FC80] =	vst v63  }
0x5e4: {  	_ =	swait.ge [sflag:s16], $0x4000  }
0x5e5: {  	[sflag:s16] =	ssyncset.done $0x0  }
0x5e6: {  	[sflag:s16] =	ssyncadd.s32 $0xFFFFC000  }
.LBB2_12:
0x5e7: {  	_ =	sfence.sel $0x180000  }
0x5e8: {  	[bflag:$0x0] =	sbarrier.arrive $0xFFFF  }
0x5e9: {  	_ =	strace $0x90000047  }
0x5ea: {  	[bflag:$0x2] =	sbarrier.arrive $0xFFFF  }
0x5eb: {  	p0 =	sne.s32 s5, $0x0;
	s0 =	rddreg [dreg:$0x5]  }
0x5ec: {  	s0 =	sadd.s32 @!p0 $0x100000, s0  }
0x5ed: {  	[sflag:s0] =	ssyncadd.tile.s32 @!p0 $0x1;
	_ =	shalt  }
.Lfunc_end2:
_tile_overlayer_lowered:
.L_overlay_start_2:
0x5ee: {  	(tag) =	ssettag $0x2  }
0x5ef: {  	s0 =	rddreg [dreg:$0x0];
	s2 =	stileid.u32  }
0x5f0: {  	s1 =	rddreg [dreg:$0x1];
	p0 =	sne.s32 s2, $0x0  }
0x5f1: {  	s3 =	rddreg [dreg:$0x2];
	[bflag:$0x3] =	sbarrier.arrive $0xFFFF;
	s2 =	simm.s32 @!p0 $0x1C05  }
0x5f2: {  	[timem:s3], [sflag:s2] =	dma.local @!p0 [hbm:s0], s1  }
0x5f3: {  	s0 =	simm.s32 @!p0 $0x5  }
0x5f4: {  	_ =	swait.ge @!p0 [sflag:s0], s1  }
0x5f5: {  	s1 =	ssub.s32 @!p0 $0x0, s1;
	[sflag:s0] =	ssyncset.done @!p0 $0x0  }
0x5f6: {  	[sflag:s0] =	ssyncadd.s32 @!p0 s1  }
0x5f7: {  	[bflag:$0x3] =	sbarrier.arrive $0xFFFF  }
0x5f8: {  	_ =	shalt  }

</sc_bundles>
